<compile_context>
chip_gen: v7x
topology: tpu7x:2x2x1
jax: 0.10.2.dev20260603
libtpu: 0.0.44.dev20260713+nightly
codegen_flags: <defaults>
</compile_context>

<pallas_src>
import functools

import jax
import jax.numpy as jnp
from jax import lax
from jax.experimental import pallas as pl
from jax.experimental.pallas import tpu as pltpu
from jax.experimental.pallas import tpu_sc as plsc

_E = 320000
_EP = 327680
_N = 10000
_NP = 10240
_K = 5000
_KP = 5120
_CH = 10240


def _tanh_pallas(z):
    n = z.shape[0]
    npad = ((n + 1023) // 1024) * 1024
    z2 = jnp.pad(z, (0, npad - n)).reshape(npad // 128, 128)

    def body(z_ref, o_ref):
        o_ref[...] = jnp.tanh(z_ref[...])

    out = pl.pallas_call(
        body,
        out_shape=jax.ShapeDtypeStruct(z2.shape, jnp.float32),
    )(z2)
    return out.reshape(-1)[:n]


def _sc_mesh():
    return plsc.VectorSubcoreMesh(
        core_axis_name="c", subcore_axis_name="s", num_cores=2)


def _sc_gather_sorted(order1d, row1d, col1d, w1d):

    @functools.partial(
        pl.kernel,
        mesh=_sc_mesh(),
        out_type=(
            jax.ShapeDtypeStruct((_EP,), jnp.int32),
            jax.ShapeDtypeStruct((_EP,), jnp.int32),
            jax.ShapeDtypeStruct((_EP,), jnp.float32),
        ),
        scratch_types=[
            pltpu.VMEM((_CH,), jnp.int32),
            pltpu.VMEM((_CH,), jnp.int32),
            pltpu.VMEM((_CH,), jnp.float32),
            pltpu.SemaphoreType.DMA,
        ],
    )
    def k(order_hbm, row_hbm, col_hbm, w_hbm, rs_out, cs_out, ws_out,
          obuf, gbuf, gwbuf, sem):
        wid = lax.axis_index("s") * 2 + lax.axis_index("c")
        base = wid * _CH
        pltpu.sync_copy(order_hbm.at[pl.ds(base, _CH)], obuf)
        pltpu.async_copy(row_hbm.at[obuf], gbuf, sem).wait()
        pltpu.sync_copy(gbuf, rs_out.at[pl.ds(base, _CH)])
        pltpu.async_copy(col_hbm.at[obuf], gbuf, sem).wait()
        pltpu.sync_copy(gbuf, cs_out.at[pl.ds(base, _CH)])
        pltpu.async_copy(w_hbm.at[obuf], gwbuf, sem).wait()
        pltpu.sync_copy(gwbuf, ws_out.at[pl.ds(base, _CH)])

    return k(order1d, row1d, col1d, w1d)


def _sc_filter(perm1d, rs1d, cs1d, ws1d, x2d, score1d, batch1d):

    @functools.partial(
        pl.kernel,
        mesh=_sc_mesh(),
        compiler_params=pltpu.CompilerParams(needs_layout_passes=False),
        out_type=(
            jax.ShapeDtypeStruct((_EP,), jnp.int32),
            jax.ShapeDtypeStruct((_EP,), jnp.int32),
            jax.ShapeDtypeStruct((_EP,), jnp.float32),
            jax.ShapeDtypeStruct((_KP, 128), jnp.float32),
            jax.ShapeDtypeStruct((_KP,), jnp.float32),
            jax.ShapeDtypeStruct((_KP,), jnp.int32),
        ),
        scratch_types=[
            pltpu.VMEM((_NP,), jnp.int32),
            pltpu.VMEM((5120,), jnp.int32),
            pltpu.VMEM((5120,), jnp.int32),
            pltpu.VMEM((5120,), jnp.float32),
            pltpu.VMEM((128,), jnp.int32),
            pltpu.VMEM((128,), jnp.int32),
            pltpu.VMEM((160,), jnp.int32),
            pltpu.VMEM((160,), jnp.float32),
            pltpu.VMEM((160,), jnp.int32),
            pltpu.VMEM((160, 128), jnp.float32),
            pltpu.VMEM_SHARED((12288,), jnp.int32),
            pltpu.SemaphoreType.DMA,
        ],
    )
    def k(perm_hbm, rs_hbm, cs_hbm, ws_hbm, x_hbm, score_hbm, batch_hbm,
          ei0_out, ei1_out, ea_out, xo_out, sp_out, bo_out,
          nid, cbuf, rbuf, wbuf, ibuf, rkbuf, pbuf, spbuf, bbuf, xrows,
          nid_sp, sem):
        t = lax.axis_index("s")
        wid = t * 2 + lax.axis_index("c")
        iota16 = lax.iota(jnp.int32, 16)

        def z16(i, _):
            nid[pl.ds(i * 16, 16)] = jnp.full((16,), -1, jnp.int32)
            return 0
        lax.fori_loop(0, 48, z16, 0)
        pltpu.sync_copy(nid.at[pl.ds(0, 768)], nid_sp.at[pl.ds(t * 768, 768)])
        plsc.subcore_barrier()

        for rr in range(3):
            rowid = t + 16 * rr

            @pl.when(rowid < 40)
            def _():
                pltpu.sync_copy(perm_hbm.at[pl.ds(rowid * 128, 128)], ibuf)
                for cc in range(8):
                    pv = ibuf[pl.ds(cc * 16, 16)]
                    rk = rowid * 128 + cc * 16 + iota16
                    rkbuf[pl.ds(cc * 16, 16)] = rk
                    ibuf[pl.ds(cc * 16, 16)] = jnp.where(
                        rk < _K, pv, _NP + (rk - _K))
                pltpu.async_copy(rkbuf, nid_sp.at[ibuf], sem).wait()
        plsc.subcore_barrier()

        pltpu.sync_copy(nid_sp.at[pl.ds(0, _NP)], nid)

        for h in range(2):
            base = wid * _CH + h * 5120
            pltpu.sync_copy(cs_hbm.at[pl.ds(base, 5120)], cbuf)
            pltpu.sync_copy(rs_hbm.at[pl.ds(base, 5120)], rbuf)
            pltpu.sync_copy(ws_hbm.at[pl.ds(base, 5120)], wbuf)

            def eb(v, _):
                sl = pl.ds(v * 16, 16)
                a = plsc.load_gather(nid, [cbuf[sl]])
                b = plsc.load_gather(nid, [rbuf[sl]])
                m = (a >= 0) & (b >= 0)
                cbuf[sl] = jnp.where(m, a, -1)
                rbuf[sl] = jnp.where(m, b, -1)
                wbuf[sl] = jnp.where(m, wbuf[sl], 0.0)
                return 0
            lax.fori_loop(0, 320, eb, 0)
            pltpu.sync_copy(cbuf, ei0_out.at[pl.ds(base, 5120)])
            pltpu.sync_copy(rbuf, ei1_out.at[pl.ds(base, 5120)])
            pltpu.sync_copy(wbuf, ea_out.at[pl.ds(base, 5120)])

        pltpu.sync_copy(perm_hbm.at[pl.ds(160 * wid, 160)], pbuf)

        def sb(j, _):
            v = pbuf[pl.ds(j * 16, 16)]
            pbuf[pl.ds(j * 16, 16)] = jnp.where(v < _N, v, 0)
            return 0
        lax.fori_loop(0, 10, sb, 0)
        for j, sz in ((0, 64), (64, 64), (128, 32)):
            pltpu.async_copy(
                x_hbm.at[pbuf.at[pl.ds(j, sz)]],
                xrows.at[pl.ds(j, sz)], sem).wait()
            pltpu.async_copy(
                score_hbm.at[pbuf.at[pl.ds(j, sz)]],
                spbuf.at[pl.ds(j, sz)], sem).wait()
            pltpu.async_copy(
                batch_hbm.at[pbuf.at[pl.ds(j, sz)]],
                bbuf.at[pl.ds(j, sz)], sem).wait()

        def mb(c, _):
            sv16 = spbuf[pl.ds(c * 16, 16)]
            for j in range(16):
                r = c * 16 + j
                for cc in range(8):
                    sl = pl.ds(cc * 16, 16)
                    xrows[r, sl] = xrows[r, sl] * sv16[j]
            return 0
        lax.fori_loop(0, 10, mb, 0)
        pltpu.sync_copy(xrows, xo_out.at[pl.ds(160 * wid, 160)])
        pltpu.sync_copy(spbuf, sp_out.at[pl.ds(160 * wid, 160)])
        pltpu.sync_copy(bbuf, bo_out.at[pl.ds(160 * wid, 160)])

    return k(perm1d, rs1d, cs1d, ws1d, x2d, score1d, batch1d)


def kernel(x, edge_index, edge_attr, batch, p, beta):
    n = x.shape[0]
    row, col = edge_index[0], edge_index[1]
    w = edge_attr.reshape(-1)
    order = jnp.lexsort((col, row)).astype(jnp.int32)
    order_p = jnp.concatenate([order, jnp.zeros((_EP - _E,), jnp.int32)])

    rs1d, cs1d, ws1d = _sc_gather_sorted(order_p, row, col, w)
    col_s = cs1d[:_E]
    w_s = ws1d[:_E]

    score1 = (x * p).sum(axis=-1)
    score2 = jax.ops.segment_sum(w_s, col_s, num_segments=n)
    score = _tanh_pallas(beta[0] * score1 + beta[1] * score2)

    k = n // 2
    _, perm = jax.lax.top_k(score, k)
    perm_p = jnp.concatenate([perm, jnp.zeros((_KP - _K,), jnp.int32)])
    score_p = jnp.pad(score, (0, _NP - _N))
    batch_p = jnp.pad(batch, (0, _NP - _N))

    ei0, ei1, ea, xo, sp, bo = _sc_filter(
        perm_p, rs1d, cs1d, ws1d, x, score_p, batch_p)

    ei_out = jnp.stack([ei0[:_E], ei1[:_E]], axis=0)
    ea_out = ea[:_E][:, None]
    x_out = xo[:_K]
    batch_out = bo[:_K]
    return x_out, ei_out, ea_out, batch_out, perm, sp[:_K]

# --- scband reference (transcript-rebuilt; emitter-appended) ---
"""Pipeline reference for scband-panpooling-56908316672611 (READ-ONLY COPY).

The authoritative reference and input builder live on the scoring server;
editing this copy changes nothing except your own understanding.
"""

import jax, jax.numpy as jnp
import numpy as np

N = 10000
E = 320000
D = 128
RATIO = 0.5

def setup_inputs(seed: int = 0) -> dict:
    key = jax.random.key(seed)
    k1, k2, k3, k4 = jax.random.split(key, 4)
    x = jax.random.normal(k1, (N, D), dtype=jnp.float32)
    edge_index = jax.random.randint(k2, (2, E), 0, N, dtype=jnp.int32)
    edge_attr = jax.random.uniform(k3, (E, 1), dtype=jnp.float32)
    batch = jnp.zeros((N,), dtype=jnp.int32)
    # learned params of pyg.nn.PANPooling(dim_in): projection p and score-mixing beta
    p = jax.random.normal(k4, (D,), dtype=jnp.float32) * 0.1
    beta = jnp.array([0.7, 0.3], dtype=jnp.float32)
    return {"x": x, "edge_index": edge_index, "edge_attr": edge_attr, "batch": batch, "p": p, "beta": beta}


def reference(x, edge_index, edge_attr, batch, p, beta):
    n = x.shape[0]
    row, col = edge_index[0], edge_index[1]
    # M weights: edge_attr has last dim 1 -> use it flattened
    w = edge_attr.reshape(-1)
    # SparseTensor.from_edge_index sorts edges lexicographically by (row, col);
    # perm_ reorders edge_attr accordingly, edge_index becomes stack([col, row])
    order = jnp.lexsort((col, row))
    row_s = row[order]
    col_s = col[order]
    w_s = w[order]
    edge_attr_s = edge_attr[order]
    edge_index_cr = jnp.stack([col_s, row_s], axis=0)
    # PANPooling scoring
    score1 = (x * p).sum(axis=-1)
    score2 = jax.ops.segment_sum(w_s, col_s, num_segments=n)
    score = beta[0] * score1 + beta[1] * score2
    score = jnp.tanh(score)
    # single graph (batch all zeros) -> global ratio-topk
    k = int(RATIO * n)
    _, perm = jax.lax.top_k(score, k)
    x_out = x[perm] * score[perm][:, None]
    batch_out = batch[perm]
    # filter_adj with static shapes: keep only edges whose endpoints survive,
    # relabel surviving nodes; invalid edges marked -1 / zeroed attr
    keep = jnp.zeros((n,), dtype=bool).at[perm].set(True)
    new_id = jnp.full((n,), -1, dtype=edge_index.dtype).at[perm].set(jnp.arange(k, dtype=edge_index.dtype))
    src, dst = edge_index_cr[0], edge_index_cr[1]
    emask = keep[src] & keep[dst]
    ei_out = jnp.where(emask[None, :], jnp.stack([new_id[src], new_id[dst]], axis=0), -1)
    ea_out = jnp.where(emask[:, None], edge_attr_s, 0.0)
    return x_out, ei_out, ea_out, batch_out, perm, score[perm]

if __name__ == "__main__":
    import jax
    _d = setup_inputs()
    print(jax.jit(kernel)(*tuple(_d.values())))

</pallas_src>

<mosaic_0001>
#map = affine_map<(d0, d1) -> (0)>
module attributes {stable_mosaic.version = 14 : i64} {
  func.func @k(%arg0: i32, %arg1: i32, %arg2: memref<327680xi32, #tpu.memory_space<hbm>>, %arg3: memref<320000xi32, #tpu.memory_space<hbm>>, %arg4: memref<320000xi32, #tpu.memory_space<hbm>>, %arg5: memref<320000xf32, #tpu.memory_space<hbm>>, %arg6: memref<327680xi32, #tpu.memory_space<hbm>>, %arg7: memref<327680xi32, #tpu.memory_space<hbm>>, %arg8: memref<327680xf32, #tpu.memory_space<hbm>>, %arg9: memref<10240xi32, #tpu.memory_space<vmem>>, %arg10: memref<10240xi32, #tpu.memory_space<vmem>>, %arg11: memref<10240xf32, #tpu.memory_space<vmem>>, %arg12: memref<!tpu.dma_semaphore, #tpu.memory_space<semaphore_mem>>) attributes {dimension_semantics = [#tpu.dimension_semantics<core_parallel>, #tpu.dimension_semantics<subcore_parallel>], iteration_bounds = array<i64: 2, 16>, scalar_prefetch = 0 : i64, scratch_operands = 4 : i64, tpu.core_type = #tpu.core_type<sc_vector_subcore>, window_params = [{transform_indices = #map}, {transform_indices = #map}, {transform_indices = #map}, {transform_indices = #map}, {transform_indices = #map}, {transform_indices = #map}, {transform_indices = #map}]} {
    %mul3A = arith.constant 2 : i32
    %mul3A_0 = arith.muli %arg1, %mul3A : i32
    %add3A = arith.addi %mul3A_0, %arg0 : i32
    %mul3A_1 = arith.constant 10240 : i32
    %mul3A_2 = arith.muli %add3A, %mul3A_1 : i32
    "tpu.region"() ({
      %run_scoped3A = tpu.sem_alloc : memref<!tpu.dma_semaphore, #tpu.memory_space<semaphore_mem>>
      %dma_start3A_13 = tpu.memref_slice %arg2[%mul3A_2] : memref<327680xi32, #tpu.memory_space<hbm>> -> memref<10240xi32, #tpu.memory_space<hbm>>
      %dma_start3A_14 = tpu.memref_slice %arg2[%mul3A_2] : memref<327680xi32, #tpu.memory_space<hbm>> -> memref<10240xi32, #tpu.memory_space<hbm>>
      tpu.enqueue_dma source(%dma_start3A_14 : memref<10240xi32, #tpu.memory_space<hbm>>) target(%arg9 : memref<10240xi32, #tpu.memory_space<vmem>>) target_semaphore(%run_scoped3A : memref<!tpu.dma_semaphore, #tpu.memory_space<semaphore_mem>>)
      %dma_wait3A_15 = tpu.memref_slice %arg2[%mul3A_2] : memref<327680xi32, #tpu.memory_space<hbm>> -> memref<10240xi32, #tpu.memory_space<hbm>>
      %dma_wait3A_16 = tpu.memref_slice %arg2[%mul3A_2] : memref<327680xi32, #tpu.memory_space<hbm>> -> memref<10240xi32, #tpu.memory_space<hbm>>
      tpu.wait_dma2 semaphore(%run_scoped3A : memref<!tpu.dma_semaphore, #tpu.memory_space<semaphore_mem>>) src(%dma_wait3A_16 : memref<10240xi32, #tpu.memory_space<hbm>>) dst(%arg9 : memref<10240xi32, #tpu.memory_space<vmem>>)
      tpu.yield
    }) : () -> ()
    %dma_start3A = arith.constant 0 : i32
    %dma_start3A_3 = tpu.memref_slice %arg3[%dma_start3A] : memref<320000xi32, #tpu.memory_space<hbm>> -> memref<320000xi32, #tpu.memory_space<hbm>>
    tpu.enqueue_indirect_dma source(%dma_start3A_3 : memref<320000xi32, #tpu.memory_space<hbm>>) target(%arg10 : memref<10240xi32, #tpu.memory_space<vmem>>) offsets(%arg9 : memref<10240xi32, #tpu.memory_space<vmem>>) semaphore(%arg12 : memref<!tpu.dma_semaphore, #tpu.memory_space<semaphore_mem>>)
    %dma_wait3A = arith.constant 0 : i32
    %dma_wait3A_4 = tpu.memref_slice %arg3[%dma_wait3A] : memref<320000xi32, #tpu.memory_space<hbm>> -> memref<320000xi32, #tpu.memory_space<hbm>>
    tpu.wait_indirect_dma semaphore(%arg12 : memref<!tpu.dma_semaphore, #tpu.memory_space<semaphore_mem>>) src(%dma_wait3A_4 : memref<320000xi32, #tpu.memory_space<hbm>>) dst(%arg10 : memref<10240xi32, #tpu.memory_space<vmem>>)
    "tpu.region"() ({
      %run_scoped3A = tpu.sem_alloc : memref<!tpu.dma_semaphore, #tpu.memory_space<semaphore_mem>>
      %dma_start3A_13 = tpu.memref_slice %arg6[%mul3A_2] : memref<327680xi32, #tpu.memory_space<hbm>> -> memref<10240xi32, #tpu.memory_space<hbm>>
      %dma_start3A_14 = tpu.memref_slice %arg6[%mul3A_2] : memref<327680xi32, #tpu.memory_space<hbm>> -> memref<10240xi32, #tpu.memory_space<hbm>>
      tpu.enqueue_dma source(%arg10 : memref<10240xi32, #tpu.memory_space<vmem>>) target(%dma_start3A_14 : memref<10240xi32, #tpu.memory_space<hbm>>) target_semaphore(%run_scoped3A : memref<!tpu.dma_semaphore, #tpu.memory_space<semaphore_mem>>)
      %dma_wait3A_15 = tpu.memref_slice %arg6[%mul3A_2] : memref<327680xi32, #tpu.memory_space<hbm>> -> memref<10240xi32, #tpu.memory_space<hbm>>
      %dma_wait3A_16 = tpu.memref_slice %arg6[%mul3A_2] : memref<327680xi32, #tpu.memory_space<hbm>> -> memref<10240xi32, #tpu.memory_space<hbm>>
      tpu.wait_dma2 semaphore(%run_scoped3A : memref<!tpu.dma_semaphore, #tpu.memory_space<semaphore_mem>>) src(%arg10 : memref<10240xi32, #tpu.memory_space<vmem>>) dst(%dma_wait3A_16 : memref<10240xi32, #tpu.memory_space<hbm>>)
      tpu.yield
    }) : () -> ()
    %dma_start3A_5 = arith.constant 0 : i32
    %dma_start3A_6 = tpu.memref_slice %arg4[%dma_start3A_5] : memref<320000xi32, #tpu.memory_space<hbm>> -> memref<320000xi32, #tpu.memory_space<hbm>>
    tpu.enqueue_indirect_dma source(%dma_start3A_6 : memref<320000xi32, #tpu.memory_space<hbm>>) target(%arg10 : memref<10240xi32, #tpu.memory_space<vmem>>) offsets(%arg9 : memref<10240xi32, #tpu.memory_space<vmem>>) semaphore(%arg12 : memref<!tpu.dma_semaphore, #tpu.memory_space<semaphore_mem>>)
    %dma_wait3A_7 = arith.constant 0 : i32
    %dma_wait3A_8 = tpu.memref_slice %arg4[%dma_wait3A_7] : memref<320000xi32, #tpu.memory_space<hbm>> -> memref<320000xi32, #tpu.memory_space<hbm>>
    tpu.wait_indirect_dma semaphore(%arg12 : memref<!tpu.dma_semaphore, #tpu.memory_space<semaphore_mem>>) src(%dma_wait3A_8 : memref<320000xi32, #tpu.memory_space<hbm>>) dst(%arg10 : memref<10240xi32, #tpu.memory_space<vmem>>)
    "tpu.region"() ({
      %run_scoped3A = tpu.sem_alloc : memref<!tpu.dma_semaphore, #tpu.memory_space<semaphore_mem>>
      %dma_start3A_13 = tpu.memref_slice %arg7[%mul3A_2] : memref<327680xi32, #tpu.memory_space<hbm>> -> memref<10240xi32, #tpu.memory_space<hbm>>
      %dma_start3A_14 = tpu.memref_slice %arg7[%mul3A_2] : memref<327680xi32, #tpu.memory_space<hbm>> -> memref<10240xi32, #tpu.memory_space<hbm>>
      tpu.enqueue_dma source(%arg10 : memref<10240xi32, #tpu.memory_space<vmem>>) target(%dma_start3A_14 : memref<10240xi32, #tpu.memory_space<hbm>>) target_semaphore(%run_scoped3A : memref<!tpu.dma_semaphore, #tpu.memory_space<semaphore_mem>>)
      %dma_wait3A_15 = tpu.memref_slice %arg7[%mul3A_2] : memref<327680xi32, #tpu.memory_space<hbm>> -> memref<10240xi32, #tpu.memory_space<hbm>>
      %dma_wait3A_16 = tpu.memref_slice %arg7[%mul3A_2] : memref<327680xi32, #tpu.memory_space<hbm>> -> memref<10240xi32, #tpu.memory_space<hbm>>
      tpu.wait_dma2 semaphore(%run_scoped3A : memref<!tpu.dma_semaphore, #tpu.memory_space<semaphore_mem>>) src(%arg10 : memref<10240xi32, #tpu.memory_space<vmem>>) dst(%dma_wait3A_16 : memref<10240xi32, #tpu.memory_space<hbm>>)
      tpu.yield
    }) : () -> ()
    %dma_start3A_9 = arith.constant 0 : i32
    %dma_start3A_10 = tpu.memref_slice %arg5[%dma_start3A_9] : memref<320000xf32, #tpu.memory_space<hbm>> -> memref<320000xf32, #tpu.memory_space<hbm>>
    tpu.enqueue_indirect_dma source(%dma_start3A_10 : memref<320000xf32, #tpu.memory_space<hbm>>) target(%arg11 : memref<10240xf32, #tpu.memory_space<vmem>>) offsets(%arg9 : memref<10240xi32, #tpu.memory_space<vmem>>) semaphore(%arg12 : memref<!tpu.dma_semaphore, #tpu.memory_space<semaphore_mem>>)
    %dma_wait3A_11 = arith.constant 0 : i32
    %dma_wait3A_12 = tpu.memref_slice %arg5[%dma_wait3A_11] : memref<320000xf32, #tpu.memory_space<hbm>> -> memref<320000xf32, #tpu.memory_space<hbm>>
    tpu.wait_indirect_dma semaphore(%arg12 : memref<!tpu.dma_semaphore, #tpu.memory_space<semaphore_mem>>) src(%dma_wait3A_12 : memref<320000xf32, #tpu.memory_space<hbm>>) dst(%arg11 : memref<10240xf32, #tpu.memory_space<vmem>>)
    "tpu.region"() ({
      %run_scoped3A = tpu.sem_alloc : memref<!tpu.dma_semaphore, #tpu.memory_space<semaphore_mem>>
      %dma_start3A_13 = tpu.memref_slice %arg8[%mul3A_2] : memref<327680xf32, #tpu.memory_space<hbm>> -> memref<10240xf32, #tpu.memory_space<hbm>>
      %dma_start3A_14 = tpu.memref_slice %arg8[%mul3A_2] : memref<327680xf32, #tpu.memory_space<hbm>> -> memref<10240xf32, #tpu.memory_space<hbm>>
      tpu.enqueue_dma source(%arg11 : memref<10240xf32, #tpu.memory_space<vmem>>) target(%dma_start3A_14 : memref<10240xf32, #tpu.memory_space<hbm>>) target_semaphore(%run_scoped3A : memref<!tpu.dma_semaphore, #tpu.memory_space<semaphore_mem>>)
      %dma_wait3A_15 = tpu.memref_slice %arg8[%mul3A_2] : memref<327680xf32, #tpu.memory_space<hbm>> -> memref<10240xf32, #tpu.memory_space<hbm>>
      %dma_wait3A_16 = tpu.memref_slice %arg8[%mul3A_2] : memref<327680xf32, #tpu.memory_space<hbm>> -> memref<10240xf32, #tpu.memory_space<hbm>>
      tpu.wait_dma2 semaphore(%run_scoped3A : memref<!tpu.dma_semaphore, #tpu.memory_space<semaphore_mem>>) src(%arg11 : memref<10240xf32, #tpu.memory_space<vmem>>) dst(%dma_wait3A_16 : memref<10240xf32, #tpu.memory_space<hbm>>)
      tpu.yield
    }) : () -> ()
    return
  }
}

#map = affine_map<(d0, d1) -> (0)>
#map1 = affine_map<(d0, d1) -> (0, 0)>
module attributes {stable_mosaic.version = 14 : i64} {
  func.func @k(%arg0: i32, %arg1: i32, %arg2: memref<5120xi32, #tpu.memory_space<hbm>>, %arg3: memref<327680xi32, #tpu.memory_space<hbm>>, %arg4: memref<327680xi32, #tpu.memory_space<hbm>>, %arg5: memref<327680xf32, #tpu.memory_space<hbm>>, %arg6: memref<10000x128xf32, #tpu.memory_space<hbm>>, %arg7: memref<10240xf32, #tpu.memory_space<hbm>>, %arg8: memref<10240xi32, #tpu.memory_space<hbm>>, %arg9: memref<327680xi32, #tpu.memory_space<hbm>>, %arg10: memref<327680xi32, #tpu.memory_space<hbm>>, %arg11: memref<327680xf32, #tpu.memory_space<hbm>>, %arg12: memref<5120x128xf32, #tpu.memory_space<hbm>>, %arg13: memref<5120xf32, #tpu.memory_space<hbm>>, %arg14: memref<5120xi32, #tpu.memory_space<hbm>>, %arg15: memref<10240xi32, #tpu.memory_space<vmem>>, %arg16: memref<5120xi32, #tpu.memory_space<vmem>>, %arg17: memref<5120xi32, #tpu.memory_space<vmem>>, %arg18: memref<5120xf32, #tpu.memory_space<vmem>>, %arg19: memref<128xi32, #tpu.memory_space<vmem>>, %arg20: memref<128xi32, #tpu.memory_space<vmem>>, %arg21: memref<160xi32, #tpu.memory_space<vmem>>, %arg22: memref<160xf32, #tpu.memory_space<vmem>>, %arg23: memref<160xi32, #tpu.memory_space<vmem>>, %arg24: memref<160x128xf32, #tpu.memory_space<vmem>>, %arg25: memref<12288xi32, #tpu.memory_space<vmem_shared>>, %arg26: memref<!tpu.dma_semaphore, #tpu.memory_space<semaphore_mem>>) attributes {dimension_semantics = [#tpu.dimension_semantics<core_parallel>, #tpu.dimension_semantics<subcore_parallel>], iteration_bounds = array<i64: 2, 16>, scalar_prefetch = 0 : i64, scratch_operands = 12 : i64, tpu.core_type = #tpu.core_type<sc_vector_subcore>, window_params = [{transform_indices = #map}, {transform_indices = #map}, {transform_indices = #map}, {transform_indices = #map}, {transform_indices = #map1}, {transform_indices = #map}, {transform_indices = #map}, {transform_indices = #map}, {transform_indices = #map}, {transform_indices = #map}, {transform_indices = #map1}, {transform_indices = #map}, {transform_indices = #map}]} {
    %mul3A = arith.constant 2 : i32
    %mul3A_0 = arith.muli %arg1, %mul3A : i32
    %add3A = arith.addi %mul3A_0, %arg0 : i32
    %iota3A = tpu.iota {dimensions = array<i32: 0>} : vector<16xi32>
    %scan3A = arith.constant 0 : i32
    %scan3A_1 = arith.constant 0 : i32
    %scan3A_2 = arith.constant 48 : i32
    %scan3A_3 = arith.addi %scan3A_1, %scan3A_2 : i32
    %scan3A_4 = arith.constant 1 : i32
    %scan3A_5 = scf.for %scan3A_190 = %scan3A_1 to %scan3A_3 step %scan3A_4 iter_args(%scan3A_191 = %scan3A) -> (i32)  : i32 {
      %broadcast_in_dim3A = arith.constant -1 : i32
      %broadcast_in_dim3A_192 = vector.broadcast %broadcast_in_dim3A : i32 to vector<16xi32>
      %mul3A_193 = arith.constant 16 : i32
      %mul3A_194 = arith.muli %scan3A_190, %mul3A_193 : i32
      %swap3A = arith.index_cast %mul3A_194 : i32 to index
      %swap3A_195 = tpu.vector_load %arg15[%swap3A] {strides = array<i32>} : memref<10240xi32, #tpu.memory_space<vmem>>, vector<16xi32>,
      tpu.vector_store %arg15[%swap3A], %broadcast_in_dim3A_192 {strides = array<i32>} : memref<10240xi32, #tpu.memory_space<vmem>>, vector<16xi32>,
      %scan3A_196 = arith.constant 0 : i32
      scf.yield %scan3A_196 : i32
    }
    %scan3A_6 = arith.constant 48 : i32
    %mul3A_7 = arith.constant 768 : i32
    %mul3A_8 = arith.muli %arg1, %mul3A_7 : i32
    "tpu.region"() ({
      %run_scoped3A = tpu.sem_alloc : memref<!tpu.dma_semaphore, #tpu.memory_space<semaphore_mem>>
      %dma_start3A_190 = arith.constant 0 : i32
      %dma_start3A_191 = tpu.memref_slice %arg15[%dma_start3A_190] : memref<10240xi32, #tpu.memory_space<vmem>> -> memref<768xi32, #tpu.memory_space<vmem>>
      %dma_start3A_192 = tpu.memref_slice %arg25[%mul3A_8] : memref<12288xi32, #tpu.memory_space<vmem_shared>> -> memref<768xi32, #tpu.memory_space<vmem_shared>>
      %dma_start3A_193 = tpu.memref_slice %arg25[%mul3A_8] : memref<12288xi32, #tpu.memory_space<vmem_shared>> -> memref<768xi32, #tpu.memory_space<vmem_shared>>
      %dma_start3A_194 = arith.constant 0 : i32
      %dma_start3A_195 = tpu.memref_slice %arg15[%dma_start3A_194] : memref<10240xi32, #tpu.memory_space<vmem>> -> memref<768xi32, #tpu.memory_space<vmem>>
      tpu.enqueue_dma source(%dma_start3A_195 : memref<768xi32, #tpu.memory_space<vmem>>) target(%dma_start3A_193 : memref<768xi32, #tpu.memory_space<vmem_shared>>) target_semaphore(%run_scoped3A : memref<!tpu.dma_semaphore, #tpu.memory_space<semaphore_mem>>)
      %dma_wait3A_196 = arith.constant 0 : i32
      %dma_wait3A_197 = tpu.memref_slice %arg15[%dma_wait3A_196] : memref<10240xi32, #tpu.memory_space<vmem>> -> memref<768xi32, #tpu.memory_space<vmem>>
      %dma_wait3A_198 = tpu.memref_slice %arg25[%mul3A_8] : memref<12288xi32, #tpu.memory_space<vmem_shared>> -> memref<768xi32, #tpu.memory_space<vmem_shared>>
      %dma_wait3A_199 = tpu.memref_slice %arg25[%mul3A_8] : memref<12288xi32, #tpu.memory_space<vmem_shared>> -> memref<768xi32, #tpu.memory_space<vmem_shared>>
      %dma_wait3A_200 = arith.constant 0 : i32
      %dma_wait3A_201 = tpu.memref_slice %arg15[%dma_wait3A_200] : memref<10240xi32, #tpu.memory_space<vmem>> -> memref<768xi32, #tpu.memory_space<vmem>>
      tpu.wait_dma2 semaphore(%run_scoped3A : memref<!tpu.dma_semaphore, #tpu.memory_space<semaphore_mem>>) src(%dma_wait3A_201 : memref<768xi32, #tpu.memory_space<vmem>>) dst(%dma_wait3A_199 : memref<768xi32, #tpu.memory_space<vmem_shared>>)
      tpu.yield
    }) : () -> ()
    %barrier3A = arith.constant 0 : index
    tpu.barrier barrier_id(%barrier3A)
    %add3A_9 = arith.constant 0 : i32
    %add3A_10 = arith.addi %arg1, %add3A_9 : i32
    %lt3A = arith.constant 40 : i32
    %lt3A_11 = arith.cmpi slt, %add3A_10, %lt3A : i32
    %convert_element_type3A = arith.extui %lt3A_11 : i1 to i32
    %cond3A = arith.constant 0 : i32
    %cond3A_12 = arith.cmpi ne, %convert_element_type3A, %cond3A : i32
    scf.if %cond3A_12 {
      %mul3A_190 = arith.constant 128 : i32
      %mul3A_191 = arith.muli %add3A_10, %mul3A_190 : i32
      "tpu.region"() ({
        %run_scoped3A = tpu.sem_alloc : memref<!tpu.dma_semaphore, #tpu.memory_space<semaphore_mem>>
        %dma_start3A_368 = tpu.memref_slice %arg2[%mul3A_191] : memref<5120xi32, #tpu.memory_space<hbm>> -> memref<128xi32, #tpu.memory_space<hbm>>
        %dma_start3A_369 = tpu.memref_slice %arg2[%mul3A_191] : memref<5120xi32, #tpu.memory_space<hbm>> -> memref<128xi32, #tpu.memory_space<hbm>>
        tpu.enqueue_dma source(%dma_start3A_369 : memref<128xi32, #tpu.memory_space<hbm>>) target(%arg19 : memref<128xi32, #tpu.memory_space<vmem>>) target_semaphore(%run_scoped3A : memref<!tpu.dma_semaphore, #tpu.memory_space<semaphore_mem>>)
        %dma_wait3A_370 = tpu.memref_slice %arg2[%mul3A_191] : memref<5120xi32, #tpu.memory_space<hbm>> -> memref<128xi32, #tpu.memory_space<hbm>>
        %dma_wait3A_371 = tpu.memref_slice %arg2[%mul3A_191] : memref<5120xi32, #tpu.memory_space<hbm>> -> memref<128xi32, #tpu.memory_space<hbm>>
        tpu.wait_dma2 semaphore(%run_scoped3A : memref<!tpu.dma_semaphore, #tpu.memory_space<semaphore_mem>>) src(%dma_wait3A_371 : memref<128xi32, #tpu.memory_space<hbm>>) dst(%arg19 : memref<128xi32, #tpu.memory_space<vmem>>)
        tpu.yield
      }) : () -> ()
      %get3A = arith.constant 0 : index
      %get3A_192 = tpu.vector_load %arg19[%get3A] {strides = array<i32>} : memref<128xi32, #tpu.memory_space<vmem>>, vector<16xi32>,
      %mul3A_193 = arith.constant 128 : i32
      %mul3A_194 = arith.muli %add3A_10, %mul3A_193 : i32
      %add3A_195 = arith.constant 0 : i32
      %add3A_196 = arith.addi %mul3A_194, %add3A_195 : i32
      %add3A_197 = vector.broadcast %add3A_196 : i32 to vector<16xi32>
      %add3A_198 = arith.addi %add3A_197, %iota3A : vector<16xi32>
      %swap3A = arith.constant 0 : index
      %swap3A_199 = tpu.vector_load %arg20[%swap3A] {strides = array<i32>} : memref<128xi32, #tpu.memory_space<vmem>>, vector<16xi32>,
      tpu.vector_store %arg20[%swap3A], %add3A_198 {strides = array<i32>} : memref<128xi32, #tpu.memory_space<vmem>>, vector<16xi32>,
      %lt3A_200 = arith.constant 5000 : i32
      %lt3A_201 = vector.broadcast %lt3A_200 : i32 to vector<16xi32>
      %lt3A_202 = arith.cmpi slt, %add3A_198, %lt3A_201 : vector<16xi32>
      %sub3A = arith.constant 5000 : i32
      %sub3A_203 = vector.broadcast %sub3A : i32 to vector<16xi32>
      %sub3A_204 = arith.subi %add3A_198, %sub3A_203 : vector<16xi32>
      %add3A_205 = arith.constant 10240 : i32
      %add3A_206 = vector.broadcast %add3A_205 : i32 to vector<16xi32>
      %add3A_207 = arith.addi %add3A_206, %sub3A_204 : vector<16xi32>
      %select_n3A = arith.select %lt3A_202, %get3A_192, %add3A_207 : vector<16xi1>, vector<16xi32>
      %swap3A_208 = arith.constant 0 : index
      %swap3A_209 = tpu.vector_load %arg19[%swap3A_208] {strides = array<i32>} : memref<128xi32, #tpu.memory_space<vmem>>, vector<16xi32>,
      tpu.vector_store %arg19[%swap3A_208], %select_n3A {strides = array<i32>} : memref<128xi32, #tpu.memory_space<vmem>>, vector<16xi32>,
      %get3A_210 = arith.constant 16 : index
      %get3A_211 = tpu.vector_load %arg19[%get3A_210] {strides = array<i32>} : memref<128xi32, #tpu.memory_space<vmem>>, vector<16xi32>,
      %mul3A_212 = arith.constant 128 : i32
      %mul3A_213 = arith.muli %add3A_10, %mul3A_212 : i32
      %add3A_214 = arith.constant 16 : i32
      %add3A_215 = arith.addi %mul3A_213, %add3A_214 : i32
      %add3A_216 = vector.broadcast %add3A_215 : i32 to vector<16xi32>
      %add3A_217 = arith.addi %add3A_216, %iota3A : vector<16xi32>
      %swap3A_218 = arith.constant 16 : index
      %swap3A_219 = tpu.vector_load %arg20[%swap3A_218] {strides = array<i32>} : memref<128xi32, #tpu.memory_space<vmem>>, vector<16xi32>,
      tpu.vector_store %arg20[%swap3A_218], %add3A_217 {strides = array<i32>} : memref<128xi32, #tpu.memory_space<vmem>>, vector<16xi32>,
      %lt3A_220 = arith.constant 5000 : i32
      %lt3A_221 = vector.broadcast %lt3A_220 : i32 to vector<16xi32>
      %lt3A_222 = arith.cmpi slt, %add3A_217, %lt3A_221 : vector<16xi32>
      %sub3A_223 = arith.constant 5000 : i32
      %sub3A_224 = vector.broadcast %sub3A_223 : i32 to vector<16xi32>
      %sub3A_225 = arith.subi %add3A_217, %sub3A_224 : vector<16xi32>
      %add3A_226 = arith.constant 10240 : i32
      %add3A_227 = vector.broadcast %add3A_226 : i32 to vector<16xi32>
      %add3A_228 = arith.addi %add3A_227, %sub3A_225 : vector<16xi32>
      %select_n3A_229 = arith.select %lt3A_222, %get3A_211, %add3A_228 : vector<16xi1>, vector<16xi32>
      %swap3A_230 = arith.constant 16 : index
      %swap3A_231 = tpu.vector_load %arg19[%swap3A_230] {strides = array<i32>} : memref<128xi32, #tpu.memory_space<vmem>>, vector<16xi32>,
      tpu.vector_store %arg19[%swap3A_230], %select_n3A_229 {strides = array<i32>} : memref<128xi32, #tpu.memory_space<vmem>>, vector<16xi32>,
      %get3A_232 = arith.constant 32 : index
      %get3A_233 = tpu.vector_load %arg19[%get3A_232] {strides = array<i32>} : memref<128xi32, #tpu.memory_space<vmem>>, vector<16xi32>,
      %mul3A_234 = arith.constant 128 : i32
      %mul3A_235 = arith.muli %add3A_10, %mul3A_234 : i32
      %add3A_236 = arith.constant 32 : i32
      %add3A_237 = arith.addi %mul3A_235, %add3A_236 : i32
      %add3A_238 = vector.broadcast %add3A_237 : i32 to vector<16xi32>
      %add3A_239 = arith.addi %add3A_238, %iota3A : vector<16xi32>
      %swap3A_240 = arith.constant 32 : index
      %swap3A_241 = tpu.vector_load %arg20[%swap3A_240] {strides = array<i32>} : memref<128xi32, #tpu.memory_space<vmem>>, vector<16xi32>,
      tpu.vector_store %arg20[%swap3A_240], %add3A_239 {strides = array<i32>} : memref<128xi32, #tpu.memory_space<vmem>>, vector<16xi32>,
      %lt3A_242 = arith.constant 5000 : i32
      %lt3A_243 = vector.broadcast %lt3A_242 : i32 to vector<16xi32>
      %lt3A_244 = arith.cmpi slt, %add3A_239, %lt3A_243 : vector<16xi32>
      %sub3A_245 = arith.constant 5000 : i32
      %sub3A_246 = vector.broadcast %sub3A_245 : i32 to vector<16xi32>
      %sub3A_247 = arith.subi %add3A_239, %sub3A_246 : vector<16xi32>
      %add3A_248 = arith.constant 10240 : i32
      %add3A_249 = vector.broadcast %add3A_248 : i32 to vector<16xi32>
      %add3A_250 = arith.addi %add3A_249, %sub3A_247 : vector<16xi32>
      %select_n3A_251 = arith.select %lt3A_244, %get3A_233, %add3A_250 : vector<16xi1>, vector<16xi32>
      %swap3A_252 = arith.constant 32 : index
      %swap3A_253 = tpu.vector_load %arg19[%swap3A_252] {strides = array<i32>} : memref<128xi32, #tpu.memory_space<vmem>>, vector<16xi32>,
      tpu.vector_store %arg19[%swap3A_252], %select_n3A_251 {strides = array<i32>} : memref<128xi32, #tpu.memory_space<vmem>>, vector<16xi32>,
      %get3A_254 = arith.constant 48 : index
      %get3A_255 = tpu.vector_load %arg19[%get3A_254] {strides = array<i32>} : memref<128xi32, #tpu.memory_space<vmem>>, vector<16xi32>,
      %mul3A_256 = arith.constant 128 : i32
      %mul3A_257 = arith.muli %add3A_10, %mul3A_256 : i32
      %add3A_258 = arith.constant 48 : i32
      %add3A_259 = arith.addi %mul3A_257, %add3A_258 : i32
      %add3A_260 = vector.broadcast %add3A_259 : i32 to vector<16xi32>
      %add3A_261 = arith.addi %add3A_260, %iota3A : vector<16xi32>
      %swap3A_262 = arith.constant 48 : index
      %swap3A_263 = tpu.vector_load %arg20[%swap3A_262] {strides = array<i32>} : memref<128xi32, #tpu.memory_space<vmem>>, vector<16xi32>,
      tpu.vector_store %arg20[%swap3A_262], %add3A_261 {strides = array<i32>} : memref<128xi32, #tpu.memory_space<vmem>>, vector<16xi32>,
      %lt3A_264 = arith.constant 5000 : i32
      %lt3A_265 = vector.broadcast %lt3A_264 : i32 to vector<16xi32>
      %lt3A_266 = arith.cmpi slt, %add3A_261, %lt3A_265 : vector<16xi32>
      %sub3A_267 = arith.constant 5000 : i32
      %sub3A_268 = vector.broadcast %sub3A_267 : i32 to vector<16xi32>
      %sub3A_269 = arith.subi %add3A_261, %sub3A_268 : vector<16xi32>
      %add3A_270 = arith.constant 10240 : i32
      %add3A_271 = vector.broadcast %add3A_270 : i32 to vector<16xi32>
      %add3A_272 = arith.addi %add3A_271, %sub3A_269 : vector<16xi32>
      %select_n3A_273 = arith.select %lt3A_266, %get3A_255, %add3A_272 : vector<16xi1>, vector<16xi32>
      %swap3A_274 = arith.constant 48 : index
      %swap3A_275 = tpu.vector_load %arg19[%swap3A_274] {strides = array<i32>} : memref<128xi32, #tpu.memory_space<vmem>>, vector<16xi32>,
      tpu.vector_store %arg19[%swap3A_274], %select_n3A_273 {strides = array<i32>} : memref<128xi32, #tpu.memory_space<vmem>>, vector<16xi32>,
      %get3A_276 = arith.constant 64 : index
      %get3A_277 = tpu.vector_load %arg19[%get3A_276] {strides = array<i32>} : memref<128xi32, #tpu.memory_space<vmem>>, vector<16xi32>,
      %mul3A_278 = arith.constant 128 : i32
      %mul3A_279 = arith.muli %add3A_10, %mul3A_278 : i32
      %add3A_280 = arith.constant 64 : i32
      %add3A_281 = arith.addi %mul3A_279, %add3A_280 : i32
      %add3A_282 = vector.broadcast %add3A_281 : i32 to vector<16xi32>
      %add3A_283 = arith.addi %add3A_282, %iota3A : vector<16xi32>
      %swap3A_284 = arith.constant 64 : index
      %swap3A_285 = tpu.vector_load %arg20[%swap3A_284] {strides = array<i32>} : memref<128xi32, #tpu.memory_space<vmem>>, vector<16xi32>,
      tpu.vector_store %arg20[%swap3A_284], %add3A_283 {strides = array<i32>} : memref<128xi32, #tpu.memory_space<vmem>>, vector<16xi32>,
      %lt3A_286 = arith.constant 5000 : i32
      %lt3A_287 = vector.broadcast %lt3A_286 : i32 to vector<16xi32>
      %lt3A_288 = arith.cmpi slt, %add3A_283, %lt3A_287 : vector<16xi32>
      %sub3A_289 = arith.constant 5000 : i32
      %sub3A_290 = vector.broadcast %sub3A_289 : i32 to vector<16xi32>
      %sub3A_291 = arith.subi %add3A_283, %sub3A_290 : vector<16xi32>
      %add3A_292 = arith.constant 10240 : i32
      %add3A_293 = vector.broadcast %add3A_292 : i32 to vector<16xi32>
      %add3A_294 = arith.addi %add3A_293, %sub3A_291 : vector<16xi32>
      %select_n3A_295 = arith.select %lt3A_288, %get3A_277, %add3A_294 : vector<16xi1>, vector<16xi32>
      %swap3A_296 = arith.constant 64 : index
      %swap3A_297 = tpu.vector_load %arg19[%swap3A_296] {strides = array<i32>} : memref<128xi32, #tpu.memory_space<vmem>>, vector<16xi32>,
      tpu.vector_store %arg19[%swap3A_296], %select_n3A_295 {strides = array<i32>} : memref<128xi32, #tpu.memory_space<vmem>>, vector<16xi32>,
      %get3A_298 = arith.constant 80 : index
      %get3A_299 = tpu.vector_load %arg19[%get3A_298] {strides = array<i32>} : memref<128xi32, #tpu.memory_space<vmem>>, vector<16xi32>,
      %mul3A_300 = arith.constant 128 : i32
      %mul3A_301 = arith.muli %add3A_10, %mul3A_300 : i32
      %add3A_302 = arith.constant 80 : i32
      %add3A_303 = arith.addi %mul3A_301, %add3A_302 : i32
      %add3A_304 = vector.broadcast %add3A_303 : i32 to vector<16xi32>
      %add3A_305 = arith.addi %add3A_304, %iota3A : vector<16xi32>
      %swap3A_306 = arith.constant 80 : index
      %swap3A_307 = tpu.vector_load %arg20[%swap3A_306] {strides = array<i32>} : memref<128xi32, #tpu.memory_space<vmem>>, vector<16xi32>,
      tpu.vector_store %arg20[%swap3A_306], %add3A_305 {strides = array<i32>} : memref<128xi32, #tpu.memory_space<vmem>>, vector<16xi32>,
      %lt3A_308 = arith.constant 5000 : i32
      %lt3A_309 = vector.broadcast %lt3A_308 : i32 to vector<16xi32>
      %lt3A_310 = arith.cmpi slt, %add3A_305, %lt3A_309 : vector<16xi32>
      %sub3A_311 = arith.constant 5000 : i32
      %sub3A_312 = vector.broadcast %sub3A_311 : i32 to vector<16xi32>
      %sub3A_313 = arith.subi %add3A_305, %sub3A_312 : vector<16xi32>
      %add3A_314 = arith.constant 10240 : i32
      %add3A_315 = vector.broadcast %add3A_314 : i32 to vector<16xi32>
      %add3A_316 = arith.addi %add3A_315, %sub3A_313 : vector<16xi32>
      %select_n3A_317 = arith.select %lt3A_310, %get3A_299, %add3A_316 : vector<16xi1>, vector<16xi32>
      %swap3A_318 = arith.constant 80 : index
      %swap3A_319 = tpu.vector_load %arg19[%swap3A_318] {strides = array<i32>} : memref<128xi32, #tpu.memory_space<vmem>>, vector<16xi32>,
      tpu.vector_store %arg19[%swap3A_318], %select_n3A_317 {strides = array<i32>} : memref<128xi32, #tpu.memory_space<vmem>>, vector<16xi32>,
      %get3A_320 = arith.constant 96 : index
      %get3A_321 = tpu.vector_load %arg19[%get3A_320] {strides = array<i32>} : memref<128xi32, #tpu.memory_space<vmem>>, vector<16xi32>,
      %mul3A_322 = arith.constant 128 : i32
      %mul3A_323 = arith.muli %add3A_10, %mul3A_322 : i32
      %add3A_324 = arith.constant 96 : i32
      %add3A_325 = arith.addi %mul3A_323, %add3A_324 : i32
      %add3A_326 = vector.broadcast %add3A_325 : i32 to vector<16xi32>
      %add3A_327 = arith.addi %add3A_326, %iota3A : vector<16xi32>
      %swap3A_328 = arith.constant 96 : index
      %swap3A_329 = tpu.vector_load %arg20[%swap3A_328] {strides = array<i32>} : memref<128xi32, #tpu.memory_space<vmem>>, vector<16xi32>,
      tpu.vector_store %arg20[%swap3A_328], %add3A_327 {strides = array<i32>} : memref<128xi32, #tpu.memory_space<vmem>>, vector<16xi32>,
      %lt3A_330 = arith.constant 5000 : i32
      %lt3A_331 = vector.broadcast %lt3A_330 : i32 to vector<16xi32>
      %lt3A_332 = arith.cmpi slt, %add3A_327, %lt3A_331 : vector<16xi32>
      %sub3A_333 = arith.constant 5000 : i32
      %sub3A_334 = vector.broadcast %sub3A_333 : i32 to vector<16xi32>
      %sub3A_335 = arith.subi %add3A_327, %sub3A_334 : vector<16xi32>
      %add3A_336 = arith.constant 10240 : i32
      %add3A_337 = vector.broadcast %add3A_336 : i32 to vector<16xi32>
      %add3A_338 = arith.addi %add3A_337, %sub3A_335 : vector<16xi32>
      %select_n3A_339 = arith.select %lt3A_332, %get3A_321, %add3A_338 : vector<16xi1>, vector<16xi32>
      %swap3A_340 = arith.constant 96 : index
      %swap3A_341 = tpu.vector_load %arg19[%swap3A_340] {strides = array<i32>} : memref<128xi32, #tpu.memory_space<vmem>>, vector<16xi32>,
      tpu.vector_store %arg19[%swap3A_340], %select_n3A_339 {strides = array<i32>} : memref<128xi32, #tpu.memory_space<vmem>>, vector<16xi32>,
      %get3A_342 = arith.constant 112 : index
      %get3A_343 = tpu.vector_load %arg19[%get3A_342] {strides = array<i32>} : memref<128xi32, #tpu.memory_space<vmem>>, vector<16xi32>,
      %mul3A_344 = arith.constant 128 : i32
      %mul3A_345 = arith.muli %add3A_10, %mul3A_344 : i32
      %add3A_346 = arith.constant 112 : i32
      %add3A_347 = arith.addi %mul3A_345, %add3A_346 : i32
      %add3A_348 = vector.broadcast %add3A_347 : i32 to vector<16xi32>
      %add3A_349 = arith.addi %add3A_348, %iota3A : vector<16xi32>
      %swap3A_350 = arith.constant 112 : index
      %swap3A_351 = tpu.vector_load %arg20[%swap3A_350] {strides = array<i32>} : memref<128xi32, #tpu.memory_space<vmem>>, vector<16xi32>,
      tpu.vector_store %arg20[%swap3A_350], %add3A_349 {strides = array<i32>} : memref<128xi32, #tpu.memory_space<vmem>>, vector<16xi32>,
      %lt3A_352 = arith.constant 5000 : i32
      %lt3A_353 = vector.broadcast %lt3A_352 : i32 to vector<16xi32>
      %lt3A_354 = arith.cmpi slt, %add3A_349, %lt3A_353 : vector<16xi32>
      %sub3A_355 = arith.constant 5000 : i32
      %sub3A_356 = vector.broadcast %sub3A_355 : i32 to vector<16xi32>
      %sub3A_357 = arith.subi %add3A_349, %sub3A_356 : vector<16xi32>
      %add3A_358 = arith.constant 10240 : i32
      %add3A_359 = vector.broadcast %add3A_358 : i32 to vector<16xi32>
      %add3A_360 = arith.addi %add3A_359, %sub3A_357 : vector<16xi32>
      %select_n3A_361 = arith.select %lt3A_354, %get3A_343, %add3A_360 : vector<16xi1>, vector<16xi32>
      %swap3A_362 = arith.constant 112 : index
      %swap3A_363 = tpu.vector_load %arg19[%swap3A_362] {strides = array<i32>} : memref<128xi32, #tpu.memory_space<vmem>>, vector<16xi32>,
      tpu.vector_store %arg19[%swap3A_362], %select_n3A_361 {strides = array<i32>} : memref<128xi32, #tpu.memory_space<vmem>>, vector<16xi32>,
      %dma_start3A_364 = arith.constant 0 : i32
      %dma_start3A_365 = tpu.memref_slice %arg25[%dma_start3A_364] : memref<12288xi32, #tpu.memory_space<vmem_shared>> -> memref<12288xi32, #tpu.memory_space<vmem_shared>>
      tpu.enqueue_indirect_dma source(%arg20 : memref<128xi32, #tpu.memory_space<vmem>>) target(%dma_start3A_365 : memref<12288xi32, #tpu.memory_space<vmem_shared>>) offsets(%arg19 : memref<128xi32, #tpu.memory_space<vmem>>) semaphore(%arg26 : memref<!tpu.dma_semaphore, #tpu.memory_space<semaphore_mem>>)
      %dma_wait3A_366 = arith.constant 0 : i32
      %dma_wait3A_367 = tpu.memref_slice %arg25[%dma_wait3A_366] : memref<12288xi32, #tpu.memory_space<vmem_shared>> -> memref<12288xi32, #tpu.memory_space<vmem_shared>>
      tpu.wait_indirect_dma semaphore(%arg26 : memref<!tpu.dma_semaphore, #tpu.memory_space<semaphore_mem>>) src(%arg20 : memref<128xi32, #tpu.memory_space<vmem>>) dst(%dma_wait3A_367 : memref<12288xi32, #tpu.memory_space<vmem_shared>>)
    } else {
    }
    %add3A_13 = arith.constant 16 : i32
    %add3A_14 = arith.addi %arg1, %add3A_13 : i32
    %lt3A_15 = arith.constant 40 : i32
    %lt3A_16 = arith.cmpi slt, %add3A_14, %lt3A_15 : i32
    %convert_element_type3A_17 = arith.extui %lt3A_16 : i1 to i32
    %cond3A_18 = arith.constant 0 : i32
    %cond3A_19 = arith.cmpi ne, %convert_element_type3A_17, %cond3A_18 : i32
    scf.if %cond3A_19 {
      %mul3A_190 = arith.constant 128 : i32
      %mul3A_191 = arith.muli %add3A_14, %mul3A_190 : i32
      "tpu.region"() ({
        %run_scoped3A = tpu.sem_alloc : memref<!tpu.dma_semaphore, #tpu.memory_space<semaphore_mem>>
        %dma_start3A_368 = tpu.memref_slice %arg2[%mul3A_191] : memref<5120xi32, #tpu.memory_space<hbm>> -> memref<128xi32, #tpu.memory_space<hbm>>
        %dma_start3A_369 = tpu.memref_slice %arg2[%mul3A_191] : memref<5120xi32, #tpu.memory_space<hbm>> -> memref<128xi32, #tpu.memory_space<hbm>>
        tpu.enqueue_dma source(%dma_start3A_369 : memref<128xi32, #tpu.memory_space<hbm>>) target(%arg19 : memref<128xi32, #tpu.memory_space<vmem>>) target_semaphore(%run_scoped3A : memref<!tpu.dma_semaphore, #tpu.memory_space<semaphore_mem>>)
        %dma_wait3A_370 = tpu.memref_slice %arg2[%mul3A_191] : memref<5120xi32, #tpu.memory_space<hbm>> -> memref<128xi32, #tpu.memory_space<hbm>>
        %dma_wait3A_371 = tpu.memref_slice %arg2[%mul3A_191] : memref<5120xi32, #tpu.memory_space<hbm>> -> memref<128xi32, #tpu.memory_space<hbm>>
        tpu.wait_dma2 semaphore(%run_scoped3A : memref<!tpu.dma_semaphore, #tpu.memory_space<semaphore_mem>>) src(%dma_wait3A_371 : memref<128xi32, #tpu.memory_space<hbm>>) dst(%arg19 : memref<128xi32, #tpu.memory_space<vmem>>)
        tpu.yield
      }) : () -> ()
      %get3A = arith.constant 0 : index
      %get3A_192 = tpu.vector_load %arg19[%get3A] {strides = array<i32>} : memref<128xi32, #tpu.memory_space<vmem>>, vector<16xi32>,
      %mul3A_193 = arith.constant 128 : i32
      %mul3A_194 = arith.muli %add3A_14, %mul3A_193 : i32
      %add3A_195 = arith.constant 0 : i32
      %add3A_196 = arith.addi %mul3A_194, %add3A_195 : i32
      %add3A_197 = vector.broadcast %add3A_196 : i32 to vector<16xi32>
      %add3A_198 = arith.addi %add3A_197, %iota3A : vector<16xi32>
      %swap3A = arith.constant 0 : index
      %swap3A_199 = tpu.vector_load %arg20[%swap3A] {strides = array<i32>} : memref<128xi32, #tpu.memory_space<vmem>>, vector<16xi32>,
      tpu.vector_store %arg20[%swap3A], %add3A_198 {strides = array<i32>} : memref<128xi32, #tpu.memory_space<vmem>>, vector<16xi32>,
      %lt3A_200 = arith.constant 5000 : i32
      %lt3A_201 = vector.broadcast %lt3A_200 : i32 to vector<16xi32>
      %lt3A_202 = arith.cmpi slt, %add3A_198, %lt3A_201 : vector<16xi32>
      %sub3A = arith.constant 5000 : i32
      %sub3A_203 = vector.broadcast %sub3A : i32 to vector<16xi32>
      %sub3A_204 = arith.subi %add3A_198, %sub3A_203 : vector<16xi32>
      %add3A_205 = arith.constant 10240 : i32
      %add3A_206 = vector.broadcast %add3A_205 : i32 to vector<16xi32>
      %add3A_207 = arith.addi %add3A_206, %sub3A_204 : vector<16xi32>
      %select_n3A = arith.select %lt3A_202, %get3A_192, %add3A_207 : vector<16xi1>, vector<16xi32>
      %swap3A_208 = arith.constant 0 : index
      %swap3A_209 = tpu.vector_load %arg19[%swap3A_208] {strides = array<i32>} : memref<128xi32, #tpu.memory_space<vmem>>, vector<16xi32>,
      tpu.vector_store %arg19[%swap3A_208], %select_n3A {strides = array<i32>} : memref<128xi32, #tpu.memory_space<vmem>>, vector<16xi32>,
      %get3A_210 = arith.constant 16 : index
      %get3A_211 = tpu.vector_load %arg19[%get3A_210] {strides = array<i32>} : memref<128xi32, #tpu.memory_space<vmem>>, vector<16xi32>,
      %mul3A_212 = arith.constant 128 : i32
      %mul3A_213 = arith.muli %add3A_14, %mul3A_212 : i32
      %add3A_214 = arith.constant 16 : i32
      %add3A_215 = arith.addi %mul3A_213, %add3A_214 : i32
      %add3A_216 = vector.broadcast %add3A_215 : i32 to vector<16xi32>
      %add3A_217 = arith.addi %add3A_216, %iota3A : vector<16xi32>
      %swap3A_218 = arith.constant 16 : index
      %swap3A_219 = tpu.vector_load %arg20[%swap3A_218] {strides = array<i32>} : memref<128xi32, #tpu.memory_space<vmem>>, vector<16xi32>,
      tpu.vector_store %arg20[%swap3A_218], %add3A_217 {strides = array<i32>} : memref<128xi32, #tpu.memory_space<vmem>>, vector<16xi32>,
      %lt3A_220 = arith.constant 5000 : i32
      %lt3A_221 = vector.broadcast %lt3A_220 : i32 to vector<16xi32>
      %lt3A_222 = arith.cmpi slt, %add3A_217, %lt3A_221 : vector<16xi32>
      %sub3A_223 = arith.constant 5000 : i32
      %sub3A_224 = vector.broadcast %sub3A_223 : i32 to vector<16xi32>
      %sub3A_225 = arith.subi %add3A_217, %sub3A_224 : vector<16xi32>
      %add3A_226 = arith.constant 10240 : i32
      %add3A_227 = vector.broadcast %add3A_226 : i32 to vector<16xi32>
      %add3A_228 = arith.addi %add3A_227, %sub3A_225 : vector<16xi32>
      %select_n3A_229 = arith.select %lt3A_222, %get3A_211, %add3A_228 : vector<16xi1>, vector<16xi32>
      %swap3A_230 = arith.constant 16 : index
      %swap3A_231 = tpu.vector_load %arg19[%swap3A_230] {strides = array<i32>} : memref<128xi32, #tpu.memory_space<vmem>>, vector<16xi32>,
      tpu.vector_store %arg19[%swap3A_230], %select_n3A_229 {strides = array<i32>} : memref<128xi32, #tpu.memory_space<vmem>>, vector<16xi32>,
      %get3A_232 = arith.constant 32 : index
      %get3A_233 = tpu.vector_load %arg19[%get3A_232] {strides = array<i32>} : memref<128xi32, #tpu.memory_space<vmem>>, vector<16xi32>,
      %mul3A_234 = arith.constant 128 : i32
      %mul3A_235 = arith.muli %add3A_14, %mul3A_234 : i32
      %add3A_236 = arith.constant 32 : i32
      %add3A_237 = arith.addi %mul3A_235, %add3A_236 : i32
      %add3A_238 = vector.broadcast %add3A_237 : i32 to vector<16xi32>
      %add3A_239 = arith.addi %add3A_238, %iota3A : vector<16xi32>
      %swap3A_240 = arith.constant 32 : index
      %swap3A_241 = tpu.vector_load %arg20[%swap3A_240] {strides = array<i32>} : memref<128xi32, #tpu.memory_space<vmem>>, vector<16xi32>,
      tpu.vector_store %arg20[%swap3A_240], %add3A_239 {strides = array<i32>} : memref<128xi32, #tpu.memory_space<vmem>>, vector<16xi32>,
      %lt3A_242 = arith.constant 5000 : i32
      %lt3A_243 = vector.broadcast %lt3A_242 : i32 to vector<16xi32>
      %lt3A_244 = arith.cmpi slt, %add3A_239, %lt3A_243 : vector<16xi32>
      %sub3A_245 = arith.constant 5000 : i32
      %sub3A_246 = vector.broadcast %sub3A_245 : i32 to vector<16xi32>
      %sub3A_247 = arith.subi %add3A_239, %sub3A_246 : vector<16xi32>
      %add3A_248 = arith.constant 10240 : i32
      %add3A_249 = vector.broadcast %add3A_248 : i32 to vector<16xi32>
      %add3A_250 = arith.addi %add3A_249, %sub3A_247 : vector<16xi32>
      %select_n3A_251 = arith.select %lt3A_244, %get3A_233, %add3A_250 : vector<16xi1>, vector<16xi32>
      %swap3A_252 = arith.constant 32 : index
      %swap3A_253 = tpu.vector_load %arg19[%swap3A_252] {strides = array<i32>} : memref<128xi32, #tpu.memory_space<vmem>>, vector<16xi32>,
      tpu.vector_store %arg19[%swap3A_252], %select_n3A_251 {strides = array<i32>} : memref<128xi32, #tpu.memory_space<vmem>>, vector<16xi32>,
      %get3A_254 = arith.constant 48 : index
      %get3A_255 = tpu.vector_load %arg19[%get3A_254] {strides = array<i32>} : memref<128xi32, #tpu.memory_space<vmem>>, vector<16xi32>,
      %mul3A_256 = arith.constant 128 : i32
      %mul3A_257 = arith.muli %add3A_14, %mul3A_256 : i32
      %add3A_258 = arith.constant 48 : i32
      %add3A_259 = arith.addi %mul3A_257, %add3A_258 : i32
      %add3A_260 = vector.broadcast %add3A_259 : i32 to vector<16xi32>
      %add3A_261 = arith.addi %add3A_260, %iota3A : vector<16xi32>
      %swap3A_262 = arith.constant 48 : index
      %swap3A_263 = tpu.vector_load %arg20[%swap3A_262] {strides = array<i32>} : memref<128xi32, #tpu.memory_space<vmem>>, vector<16xi32>,
      tpu.vector_store %arg20[%swap3A_262], %add3A_261 {strides = array<i32>} : memref<128xi32, #tpu.memory_space<vmem>>, vector<16xi32>,
      %lt3A_264 = arith.constant 5000 : i32
      %lt3A_265 = vector.broadcast %lt3A_264 : i32 to vector<16xi32>
      %lt3A_266 = arith.cmpi slt, %add3A_261, %lt3A_265 : vector<16xi32>
      %sub3A_267 = arith.constant 5000 : i32
      %sub3A_268 = vector.broadcast %sub3A_267 : i32 to vector<16xi32>
      %sub3A_269 = arith.subi %add3A_261, %sub3A_268 : vector<16xi32>
      %add3A_270 = arith.constant 10240 : i32
      %add3A_271 = vector.broadcast %add3A_270 : i32 to vector<16xi32>
      %add3A_272 = arith.addi %add3A_271, %sub3A_269 : vector<16xi32>
      %select_n3A_273 = arith.select %lt3A_266, %get3A_255, %add3A_272 : vector<16xi1>, vector<16xi32>
      %swap3A_274 = arith.constant 48 : index
      %swap3A_275 = tpu.vector_load %arg19[%swap3A_274] {strides = array<i32>} : memref<128xi32, #tpu.memory_space<vmem>>, vector<16xi32>,
      tpu.vector_store %arg19[%swap3A_274], %select_n3A_273 {strides = array<i32>} : memref<128xi32, #tpu.memory_space<vmem>>, vector<16xi32>,
      %get3A_276 = arith.constant 64 : index
      %get3A_277 = tpu.vector_load %arg19[%get3A_276] {strides = array<i32>} : memref<128xi32, #tpu.memory_space<vmem>>, vector<16xi32>,
      %mul3A_278 = arith.constant 128 : i32
      %mul3A_279 = arith.muli %add3A_14, %mul3A_278 : i32
      %add3A_280 = arith.constant 64 : i32
      %add3A_281 = arith.addi %mul3A_279, %add3A_280 : i32
      %add3A_282 = vector.broadcast %add3A_281 : i32 to vector<16xi32>
      %add3A_283 = arith.addi %add3A_282, %iota3A : vector<16xi32>
      %swap3A_284 = arith.constant 64 : index
      %swap3A_285 = tpu.vector_load %arg20[%swap3A_284] {strides = array<i32>} : memref<128xi32, #tpu.memory_space<vmem>>, vector<16xi32>,
      tpu.vector_store %arg20[%swap3A_284], %add3A_283 {strides = array<i32>} : memref<128xi32, #tpu.memory_space<vmem>>, vector<16xi32>,
      %lt3A_286 = arith.constant 5000 : i32
      %lt3A_287 = vector.broadcast %lt3A_286 : i32 to vector<16xi32>
      %lt3A_288 = arith.cmpi slt, %add3A_283, %lt3A_287 : vector<16xi32>
      %sub3A_289 = arith.constant 5000 : i32
      %sub3A_290 = vector.broadcast %sub3A_289 : i32 to vector<16xi32>
      %sub3A_291 = arith.subi %add3A_283, %sub3A_290 : vector<16xi32>
      %add3A_292 = arith.constant 10240 : i32
      %add3A_293 = vector.broadcast %add3A_292 : i32 to vector<16xi32>
      %add3A_294 = arith.addi %add3A_293, %sub3A_291 : vector<16xi32>
      %select_n3A_295 = arith.select %lt3A_288, %get3A_277, %add3A_294 : vector<16xi1>, vector<16xi32>
      %swap3A_296 = arith.constant 64 : index
      %swap3A_297 = tpu.vector_load %arg19[%swap3A_296] {strides = array<i32>} : memref<128xi32, #tpu.memory_space<vmem>>, vector<16xi32>,
      tpu.vector_store %arg19[%swap3A_296], %select_n3A_295 {strides = array<i32>} : memref<128xi32, #tpu.memory_space<vmem>>, vector<16xi32>,
      %get3A_298 = arith.constant 80 : index
      %get3A_299 = tpu.vector_load %arg19[%get3A_298] {strides = array<i32>} : memref<128xi32, #tpu.memory_space<vmem>>, vector<16xi32>,
      %mul3A_300 = arith.constant 128 : i32
      %mul3A_301 = arith.muli %add3A_14, %mul3A_300 : i32
      %add3A_302 = arith.constant 80 : i32
      %add3A_303 = arith.addi %mul3A_301, %add3A_302 : i32
      %add3A_304 = vector.broadcast %add3A_303 : i32 to vector<16xi32>
      %add3A_305 = arith.addi %add3A_304, %iota3A : vector<16xi32>
      %swap3A_306 = arith.constant 80 : index
      %swap3A_307 = tpu.vector_load %arg20[%swap3A_306] {strides = array<i32>} : memref<128xi32, #tpu.memory_space<vmem>>, vector<16xi32>,
      tpu.vector_store %arg20[%swap3A_306], %add3A_305 {strides = array<i32>} : memref<128xi32, #tpu.memory_space<vmem>>, vector<16xi32>,
      %lt3A_308 = arith.constant 5000 : i32
      %lt3A_309 = vector.broadcast %lt3A_308 : i32 to vector<16xi32>
      %lt3A_310 = arith.cmpi slt, %add3A_305, %lt3A_309 : vector<16xi32>
      %sub3A_311 = arith.constant 5000 : i32
      %sub3A_312 = vector.broadcast %sub3A_311 : i32 to vector<16xi32>
      %sub3A_313 = arith.subi %add3A_305, %sub3A_312 : vector<16xi32>
      %add3A_314 = arith.constant 10240 : i32
      %add3A_315 = vector.broadcast %add3A_314 : i32 to vector<16xi32>
      %add3A_316 = arith.addi %add3A_315, %sub3A_313 : vector<16xi32>
      %select_n3A_317 = arith.select %lt3A_310, %get3A_299, %add3A_316 : vector<16xi1>, vector<16xi32>
      %swap3A_318 = arith.constant 80 : index
      %swap3A_319 = tpu.vector_load %arg19[%swap3A_318] {strides = array<i32>} : memref<128xi32, #tpu.memory_space<vmem>>, vector<16xi32>,
      tpu.vector_store %arg19[%swap3A_318], %select_n3A_317 {strides = array<i32>} : memref<128xi32, #tpu.memory_space<vmem>>, vector<16xi32>,
      %get3A_320 = arith.constant 96 : index
      %get3A_321 = tpu.vector_load %arg19[%get3A_320] {strides = array<i32>} : memref<128xi32, #tpu.memory_space<vmem>>, vector<16xi32>,
      %mul3A_322 = arith.constant 128 : i32
      %mul3A_323 = arith.muli %add3A_14, %mul3A_322 : i32
      %add3A_324 = arith.constant 96 : i32
      %add3A_325 = arith.addi %mul3A_323, %add3A_324 : i32
      %add3A_326 = vector.broadcast %add3A_325 : i32 to vector<16xi32>
      %add3A_327 = arith.addi %add3A_326, %iota3A : vector<16xi32>
      %swap3A_328 = arith.constant 96 : index
      %swap3A_329 = tpu.vector_load %arg20[%swap3A_328] {strides = array<i32>} : memref<128xi32, #tpu.memory_space<vmem>>, vector<16xi32>,
      tpu.vector_store %arg20[%swap3A_328], %add3A_327 {strides = array<i32>} : memref<128xi32, #tpu.memory_space<vmem>>, vector<16xi32>,
      %lt3A_330 = arith.constant 5000 : i32
      %lt3A_331 = vector.broadcast %lt3A_330 : i32 to vector<16xi32>
      %lt3A_332 = arith.cmpi slt, %add3A_327, %lt3A_331 : vector<16xi32>
      %sub3A_333 = arith.constant 5000 : i32
      %sub3A_334 = vector.broadcast %sub3A_333 : i32 to vector<16xi32>
      %sub3A_335 = arith.subi %add3A_327, %sub3A_334 : vector<16xi32>
      %add3A_336 = arith.constant 10240 : i32
      %add3A_337 = vector.broadcast %add3A_336 : i32 to vector<16xi32>
      %add3A_338 = arith.addi %add3A_337, %sub3A_335 : vector<16xi32>
      %select_n3A_339 = arith.select %lt3A_332, %get3A_321, %add3A_338 : vector<16xi1>, vector<16xi32>
      %swap3A_340 = arith.constant 96 : index
      %swap3A_341 = tpu.vector_load %arg19[%swap3A_340] {strides = array<i32>} : memref<128xi32, #tpu.memory_space<vmem>>, vector<16xi32>,
      tpu.vector_store %arg19[%swap3A_340], %select_n3A_339 {strides = array<i32>} : memref<128xi32, #tpu.memory_space<vmem>>, vector<16xi32>,
      %get3A_342 = arith.constant 112 : index
      %get3A_343 = tpu.vector_load %arg19[%get3A_342] {strides = array<i32>} : memref<128xi32, #tpu.memory_space<vmem>>, vector<16xi32>,
      %mul3A_344 = arith.constant 128 : i32
      %mul3A_345 = arith.muli %add3A_14, %mul3A_344 : i32
      %add3A_346 = arith.constant 112 : i32
      %add3A_347 = arith.addi %mul3A_345, %add3A_346 : i32
      %add3A_348 = vector.broadcast %add3A_347 : i32 to vector<16xi32>
      %add3A_349 = arith.addi %add3A_348, %iota3A : vector<16xi32>
      %swap3A_350 = arith.constant 112 : index
      %swap3A_351 = tpu.vector_load %arg20[%swap3A_350] {strides = array<i32>} : memref<128xi32, #tpu.memory_space<vmem>>, vector<16xi32>,
      tpu.vector_store %arg20[%swap3A_350], %add3A_349 {strides = array<i32>} : memref<128xi32, #tpu.memory_space<vmem>>, vector<16xi32>,
      %lt3A_352 = arith.constant 5000 : i32
      %lt3A_353 = vector.broadcast %lt3A_352 : i32 to vector<16xi32>
      %lt3A_354 = arith.cmpi slt, %add3A_349, %lt3A_353 : vector<16xi32>
      %sub3A_355 = arith.constant 5000 : i32
      %sub3A_356 = vector.broadcast %sub3A_355 : i32 to vector<16xi32>
      %sub3A_357 = arith.subi %add3A_349, %sub3A_356 : vector<16xi32>
      %add3A_358 = arith.constant 10240 : i32
      %add3A_359 = vector.broadcast %add3A_358 : i32 to vector<16xi32>
      %add3A_360 = arith.addi %add3A_359, %sub3A_357 : vector<16xi32>
      %select_n3A_361 = arith.select %lt3A_354, %get3A_343, %add3A_360 : vector<16xi1>, vector<16xi32>
      %swap3A_362 = arith.constant 112 : index
      %swap3A_363 = tpu.vector_load %arg19[%swap3A_362] {strides = array<i32>} : memref<128xi32, #tpu.memory_space<vmem>>, vector<16xi32>,
      tpu.vector_store %arg19[%swap3A_362], %select_n3A_361 {strides = array<i32>} : memref<128xi32, #tpu.memory_space<vmem>>, vector<16xi32>,
      %dma_start3A_364 = arith.constant 0 : i32
      %dma_start3A_365 = tpu.memref_slice %arg25[%dma_start3A_364] : memref<12288xi32, #tpu.memory_space<vmem_shared>> -> memref<12288xi32, #tpu.memory_space<vmem_shared>>
      tpu.enqueue_indirect_dma source(%arg20 : memref<128xi32, #tpu.memory_space<vmem>>) target(%dma_start3A_365 : memref<12288xi32, #tpu.memory_space<vmem_shared>>) offsets(%arg19 : memref<128xi32, #tpu.memory_space<vmem>>) semaphore(%arg26 : memref<!tpu.dma_semaphore, #tpu.memory_space<semaphore_mem>>)
      %dma_wait3A_366 = arith.constant 0 : i32
      %dma_wait3A_367 = tpu.memref_slice %arg25[%dma_wait3A_366] : memref<12288xi32, #tpu.memory_space<vmem_shared>> -> memref<12288xi32, #tpu.memory_space<vmem_shared>>
      tpu.wait_indirect_dma semaphore(%arg26 : memref<!tpu.dma_semaphore, #tpu.memory_space<semaphore_mem>>) src(%arg20 : memref<128xi32, #tpu.memory_space<vmem>>) dst(%dma_wait3A_367 : memref<12288xi32, #tpu.memory_space<vmem_shared>>)
    } else {
    }
    %add3A_20 = arith.constant 32 : i32
    %add3A_21 = arith.addi %arg1, %add3A_20 : i32
    %lt3A_22 = arith.constant 40 : i32
    %lt3A_23 = arith.cmpi slt, %add3A_21, %lt3A_22 : i32
    %convert_element_type3A_24 = arith.extui %lt3A_23 : i1 to i32
    %cond3A_25 = arith.constant 0 : i32
    %cond3A_26 = arith.cmpi ne, %convert_element_type3A_24, %cond3A_25 : i32
    scf.if %cond3A_26 {
      %mul3A_190 = arith.constant 128 : i32
      %mul3A_191 = arith.muli %add3A_21, %mul3A_190 : i32
      "tpu.region"() ({
        %run_scoped3A = tpu.sem_alloc : memref<!tpu.dma_semaphore, #tpu.memory_space<semaphore_mem>>
        %dma_start3A_368 = tpu.memref_slice %arg2[%mul3A_191] : memref<5120xi32, #tpu.memory_space<hbm>> -> memref<128xi32, #tpu.memory_space<hbm>>
        %dma_start3A_369 = tpu.memref_slice %arg2[%mul3A_191] : memref<5120xi32, #tpu.memory_space<hbm>> -> memref<128xi32, #tpu.memory_space<hbm>>
        tpu.enqueue_dma source(%dma_start3A_369 : memref<128xi32, #tpu.memory_space<hbm>>) target(%arg19 : memref<128xi32, #tpu.memory_space<vmem>>) target_semaphore(%run_scoped3A : memref<!tpu.dma_semaphore, #tpu.memory_space<semaphore_mem>>)
        %dma_wait3A_370 = tpu.memref_slice %arg2[%mul3A_191] : memref<5120xi32, #tpu.memory_space<hbm>> -> memref<128xi32, #tpu.memory_space<hbm>>
        %dma_wait3A_371 = tpu.memref_slice %arg2[%mul3A_191] : memref<5120xi32, #tpu.memory_space<hbm>> -> memref<128xi32, #tpu.memory_space<hbm>>
        tpu.wait_dma2 semaphore(%run_scoped3A : memref<!tpu.dma_semaphore, #tpu.memory_space<semaphore_mem>>) src(%dma_wait3A_371 : memref<128xi32, #tpu.memory_space<hbm>>) dst(%arg19 : memref<128xi32, #tpu.memory_space<vmem>>)
        tpu.yield
      }) : () -> ()
      %get3A = arith.constant 0 : index
      %get3A_192 = tpu.vector_load %arg19[%get3A] {strides = array<i32>} : memref<128xi32, #tpu.memory_space<vmem>>, vector<16xi32>,
      %mul3A_193 = arith.constant 128 : i32
      %mul3A_194 = arith.muli %add3A_21, %mul3A_193 : i32
      %add3A_195 = arith.constant 0 : i32
      %add3A_196 = arith.addi %mul3A_194, %add3A_195 : i32
      %add3A_197 = vector.broadcast %add3A_196 : i32 to vector<16xi32>
      %add3A_198 = arith.addi %add3A_197, %iota3A : vector<16xi32>
      %swap3A = arith.constant 0 : index
      %swap3A_199 = tpu.vector_load %arg20[%swap3A] {strides = array<i32>} : memref<128xi32, #tpu.memory_space<vmem>>, vector<16xi32>,
      tpu.vector_store %arg20[%swap3A], %add3A_198 {strides = array<i32>} : memref<128xi32, #tpu.memory_space<vmem>>, vector<16xi32>,
      %lt3A_200 = arith.constant 5000 : i32
      %lt3A_201 = vector.broadcast %lt3A_200 : i32 to vector<16xi32>
      %lt3A_202 = arith.cmpi slt, %add3A_198, %lt3A_201 : vector<16xi32>
      %sub3A = arith.constant 5000 : i32
      %sub3A_203 = vector.broadcast %sub3A : i32 to vector<16xi32>
      %sub3A_204 = arith.subi %add3A_198, %sub3A_203 : vector<16xi32>
      %add3A_205 = arith.constant 10240 : i32
      %add3A_206 = vector.broadcast %add3A_205 : i32 to vector<16xi32>
      %add3A_207 = arith.addi %add3A_206, %sub3A_204 : vector<16xi32>
      %select_n3A = arith.select %lt3A_202, %get3A_192, %add3A_207 : vector<16xi1>, vector<16xi32>
      %swap3A_208 = arith.constant 0 : index
      %swap3A_209 = tpu.vector_load %arg19[%swap3A_208] {strides = array<i32>} : memref<128xi32, #tpu.memory_space<vmem>>, vector<16xi32>,
      tpu.vector_store %arg19[%swap3A_208], %select_n3A {strides = array<i32>} : memref<128xi32, #tpu.memory_space<vmem>>, vector<16xi32>,
      %get3A_210 = arith.constant 16 : index
      %get3A_211 = tpu.vector_load %arg19[%get3A_210] {strides = array<i32>} : memref<128xi32, #tpu.memory_space<vmem>>, vector<16xi32>,
      %mul3A_212 = arith.constant 128 : i32
      %mul3A_213 = arith.muli %add3A_21, %mul3A_212 : i32
      %add3A_214 = arith.constant 16 : i32
      %add3A_215 = arith.addi %mul3A_213, %add3A_214 : i32
      %add3A_216 = vector.broadcast %add3A_215 : i32 to vector<16xi32>
      %add3A_217 = arith.addi %add3A_216, %iota3A : vector<16xi32>
      %swap3A_218 = arith.constant 16 : index
      %swap3A_219 = tpu.vector_load %arg20[%swap3A_218] {strides = array<i32>} : memref<128xi32, #tpu.memory_space<vmem>>, vector<16xi32>,
      tpu.vector_store %arg20[%swap3A_218], %add3A_217 {strides = array<i32>} : memref<128xi32, #tpu.memory_space<vmem>>, vector<16xi32>,
      %lt3A_220 = arith.constant 5000 : i32
      %lt3A_221 = vector.broadcast %lt3A_220 : i32 to vector<16xi32>
      %lt3A_222 = arith.cmpi slt, %add3A_217, %lt3A_221 : vector<16xi32>
      %sub3A_223 = arith.constant 5000 : i32
      %sub3A_224 = vector.broadcast %sub3A_223 : i32 to vector<16xi32>
      %sub3A_225 = arith.subi %add3A_217, %sub3A_224 : vector<16xi32>
      %add3A_226 = arith.constant 10240 : i32
      %add3A_227 = vector.broadcast %add3A_226 : i32 to vector<16xi32>
      %add3A_228 = arith.addi %add3A_227, %sub3A_225 : vector<16xi32>
      %select_n3A_229 = arith.select %lt3A_222, %get3A_211, %add3A_228 : vector<16xi1>, vector<16xi32>
      %swap3A_230 = arith.constant 16 : index
      %swap3A_231 = tpu.vector_load %arg19[%swap3A_230] {strides = array<i32>} : memref<128xi32, #tpu.memory_space<vmem>>, vector<16xi32>,
      tpu.vector_store %arg19[%swap3A_230], %select_n3A_229 {strides = array<i32>} : memref<128xi32, #tpu.memory_space<vmem>>, vector<16xi32>,
      %get3A_232 = arith.constant 32 : index
      %get3A_233 = tpu.vector_load %arg19[%get3A_232] {strides = array<i32>} : memref<128xi32, #tpu.memory_space<vmem>>, vector<16xi32>,
      %mul3A_234 = arith.constant 128 : i32
      %mul3A_235 = arith.muli %add3A_21, %mul3A_234 : i32
      %add3A_236 = arith.constant 32 : i32
      %add3A_237 = arith.addi %mul3A_235, %add3A_236 : i32
      %add3A_238 = vector.broadcast %add3A_237 : i32 to vector<16xi32>
      %add3A_239 = arith.addi %add3A_238, %iota3A : vector<16xi32>
      %swap3A_240 = arith.constant 32 : index
      %swap3A_241 = tpu.vector_load %arg20[%swap3A_240] {strides = array<i32>} : memref<128xi32, #tpu.memory_space<vmem>>, vector<16xi32>,
      tpu.vector_store %arg20[%swap3A_240], %add3A_239 {strides = array<i32>} : memref<128xi32, #tpu.memory_space<vmem>>, vector<16xi32>,
      %lt3A_242 = arith.constant 5000 : i32
      %lt3A_243 = vector.broadcast %lt3A_242 : i32 to vector<16xi32>
      %lt3A_244 = arith.cmpi slt, %add3A_239, %lt3A_243 : vector<16xi32>
      %sub3A_245 = arith.constant 5000 : i32
      %sub3A_246 = vector.broadcast %sub3A_245 : i32 to vector<16xi32>
      %sub3A_247 = arith.subi %add3A_239, %sub3A_246 : vector<16xi32>
      %add3A_248 = arith.constant 10240 : i32
      %add3A_249 = vector.broadcast %add3A_248 : i32 to vector<16xi32>
      %add3A_250 = arith.addi %add3A_249, %sub3A_247 : vector<16xi32>
      %select_n3A_251 = arith.select %lt3A_244, %get3A_233, %add3A_250 : vector<16xi1>, vector<16xi32>
      %swap3A_252 = arith.constant 32 : index
      %swap3A_253 = tpu.vector_load %arg19[%swap3A_252] {strides = array<i32>} : memref<128xi32, #tpu.memory_space<vmem>>, vector<16xi32>,
      tpu.vector_store %arg19[%swap3A_252], %select_n3A_251 {strides = array<i32>} : memref<128xi32, #tpu.memory_space<vmem>>, vector<16xi32>,
      %get3A_254 = arith.constant 48 : index
      %get3A_255 = tpu.vector_load %arg19[%get3A_254] {strides = array<i32>} : memref<128xi32, #tpu.memory_space<vmem>>, vector<16xi32>,
      %mul3A_256 = arith.constant 128 : i32
      %mul3A_257 = arith.muli %add3A_21, %mul3A_256 : i32
      %add3A_258 = arith.constant 48 : i32
      %add3A_259 = arith.addi %mul3A_257, %add3A_258 : i32
      %add3A_260 = vector.broadcast %add3A_259 : i32 to vector<16xi32>
      %add3A_261 = arith.addi %add3A_260, %iota3A : vector<16xi32>
      %swap3A_262 = arith.constant 48 : index
      %swap3A_263 = tpu.vector_load %arg20[%swap3A_262] {strides = array<i32>} : memref<128xi32, #tpu.memory_space<vmem>>, vector<16xi32>,
      tpu.vector_store %arg20[%swap3A_262], %add3A_261 {strides = array<i32>} : memref<128xi32, #tpu.memory_space<vmem>>, vector<16xi32>,
      %lt3A_264 = arith.constant 5000 : i32
      %lt3A_265 = vector.broadcast %lt3A_264 : i32 to vector<16xi32>
      %lt3A_266 = arith.cmpi slt, %add3A_261, %lt3A_265 : vector<16xi32>
      %sub3A_267 = arith.constant 5000 : i32
      %sub3A_268 = vector.broadcast %sub3A_267 : i32 to vector<16xi32>
      %sub3A_269 = arith.subi %add3A_261, %sub3A_268 : vector<16xi32>
      %add3A_270 = arith.constant 10240 : i32
      %add3A_271 = vector.broadcast %add3A_270 : i32 to vector<16xi32>
      %add3A_272 = arith.addi %add3A_271, %sub3A_269 : vector<16xi32>
      %select_n3A_273 = arith.select %lt3A_266, %get3A_255, %add3A_272 : vector<16xi1>, vector<16xi32>
      %swap3A_274 = arith.constant 48 : index
      %swap3A_275 = tpu.vector_load %arg19[%swap3A_274] {strides = array<i32>} : memref<128xi32, #tpu.memory_space<vmem>>, vector<16xi32>,
      tpu.vector_store %arg19[%swap3A_274], %select_n3A_273 {strides = array<i32>} : memref<128xi32, #tpu.memory_space<vmem>>, vector<16xi32>,
      %get3A_276 = arith.constant 64 : index
      %get3A_277 = tpu.vector_load %arg19[%get3A_276] {strides = array<i32>} : memref<128xi32, #tpu.memory_space<vmem>>, vector<16xi32>,
      %mul3A_278 = arith.constant 128 : i32
      %mul3A_279 = arith.muli %add3A_21, %mul3A_278 : i32
      %add3A_280 = arith.constant 64 : i32
      %add3A_281 = arith.addi %mul3A_279, %add3A_280 : i32
      %add3A_282 = vector.broadcast %add3A_281 : i32 to vector<16xi32>
      %add3A_283 = arith.addi %add3A_282, %iota3A : vector<16xi32>
      %swap3A_284 = arith.constant 64 : index
      %swap3A_285 = tpu.vector_load %arg20[%swap3A_284] {strides = array<i32>} : memref<128xi32, #tpu.memory_space<vmem>>, vector<16xi32>,
      tpu.vector_store %arg20[%swap3A_284], %add3A_283 {strides = array<i32>} : memref<128xi32, #tpu.memory_space<vmem>>, vector<16xi32>,
      %lt3A_286 = arith.constant 5000 : i32
      %lt3A_287 = vector.broadcast %lt3A_286 : i32 to vector<16xi32>
      %lt3A_288 = arith.cmpi slt, %add3A_283, %lt3A_287 : vector<16xi32>
      %sub3A_289 = arith.constant 5000 : i32
      %sub3A_290 = vector.broadcast %sub3A_289 : i32 to vector<16xi32>
      %sub3A_291 = arith.subi %add3A_283, %sub3A_290 : vector<16xi32>
      %add3A_292 = arith.constant 10240 : i32
      %add3A_293 = vector.broadcast %add3A_292 : i32 to vector<16xi32>
      %add3A_294 = arith.addi %add3A_293, %sub3A_291 : vector<16xi32>
      %select_n3A_295 = arith.select %lt3A_288, %get3A_277, %add3A_294 : vector<16xi1>, vector<16xi32>
      %swap3A_296 = arith.constant 64 : index
      %swap3A_297 = tpu.vector_load %arg19[%swap3A_296] {strides = array<i32>} : memref<128xi32, #tpu.memory_space<vmem>>, vector<16xi32>,
      tpu.vector_store %arg19[%swap3A_296], %select_n3A_295 {strides = array<i32>} : memref<128xi32, #tpu.memory_space<vmem>>, vector<16xi32>,
      %get3A_298 = arith.constant 80 : index
      %get3A_299 = tpu.vector_load %arg19[%get3A_298] {strides = array<i32>} : memref<128xi32, #tpu.memory_space<vmem>>, vector<16xi32>,
      %mul3A_300 = arith.constant 128 : i32
      %mul3A_301 = arith.muli %add3A_21, %mul3A_300 : i32
      %add3A_302 = arith.constant 80 : i32
      %add3A_303 = arith.addi %mul3A_301, %add3A_302 : i32
      %add3A_304 = vector.broadcast %add3A_303 : i32 to vector<16xi32>
      %add3A_305 = arith.addi %add3A_304, %iota3A : vector<16xi32>
      %swap3A_306 = arith.constant 80 : index
      %swap3A_307 = tpu.vector_load %arg20[%swap3A_306] {strides = array<i32>} : memref<128xi32, #tpu.memory_space<vmem>>, vector<16xi32>,
      tpu.vector_store %arg20[%swap3A_306], %add3A_305 {strides = array<i32>} : memref<128xi32, #tpu.memory_space<vmem>>, vector<16xi32>,
      %lt3A_308 = arith.constant 5000 : i32
      %lt3A_309 = vector.broadcast %lt3A_308 : i32 to vector<16xi32>
      %lt3A_310 = arith.cmpi slt, %add3A_305, %lt3A_309 : vector<16xi32>
      %sub3A_311 = arith.constant 5000 : i32
      %sub3A_312 = vector.broadcast %sub3A_311 : i32 to vector<16xi32>
      %sub3A_313 = arith.subi %add3A_305, %sub3A_312 : vector<16xi32>
      %add3A_314 = arith.constant 10240 : i32
      %add3A_315 = vector.broadcast %add3A_314 : i32 to vector<16xi32>
      %add3A_316 = arith.addi %add3A_315, %sub3A_313 : vector<16xi32>
      %select_n3A_317 = arith.select %lt3A_310, %get3A_299, %add3A_316 : vector<16xi1>, vector<16xi32>
      %swap3A_318 = arith.constant 80 : index
      %swap3A_319 = tpu.vector_load %arg19[%swap3A_318] {strides = array<i32>} : memref<128xi32, #tpu.memory_space<vmem>>, vector<16xi32>,
      tpu.vector_store %arg19[%swap3A_318], %select_n3A_317 {strides = array<i32>} : memref<128xi32, #tpu.memory_space<vmem>>, vector<16xi32>,
      %get3A_320 = arith.constant 96 : index
      %get3A_321 = tpu.vector_load %arg19[%get3A_320] {strides = array<i32>} : memref<128xi32, #tpu.memory_space<vmem>>, vector<16xi32>,
      %mul3A_322 = arith.constant 128 : i32
      %mul3A_323 = arith.muli %add3A_21, %mul3A_322 : i32
      %add3A_324 = arith.constant 96 : i32
      %add3A_325 = arith.addi %mul3A_323, %add3A_324 : i32
      %add3A_326 = vector.broadcast %add3A_325 : i32 to vector<16xi32>
      %add3A_327 = arith.addi %add3A_326, %iota3A : vector<16xi32>
      %swap3A_328 = arith.constant 96 : index
      %swap3A_329 = tpu.vector_load %arg20[%swap3A_328] {strides = array<i32>} : memref<128xi32, #tpu.memory_space<vmem>>, vector<16xi32>,
      tpu.vector_store %arg20[%swap3A_328], %add3A_327 {strides = array<i32>} : memref<128xi32, #tpu.memory_space<vmem>>, vector<16xi32>,
      %lt3A_330 = arith.constant 5000 : i32
      %lt3A_331 = vector.broadcast %lt3A_330 : i32 to vector<16xi32>
      %lt3A_332 = arith.cmpi slt, %add3A_327, %lt3A_331 : vector<16xi32>
      %sub3A_333 = arith.constant 5000 : i32
      %sub3A_334 = vector.broadcast %sub3A_333 : i32 to vector<16xi32>
      %sub3A_335 = arith.subi %add3A_327, %sub3A_334 : vector<16xi32>
      %add3A_336 = arith.constant 10240 : i32
      %add3A_337 = vector.broadcast %add3A_336 : i32 to vector<16xi32>
      %add3A_338 = arith.addi %add3A_337, %sub3A_335 : vector<16xi32>
      %select_n3A_339 = arith.select %lt3A_332, %get3A_321, %add3A_338 : vector<16xi1>, vector<16xi32>
      %swap3A_340 = arith.constant 96 : index
      %swap3A_341 = tpu.vector_load %arg19[%swap3A_340] {strides = array<i32>} : memref<128xi32, #tpu.memory_space<vmem>>, vector<16xi32>,
      tpu.vector_store %arg19[%swap3A_340], %select_n3A_339 {strides = array<i32>} : memref<128xi32, #tpu.memory_space<vmem>>, vector<16xi32>,
      %get3A_342 = arith.constant 112 : index
      %get3A_343 = tpu.vector_load %arg19[%get3A_342] {strides = array<i32>} : memref<128xi32, #tpu.memory_space<vmem>>, vector<16xi32>,
      %mul3A_344 = arith.constant 128 : i32
      %mul3A_345 = arith.muli %add3A_21, %mul3A_344 : i32
      %add3A_346 = arith.constant 112 : i32
      %add3A_347 = arith.addi %mul3A_345, %add3A_346 : i32
      %add3A_348 = vector.broadcast %add3A_347 : i32 to vector<16xi32>
      %add3A_349 = arith.addi %add3A_348, %iota3A : vector<16xi32>
      %swap3A_350 = arith.constant 112 : index
      %swap3A_351 = tpu.vector_load %arg20[%swap3A_350] {strides = array<i32>} : memref<128xi32, #tpu.memory_space<vmem>>, vector<16xi32>,
      tpu.vector_store %arg20[%swap3A_350], %add3A_349 {strides = array<i32>} : memref<128xi32, #tpu.memory_space<vmem>>, vector<16xi32>,
      %lt3A_352 = arith.constant 5000 : i32
      %lt3A_353 = vector.broadcast %lt3A_352 : i32 to vector<16xi32>
      %lt3A_354 = arith.cmpi slt, %add3A_349, %lt3A_353 : vector<16xi32>
      %sub3A_355 = arith.constant 5000 : i32
      %sub3A_356 = vector.broadcast %sub3A_355 : i32 to vector<16xi32>
      %sub3A_357 = arith.subi %add3A_349, %sub3A_356 : vector<16xi32>
      %add3A_358 = arith.constant 10240 : i32
      %add3A_359 = vector.broadcast %add3A_358 : i32 to vector<16xi32>
      %add3A_360 = arith.addi %add3A_359, %sub3A_357 : vector<16xi32>
      %select_n3A_361 = arith.select %lt3A_354, %get3A_343, %add3A_360 : vector<16xi1>, vector<16xi32>
      %swap3A_362 = arith.constant 112 : index
      %swap3A_363 = tpu.vector_load %arg19[%swap3A_362] {strides = array<i32>} : memref<128xi32, #tpu.memory_space<vmem>>, vector<16xi32>,
      tpu.vector_store %arg19[%swap3A_362], %select_n3A_361 {strides = array<i32>} : memref<128xi32, #tpu.memory_space<vmem>>, vector<16xi32>,
      %dma_start3A_364 = arith.constant 0 : i32
      %dma_start3A_365 = tpu.memref_slice %arg25[%dma_start3A_364] : memref<12288xi32, #tpu.memory_space<vmem_shared>> -> memref<12288xi32, #tpu.memory_space<vmem_shared>>
      tpu.enqueue_indirect_dma source(%arg20 : memref<128xi32, #tpu.memory_space<vmem>>) target(%dma_start3A_365 : memref<12288xi32, #tpu.memory_space<vmem_shared>>) offsets(%arg19 : memref<128xi32, #tpu.memory_space<vmem>>) semaphore(%arg26 : memref<!tpu.dma_semaphore, #tpu.memory_space<semaphore_mem>>)
      %dma_wait3A_366 = arith.constant 0 : i32
      %dma_wait3A_367 = tpu.memref_slice %arg25[%dma_wait3A_366] : memref<12288xi32, #tpu.memory_space<vmem_shared>> -> memref<12288xi32, #tpu.memory_space<vmem_shared>>
      tpu.wait_indirect_dma semaphore(%arg26 : memref<!tpu.dma_semaphore, #tpu.memory_space<semaphore_mem>>) src(%arg20 : memref<128xi32, #tpu.memory_space<vmem>>) dst(%dma_wait3A_367 : memref<12288xi32, #tpu.memory_space<vmem_shared>>)
    } else {
    }
    %barrier3A_27 = arith.constant 0 : index
    tpu.barrier barrier_id(%barrier3A_27)
    "tpu.region"() ({
      %run_scoped3A = tpu.sem_alloc : memref<!tpu.dma_semaphore, #tpu.memory_space<semaphore_mem>>
      %dma_start3A_190 = arith.constant 0 : i32
      %dma_start3A_191 = tpu.memref_slice %arg25[%dma_start3A_190] : memref<12288xi32, #tpu.memory_space<vmem_shared>> -> memref<10240xi32, #tpu.memory_space<vmem_shared>>
      %dma_start3A_192 = arith.constant 0 : i32
      %dma_start3A_193 = tpu.memref_slice %arg25[%dma_start3A_192] : memref<12288xi32, #tpu.memory_space<vmem_shared>> -> memref<10240xi32, #tpu.memory_space<vmem_shared>>
      tpu.enqueue_dma source(%dma_start3A_193 : memref<10240xi32, #tpu.memory_space<vmem_shared>>) target(%arg15 : memref<10240xi32, #tpu.memory_space<vmem>>) target_semaphore(%run_scoped3A : memref<!tpu.dma_semaphore, #tpu.memory_space<semaphore_mem>>)
      %dma_wait3A_194 = arith.constant 0 : i32
      %dma_wait3A_195 = tpu.memref_slice %arg25[%dma_wait3A_194] : memref<12288xi32, #tpu.memory_space<vmem_shared>> -> memref<10240xi32, #tpu.memory_space<vmem_shared>>
      %dma_wait3A_196 = arith.constant 0 : i32
      %dma_wait3A_197 = tpu.memref_slice %arg25[%dma_wait3A_196] : memref<12288xi32, #tpu.memory_space<vmem_shared>> -> memref<10240xi32, #tpu.memory_space<vmem_shared>>
      tpu.wait_dma2 semaphore(%run_scoped3A : memref<!tpu.dma_semaphore, #tpu.memory_space<semaphore_mem>>) src(%dma_wait3A_197 : memref<10240xi32, #tpu.memory_space<vmem_shared>>) dst(%arg15 : memref<10240xi32, #tpu.memory_space<vmem>>)
      tpu.yield
    }) : () -> ()
    %mul3A_28 = arith.constant 10240 : i32
    %mul3A_29 = arith.muli %add3A, %mul3A_28 : i32
    %add3A_30 = arith.constant 0 : i32
    %add3A_31 = arith.addi %mul3A_29, %add3A_30 : i32
    "tpu.region"() ({
      %run_scoped3A = tpu.sem_alloc : memref<!tpu.dma_semaphore, #tpu.memory_space<semaphore_mem>>
      %dma_start3A_190 = tpu.memref_slice %arg4[%add3A_31] : memref<327680xi32, #tpu.memory_space<hbm>> -> memref<5120xi32, #tpu.memory_space<hbm>>
      %dma_start3A_191 = tpu.memref_slice %arg4[%add3A_31] : memref<327680xi32, #tpu.memory_space<hbm>> -> memref<5120xi32, #tpu.memory_space<hbm>>
      tpu.enqueue_dma source(%dma_start3A_191 : memref<5120xi32, #tpu.memory_space<hbm>>) target(%arg16 : memref<5120xi32, #tpu.memory_space<vmem>>) target_semaphore(%run_scoped3A : memref<!tpu.dma_semaphore, #tpu.memory_space<semaphore_mem>>)
      %dma_wait3A_192 = tpu.memref_slice %arg4[%add3A_31] : memref<327680xi32, #tpu.memory_space<hbm>> -> memref<5120xi32, #tpu.memory_space<hbm>>
      %dma_wait3A_193 = tpu.memref_slice %arg4[%add3A_31] : memref<327680xi32, #tpu.memory_space<hbm>> -> memref<5120xi32, #tpu.memory_space<hbm>>
      tpu.wait_dma2 semaphore(%run_scoped3A : memref<!tpu.dma_semaphore, #tpu.memory_space<semaphore_mem>>) src(%dma_wait3A_193 : memref<5120xi32, #tpu.memory_space<hbm>>) dst(%arg16 : memref<5120xi32, #tpu.memory_space<vmem>>)
      tpu.yield
    }) : () -> ()
    "tpu.region"() ({
      %run_scoped3A = tpu.sem_alloc : memref<!tpu.dma_semaphore, #tpu.memory_space<semaphore_mem>>
      %dma_start3A_190 = tpu.memref_slice %arg3[%add3A_31] : memref<327680xi32, #tpu.memory_space<hbm>> -> memref<5120xi32, #tpu.memory_space<hbm>>
      %dma_start3A_191 = tpu.memref_slice %arg3[%add3A_31] : memref<327680xi32, #tpu.memory_space<hbm>> -> memref<5120xi32, #tpu.memory_space<hbm>>
      tpu.enqueue_dma source(%dma_start3A_191 : memref<5120xi32, #tpu.memory_space<hbm>>) target(%arg17 : memref<5120xi32, #tpu.memory_space<vmem>>) target_semaphore(%run_scoped3A : memref<!tpu.dma_semaphore, #tpu.memory_space<semaphore_mem>>)
      %dma_wait3A_192 = tpu.memref_slice %arg3[%add3A_31] : memref<327680xi32, #tpu.memory_space<hbm>> -> memref<5120xi32, #tpu.memory_space<hbm>>
      %dma_wait3A_193 = tpu.memref_slice %arg3[%add3A_31] : memref<327680xi32, #tpu.memory_space<hbm>> -> memref<5120xi32, #tpu.memory_space<hbm>>
      tpu.wait_dma2 semaphore(%run_scoped3A : memref<!tpu.dma_semaphore, #tpu.memory_space<semaphore_mem>>) src(%dma_wait3A_193 : memref<5120xi32, #tpu.memory_space<hbm>>) dst(%arg17 : memref<5120xi32, #tpu.memory_space<vmem>>)
      tpu.yield
    }) : () -> ()
    "tpu.region"() ({
      %run_scoped3A = tpu.sem_alloc : memref<!tpu.dma_semaphore, #tpu.memory_space<semaphore_mem>>
      %dma_start3A_190 = tpu.memref_slice %arg5[%add3A_31] : memref<327680xf32, #tpu.memory_space<hbm>> -> memref<5120xf32, #tpu.memory_space<hbm>>
      %dma_start3A_191 = tpu.memref_slice %arg5[%add3A_31] : memref<327680xf32, #tpu.memory_space<hbm>> -> memref<5120xf32, #tpu.memory_space<hbm>>
      tpu.enqueue_dma source(%dma_start3A_191 : memref<5120xf32, #tpu.memory_space<hbm>>) target(%arg18 : memref<5120xf32, #tpu.memory_space<vmem>>) target_semaphore(%run_scoped3A : memref<!tpu.dma_semaphore, #tpu.memory_space<semaphore_mem>>)
      %dma_wait3A_192 = tpu.memref_slice %arg5[%add3A_31] : memref<327680xf32, #tpu.memory_space<hbm>> -> memref<5120xf32, #tpu.memory_space<hbm>>
      %dma_wait3A_193 = tpu.memref_slice %arg5[%add3A_31] : memref<327680xf32, #tpu.memory_space<hbm>> -> memref<5120xf32, #tpu.memory_space<hbm>>
      tpu.wait_dma2 semaphore(%run_scoped3A : memref<!tpu.dma_semaphore, #tpu.memory_space<semaphore_mem>>) src(%dma_wait3A_193 : memref<5120xf32, #tpu.memory_space<hbm>>) dst(%arg18 : memref<5120xf32, #tpu.memory_space<vmem>>)
      tpu.yield
    }) : () -> ()
    %scan3A_32 = arith.constant 0 : i32
    %scan3A_33 = arith.constant 0 : i32
    %scan3A_34 = arith.constant 320 : i32
    %scan3A_35 = arith.addi %scan3A_33, %scan3A_34 : i32
    %scan3A_36 = arith.constant 1 : i32
    %scan3A_37 = scf.for %scan3A_190 = %scan3A_33 to %scan3A_35 step %scan3A_36 iter_args(%scan3A_191 = %scan3A_32) -> (i32)  : i32 {
      %mul3A_192 = arith.constant 16 : i32
      %mul3A_193 = arith.muli %scan3A_190, %mul3A_192 : i32
      %get3A = arith.index_cast %mul3A_193 : i32 to index
      %get3A_194 = tpu.vector_load %arg16[%get3A] {strides = array<i32>} : memref<5120xi32, #tpu.memory_space<vmem>>, vector<16xi32>,
      %gather3A = tpu.vector_load_idx %arg15[%get3A_194] : memref<10240xi32, #tpu.memory_space<vmem>>[vector<16xi32>], vector<16xi32>,
      %get3A_195 = arith.index_cast %mul3A_193 : i32 to index
      %get3A_196 = tpu.vector_load %arg17[%get3A_195] {strides = array<i32>} : memref<5120xi32, #tpu.memory_space<vmem>>, vector<16xi32>,
      %gather3A_197 = tpu.vector_load_idx %arg15[%get3A_196] : memref<10240xi32, #tpu.memory_space<vmem>>[vector<16xi32>], vector<16xi32>,
      %ge3A = arith.constant 0 : i32
      %ge3A_198 = vector.broadcast %ge3A : i32 to vector<16xi32>
      %ge3A_199 = arith.cmpi sge, %gather3A, %ge3A_198 : vector<16xi32>
      %ge3A_200 = arith.constant 0 : i32
      %ge3A_201 = vector.broadcast %ge3A_200 : i32 to vector<16xi32>
      %ge3A_202 = arith.cmpi sge, %gather3A_197, %ge3A_201 : vector<16xi32>
      %and3A = arith.andi %ge3A_199, %ge3A_202 : vector<16xi1>
      %jit3A = arith.constant -1 : i32
      %broadcast_in_dim3A = vector.broadcast %jit3A : i32 to vector<16xi32>
      %select_n3A = arith.select %and3A, %gather3A, %broadcast_in_dim3A : vector<16xi1>, vector<16xi32>
      %swap3A = arith.index_cast %mul3A_193 : i32 to index
      %swap3A_203 = tpu.vector_load %arg16[%swap3A] {strides = array<i32>} : memref<5120xi32, #tpu.memory_space<vmem>>, vector<16xi32>,
      tpu.vector_store %arg16[%swap3A], %select_n3A {strides = array<i32>} : memref<5120xi32, #tpu.memory_space<vmem>>, vector<16xi32>,
      %jit3A_204 = arith.constant -1 : i32
      %broadcast_in_dim3A_205 = vector.broadcast %jit3A_204 : i32 to vector<16xi32>
      %select_n3A_206 = arith.select %and3A, %gather3A_197, %broadcast_in_dim3A_205 : vector<16xi1>, vector<16xi32>
      %swap3A_207 = arith.index_cast %mul3A_193 : i32 to index
      %swap3A_208 = tpu.vector_load %arg17[%swap3A_207] {strides = array<i32>} : memref<5120xi32, #tpu.memory_space<vmem>>, vector<16xi32>,
      tpu.vector_store %arg17[%swap3A_207], %select_n3A_206 {strides = array<i32>} : memref<5120xi32, #tpu.memory_space<vmem>>, vector<16xi32>,
      %get3A_209 = arith.index_cast %mul3A_193 : i32 to index
      %get3A_210 = tpu.vector_load %arg18[%get3A_209] {strides = array<i32>} : memref<5120xf32, #tpu.memory_space<vmem>>, vector<16xf32>,
      %jit3A_211 = arith.constant 0.000000e+00 : f32
      %broadcast_in_dim3A_212 = vector.broadcast %jit3A_211 : f32 to vector<16xf32>
      %select_n3A_213 = arith.select %and3A, %get3A_210, %broadcast_in_dim3A_212 : vector<16xi1>, vector<16xf32>
      %swap3A_214 = arith.index_cast %mul3A_193 : i32 to index
      %swap3A_215 = tpu.vector_load %arg18[%swap3A_214] {strides = array<i32>} : memref<5120xf32, #tpu.memory_space<vmem>>, vector<16xf32>,
      tpu.vector_store %arg18[%swap3A_214], %select_n3A_213 {strides = array<i32>} : memref<5120xf32, #tpu.memory_space<vmem>>, vector<16xf32>,
      %scan3A_216 = arith.constant 0 : i32
      scf.yield %scan3A_216 : i32
    }
    %scan3A_38 = arith.constant 320 : i32
    "tpu.region"() ({
      %run_scoped3A = tpu.sem_alloc : memref<!tpu.dma_semaphore, #tpu.memory_space<semaphore_mem>>
      %dma_start3A_190 = tpu.memref_slice %arg9[%add3A_31] : memref<327680xi32, #tpu.memory_space<hbm>> -> memref<5120xi32, #tpu.memory_space<hbm>>
      %dma_start3A_191 = tpu.memref_slice %arg9[%add3A_31] : memref<327680xi32, #tpu.memory_space<hbm>> -> memref<5120xi32, #tpu.memory_space<hbm>>
      tpu.enqueue_dma source(%arg16 : memref<5120xi32, #tpu.memory_space<vmem>>) target(%dma_start3A_191 : memref<5120xi32, #tpu.memory_space<hbm>>) target_semaphore(%run_scoped3A : memref<!tpu.dma_semaphore, #tpu.memory_space<semaphore_mem>>)
      %dma_wait3A_192 = tpu.memref_slice %arg9[%add3A_31] : memref<327680xi32, #tpu.memory_space<hbm>> -> memref<5120xi32, #tpu.memory_space<hbm>>
      %dma_wait3A_193 = tpu.memref_slice %arg9[%add3A_31] : memref<327680xi32, #tpu.memory_space<hbm>> -> memref<5120xi32, #tpu.memory_space<hbm>>
      tpu.wait_dma2 semaphore(%run_scoped3A : memref<!tpu.dma_semaphore, #tpu.memory_space<semaphore_mem>>) src(%arg16 : memref<5120xi32, #tpu.memory_space<vmem>>) dst(%dma_wait3A_193 : memref<5120xi32, #tpu.memory_space<hbm>>)
      tpu.yield
    }) : () -> ()
    "tpu.region"() ({
      %run_scoped3A = tpu.sem_alloc : memref<!tpu.dma_semaphore, #tpu.memory_space<semaphore_mem>>
      %dma_start3A_190 = tpu.memref_slice %arg10[%add3A_31] : memref<327680xi32, #tpu.memory_space<hbm>> -> memref<5120xi32, #tpu.memory_space<hbm>>
      %dma_start3A_191 = tpu.memref_slice %arg10[%add3A_31] : memref<327680xi32, #tpu.memory_space<hbm>> -> memref<5120xi32, #tpu.memory_space<hbm>>
      tpu.enqueue_dma source(%arg17 : memref<5120xi32, #tpu.memory_space<vmem>>) target(%dma_start3A_191 : memref<5120xi32, #tpu.memory_space<hbm>>) target_semaphore(%run_scoped3A : memref<!tpu.dma_semaphore, #tpu.memory_space<semaphore_mem>>)
      %dma_wait3A_192 = tpu.memref_slice %arg10[%add3A_31] : memref<327680xi32, #tpu.memory_space<hbm>> -> memref<5120xi32, #tpu.memory_space<hbm>>
      %dma_wait3A_193 = tpu.memref_slice %arg10[%add3A_31] : memref<327680xi32, #tpu.memory_space<hbm>> -> memref<5120xi32, #tpu.memory_space<hbm>>
      tpu.wait_dma2 semaphore(%run_scoped3A : memref<!tpu.dma_semaphore, #tpu.memory_space<semaphore_mem>>) src(%arg17 : memref<5120xi32, #tpu.memory_space<vmem>>) dst(%dma_wait3A_193 : memref<5120xi32, #tpu.memory_space<hbm>>)
      tpu.yield
    }) : () -> ()
    "tpu.region"() ({
      %run_scoped3A = tpu.sem_alloc : memref<!tpu.dma_semaphore, #tpu.memory_space<semaphore_mem>>
      %dma_start3A_190 = tpu.memref_slice %arg11[%add3A_31] : memref<327680xf32, #tpu.memory_space<hbm>> -> memref<5120xf32, #tpu.memory_space<hbm>>
      %dma_start3A_191 = tpu.memref_slice %arg11[%add3A_31] : memref<327680xf32, #tpu.memory_space<hbm>> -> memref<5120xf32, #tpu.memory_space<hbm>>
      tpu.enqueue_dma source(%arg18 : memref<5120xf32, #tpu.memory_space<vmem>>) target(%dma_start3A_191 : memref<5120xf32, #tpu.memory_space<hbm>>) target_semaphore(%run_scoped3A : memref<!tpu.dma_semaphore, #tpu.memory_space<semaphore_mem>>)
      %dma_wait3A_192 = tpu.memref_slice %arg11[%add3A_31] : memref<327680xf32, #tpu.memory_space<hbm>> -> memref<5120xf32, #tpu.memory_space<hbm>>
      %dma_wait3A_193 = tpu.memref_slice %arg11[%add3A_31] : memref<327680xf32, #tpu.memory_space<hbm>> -> memref<5120xf32, #tpu.memory_space<hbm>>
      tpu.wait_dma2 semaphore(%run_scoped3A : memref<!tpu.dma_semaphore, #tpu.memory_space<semaphore_mem>>) src(%arg18 : memref<5120xf32, #tpu.memory_space<vmem>>) dst(%dma_wait3A_193 : memref<5120xf32, #tpu.memory_space<hbm>>)
      tpu.yield
    }) : () -> ()
    %mul3A_39 = arith.constant 10240 : i32
    %mul3A_40 = arith.muli %add3A, %mul3A_39 : i32
    %add3A_41 = arith.constant 5120 : i32
    %add3A_42 = arith.addi %mul3A_40, %add3A_41 : i32
    "tpu.region"() ({
      %run_scoped3A = tpu.sem_alloc : memref<!tpu.dma_semaphore, #tpu.memory_space<semaphore_mem>>
      %dma_start3A_190 = tpu.memref_slice %arg4[%add3A_42] : memref<327680xi32, #tpu.memory_space<hbm>> -> memref<5120xi32, #tpu.memory_space<hbm>>
      %dma_start3A_191 = tpu.memref_slice %arg4[%add3A_42] : memref<327680xi32, #tpu.memory_space<hbm>> -> memref<5120xi32, #tpu.memory_space<hbm>>
      tpu.enqueue_dma source(%dma_start3A_191 : memref<5120xi32, #tpu.memory_space<hbm>>) target(%arg16 : memref<5120xi32, #tpu.memory_space<vmem>>) target_semaphore(%run_scoped3A : memref<!tpu.dma_semaphore, #tpu.memory_space<semaphore_mem>>)
      %dma_wait3A_192 = tpu.memref_slice %arg4[%add3A_42] : memref<327680xi32, #tpu.memory_space<hbm>> -> memref<5120xi32, #tpu.memory_space<hbm>>
      %dma_wait3A_193 = tpu.memref_slice %arg4[%add3A_42] : memref<327680xi32, #tpu.memory_space<hbm>> -> memref<5120xi32, #tpu.memory_space<hbm>>
      tpu.wait_dma2 semaphore(%run_scoped3A : memref<!tpu.dma_semaphore, #tpu.memory_space<semaphore_mem>>) src(%dma_wait3A_193 : memref<5120xi32, #tpu.memory_space<hbm>>) dst(%arg16 : memref<5120xi32, #tpu.memory_space<vmem>>)
      tpu.yield
    }) : () -> ()
    "tpu.region"() ({
      %run_scoped3A = tpu.sem_alloc : memref<!tpu.dma_semaphore, #tpu.memory_space<semaphore_mem>>
      %dma_start3A_190 = tpu.memref_slice %arg3[%add3A_42] : memref<327680xi32, #tpu.memory_space<hbm>> -> memref<5120xi32, #tpu.memory_space<hbm>>
      %dma_start3A_191 = tpu.memref_slice %arg3[%add3A_42] : memref<327680xi32, #tpu.memory_space<hbm>> -> memref<5120xi32, #tpu.memory_space<hbm>>
      tpu.enqueue_dma source(%dma_start3A_191 : memref<5120xi32, #tpu.memory_space<hbm>>) target(%arg17 : memref<5120xi32, #tpu.memory_space<vmem>>) target_semaphore(%run_scoped3A : memref<!tpu.dma_semaphore, #tpu.memory_space<semaphore_mem>>)
      %dma_wait3A_192 = tpu.memref_slice %arg3[%add3A_42] : memref<327680xi32, #tpu.memory_space<hbm>> -> memref<5120xi32, #tpu.memory_space<hbm>>
      %dma_wait3A_193 = tpu.memref_slice %arg3[%add3A_42] : memref<327680xi32, #tpu.memory_space<hbm>> -> memref<5120xi32, #tpu.memory_space<hbm>>
      tpu.wait_dma2 semaphore(%run_scoped3A : memref<!tpu.dma_semaphore, #tpu.memory_space<semaphore_mem>>) src(%dma_wait3A_193 : memref<5120xi32, #tpu.memory_space<hbm>>) dst(%arg17 : memref<5120xi32, #tpu.memory_space<vmem>>)
      tpu.yield
    }) : () -> ()
    "tpu.region"() ({
      %run_scoped3A = tpu.sem_alloc : memref<!tpu.dma_semaphore, #tpu.memory_space<semaphore_mem>>
      %dma_start3A_190 = tpu.memref_slice %arg5[%add3A_42] : memref<327680xf32, #tpu.memory_space<hbm>> -> memref<5120xf32, #tpu.memory_space<hbm>>
      %dma_start3A_191 = tpu.memref_slice %arg5[%add3A_42] : memref<327680xf32, #tpu.memory_space<hbm>> -> memref<5120xf32, #tpu.memory_space<hbm>>
      tpu.enqueue_dma source(%dma_start3A_191 : memref<5120xf32, #tpu.memory_space<hbm>>) target(%arg18 : memref<5120xf32, #tpu.memory_space<vmem>>) target_semaphore(%run_scoped3A : memref<!tpu.dma_semaphore, #tpu.memory_space<semaphore_mem>>)
      %dma_wait3A_192 = tpu.memref_slice %arg5[%add3A_42] : memref<327680xf32, #tpu.memory_space<hbm>> -> memref<5120xf32, #tpu.memory_space<hbm>>
      %dma_wait3A_193 = tpu.memref_slice %arg5[%add3A_42] : memref<327680xf32, #tpu.memory_space<hbm>> -> memref<5120xf32, #tpu.memory_space<hbm>>
      tpu.wait_dma2 semaphore(%run_scoped3A : memref<!tpu.dma_semaphore, #tpu.memory_space<semaphore_mem>>) src(%dma_wait3A_193 : memref<5120xf32, #tpu.memory_space<hbm>>) dst(%arg18 : memref<5120xf32, #tpu.memory_space<vmem>>)
      tpu.yield
    }) : () -> ()
    %scan3A_43 = arith.constant 0 : i32
    %scan3A_44 = arith.constant 0 : i32
    %scan3A_45 = arith.constant 320 : i32
    %scan3A_46 = arith.addi %scan3A_44, %scan3A_45 : i32
    %scan3A_47 = arith.constant 1 : i32
    %scan3A_48 = scf.for %scan3A_190 = %scan3A_44 to %scan3A_46 step %scan3A_47 iter_args(%scan3A_191 = %scan3A_43) -> (i32)  : i32 {
      %mul3A_192 = arith.constant 16 : i32
      %mul3A_193 = arith.muli %scan3A_190, %mul3A_192 : i32
      %get3A = arith.index_cast %mul3A_193 : i32 to index
      %get3A_194 = tpu.vector_load %arg16[%get3A] {strides = array<i32>} : memref<5120xi32, #tpu.memory_space<vmem>>, vector<16xi32>,
      %gather3A = tpu.vector_load_idx %arg15[%get3A_194] : memref<10240xi32, #tpu.memory_space<vmem>>[vector<16xi32>], vector<16xi32>,
      %get3A_195 = arith.index_cast %mul3A_193 : i32 to index
      %get3A_196 = tpu.vector_load %arg17[%get3A_195] {strides = array<i32>} : memref<5120xi32, #tpu.memory_space<vmem>>, vector<16xi32>,
      %gather3A_197 = tpu.vector_load_idx %arg15[%get3A_196] : memref<10240xi32, #tpu.memory_space<vmem>>[vector<16xi32>], vector<16xi32>,
      %ge3A = arith.constant 0 : i32
      %ge3A_198 = vector.broadcast %ge3A : i32 to vector<16xi32>
      %ge3A_199 = arith.cmpi sge, %gather3A, %ge3A_198 : vector<16xi32>
      %ge3A_200 = arith.constant 0 : i32
      %ge3A_201 = vector.broadcast %ge3A_200 : i32 to vector<16xi32>
      %ge3A_202 = arith.cmpi sge, %gather3A_197, %ge3A_201 : vector<16xi32>
      %and3A = arith.andi %ge3A_199, %ge3A_202 : vector<16xi1>
      %jit3A = arith.constant -1 : i32
      %broadcast_in_dim3A = vector.broadcast %jit3A : i32 to vector<16xi32>
      %select_n3A = arith.select %and3A, %gather3A, %broadcast_in_dim3A : vector<16xi1>, vector<16xi32>
      %swap3A = arith.index_cast %mul3A_193 : i32 to index
      %swap3A_203 = tpu.vector_load %arg16[%swap3A] {strides = array<i32>} : memref<5120xi32, #tpu.memory_space<vmem>>, vector<16xi32>,
      tpu.vector_store %arg16[%swap3A], %select_n3A {strides = array<i32>} : memref<5120xi32, #tpu.memory_space<vmem>>, vector<16xi32>,
      %jit3A_204 = arith.constant -1 : i32
      %broadcast_in_dim3A_205 = vector.broadcast %jit3A_204 : i32 to vector<16xi32>
      %select_n3A_206 = arith.select %and3A, %gather3A_197, %broadcast_in_dim3A_205 : vector<16xi1>, vector<16xi32>
      %swap3A_207 = arith.index_cast %mul3A_193 : i32 to index
      %swap3A_208 = tpu.vector_load %arg17[%swap3A_207] {strides = array<i32>} : memref<5120xi32, #tpu.memory_space<vmem>>, vector<16xi32>,
      tpu.vector_store %arg17[%swap3A_207], %select_n3A_206 {strides = array<i32>} : memref<5120xi32, #tpu.memory_space<vmem>>, vector<16xi32>,
      %get3A_209 = arith.index_cast %mul3A_193 : i32 to index
      %get3A_210 = tpu.vector_load %arg18[%get3A_209] {strides = array<i32>} : memref<5120xf32, #tpu.memory_space<vmem>>, vector<16xf32>,
      %jit3A_211 = arith.constant 0.000000e+00 : f32
      %broadcast_in_dim3A_212 = vector.broadcast %jit3A_211 : f32 to vector<16xf32>
      %select_n3A_213 = arith.select %and3A, %get3A_210, %broadcast_in_dim3A_212 : vector<16xi1>, vector<16xf32>
      %swap3A_214 = arith.index_cast %mul3A_193 : i32 to index
      %swap3A_215 = tpu.vector_load %arg18[%swap3A_214] {strides = array<i32>} : memref<5120xf32, #tpu.memory_space<vmem>>, vector<16xf32>,
      tpu.vector_store %arg18[%swap3A_214], %select_n3A_213 {strides = array<i32>} : memref<5120xf32, #tpu.memory_space<vmem>>, vector<16xf32>,
      %scan3A_216 = arith.constant 0 : i32
      scf.yield %scan3A_216 : i32
    }
    %scan3A_49 = arith.constant 320 : i32
    "tpu.region"() ({
      %run_scoped3A = tpu.sem_alloc : memref<!tpu.dma_semaphore, #tpu.memory_space<semaphore_mem>>
      %dma_start3A_190 = tpu.memref_slice %arg9[%add3A_42] : memref<327680xi32, #tpu.memory_space<hbm>> -> memref<5120xi32, #tpu.memory_space<hbm>>
      %dma_start3A_191 = tpu.memref_slice %arg9[%add3A_42] : memref<327680xi32, #tpu.memory_space<hbm>> -> memref<5120xi32, #tpu.memory_space<hbm>>
      tpu.enqueue_dma source(%arg16 : memref<5120xi32, #tpu.memory_space<vmem>>) target(%dma_start3A_191 : memref<5120xi32, #tpu.memory_space<hbm>>) target_semaphore(%run_scoped3A : memref<!tpu.dma_semaphore, #tpu.memory_space<semaphore_mem>>)
      %dma_wait3A_192 = tpu.memref_slice %arg9[%add3A_42] : memref<327680xi32, #tpu.memory_space<hbm>> -> memref<5120xi32, #tpu.memory_space<hbm>>
      %dma_wait3A_193 = tpu.memref_slice %arg9[%add3A_42] : memref<327680xi32, #tpu.memory_space<hbm>> -> memref<5120xi32, #tpu.memory_space<hbm>>
      tpu.wait_dma2 semaphore(%run_scoped3A : memref<!tpu.dma_semaphore, #tpu.memory_space<semaphore_mem>>) src(%arg16 : memref<5120xi32, #tpu.memory_space<vmem>>) dst(%dma_wait3A_193 : memref<5120xi32, #tpu.memory_space<hbm>>)
      tpu.yield
    }) : () -> ()
    "tpu.region"() ({
      %run_scoped3A = tpu.sem_alloc : memref<!tpu.dma_semaphore, #tpu.memory_space<semaphore_mem>>
      %dma_start3A_190 = tpu.memref_slice %arg10[%add3A_42] : memref<327680xi32, #tpu.memory_space<hbm>> -> memref<5120xi32, #tpu.memory_space<hbm>>
      %dma_start3A_191 = tpu.memref_slice %arg10[%add3A_42] : memref<327680xi32, #tpu.memory_space<hbm>> -> memref<5120xi32, #tpu.memory_space<hbm>>
      tpu.enqueue_dma source(%arg17 : memref<5120xi32, #tpu.memory_space<vmem>>) target(%dma_start3A_191 : memref<5120xi32, #tpu.memory_space<hbm>>) target_semaphore(%run_scoped3A : memref<!tpu.dma_semaphore, #tpu.memory_space<semaphore_mem>>)
      %dma_wait3A_192 = tpu.memref_slice %arg10[%add3A_42] : memref<327680xi32, #tpu.memory_space<hbm>> -> memref<5120xi32, #tpu.memory_space<hbm>>
      %dma_wait3A_193 = tpu.memref_slice %arg10[%add3A_42] : memref<327680xi32, #tpu.memory_space<hbm>> -> memref<5120xi32, #tpu.memory_space<hbm>>
      tpu.wait_dma2 semaphore(%run_scoped3A : memref<!tpu.dma_semaphore, #tpu.memory_space<semaphore_mem>>) src(%arg17 : memref<5120xi32, #tpu.memory_space<vmem>>) dst(%dma_wait3A_193 : memref<5120xi32, #tpu.memory_space<hbm>>)
      tpu.yield
    }) : () -> ()
    "tpu.region"() ({
      %run_scoped3A = tpu.sem_alloc : memref<!tpu.dma_semaphore, #tpu.memory_space<semaphore_mem>>
      %dma_start3A_190 = tpu.memref_slice %arg11[%add3A_42] : memref<327680xf32, #tpu.memory_space<hbm>> -> memref<5120xf32, #tpu.memory_space<hbm>>
      %dma_start3A_191 = tpu.memref_slice %arg11[%add3A_42] : memref<327680xf32, #tpu.memory_space<hbm>> -> memref<5120xf32, #tpu.memory_space<hbm>>
      tpu.enqueue_dma source(%arg18 : memref<5120xf32, #tpu.memory_space<vmem>>) target(%dma_start3A_191 : memref<5120xf32, #tpu.memory_space<hbm>>) target_semaphore(%run_scoped3A : memref<!tpu.dma_semaphore, #tpu.memory_space<semaphore_mem>>)
      %dma_wait3A_192 = tpu.memref_slice %arg11[%add3A_42] : memref<327680xf32, #tpu.memory_space<hbm>> -> memref<5120xf32, #tpu.memory_space<hbm>>
      %dma_wait3A_193 = tpu.memref_slice %arg11[%add3A_42] : memref<327680xf32, #tpu.memory_space<hbm>> -> memref<5120xf32, #tpu.memory_space<hbm>>
      tpu.wait_dma2 semaphore(%run_scoped3A : memref<!tpu.dma_semaphore, #tpu.memory_space<semaphore_mem>>) src(%arg18 : memref<5120xf32, #tpu.memory_space<vmem>>) dst(%dma_wait3A_193 : memref<5120xf32, #tpu.memory_space<hbm>>)
      tpu.yield
    }) : () -> ()
    %mul3A_50 = arith.constant 160 : i32
    %mul3A_51 = arith.muli %mul3A_50, %add3A : i32
    "tpu.region"() ({
      %run_scoped3A = tpu.sem_alloc : memref<!tpu.dma_semaphore, #tpu.memory_space<semaphore_mem>>
      %dma_start3A_190 = tpu.memref_slice %arg2[%mul3A_51] : memref<5120xi32, #tpu.memory_space<hbm>> -> memref<160xi32, #tpu.memory_space<hbm>>
      %dma_start3A_191 = tpu.memref_slice %arg2[%mul3A_51] : memref<5120xi32, #tpu.memory_space<hbm>> -> memref<160xi32, #tpu.memory_space<hbm>>
      tpu.enqueue_dma source(%dma_start3A_191 : memref<160xi32, #tpu.memory_space<hbm>>) target(%arg21 : memref<160xi32, #tpu.memory_space<vmem>>) target_semaphore(%run_scoped3A : memref<!tpu.dma_semaphore, #tpu.memory_space<semaphore_mem>>)
      %dma_wait3A_192 = tpu.memref_slice %arg2[%mul3A_51] : memref<5120xi32, #tpu.memory_space<hbm>> -> memref<160xi32, #tpu.memory_space<hbm>>
      %dma_wait3A_193 = tpu.memref_slice %arg2[%mul3A_51] : memref<5120xi32, #tpu.memory_space<hbm>> -> memref<160xi32, #tpu.memory_space<hbm>>
      tpu.wait_dma2 semaphore(%run_scoped3A : memref<!tpu.dma_semaphore, #tpu.memory_space<semaphore_mem>>) src(%dma_wait3A_193 : memref<160xi32, #tpu.memory_space<hbm>>) dst(%arg21 : memref<160xi32, #tpu.memory_space<vmem>>)
      tpu.yield
    }) : () -> ()
    %scan3A_52 = arith.constant 0 : i32
    %scan3A_53 = arith.constant 0 : i32
    %scan3A_54 = arith.constant 10 : i32
    %scan3A_55 = arith.addi %scan3A_53, %scan3A_54 : i32
    %scan3A_56 = arith.constant 1 : i32
    %scan3A_57 = scf.for %scan3A_190 = %scan3A_53 to %scan3A_55 step %scan3A_56 iter_args(%scan3A_191 = %scan3A_52) -> (i32)  : i32 {
      %mul3A_192 = arith.constant 16 : i32
      %mul3A_193 = arith.muli %scan3A_190, %mul3A_192 : i32
      %get3A = arith.index_cast %mul3A_193 : i32 to index
      %get3A_194 = tpu.vector_load %arg21[%get3A] {strides = array<i32>} : memref<160xi32, #tpu.memory_space<vmem>>, vector<16xi32>,
      %lt3A_195 = arith.constant 10000 : i32
      %lt3A_196 = vector.broadcast %lt3A_195 : i32 to vector<16xi32>
      %lt3A_197 = arith.cmpi slt, %get3A_194, %lt3A_196 : vector<16xi32>
      %jit3A = arith.constant 0 : i32
      %broadcast_in_dim3A = vector.broadcast %jit3A : i32 to vector<16xi32>
      %select_n3A = arith.select %lt3A_197, %get3A_194, %broadcast_in_dim3A : vector<16xi1>, vector<16xi32>
      %mul3A_198 = arith.constant 16 : i32
      %mul3A_199 = arith.muli %scan3A_190, %mul3A_198 : i32
      %swap3A = arith.index_cast %mul3A_199 : i32 to index
      %swap3A_200 = tpu.vector_load %arg21[%swap3A] {strides = array<i32>} : memref<160xi32, #tpu.memory_space<vmem>>, vector<16xi32>,
      tpu.vector_store %arg21[%swap3A], %select_n3A {strides = array<i32>} : memref<160xi32, #tpu.memory_space<vmem>>, vector<16xi32>,
      %scan3A_201 = arith.constant 0 : i32
      scf.yield %scan3A_201 : i32
    }
    %scan3A_58 = arith.constant 10 : i32
    %dma_start3A = arith.constant 0 : i32
    %dma_start3A_59 = arith.constant 0 : i32
    %dma_start3A_60 = tpu.memref_slice %arg24[%dma_start3A, %dma_start3A_59] : memref<160x128xf32, #tpu.memory_space<vmem>> -> memref<64x128xf32, #tpu.memory_space<vmem>>
    %dma_start3A_61 = arith.constant 0 : i32
    %dma_start3A_62 = tpu.memref_slice %arg21[%dma_start3A_61] : memref<160xi32, #tpu.memory_space<vmem>> -> memref<64xi32, #tpu.memory_space<vmem>>
    %dma_start3A_63 = arith.constant 0 : i32
    %dma_start3A_64 = arith.constant 0 : i32
    %dma_start3A_65 = tpu.memref_slice %arg6[%dma_start3A_63, %dma_start3A_64] : memref<10000x128xf32, #tpu.memory_space<hbm>> -> memref<10000x128xf32, #tpu.memory_space<hbm>>
    tpu.enqueue_indirect_dma source(%dma_start3A_65 : memref<10000x128xf32, #tpu.memory_space<hbm>>) target(%dma_start3A_60 : memref<64x128xf32, #tpu.memory_space<vmem>>) offsets(%dma_start3A_62 : memref<64xi32, #tpu.memory_space<vmem>>) semaphore(%arg26 : memref<!tpu.dma_semaphore, #tpu.memory_space<semaphore_mem>>)
    %dma_wait3A = arith.constant 0 : i32
    %dma_wait3A_66 = arith.constant 0 : i32
    %dma_wait3A_67 = tpu.memref_slice %arg24[%dma_wait3A, %dma_wait3A_66] : memref<160x128xf32, #tpu.memory_space<vmem>> -> memref<64x128xf32, #tpu.memory_space<vmem>>
    %dma_wait3A_68 = arith.constant 0 : i32
    %dma_wait3A_69 = tpu.memref_slice %arg21[%dma_wait3A_68] : memref<160xi32, #tpu.memory_space<vmem>> -> memref<64xi32, #tpu.memory_space<vmem>>
    %dma_wait3A_70 = arith.constant 0 : i32
    %dma_wait3A_71 = arith.constant 0 : i32
    %dma_wait3A_72 = tpu.memref_slice %arg6[%dma_wait3A_70, %dma_wait3A_71] : memref<10000x128xf32, #tpu.memory_space<hbm>> -> memref<10000x128xf32, #tpu.memory_space<hbm>>
    tpu.wait_indirect_dma semaphore(%arg26 : memref<!tpu.dma_semaphore, #tpu.memory_space<semaphore_mem>>) src(%dma_wait3A_72 : memref<10000x128xf32, #tpu.memory_space<hbm>>) dst(%dma_wait3A_67 : memref<64x128xf32, #tpu.memory_space<vmem>>)
    %dma_start3A_73 = arith.constant 0 : i32
    %dma_start3A_74 = tpu.memref_slice %arg22[%dma_start3A_73] : memref<160xf32, #tpu.memory_space<vmem>> -> memref<64xf32, #tpu.memory_space<vmem>>
    %dma_start3A_75 = arith.constant 0 : i32
    %dma_start3A_76 = tpu.memref_slice %arg21[%dma_start3A_75] : memref<160xi32, #tpu.memory_space<vmem>> -> memref<64xi32, #tpu.memory_space<vmem>>
    %dma_start3A_77 = arith.constant 0 : i32
    %dma_start3A_78 = tpu.memref_slice %arg7[%dma_start3A_77] : memref<10240xf32, #tpu.memory_space<hbm>> -> memref<10240xf32, #tpu.memory_space<hbm>>
    tpu.enqueue_indirect_dma source(%dma_start3A_78 : memref<10240xf32, #tpu.memory_space<hbm>>) target(%dma_start3A_74 : memref<64xf32, #tpu.memory_space<vmem>>) offsets(%dma_start3A_76 : memref<64xi32, #tpu.memory_space<vmem>>) semaphore(%arg26 : memref<!tpu.dma_semaphore, #tpu.memory_space<semaphore_mem>>)
    %dma_wait3A_79 = arith.constant 0 : i32
    %dma_wait3A_80 = tpu.memref_slice %arg22[%dma_wait3A_79] : memref<160xf32, #tpu.memory_space<vmem>> -> memref<64xf32, #tpu.memory_space<vmem>>
    %dma_wait3A_81 = arith.constant 0 : i32
    %dma_wait3A_82 = tpu.memref_slice %arg21[%dma_wait3A_81] : memref<160xi32, #tpu.memory_space<vmem>> -> memref<64xi32, #tpu.memory_space<vmem>>
    %dma_wait3A_83 = arith.constant 0 : i32
    %dma_wait3A_84 = tpu.memref_slice %arg7[%dma_wait3A_83] : memref<10240xf32, #tpu.memory_space<hbm>> -> memref<10240xf32, #tpu.memory_space<hbm>>
    tpu.wait_indirect_dma semaphore(%arg26 : memref<!tpu.dma_semaphore, #tpu.memory_space<semaphore_mem>>) src(%dma_wait3A_84 : memref<10240xf32, #tpu.memory_space<hbm>>) dst(%dma_wait3A_80 : memref<64xf32, #tpu.memory_space<vmem>>)
    %dma_start3A_85 = arith.constant 0 : i32
    %dma_start3A_86 = tpu.memref_slice %arg23[%dma_start3A_85] : memref<160xi32, #tpu.memory_space<vmem>> -> memref<64xi32, #tpu.memory_space<vmem>>
    %dma_start3A_87 = arith.constant 0 : i32
    %dma_start3A_88 = tpu.memref_slice %arg21[%dma_start3A_87] : memref<160xi32, #tpu.memory_space<vmem>> -> memref<64xi32, #tpu.memory_space<vmem>>
    %dma_start3A_89 = arith.constant 0 : i32
    %dma_start3A_90 = tpu.memref_slice %arg8[%dma_start3A_89] : memref<10240xi32, #tpu.memory_space<hbm>> -> memref<10240xi32, #tpu.memory_space<hbm>>
    tpu.enqueue_indirect_dma source(%dma_start3A_90 : memref<10240xi32, #tpu.memory_space<hbm>>) target(%dma_start3A_86 : memref<64xi32, #tpu.memory_space<vmem>>) offsets(%dma_start3A_88 : memref<64xi32, #tpu.memory_space<vmem>>) semaphore(%arg26 : memref<!tpu.dma_semaphore, #tpu.memory_space<semaphore_mem>>)
    %dma_wait3A_91 = arith.constant 0 : i32
    %dma_wait3A_92 = tpu.memref_slice %arg23[%dma_wait3A_91] : memref<160xi32, #tpu.memory_space<vmem>> -> memref<64xi32, #tpu.memory_space<vmem>>
    %dma_wait3A_93 = arith.constant 0 : i32
    %dma_wait3A_94 = tpu.memref_slice %arg21[%dma_wait3A_93] : memref<160xi32, #tpu.memory_space<vmem>> -> memref<64xi32, #tpu.memory_space<vmem>>
    %dma_wait3A_95 = arith.constant 0 : i32
    %dma_wait3A_96 = tpu.memref_slice %arg8[%dma_wait3A_95] : memref<10240xi32, #tpu.memory_space<hbm>> -> memref<10240xi32, #tpu.memory_space<hbm>>
    tpu.wait_indirect_dma semaphore(%arg26 : memref<!tpu.dma_semaphore, #tpu.memory_space<semaphore_mem>>) src(%dma_wait3A_96 : memref<10240xi32, #tpu.memory_space<hbm>>) dst(%dma_wait3A_92 : memref<64xi32, #tpu.memory_space<vmem>>)
    %dma_start3A_97 = arith.constant 64 : i32
    %dma_start3A_98 = arith.constant 0 : i32
    %dma_start3A_99 = tpu.memref_slice %arg24[%dma_start3A_97, %dma_start3A_98] : memref<160x128xf32, #tpu.memory_space<vmem>> -> memref<64x128xf32, #tpu.memory_space<vmem>>
    %dma_start3A_100 = arith.constant 64 : i32
    %dma_start3A_101 = tpu.memref_slice %arg21[%dma_start3A_100] : memref<160xi32, #tpu.memory_space<vmem>> -> memref<64xi32, #tpu.memory_space<vmem>>
    %dma_start3A_102 = arith.constant 0 : i32
    %dma_start3A_103 = arith.constant 0 : i32
    %dma_start3A_104 = tpu.memref_slice %arg6[%dma_start3A_102, %dma_start3A_103] : memref<10000x128xf32, #tpu.memory_space<hbm>> -> memref<10000x128xf32, #tpu.memory_space<hbm>>
    tpu.enqueue_indirect_dma source(%dma_start3A_104 : memref<10000x128xf32, #tpu.memory_space<hbm>>) target(%dma_start3A_99 : memref<64x128xf32, #tpu.memory_space<vmem>>) offsets(%dma_start3A_101 : memref<64xi32, #tpu.memory_space<vmem>>) semaphore(%arg26 : memref<!tpu.dma_semaphore, #tpu.memory_space<semaphore_mem>>)
    %dma_wait3A_105 = arith.constant 64 : i32
    %dma_wait3A_106 = arith.constant 0 : i32
    %dma_wait3A_107 = tpu.memref_slice %arg24[%dma_wait3A_105, %dma_wait3A_106] : memref<160x128xf32, #tpu.memory_space<vmem>> -> memref<64x128xf32, #tpu.memory_space<vmem>>
    %dma_wait3A_108 = arith.constant 64 : i32
    %dma_wait3A_109 = tpu.memref_slice %arg21[%dma_wait3A_108] : memref<160xi32, #tpu.memory_space<vmem>> -> memref<64xi32, #tpu.memory_space<vmem>>
    %dma_wait3A_110 = arith.constant 0 : i32
    %dma_wait3A_111 = arith.constant 0 : i32
    %dma_wait3A_112 = tpu.memref_slice %arg6[%dma_wait3A_110, %dma_wait3A_111] : memref<10000x128xf32, #tpu.memory_space<hbm>> -> memref<10000x128xf32, #tpu.memory_space<hbm>>
    tpu.wait_indirect_dma semaphore(%arg26 : memref<!tpu.dma_semaphore, #tpu.memory_space<semaphore_mem>>) src(%dma_wait3A_112 : memref<10000x128xf32, #tpu.memory_space<hbm>>) dst(%dma_wait3A_107 : memref<64x128xf32, #tpu.memory_space<vmem>>)
    %dma_start3A_113 = arith.constant 64 : i32
    %dma_start3A_114 = tpu.memref_slice %arg22[%dma_start3A_113] : memref<160xf32, #tpu.memory_space<vmem>> -> memref<64xf32, #tpu.memory_space<vmem>>
    %dma_start3A_115 = arith.constant 64 : i32
    %dma_start3A_116 = tpu.memref_slice %arg21[%dma_start3A_115] : memref<160xi32, #tpu.memory_space<vmem>> -> memref<64xi32, #tpu.memory_space<vmem>>
    %dma_start3A_117 = arith.constant 0 : i32
    %dma_start3A_118 = tpu.memref_slice %arg7[%dma_start3A_117] : memref<10240xf32, #tpu.memory_space<hbm>> -> memref<10240xf32, #tpu.memory_space<hbm>>
    tpu.enqueue_indirect_dma source(%dma_start3A_118 : memref<10240xf32, #tpu.memory_space<hbm>>) target(%dma_start3A_114 : memref<64xf32, #tpu.memory_space<vmem>>) offsets(%dma_start3A_116 : memref<64xi32, #tpu.memory_space<vmem>>) semaphore(%arg26 : memref<!tpu.dma_semaphore, #tpu.memory_space<semaphore_mem>>)
    %dma_wait3A_119 = arith.constant 64 : i32
    %dma_wait3A_120 = tpu.memref_slice %arg22[%dma_wait3A_119] : memref<160xf32, #tpu.memory_space<vmem>> -> memref<64xf32, #tpu.memory_space<vmem>>
    %dma_wait3A_121 = arith.constant 64 : i32
    %dma_wait3A_122 = tpu.memref_slice %arg21[%dma_wait3A_121] : memref<160xi32, #tpu.memory_space<vmem>> -> memref<64xi32, #tpu.memory_space<vmem>>
    %dma_wait3A_123 = arith.constant 0 : i32
    %dma_wait3A_124 = tpu.memref_slice %arg7[%dma_wait3A_123] : memref<10240xf32, #tpu.memory_space<hbm>> -> memref<10240xf32, #tpu.memory_space<hbm>>
    tpu.wait_indirect_dma semaphore(%arg26 : memref<!tpu.dma_semaphore, #tpu.memory_space<semaphore_mem>>) src(%dma_wait3A_124 : memref<10240xf32, #tpu.memory_space<hbm>>) dst(%dma_wait3A_120 : memref<64xf32, #tpu.memory_space<vmem>>)
    %dma_start3A_125 = arith.constant 64 : i32
    %dma_start3A_126 = tpu.memref_slice %arg23[%dma_start3A_125] : memref<160xi32, #tpu.memory_space<vmem>> -> memref<64xi32, #tpu.memory_space<vmem>>
    %dma_start3A_127 = arith.constant 64 : i32
    %dma_start3A_128 = tpu.memref_slice %arg21[%dma_start3A_127] : memref<160xi32, #tpu.memory_space<vmem>> -> memref<64xi32, #tpu.memory_space<vmem>>
    %dma_start3A_129 = arith.constant 0 : i32
    %dma_start3A_130 = tpu.memref_slice %arg8[%dma_start3A_129] : memref<10240xi32, #tpu.memory_space<hbm>> -> memref<10240xi32, #tpu.memory_space<hbm>>
    tpu.enqueue_indirect_dma source(%dma_start3A_130 : memref<10240xi32, #tpu.memory_space<hbm>>) target(%dma_start3A_126 : memref<64xi32, #tpu.memory_space<vmem>>) offsets(%dma_start3A_128 : memref<64xi32, #tpu.memory_space<vmem>>) semaphore(%arg26 : memref<!tpu.dma_semaphore, #tpu.memory_space<semaphore_mem>>)
    %dma_wait3A_131 = arith.constant 64 : i32
    %dma_wait3A_132 = tpu.memref_slice %arg23[%dma_wait3A_131] : memref<160xi32, #tpu.memory_space<vmem>> -> memref<64xi32, #tpu.memory_space<vmem>>
    %dma_wait3A_133 = arith.constant 64 : i32
    %dma_wait3A_134 = tpu.memref_slice %arg21[%dma_wait3A_133] : memref<160xi32, #tpu.memory_space<vmem>> -> memref<64xi32, #tpu.memory_space<vmem>>
    %dma_wait3A_135 = arith.constant 0 : i32
    %dma_wait3A_136 = tpu.memref_slice %arg8[%dma_wait3A_135] : memref<10240xi32, #tpu.memory_space<hbm>> -> memref<10240xi32, #tpu.memory_space<hbm>>
    tpu.wait_indirect_dma semaphore(%arg26 : memref<!tpu.dma_semaphore, #tpu.memory_space<semaphore_mem>>) src(%dma_wait3A_136 : memref<10240xi32, #tpu.memory_space<hbm>>) dst(%dma_wait3A_132 : memref<64xi32, #tpu.memory_space<vmem>>)
    %dma_start3A_137 = arith.constant 128 : i32
    %dma_start3A_138 = arith.constant 0 : i32
    %dma_start3A_139 = tpu.memref_slice %arg24[%dma_start3A_137, %dma_start3A_138] : memref<160x128xf32, #tpu.memory_space<vmem>> -> memref<32x128xf32, #tpu.memory_space<vmem>>
    %dma_start3A_140 = arith.constant 128 : i32
    %dma_start3A_141 = tpu.memref_slice %arg21[%dma_start3A_140] : memref<160xi32, #tpu.memory_space<vmem>> -> memref<32xi32, #tpu.memory_space<vmem>>
    %dma_start3A_142 = arith.constant 0 : i32
    %dma_start3A_143 = arith.constant 0 : i32
    %dma_start3A_144 = tpu.memref_slice %arg6[%dma_start3A_142, %dma_start3A_143] : memref<10000x128xf32, #tpu.memory_space<hbm>> -> memref<10000x128xf32, #tpu.memory_space<hbm>>
    tpu.enqueue_indirect_dma source(%dma_start3A_144 : memref<10000x128xf32, #tpu.memory_space<hbm>>) target(%dma_start3A_139 : memref<32x128xf32, #tpu.memory_space<vmem>>) offsets(%dma_start3A_141 : memref<32xi32, #tpu.memory_space<vmem>>) semaphore(%arg26 : memref<!tpu.dma_semaphore, #tpu.memory_space<semaphore_mem>>)
    %dma_wait3A_145 = arith.constant 128 : i32
    %dma_wait3A_146 = arith.constant 0 : i32
    %dma_wait3A_147 = tpu.memref_slice %arg24[%dma_wait3A_145, %dma_wait3A_146] : memref<160x128xf32, #tpu.memory_space<vmem>> -> memref<32x128xf32, #tpu.memory_space<vmem>>
    %dma_wait3A_148 = arith.constant 128 : i32
    %dma_wait3A_149 = tpu.memref_slice %arg21[%dma_wait3A_148] : memref<160xi32, #tpu.memory_space<vmem>> -> memref<32xi32, #tpu.memory_space<vmem>>
    %dma_wait3A_150 = arith.constant 0 : i32
    %dma_wait3A_151 = arith.constant 0 : i32
    %dma_wait3A_152 = tpu.memref_slice %arg6[%dma_wait3A_150, %dma_wait3A_151] : memref<10000x128xf32, #tpu.memory_space<hbm>> -> memref<10000x128xf32, #tpu.memory_space<hbm>>
    tpu.wait_indirect_dma semaphore(%arg26 : memref<!tpu.dma_semaphore, #tpu.memory_space<semaphore_mem>>) src(%dma_wait3A_152 : memref<10000x128xf32, #tpu.memory_space<hbm>>) dst(%dma_wait3A_147 : memref<32x128xf32, #tpu.memory_space<vmem>>)
    %dma_start3A_153 = arith.constant 128 : i32
    %dma_start3A_154 = tpu.memref_slice %arg22[%dma_start3A_153] : memref<160xf32, #tpu.memory_space<vmem>> -> memref<32xf32, #tpu.memory_space<vmem>>
    %dma_start3A_155 = arith.constant 128 : i32
    %dma_start3A_156 = tpu.memref_slice %arg21[%dma_start3A_155] : memref<160xi32, #tpu.memory_space<vmem>> -> memref<32xi32, #tpu.memory_space<vmem>>
    %dma_start3A_157 = arith.constant 0 : i32
    %dma_start3A_158 = tpu.memref_slice %arg7[%dma_start3A_157] : memref<10240xf32, #tpu.memory_space<hbm>> -> memref<10240xf32, #tpu.memory_space<hbm>>
    tpu.enqueue_indirect_dma source(%dma_start3A_158 : memref<10240xf32, #tpu.memory_space<hbm>>) target(%dma_start3A_154 : memref<32xf32, #tpu.memory_space<vmem>>) offsets(%dma_start3A_156 : memref<32xi32, #tpu.memory_space<vmem>>) semaphore(%arg26 : memref<!tpu.dma_semaphore, #tpu.memory_space<semaphore_mem>>)
    %dma_wait3A_159 = arith.constant 128 : i32
    %dma_wait3A_160 = tpu.memref_slice %arg22[%dma_wait3A_159] : memref<160xf32, #tpu.memory_space<vmem>> -> memref<32xf32, #tpu.memory_space<vmem>>
    %dma_wait3A_161 = arith.constant 128 : i32
    %dma_wait3A_162 = tpu.memref_slice %arg21[%dma_wait3A_161] : memref<160xi32, #tpu.memory_space<vmem>> -> memref<32xi32, #tpu.memory_space<vmem>>
    %dma_wait3A_163 = arith.constant 0 : i32
    %dma_wait3A_164 = tpu.memref_slice %arg7[%dma_wait3A_163] : memref<10240xf32, #tpu.memory_space<hbm>> -> memref<10240xf32, #tpu.memory_space<hbm>>
    tpu.wait_indirect_dma semaphore(%arg26 : memref<!tpu.dma_semaphore, #tpu.memory_space<semaphore_mem>>) src(%dma_wait3A_164 : memref<10240xf32, #tpu.memory_space<hbm>>) dst(%dma_wait3A_160 : memref<32xf32, #tpu.memory_space<vmem>>)
    %dma_start3A_165 = arith.constant 128 : i32
    %dma_start3A_166 = tpu.memref_slice %arg23[%dma_start3A_165] : memref<160xi32, #tpu.memory_space<vmem>> -> memref<32xi32, #tpu.memory_space<vmem>>
    %dma_start3A_167 = arith.constant 128 : i32
    %dma_start3A_168 = tpu.memref_slice %arg21[%dma_start3A_167] : memref<160xi32, #tpu.memory_space<vmem>> -> memref<32xi32, #tpu.memory_space<vmem>>
    %dma_start3A_169 = arith.constant 0 : i32
    %dma_start3A_170 = tpu.memref_slice %arg8[%dma_start3A_169] : memref<10240xi32, #tpu.memory_space<hbm>> -> memref<10240xi32, #tpu.memory_space<hbm>>
    tpu.enqueue_indirect_dma source(%dma_start3A_170 : memref<10240xi32, #tpu.memory_space<hbm>>) target(%dma_start3A_166 : memref<32xi32, #tpu.memory_space<vmem>>) offsets(%dma_start3A_168 : memref<32xi32, #tpu.memory_space<vmem>>) semaphore(%arg26 : memref<!tpu.dma_semaphore, #tpu.memory_space<semaphore_mem>>)
    %dma_wait3A_171 = arith.constant 128 : i32
    %dma_wait3A_172 = tpu.memref_slice %arg23[%dma_wait3A_171] : memref<160xi32, #tpu.memory_space<vmem>> -> memref<32xi32, #tpu.memory_space<vmem>>
    %dma_wait3A_173 = arith.constant 128 : i32
    %dma_wait3A_174 = tpu.memref_slice %arg21[%dma_wait3A_173] : memref<160xi32, #tpu.memory_space<vmem>> -> memref<32xi32, #tpu.memory_space<vmem>>
    %dma_wait3A_175 = arith.constant 0 : i32
    %dma_wait3A_176 = tpu.memref_slice %arg8[%dma_wait3A_175] : memref<10240xi32, #tpu.memory_space<hbm>> -> memref<10240xi32, #tpu.memory_space<hbm>>
    tpu.wait_indirect_dma semaphore(%arg26 : memref<!tpu.dma_semaphore, #tpu.memory_space<semaphore_mem>>) src(%dma_wait3A_176 : memref<10240xi32, #tpu.memory_space<hbm>>) dst(%dma_wait3A_172 : memref<32xi32, #tpu.memory_space<vmem>>)
    %scan3A_177 = arith.constant 0 : i32
    %scan3A_178 = arith.constant 0 : i32
    %scan3A_179 = arith.constant 10 : i32
    %scan3A_180 = arith.addi %scan3A_178, %scan3A_179 : i32
    %scan3A_181 = arith.constant 1 : i32
    %scan3A_182 = scf.for %scan3A_190 = %scan3A_178 to %scan3A_180 step %scan3A_181 iter_args(%scan3A_191 = %scan3A_177) -> (i32)  : i32 {
      %mul3A_192 = arith.constant 16 : i32
      %mul3A_193 = arith.muli %scan3A_190, %mul3A_192 : i32
      %get3A = arith.index_cast %mul3A_193 : i32 to index
      %get3A_194 = tpu.vector_load %arg22[%get3A] {strides = array<i32>} : memref<160xf32, #tpu.memory_space<vmem>>, vector<16xf32>,
      %mul3A_195 = arith.constant 16 : i32
      %mul3A_196 = arith.muli %scan3A_190, %mul3A_195 : i32
      %add3A_197 = arith.constant 0 : i32
      %add3A_198 = arith.addi %mul3A_196, %add3A_197 : i32
      %get3A_199 = arith.index_cast %add3A_198 : i32 to index
      %get3A_200 = arith.constant 0 : index
      %get3A_201 = tpu.vector_load %arg24[%get3A_199, %get3A_200] {strides = array<i32>} : memref<160x128xf32, #tpu.memory_space<vmem>>, vector<16xf32>,
      %slice3A = vector.extract_strided_slice %get3A_194 {offsets = [0], sizes = [1], strides = [1]} : vector<16xf32> to vector<1xf32>
      %squeeze3A = vector.extract %slice3A[0] : f32 from vector<1xf32>
      %mul3A_202 = vector.broadcast %squeeze3A : f32 to vector<16xf32>
      %mul3A_203 = arith.mulf %get3A_201, %mul3A_202 : vector<16xf32>
      %swap3A = arith.index_cast %add3A_198 : i32 to index
      %swap3A_204 = arith.constant 0 : index
      %swap3A_205 = tpu.vector_load %arg24[%swap3A, %swap3A_204] {strides = array<i32>} : memref<160x128xf32, #tpu.memory_space<vmem>>, vector<16xf32>,
      tpu.vector_store %arg24[%swap3A, %swap3A_204], %mul3A_203 {strides = array<i32>} : memref<160x128xf32, #tpu.memory_space<vmem>>, vector<16xf32>,
      %get3A_206 = arith.index_cast %add3A_198 : i32 to index
      %get3A_207 = arith.constant 16 : index
      %get3A_208 = tpu.vector_load %arg24[%get3A_206, %get3A_207] {strides = array<i32>} : memref<160x128xf32, #tpu.memory_space<vmem>>, vector<16xf32>,
      %slice3A_209 = vector.extract_strided_slice %get3A_194 {offsets = [0], sizes = [1], strides = [1]} : vector<16xf32> to vector<1xf32>
      %squeeze3A_210 = vector.extract %slice3A_209[0] : f32 from vector<1xf32>
      %mul3A_211 = vector.broadcast %squeeze3A_210 : f32 to vector<16xf32>
      %mul3A_212 = arith.mulf %get3A_208, %mul3A_211 : vector<16xf32>
      %swap3A_213 = arith.index_cast %add3A_198 : i32 to index
      %swap3A_214 = arith.constant 16 : index
      %swap3A_215 = tpu.vector_load %arg24[%swap3A_213, %swap3A_214] {strides = array<i32>} : memref<160x128xf32, #tpu.memory_space<vmem>>, vector<16xf32>,
      tpu.vector_store %arg24[%swap3A_213, %swap3A_214], %mul3A_212 {strides = array<i32>} : memref<160x128xf32, #tpu.memory_space<vmem>>, vector<16xf32>,
      %get3A_216 = arith.index_cast %add3A_198 : i32 to index
      %get3A_217 = arith.constant 32 : index
      %get3A_218 = tpu.vector_load %arg24[%get3A_216, %get3A_217] {strides = array<i32>} : memref<160x128xf32, #tpu.memory_space<vmem>>, vector<16xf32>,
      %slice3A_219 = vector.extract_strided_slice %get3A_194 {offsets = [0], sizes = [1], strides = [1]} : vector<16xf32> to vector<1xf32>
      %squeeze3A_220 = vector.extract %slice3A_219[0] : f32 from vector<1xf32>
      %mul3A_221 = vector.broadcast %squeeze3A_220 : f32 to vector<16xf32>
      %mul3A_222 = arith.mulf %get3A_218, %mul3A_221 : vector<16xf32>
      %swap3A_223 = arith.index_cast %add3A_198 : i32 to index
      %swap3A_224 = arith.constant 32 : index
      %swap3A_225 = tpu.vector_load %arg24[%swap3A_223, %swap3A_224] {strides = array<i32>} : memref<160x128xf32, #tpu.memory_space<vmem>>, vector<16xf32>,
      tpu.vector_store %arg24[%swap3A_223, %swap3A_224], %mul3A_222 {strides = array<i32>} : memref<160x128xf32, #tpu.memory_space<vmem>>, vector<16xf32>,
      %get3A_226 = arith.index_cast %add3A_198 : i32 to index
      %get3A_227 = arith.constant 48 : index
      %get3A_228 = tpu.vector_load %arg24[%get3A_226, %get3A_227] {strides = array<i32>} : memref<160x128xf32, #tpu.memory_space<vmem>>, vector<16xf32>,
      %slice3A_229 = vector.extract_strided_slice %get3A_194 {offsets = [0], sizes = [1], strides = [1]} : vector<16xf32> to vector<1xf32>
      %squeeze3A_230 = vector.extract %slice3A_229[0] : f32 from vector<1xf32>
      %mul3A_231 = vector.broadcast %squeeze3A_230 : f32 to vector<16xf32>
      %mul3A_232 = arith.mulf %get3A_228, %mul3A_231 : vector<16xf32>
      %swap3A_233 = arith.index_cast %add3A_198 : i32 to index
      %swap3A_234 = arith.constant 48 : index
      %swap3A_235 = tpu.vector_load %arg24[%swap3A_233, %swap3A_234] {strides = array<i32>} : memref<160x128xf32, #tpu.memory_space<vmem>>, vector<16xf32>,
      tpu.vector_store %arg24[%swap3A_233, %swap3A_234], %mul3A_232 {strides = array<i32>} : memref<160x128xf32, #tpu.memory_space<vmem>>, vector<16xf32>,
      %get3A_236 = arith.index_cast %add3A_198 : i32 to index
      %get3A_237 = arith.constant 64 : index
      %get3A_238 = tpu.vector_load %arg24[%get3A_236, %get3A_237] {strides = array<i32>} : memref<160x128xf32, #tpu.memory_space<vmem>>, vector<16xf32>,
      %slice3A_239 = vector.extract_strided_slice %get3A_194 {offsets = [0], sizes = [1], strides = [1]} : vector<16xf32> to vector<1xf32>
      %squeeze3A_240 = vector.extract %slice3A_239[0] : f32 from vector<1xf32>
      %mul3A_241 = vector.broadcast %squeeze3A_240 : f32 to vector<16xf32>
      %mul3A_242 = arith.mulf %get3A_238, %mul3A_241 : vector<16xf32>
      %swap3A_243 = arith.index_cast %add3A_198 : i32 to index
      %swap3A_244 = arith.constant 64 : index
      %swap3A_245 = tpu.vector_load %arg24[%swap3A_243, %swap3A_244] {strides = array<i32>} : memref<160x128xf32, #tpu.memory_space<vmem>>, vector<16xf32>,
      tpu.vector_store %arg24[%swap3A_243, %swap3A_244], %mul3A_242 {strides = array<i32>} : memref<160x128xf32, #tpu.memory_space<vmem>>, vector<16xf32>,
      %get3A_246 = arith.index_cast %add3A_198 : i32 to index
      %get3A_247 = arith.constant 80 : index
      %get3A_248 = tpu.vector_load %arg24[%get3A_246, %get3A_247] {strides = array<i32>} : memref<160x128xf32, #tpu.memory_space<vmem>>, vector<16xf32>,
      %slice3A_249 = vector.extract_strided_slice %get3A_194 {offsets = [0], sizes = [1], strides = [1]} : vector<16xf32> to vector<1xf32>
      %squeeze3A_250 = vector.extract %slice3A_249[0] : f32 from vector<1xf32>
      %mul3A_251 = vector.broadcast %squeeze3A_250 : f32 to vector<16xf32>
      %mul3A_252 = arith.mulf %get3A_248, %mul3A_251 : vector<16xf32>
      %swap3A_253 = arith.index_cast %add3A_198 : i32 to index
      %swap3A_254 = arith.constant 80 : index
      %swap3A_255 = tpu.vector_load %arg24[%swap3A_253, %swap3A_254] {strides = array<i32>} : memref<160x128xf32, #tpu.memory_space<vmem>>, vector<16xf32>,
      tpu.vector_store %arg24[%swap3A_253, %swap3A_254], %mul3A_252 {strides = array<i32>} : memref<160x128xf32, #tpu.memory_space<vmem>>, vector<16xf32>,
      %get3A_256 = arith.index_cast %add3A_198 : i32 to index
      %get3A_257 = arith.constant 96 : index
      %get3A_258 = tpu.vector_load %arg24[%get3A_256, %get3A_257] {strides = array<i32>} : memref<160x128xf32, #tpu.memory_space<vmem>>, vector<16xf32>,
      %slice3A_259 = vector.extract_strided_slice %get3A_194 {offsets = [0], sizes = [1], strides = [1]} : vector<16xf32> to vector<1xf32>
      %squeeze3A_260 = vector.extract %slice3A_259[0] : f32 from vector<1xf32>
      %mul3A_261 = vector.broadcast %squeeze3A_260 : f32 to vector<16xf32>
      %mul3A_262 = arith.mulf %get3A_258, %mul3A_261 : vector<16xf32>
      %swap3A_263 = arith.index_cast %add3A_198 : i32 to index
      %swap3A_264 = arith.constant 96 : index
      %swap3A_265 = tpu.vector_load %arg24[%swap3A_263, %swap3A_264] {strides = array<i32>} : memref<160x128xf32, #tpu.memory_space<vmem>>, vector<16xf32>,
      tpu.vector_store %arg24[%swap3A_263, %swap3A_264], %mul3A_262 {strides = array<i32>} : memref<160x128xf32, #tpu.memory_space<vmem>>, vector<16xf32>,
      %get3A_266 = arith.index_cast %add3A_198 : i32 to index
      %get3A_267 = arith.constant 112 : index
      %get3A_268 = tpu.vector_load %arg24[%get3A_266, %get3A_267] {strides = array<i32>} : memref<160x128xf32, #tpu.memory_space<vmem>>, vector<16xf32>,
      %slice3A_269 = vector.extract_strided_slice %get3A_194 {offsets = [0], sizes = [1], strides = [1]} : vector<16xf32> to vector<1xf32>
      %squeeze3A_270 = vector.extract %slice3A_269[0] : f32 from vector<1xf32>
      %mul3A_271 = vector.broadcast %squeeze3A_270 : f32 to vector<16xf32>
      %mul3A_272 = arith.mulf %get3A_268, %mul3A_271 : vector<16xf32>
      %swap3A_273 = arith.index_cast %add3A_198 : i32 to index
      %swap3A_274 = arith.constant 112 : index
      %swap3A_275 = tpu.vector_load %arg24[%swap3A_273, %swap3A_274] {strides = array<i32>} : memref<160x128xf32, #tpu.memory_space<vmem>>, vector<16xf32>,
      tpu.vector_store %arg24[%swap3A_273, %swap3A_274], %mul3A_272 {strides = array<i32>} : memref<160x128xf32, #tpu.memory_space<vmem>>, vector<16xf32>,
      %mul3A_276 = arith.constant 16 : i32
      %mul3A_277 = arith.muli %scan3A_190, %mul3A_276 : i32
      %add3A_278 = arith.constant 1 : i32
      %add3A_279 = arith.addi %mul3A_277, %add3A_278 : i32
      %get3A_280 = arith.index_cast %add3A_279 : i32 to index
      %get3A_281 = arith.constant 0 : index
      %get3A_282 = tpu.vector_load %arg24[%get3A_280, %get3A_281] {strides = array<i32>} : memref<160x128xf32, #tpu.memory_space<vmem>>, vector<16xf32>,
      %slice3A_283 = vector.extract_strided_slice %get3A_194 {offsets = [1], sizes = [1], strides = [1]} : vector<16xf32> to vector<1xf32>
      %squeeze3A_284 = vector.extract %slice3A_283[0] : f32 from vector<1xf32>
      %mul3A_285 = vector.broadcast %squeeze3A_284 : f32 to vector<16xf32>
      %mul3A_286 = arith.mulf %get3A_282, %mul3A_285 : vector<16xf32>
      %swap3A_287 = arith.index_cast %add3A_279 : i32 to index
      %swap3A_288 = arith.constant 0 : index
      %swap3A_289 = tpu.vector_load %arg24[%swap3A_287, %swap3A_288] {strides = array<i32>} : memref<160x128xf32, #tpu.memory_space<vmem>>, vector<16xf32>,
      tpu.vector_store %arg24[%swap3A_287, %swap3A_288], %mul3A_286 {strides = array<i32>} : memref<160x128xf32, #tpu.memory_space<vmem>>, vector<16xf32>,
      %get3A_290 = arith.index_cast %add3A_279 : i32 to index
      %get3A_291 = arith.constant 16 : index
      %get3A_292 = tpu.vector_load %arg24[%get3A_290, %get3A_291] {strides = array<i32>} : memref<160x128xf32, #tpu.memory_space<vmem>>, vector<16xf32>,
      %slice3A_293 = vector.extract_strided_slice %get3A_194 {offsets = [1], sizes = [1], strides = [1]} : vector<16xf32> to vector<1xf32>
      %squeeze3A_294 = vector.extract %slice3A_293[0] : f32 from vector<1xf32>
      %mul3A_295 = vector.broadcast %squeeze3A_294 : f32 to vector<16xf32>
      %mul3A_296 = arith.mulf %get3A_292, %mul3A_295 : vector<16xf32>
      %swap3A_297 = arith.index_cast %add3A_279 : i32 to index
      %swap3A_298 = arith.constant 16 : index
      %swap3A_299 = tpu.vector_load %arg24[%swap3A_297, %swap3A_298] {strides = array<i32>} : memref<160x128xf32, #tpu.memory_space<vmem>>, vector<16xf32>,
      tpu.vector_store %arg24[%swap3A_297, %swap3A_298], %mul3A_296 {strides = array<i32>} : memref<160x128xf32, #tpu.memory_space<vmem>>, vector<16xf32>,
      %get3A_300 = arith.index_cast %add3A_279 : i32 to index
      %get3A_301 = arith.constant 32 : index
      %get3A_302 = tpu.vector_load %arg24[%get3A_300, %get3A_301] {strides = array<i32>} : memref<160x128xf32, #tpu.memory_space<vmem>>, vector<16xf32>,
      %slice3A_303 = vector.extract_strided_slice %get3A_194 {offsets = [1], sizes = [1], strides = [1]} : vector<16xf32> to vector<1xf32>
      %squeeze3A_304 = vector.extract %slice3A_303[0] : f32 from vector<1xf32>
      %mul3A_305 = vector.broadcast %squeeze3A_304 : f32 to vector<16xf32>
      %mul3A_306 = arith.mulf %get3A_302, %mul3A_305 : vector<16xf32>
      %swap3A_307 = arith.index_cast %add3A_279 : i32 to index
      %swap3A_308 = arith.constant 32 : index
      %swap3A_309 = tpu.vector_load %arg24[%swap3A_307, %swap3A_308] {strides = array<i32>} : memref<160x128xf32, #tpu.memory_space<vmem>>, vector<16xf32>,
      tpu.vector_store %arg24[%swap3A_307, %swap3A_308], %mul3A_306 {strides = array<i32>} : memref<160x128xf32, #tpu.memory_space<vmem>>, vector<16xf32>,
      %get3A_310 = arith.index_cast %add3A_279 : i32 to index
      %get3A_311 = arith.constant 48 : index
      %get3A_312 = tpu.vector_load %arg24[%get3A_310, %get3A_311] {strides = array<i32>} : memref<160x128xf32, #tpu.memory_space<vmem>>, vector<16xf32>,
      %slice3A_313 = vector.extract_strided_slice %get3A_194 {offsets = [1], sizes = [1], strides = [1]} : vector<16xf32> to vector<1xf32>
      %squeeze3A_314 = vector.extract %slice3A_313[0] : f32 from vector<1xf32>
      %mul3A_315 = vector.broadcast %squeeze3A_314 : f32 to vector<16xf32>
      %mul3A_316 = arith.mulf %get3A_312, %mul3A_315 : vector<16xf32>
      %swap3A_317 = arith.index_cast %add3A_279 : i32 to index
      %swap3A_318 = arith.constant 48 : index
      %swap3A_319 = tpu.vector_load %arg24[%swap3A_317, %swap3A_318] {strides = array<i32>} : memref<160x128xf32, #tpu.memory_space<vmem>>, vector<16xf32>,
      tpu.vector_store %arg24[%swap3A_317, %swap3A_318], %mul3A_316 {strides = array<i32>} : memref<160x128xf32, #tpu.memory_space<vmem>>, vector<16xf32>,
      %get3A_320 = arith.index_cast %add3A_279 : i32 to index
      %get3A_321 = arith.constant 64 : index
      %get3A_322 = tpu.vector_load %arg24[%get3A_320, %get3A_321] {strides = array<i32>} : memref<160x128xf32, #tpu.memory_space<vmem>>, vector<16xf32>,
      %slice3A_323 = vector.extract_strided_slice %get3A_194 {offsets = [1], sizes = [1], strides = [1]} : vector<16xf32> to vector<1xf32>
      %squeeze3A_324 = vector.extract %slice3A_323[0] : f32 from vector<1xf32>
      %mul3A_325 = vector.broadcast %squeeze3A_324 : f32 to vector<16xf32>
      %mul3A_326 = arith.mulf %get3A_322, %mul3A_325 : vector<16xf32>
      %swap3A_327 = arith.index_cast %add3A_279 : i32 to index
      %swap3A_328 = arith.constant 64 : index
      %swap3A_329 = tpu.vector_load %arg24[%swap3A_327, %swap3A_328] {strides = array<i32>} : memref<160x128xf32, #tpu.memory_space<vmem>>, vector<16xf32>,
      tpu.vector_store %arg24[%swap3A_327, %swap3A_328], %mul3A_326 {strides = array<i32>} : memref<160x128xf32, #tpu.memory_space<vmem>>, vector<16xf32>,
      %get3A_330 = arith.index_cast %add3A_279 : i32 to index
      %get3A_331 = arith.constant 80 : index
      %get3A_332 = tpu.vector_load %arg24[%get3A_330, %get3A_331] {strides = array<i32>} : memref<160x128xf32, #tpu.memory_space<vmem>>, vector<16xf32>,
      %slice3A_333 = vector.extract_strided_slice %get3A_194 {offsets = [1], sizes = [1], strides = [1]} : vector<16xf32> to vector<1xf32>
      %squeeze3A_334 = vector.extract %slice3A_333[0] : f32 from vector<1xf32>
      %mul3A_335 = vector.broadcast %squeeze3A_334 : f32 to vector<16xf32>
      %mul3A_336 = arith.mulf %get3A_332, %mul3A_335 : vector<16xf32>
      %swap3A_337 = arith.index_cast %add3A_279 : i32 to index
      %swap3A_338 = arith.constant 80 : index
      %swap3A_339 = tpu.vector_load %arg24[%swap3A_337, %swap3A_338] {strides = array<i32>} : memref<160x128xf32, #tpu.memory_space<vmem>>, vector<16xf32>,
      tpu.vector_store %arg24[%swap3A_337, %swap3A_338], %mul3A_336 {strides = array<i32>} : memref<160x128xf32, #tpu.memory_space<vmem>>, vector<16xf32>,
      %get3A_340 = arith.index_cast %add3A_279 : i32 to index
      %get3A_341 = arith.constant 96 : index
      %get3A_342 = tpu.vector_load %arg24[%get3A_340, %get3A_341] {strides = array<i32>} : memref<160x128xf32, #tpu.memory_space<vmem>>, vector<16xf32>,
      %slice3A_343 = vector.extract_strided_slice %get3A_194 {offsets = [1], sizes = [1], strides = [1]} : vector<16xf32> to vector<1xf32>
      %squeeze3A_344 = vector.extract %slice3A_343[0] : f32 from vector<1xf32>
      %mul3A_345 = vector.broadcast %squeeze3A_344 : f32 to vector<16xf32>
      %mul3A_346 = arith.mulf %get3A_342, %mul3A_345 : vector<16xf32>
      %swap3A_347 = arith.index_cast %add3A_279 : i32 to index
      %swap3A_348 = arith.constant 96 : index
      %swap3A_349 = tpu.vector_load %arg24[%swap3A_347, %swap3A_348] {strides = array<i32>} : memref<160x128xf32, #tpu.memory_space<vmem>>, vector<16xf32>,
      tpu.vector_store %arg24[%swap3A_347, %swap3A_348], %mul3A_346 {strides = array<i32>} : memref<160x128xf32, #tpu.memory_space<vmem>>, vector<16xf32>,
      %get3A_350 = arith.index_cast %add3A_279 : i32 to index
      %get3A_351 = arith.constant 112 : index
      %get3A_352 = tpu.vector_load %arg24[%get3A_350, %get3A_351] {strides = array<i32>} : memref<160x128xf32, #tpu.memory_space<vmem>>, vector<16xf32>,
      %slice3A_353 = vector.extract_strided_slice %get3A_194 {offsets = [1], sizes = [1], strides = [1]} : vector<16xf32> to vector<1xf32>
      %squeeze3A_354 = vector.extract %slice3A_353[0] : f32 from vector<1xf32>
      %mul3A_355 = vector.broadcast %squeeze3A_354 : f32 to vector<16xf32>
      %mul3A_356 = arith.mulf %get3A_352, %mul3A_355 : vector<16xf32>
      %swap3A_357 = arith.index_cast %add3A_279 : i32 to index
      %swap3A_358 = arith.constant 112 : index
      %swap3A_359 = tpu.vector_load %arg24[%swap3A_357, %swap3A_358] {strides = array<i32>} : memref<160x128xf32, #tpu.memory_space<vmem>>, vector<16xf32>,
      tpu.vector_store %arg24[%swap3A_357, %swap3A_358], %mul3A_356 {strides = array<i32>} : memref<160x128xf32, #tpu.memory_space<vmem>>, vector<16xf32>,
      %mul3A_360 = arith.constant 16 : i32
      %mul3A_361 = arith.muli %scan3A_190, %mul3A_360 : i32
      %add3A_362 = arith.constant 2 : i32
      %add3A_363 = arith.addi %mul3A_361, %add3A_362 : i32
      %get3A_364 = arith.index_cast %add3A_363 : i32 to index
      %get3A_365 = arith.constant 0 : index
      %get3A_366 = tpu.vector_load %arg24[%get3A_364, %get3A_365] {strides = array<i32>} : memref<160x128xf32, #tpu.memory_space<vmem>>, vector<16xf32>,
      %slice3A_367 = vector.extract_strided_slice %get3A_194 {offsets = [2], sizes = [1], strides = [1]} : vector<16xf32> to vector<1xf32>
      %squeeze3A_368 = vector.extract %slice3A_367[0] : f32 from vector<1xf32>
      %mul3A_369 = vector.broadcast %squeeze3A_368 : f32 to vector<16xf32>
      %mul3A_370 = arith.mulf %get3A_366, %mul3A_369 : vector<16xf32>
      %swap3A_371 = arith.index_cast %add3A_363 : i32 to index
      %swap3A_372 = arith.constant 0 : index
      %swap3A_373 = tpu.vector_load %arg24[%swap3A_371, %swap3A_372] {strides = array<i32>} : memref<160x128xf32, #tpu.memory_space<vmem>>, vector<16xf32>,
      tpu.vector_store %arg24[%swap3A_371, %swap3A_372], %mul3A_370 {strides = array<i32>} : memref<160x128xf32, #tpu.memory_space<vmem>>, vector<16xf32>,
      %get3A_374 = arith.index_cast %add3A_363 : i32 to index
      %get3A_375 = arith.constant 16 : index
      %get3A_376 = tpu.vector_load %arg24[%get3A_374, %get3A_375] {strides = array<i32>} : memref<160x128xf32, #tpu.memory_space<vmem>>, vector<16xf32>,
      %slice3A_377 = vector.extract_strided_slice %get3A_194 {offsets = [2], sizes = [1], strides = [1]} : vector<16xf32> to vector<1xf32>
      %squeeze3A_378 = vector.extract %slice3A_377[0] : f32 from vector<1xf32>
      %mul3A_379 = vector.broadcast %squeeze3A_378 : f32 to vector<16xf32>
      %mul3A_380 = arith.mulf %get3A_376, %mul3A_379 : vector<16xf32>
      %swap3A_381 = arith.index_cast %add3A_363 : i32 to index
      %swap3A_382 = arith.constant 16 : index
      %swap3A_383 = tpu.vector_load %arg24[%swap3A_381, %swap3A_382] {strides = array<i32>} : memref<160x128xf32, #tpu.memory_space<vmem>>, vector<16xf32>,
      tpu.vector_store %arg24[%swap3A_381, %swap3A_382], %mul3A_380 {strides = array<i32>} : memref<160x128xf32, #tpu.memory_space<vmem>>, vector<16xf32>,
      %get3A_384 = arith.index_cast %add3A_363 : i32 to index
      %get3A_385 = arith.constant 32 : index
      %get3A_386 = tpu.vector_load %arg24[%get3A_384, %get3A_385] {strides = array<i32>} : memref<160x128xf32, #tpu.memory_space<vmem>>, vector<16xf32>,
      %slice3A_387 = vector.extract_strided_slice %get3A_194 {offsets = [2], sizes = [1], strides = [1]} : vector<16xf32> to vector<1xf32>
      %squeeze3A_388 = vector.extract %slice3A_387[0] : f32 from vector<1xf32>
      %mul3A_389 = vector.broadcast %squeeze3A_388 : f32 to vector<16xf32>
      %mul3A_390 = arith.mulf %get3A_386, %mul3A_389 : vector<16xf32>
      %swap3A_391 = arith.index_cast %add3A_363 : i32 to index
      %swap3A_392 = arith.constant 32 : index
      %swap3A_393 = tpu.vector_load %arg24[%swap3A_391, %swap3A_392] {strides = array<i32>} : memref<160x128xf32, #tpu.memory_space<vmem>>, vector<16xf32>,
      tpu.vector_store %arg24[%swap3A_391, %swap3A_392], %mul3A_390 {strides = array<i32>} : memref<160x128xf32, #tpu.memory_space<vmem>>, vector<16xf32>,
      %get3A_394 = arith.index_cast %add3A_363 : i32 to index
      %get3A_395 = arith.constant 48 : index
      %get3A_396 = tpu.vector_load %arg24[%get3A_394, %get3A_395] {strides = array<i32>} : memref<160x128xf32, #tpu.memory_space<vmem>>, vector<16xf32>,
      %slice3A_397 = vector.extract_strided_slice %get3A_194 {offsets = [2], sizes = [1], strides = [1]} : vector<16xf32> to vector<1xf32>
      %squeeze3A_398 = vector.extract %slice3A_397[0] : f32 from vector<1xf32>
      %mul3A_399 = vector.broadcast %squeeze3A_398 : f32 to vector<16xf32>
      %mul3A_400 = arith.mulf %get3A_396, %mul3A_399 : vector<16xf32>
      %swap3A_401 = arith.index_cast %add3A_363 : i32 to index
      %swap3A_402 = arith.constant 48 : index
      %swap3A_403 = tpu.vector_load %arg24[%swap3A_401, %swap3A_402] {strides = array<i32>} : memref<160x128xf32, #tpu.memory_space<vmem>>, vector<16xf32>,
      tpu.vector_store %arg24[%swap3A_401, %swap3A_402], %mul3A_400 {strides = array<i32>} : memref<160x128xf32, #tpu.memory_space<vmem>>, vector<16xf32>,
      %get3A_404 = arith.index_cast %add3A_363 : i32 to index
      %get3A_405 = arith.constant 64 : index
      %get3A_406 = tpu.vector_load %arg24[%get3A_404, %get3A_405] {strides = array<i32>} : memref<160x128xf32, #tpu.memory_space<vmem>>, vector<16xf32>,
      %slice3A_407 = vector.extract_strided_slice %get3A_194 {offsets = [2], sizes = [1], strides = [1]} : vector<16xf32> to vector<1xf32>
      %squeeze3A_408 = vector.extract %slice3A_407[0] : f32 from vector<1xf32>
      %mul3A_409 = vector.broadcast %squeeze3A_408 : f32 to vector<16xf32>
      %mul3A_410 = arith.mulf %get3A_406, %mul3A_409 : vector<16xf32>
      %swap3A_411 = arith.index_cast %add3A_363 : i32 to index
      %swap3A_412 = arith.constant 64 : index
      %swap3A_413 = tpu.vector_load %arg24[%swap3A_411, %swap3A_412] {strides = array<i32>} : memref<160x128xf32, #tpu.memory_space<vmem>>, vector<16xf32>,
      tpu.vector_store %arg24[%swap3A_411, %swap3A_412], %mul3A_410 {strides = array<i32>} : memref<160x128xf32, #tpu.memory_space<vmem>>, vector<16xf32>,
      %get3A_414 = arith.index_cast %add3A_363 : i32 to index
      %get3A_415 = arith.constant 80 : index
      %get3A_416 = tpu.vector_load %arg24[%get3A_414, %get3A_415] {strides = array<i32>} : memref<160x128xf32, #tpu.memory_space<vmem>>, vector<16xf32>,
      %slice3A_417 = vector.extract_strided_slice %get3A_194 {offsets = [2], sizes = [1], strides = [1]} : vector<16xf32> to vector<1xf32>
      %squeeze3A_418 = vector.extract %slice3A_417[0] : f32 from vector<1xf32>
      %mul3A_419 = vector.broadcast %squeeze3A_418 : f32 to vector<16xf32>
      %mul3A_420 = arith.mulf %get3A_416, %mul3A_419 : vector<16xf32>
      %swap3A_421 = arith.index_cast %add3A_363 : i32 to index
      %swap3A_422 = arith.constant 80 : index
      %swap3A_423 = tpu.vector_load %arg24[%swap3A_421, %swap3A_422] {strides = array<i32>} : memref<160x128xf32, #tpu.memory_space<vmem>>, vector<16xf32>,
      tpu.vector_store %arg24[%swap3A_421, %swap3A_422], %mul3A_420 {strides = array<i32>} : memref<160x128xf32, #tpu.memory_space<vmem>>, vector<16xf32>,
      %get3A_424 = arith.index_cast %add3A_363 : i32 to index
      %get3A_425 = arith.constant 96 : index
      %get3A_426 = tpu.vector_load %arg24[%get3A_424, %get3A_425] {strides = array<i32>} : memref<160x128xf32, #tpu.memory_space<vmem>>, vector<16xf32>,
      %slice3A_427 = vector.extract_strided_slice %get3A_194 {offsets = [2], sizes = [1], strides = [1]} : vector<16xf32> to vector<1xf32>
      %squeeze3A_428 = vector.extract %slice3A_427[0] : f32 from vector<1xf32>
      %mul3A_429 = vector.broadcast %squeeze3A_428 : f32 to vector<16xf32>
      %mul3A_430 = arith.mulf %get3A_426, %mul3A_429 : vector<16xf32>
      %swap3A_431 = arith.index_cast %add3A_363 : i32 to index
      %swap3A_432 = arith.constant 96 : index
      %swap3A_433 = tpu.vector_load %arg24[%swap3A_431, %swap3A_432] {strides = array<i32>} : memref<160x128xf32, #tpu.memory_space<vmem>>, vector<16xf32>,
      tpu.vector_store %arg24[%swap3A_431, %swap3A_432], %mul3A_430 {strides = array<i32>} : memref<160x128xf32, #tpu.memory_space<vmem>>, vector<16xf32>,
      %get3A_434 = arith.index_cast %add3A_363 : i32 to index
      %get3A_435 = arith.constant 112 : index
      %get3A_436 = tpu.vector_load %arg24[%get3A_434, %get3A_435] {strides = array<i32>} : memref<160x128xf32, #tpu.memory_space<vmem>>, vector<16xf32>,
      %slice3A_437 = vector.extract_strided_slice %get3A_194 {offsets = [2], sizes = [1], strides = [1]} : vector<16xf32> to vector<1xf32>
      %squeeze3A_438 = vector.extract %slice3A_437[0] : f32 from vector<1xf32>
      %mul3A_439 = vector.broadcast %squeeze3A_438 : f32 to vector<16xf32>
      %mul3A_440 = arith.mulf %get3A_436, %mul3A_439 : vector<16xf32>
      %swap3A_441 = arith.index_cast %add3A_363 : i32 to index
      %swap3A_442 = arith.constant 112 : index
      %swap3A_443 = tpu.vector_load %arg24[%swap3A_441, %swap3A_442] {strides = array<i32>} : memref<160x128xf32, #tpu.memory_space<vmem>>, vector<16xf32>,
      tpu.vector_store %arg24[%swap3A_441, %swap3A_442], %mul3A_440 {strides = array<i32>} : memref<160x128xf32, #tpu.memory_space<vmem>>, vector<16xf32>,
      %mul3A_444 = arith.constant 16 : i32
      %mul3A_445 = arith.muli %scan3A_190, %mul3A_444 : i32
      %add3A_446 = arith.constant 3 : i32
      %add3A_447 = arith.addi %mul3A_445, %add3A_446 : i32
      %get3A_448 = arith.index_cast %add3A_447 : i32 to index
      %get3A_449 = arith.constant 0 : index
      %get3A_450 = tpu.vector_load %arg24[%get3A_448, %get3A_449] {strides = array<i32>} : memref<160x128xf32, #tpu.memory_space<vmem>>, vector<16xf32>,
      %slice3A_451 = vector.extract_strided_slice %get3A_194 {offsets = [3], sizes = [1], strides = [1]} : vector<16xf32> to vector<1xf32>
      %squeeze3A_452 = vector.extract %slice3A_451[0] : f32 from vector<1xf32>
      %mul3A_453 = vector.broadcast %squeeze3A_452 : f32 to vector<16xf32>
      %mul3A_454 = arith.mulf %get3A_450, %mul3A_453 : vector<16xf32>
      %swap3A_455 = arith.index_cast %add3A_447 : i32 to index
      %swap3A_456 = arith.constant 0 : index
      %swap3A_457 = tpu.vector_load %arg24[%swap3A_455, %swap3A_456] {strides = array<i32>} : memref<160x128xf32, #tpu.memory_space<vmem>>, vector<16xf32>,
      tpu.vector_store %arg24[%swap3A_455, %swap3A_456], %mul3A_454 {strides = array<i32>} : memref<160x128xf32, #tpu.memory_space<vmem>>, vector<16xf32>,
      %get3A_458 = arith.index_cast %add3A_447 : i32 to index
      %get3A_459 = arith.constant 16 : index
      %get3A_460 = tpu.vector_load %arg24[%get3A_458, %get3A_459] {strides = array<i32>} : memref<160x128xf32, #tpu.memory_space<vmem>>, vector<16xf32>,
      %slice3A_461 = vector.extract_strided_slice %get3A_194 {offsets = [3], sizes = [1], strides = [1]} : vector<16xf32> to vector<1xf32>
      %squeeze3A_462 = vector.extract %slice3A_461[0] : f32 from vector<1xf32>
      %mul3A_463 = vector.broadcast %squeeze3A_462 : f32 to vector<16xf32>
      %mul3A_464 = arith.mulf %get3A_460, %mul3A_463 : vector<16xf32>
      %swap3A_465 = arith.index_cast %add3A_447 : i32 to index
      %swap3A_466 = arith.constant 16 : index
      %swap3A_467 = tpu.vector_load %arg24[%swap3A_465, %swap3A_466] {strides = array<i32>} : memref<160x128xf32, #tpu.memory_space<vmem>>, vector<16xf32>,
      tpu.vector_store %arg24[%swap3A_465, %swap3A_466], %mul3A_464 {strides = array<i32>} : memref<160x128xf32, #tpu.memory_space<vmem>>, vector<16xf32>,
      %get3A_468 = arith.index_cast %add3A_447 : i32 to index
      %get3A_469 = arith.constant 32 : index
      %get3A_470 = tpu.vector_load %arg24[%get3A_468, %get3A_469] {strides = array<i32>} : memref<160x128xf32, #tpu.memory_space<vmem>>, vector<16xf32>,
      %slice3A_471 = vector.extract_strided_slice %get3A_194 {offsets = [3], sizes = [1], strides = [1]} : vector<16xf32> to vector<1xf32>
      %squeeze3A_472 = vector.extract %slice3A_471[0] : f32 from vector<1xf32>
      %mul3A_473 = vector.broadcast %squeeze3A_472 : f32 to vector<16xf32>
      %mul3A_474 = arith.mulf %get3A_470, %mul3A_473 : vector<16xf32>
      %swap3A_475 = arith.index_cast %add3A_447 : i32 to index
      %swap3A_476 = arith.constant 32 : index
      %swap3A_477 = tpu.vector_load %arg24[%swap3A_475, %swap3A_476] {strides = array<i32>} : memref<160x128xf32, #tpu.memory_space<vmem>>, vector<16xf32>,
      tpu.vector_store %arg24[%swap3A_475, %swap3A_476], %mul3A_474 {strides = array<i32>} : memref<160x128xf32, #tpu.memory_space<vmem>>, vector<16xf32>,
      %get3A_478 = arith.index_cast %add3A_447 : i32 to index
      %get3A_479 = arith.constant 48 : index
      %get3A_480 = tpu.vector_load %arg24[%get3A_478, %get3A_479] {strides = array<i32>} : memref<160x128xf32, #tpu.memory_space<vmem>>, vector<16xf32>,
      %slice3A_481 = vector.extract_strided_slice %get3A_194 {offsets = [3], sizes = [1], strides = [1]} : vector<16xf32> to vector<1xf32>
      %squeeze3A_482 = vector.extract %slice3A_481[0] : f32 from vector<1xf32>
      %mul3A_483 = vector.broadcast %squeeze3A_482 : f32 to vector<16xf32>
      %mul3A_484 = arith.mulf %get3A_480, %mul3A_483 : vector<16xf32>
      %swap3A_485 = arith.index_cast %add3A_447 : i32 to index
      %swap3A_486 = arith.constant 48 : index
      %swap3A_487 = tpu.vector_load %arg24[%swap3A_485, %swap3A_486] {strides = array<i32>} : memref<160x128xf32, #tpu.memory_space<vmem>>, vector<16xf32>,
      tpu.vector_store %arg24[%swap3A_485, %swap3A_486], %mul3A_484 {strides = array<i32>} : memref<160x128xf32, #tpu.memory_space<vmem>>, vector<16xf32>,
      %get3A_488 = arith.index_cast %add3A_447 : i32 to index
      %get3A_489 = arith.constant 64 : index
      %get3A_490 = tpu.vector_load %arg24[%get3A_488, %get3A_489] {strides = array<i32>} : memref<160x128xf32, #tpu.memory_space<vmem>>, vector<16xf32>,
      %slice3A_491 = vector.extract_strided_slice %get3A_194 {offsets = [3], sizes = [1], strides = [1]} : vector<16xf32> to vector<1xf32>
      %squeeze3A_492 = vector.extract %slice3A_491[0] : f32 from vector<1xf32>
      %mul3A_493 = vector.broadcast %squeeze3A_492 : f32 to vector<16xf32>
      %mul3A_494 = arith.mulf %get3A_490, %mul3A_493 : vector<16xf32>
      %swap3A_495 = arith.index_cast %add3A_447 : i32 to index
      %swap3A_496 = arith.constant 64 : index
      %swap3A_497 = tpu.vector_load %arg24[%swap3A_495, %swap3A_496] {strides = array<i32>} : memref<160x128xf32, #tpu.memory_space<vmem>>, vector<16xf32>,
      tpu.vector_store %arg24[%swap3A_495, %swap3A_496], %mul3A_494 {strides = array<i32>} : memref<160x128xf32, #tpu.memory_space<vmem>>, vector<16xf32>,
      %get3A_498 = arith.index_cast %add3A_447 : i32 to index
      %get3A_499 = arith.constant 80 : index
      %get3A_500 = tpu.vector_load %arg24[%get3A_498, %get3A_499] {strides = array<i32>} : memref<160x128xf32, #tpu.memory_space<vmem>>, vector<16xf32>,
      %slice3A_501 = vector.extract_strided_slice %get3A_194 {offsets = [3], sizes = [1], strides = [1]} : vector<16xf32> to vector<1xf32>
      %squeeze3A_502 = vector.extract %slice3A_501[0] : f32 from vector<1xf32>
      %mul3A_503 = vector.broadcast %squeeze3A_502 : f32 to vector<16xf32>
      %mul3A_504 = arith.mulf %get3A_500, %mul3A_503 : vector<16xf32>
      %swap3A_505 = arith.index_cast %add3A_447 : i32 to index
      %swap3A_506 = arith.constant 80 : index
      %swap3A_507 = tpu.vector_load %arg24[%swap3A_505, %swap3A_506] {strides = array<i32>} : memref<160x128xf32, #tpu.memory_space<vmem>>, vector<16xf32>,
      tpu.vector_store %arg24[%swap3A_505, %swap3A_506], %mul3A_504 {strides = array<i32>} : memref<160x128xf32, #tpu.memory_space<vmem>>, vector<16xf32>,
      %get3A_508 = arith.index_cast %add3A_447 : i32 to index
      %get3A_509 = arith.constant 96 : index
      %get3A_510 = tpu.vector_load %arg24[%get3A_508, %get3A_509] {strides = array<i32>} : memref<160x128xf32, #tpu.memory_space<vmem>>, vector<16xf32>,
      %slice3A_511 = vector.extract_strided_slice %get3A_194 {offsets = [3], sizes = [1], strides = [1]} : vector<16xf32> to vector<1xf32>
      %squeeze3A_512 = vector.extract %slice3A_511[0] : f32 from vector<1xf32>
      %mul3A_513 = vector.broadcast %squeeze3A_512 : f32 to vector<16xf32>
      %mul3A_514 = arith.mulf %get3A_510, %mul3A_513 : vector<16xf32>
      %swap3A_515 = arith.index_cast %add3A_447 : i32 to index
      %swap3A_516 = arith.constant 96 : index
      %swap3A_517 = tpu.vector_load %arg24[%swap3A_515, %swap3A_516] {strides = array<i32>} : memref<160x128xf32, #tpu.memory_space<vmem>>, vector<16xf32>,
      tpu.vector_store %arg24[%swap3A_515, %swap3A_516], %mul3A_514 {strides = array<i32>} : memref<160x128xf32, #tpu.memory_space<vmem>>, vector<16xf32>,
      %get3A_518 = arith.index_cast %add3A_447 : i32 to index
      %get3A_519 = arith.constant 112 : index
      %get3A_520 = tpu.vector_load %arg24[%get3A_518, %get3A_519] {strides = array<i32>} : memref<160x128xf32, #tpu.memory_space<vmem>>, vector<16xf32>,
      %slice3A_521 = vector.extract_strided_slice %get3A_194 {offsets = [3], sizes = [1], strides = [1]} : vector<16xf32> to vector<1xf32>
      %squeeze3A_522 = vector.extract %slice3A_521[0] : f32 from vector<1xf32>
      %mul3A_523 = vector.broadcast %squeeze3A_522 : f32 to vector<16xf32>
      %mul3A_524 = arith.mulf %get3A_520, %mul3A_523 : vector<16xf32>
      %swap3A_525 = arith.index_cast %add3A_447 : i32 to index
      %swap3A_526 = arith.constant 112 : index
      %swap3A_527 = tpu.vector_load %arg24[%swap3A_525, %swap3A_526] {strides = array<i32>} : memref<160x128xf32, #tpu.memory_space<vmem>>, vector<16xf32>,
      tpu.vector_store %arg24[%swap3A_525, %swap3A_526], %mul3A_524 {strides = array<i32>} : memref<160x128xf32, #tpu.memory_space<vmem>>, vector<16xf32>,
      %mul3A_528 = arith.constant 16 : i32
      %mul3A_529 = arith.muli %scan3A_190, %mul3A_528 : i32
      %add3A_530 = arith.constant 4 : i32
      %add3A_531 = arith.addi %mul3A_529, %add3A_530 : i32
      %get3A_532 = arith.index_cast %add3A_531 : i32 to index
      %get3A_533 = arith.constant 0 : index
      %get3A_534 = tpu.vector_load %arg24[%get3A_532, %get3A_533] {strides = array<i32>} : memref<160x128xf32, #tpu.memory_space<vmem>>, vector<16xf32>,
      %slice3A_535 = vector.extract_strided_slice %get3A_194 {offsets = [4], sizes = [1], strides = [1]} : vector<16xf32> to vector<1xf32>
      %squeeze3A_536 = vector.extract %slice3A_535[0] : f32 from vector<1xf32>
      %mul3A_537 = vector.broadcast %squeeze3A_536 : f32 to vector<16xf32>
      %mul3A_538 = arith.mulf %get3A_534, %mul3A_537 : vector<16xf32>
      %swap3A_539 = arith.index_cast %add3A_531 : i32 to index
      %swap3A_540 = arith.constant 0 : index
      %swap3A_541 = tpu.vector_load %arg24[%swap3A_539, %swap3A_540] {strides = array<i32>} : memref<160x128xf32, #tpu.memory_space<vmem>>, vector<16xf32>,
      tpu.vector_store %arg24[%swap3A_539, %swap3A_540], %mul3A_538 {strides = array<i32>} : memref<160x128xf32, #tpu.memory_space<vmem>>, vector<16xf32>,
      %get3A_542 = arith.index_cast %add3A_531 : i32 to index
      %get3A_543 = arith.constant 16 : index
      %get3A_544 = tpu.vector_load %arg24[%get3A_542, %get3A_543] {strides = array<i32>} : memref<160x128xf32, #tpu.memory_space<vmem>>, vector<16xf32>,
      %slice3A_545 = vector.extract_strided_slice %get3A_194 {offsets = [4], sizes = [1], strides = [1]} : vector<16xf32> to vector<1xf32>
      %squeeze3A_546 = vector.extract %slice3A_545[0] : f32 from vector<1xf32>
      %mul3A_547 = vector.broadcast %squeeze3A_546 : f32 to vector<16xf32>
      %mul3A_548 = arith.mulf %get3A_544, %mul3A_547 : vector<16xf32>
      %swap3A_549 = arith.index_cast %add3A_531 : i32 to index
      %swap3A_550 = arith.constant 16 : index
      %swap3A_551 = tpu.vector_load %arg24[%swap3A_549, %swap3A_550] {strides = array<i32>} : memref<160x128xf32, #tpu.memory_space<vmem>>, vector<16xf32>,
      tpu.vector_store %arg24[%swap3A_549, %swap3A_550], %mul3A_548 {strides = array<i32>} : memref<160x128xf32, #tpu.memory_space<vmem>>, vector<16xf32>,
      %get3A_552 = arith.index_cast %add3A_531 : i32 to index
      %get3A_553 = arith.constant 32 : index
      %get3A_554 = tpu.vector_load %arg24[%get3A_552, %get3A_553] {strides = array<i32>} : memref<160x128xf32, #tpu.memory_space<vmem>>, vector<16xf32>,
      %slice3A_555 = vector.extract_strided_slice %get3A_194 {offsets = [4], sizes = [1], strides = [1]} : vector<16xf32> to vector<1xf32>
      %squeeze3A_556 = vector.extract %slice3A_555[0] : f32 from vector<1xf32>
      %mul3A_557 = vector.broadcast %squeeze3A_556 : f32 to vector<16xf32>
      %mul3A_558 = arith.mulf %get3A_554, %mul3A_557 : vector<16xf32>
      %swap3A_559 = arith.index_cast %add3A_531 : i32 to index
      %swap3A_560 = arith.constant 32 : index
      %swap3A_561 = tpu.vector_load %arg24[%swap3A_559, %swap3A_560] {strides = array<i32>} : memref<160x128xf32, #tpu.memory_space<vmem>>, vector<16xf32>,
      tpu.vector_store %arg24[%swap3A_559, %swap3A_560], %mul3A_558 {strides = array<i32>} : memref<160x128xf32, #tpu.memory_space<vmem>>, vector<16xf32>,
      %get3A_562 = arith.index_cast %add3A_531 : i32 to index
      %get3A_563 = arith.constant 48 : index
      %get3A_564 = tpu.vector_load %arg24[%get3A_562, %get3A_563] {strides = array<i32>} : memref<160x128xf32, #tpu.memory_space<vmem>>, vector<16xf32>,
      %slice3A_565 = vector.extract_strided_slice %get3A_194 {offsets = [4], sizes = [1], strides = [1]} : vector<16xf32> to vector<1xf32>
      %squeeze3A_566 = vector.extract %slice3A_565[0] : f32 from vector<1xf32>
      %mul3A_567 = vector.broadcast %squeeze3A_566 : f32 to vector<16xf32>
      %mul3A_568 = arith.mulf %get3A_564, %mul3A_567 : vector<16xf32>
      %swap3A_569 = arith.index_cast %add3A_531 : i32 to index
      %swap3A_570 = arith.constant 48 : index
      %swap3A_571 = tpu.vector_load %arg24[%swap3A_569, %swap3A_570] {strides = array<i32>} : memref<160x128xf32, #tpu.memory_space<vmem>>, vector<16xf32>,
      tpu.vector_store %arg24[%swap3A_569, %swap3A_570], %mul3A_568 {strides = array<i32>} : memref<160x128xf32, #tpu.memory_space<vmem>>, vector<16xf32>,
      %get3A_572 = arith.index_cast %add3A_531 : i32 to index
      %get3A_573 = arith.constant 64 : index
      %get3A_574 = tpu.vector_load %arg24[%get3A_572, %get3A_573] {strides = array<i32>} : memref<160x128xf32, #tpu.memory_space<vmem>>, vector<16xf32>,
      %slice3A_575 = vector.extract_strided_slice %get3A_194 {offsets = [4], sizes = [1], strides = [1]} : vector<16xf32> to vector<1xf32>
      %squeeze3A_576 = vector.extract %slice3A_575[0] : f32 from vector<1xf32>
      %mul3A_577 = vector.broadcast %squeeze3A_576 : f32 to vector<16xf32>
      %mul3A_578 = arith.mulf %get3A_574, %mul3A_577 : vector<16xf32>
      %swap3A_579 = arith.index_cast %add3A_531 : i32 to index
      %swap3A_580 = arith.constant 64 : index
      %swap3A_581 = tpu.vector_load %arg24[%swap3A_579, %swap3A_580] {strides = array<i32>} : memref<160x128xf32, #tpu.memory_space<vmem>>, vector<16xf32>,
      tpu.vector_store %arg24[%swap3A_579, %swap3A_580], %mul3A_578 {strides = array<i32>} : memref<160x128xf32, #tpu.memory_space<vmem>>, vector<16xf32>,
      %get3A_582 = arith.index_cast %add3A_531 : i32 to index
      %get3A_583 = arith.constant 80 : index
      %get3A_584 = tpu.vector_load %arg24[%get3A_582, %get3A_583] {strides = array<i32>} : memref<160x128xf32, #tpu.memory_space<vmem>>, vector<16xf32>,
      %slice3A_585 = vector.extract_strided_slice %get3A_194 {offsets = [4], sizes = [1], strides = [1]} : vector<16xf32> to vector<1xf32>
      %squeeze3A_586 = vector.extract %slice3A_585[0] : f32 from vector<1xf32>
      %mul3A_587 = vector.broadcast %squeeze3A_586 : f32 to vector<16xf32>
      %mul3A_588 = arith.mulf %get3A_584, %mul3A_587 : vector<16xf32>
      %swap3A_589 = arith.index_cast %add3A_531 : i32 to index
      %swap3A_590 = arith.constant 80 : index
      %swap3A_591 = tpu.vector_load %arg24[%swap3A_589, %swap3A_590] {strides = array<i32>} : memref<160x128xf32, #tpu.memory_space<vmem>>, vector<16xf32>,
      tpu.vector_store %arg24[%swap3A_589, %swap3A_590], %mul3A_588 {strides = array<i32>} : memref<160x128xf32, #tpu.memory_space<vmem>>, vector<16xf32>,
      %get3A_592 = arith.index_cast %add3A_531 : i32 to index
      %get3A_593 = arith.constant 96 : index
      %get3A_594 = tpu.vector_load %arg24[%get3A_592, %get3A_593] {strides = array<i32>} : memref<160x128xf32, #tpu.memory_space<vmem>>, vector<16xf32>,
      %slice3A_595 = vector.extract_strided_slice %get3A_194 {offsets = [4], sizes = [1], strides = [1]} : vector<16xf32> to vector<1xf32>
      %squeeze3A_596 = vector.extract %slice3A_595[0] : f32 from vector<1xf32>
      %mul3A_597 = vector.broadcast %squeeze3A_596 : f32 to vector<16xf32>
      %mul3A_598 = arith.mulf %get3A_594, %mul3A_597 : vector<16xf32>
      %swap3A_599 = arith.index_cast %add3A_531 : i32 to index
      %swap3A_600 = arith.constant 96 : index
      %swap3A_601 = tpu.vector_load %arg24[%swap3A_599, %swap3A_600] {strides = array<i32>} : memref<160x128xf32, #tpu.memory_space<vmem>>, vector<16xf32>,
      tpu.vector_store %arg24[%swap3A_599, %swap3A_600], %mul3A_598 {strides = array<i32>} : memref<160x128xf32, #tpu.memory_space<vmem>>, vector<16xf32>,
      %get3A_602 = arith.index_cast %add3A_531 : i32 to index
      %get3A_603 = arith.constant 112 : index
      %get3A_604 = tpu.vector_load %arg24[%get3A_602, %get3A_603] {strides = array<i32>} : memref<160x128xf32, #tpu.memory_space<vmem>>, vector<16xf32>,
      %slice3A_605 = vector.extract_strided_slice %get3A_194 {offsets = [4], sizes = [1], strides = [1]} : vector<16xf32> to vector<1xf32>
      %squeeze3A_606 = vector.extract %slice3A_605[0] : f32 from vector<1xf32>
      %mul3A_607 = vector.broadcast %squeeze3A_606 : f32 to vector<16xf32>
      %mul3A_608 = arith.mulf %get3A_604, %mul3A_607 : vector<16xf32>
      %swap3A_609 = arith.index_cast %add3A_531 : i32 to index
      %swap3A_610 = arith.constant 112 : index
      %swap3A_611 = tpu.vector_load %arg24[%swap3A_609, %swap3A_610] {strides = array<i32>} : memref<160x128xf32, #tpu.memory_space<vmem>>, vector<16xf32>,
      tpu.vector_store %arg24[%swap3A_609, %swap3A_610], %mul3A_608 {strides = array<i32>} : memref<160x128xf32, #tpu.memory_space<vmem>>, vector<16xf32>,
      %mul3A_612 = arith.constant 16 : i32
      %mul3A_613 = arith.muli %scan3A_190, %mul3A_612 : i32
      %add3A_614 = arith.constant 5 : i32
      %add3A_615 = arith.addi %mul3A_613, %add3A_614 : i32
      %get3A_616 = arith.index_cast %add3A_615 : i32 to index
      %get3A_617 = arith.constant 0 : index
      %get3A_618 = tpu.vector_load %arg24[%get3A_616, %get3A_617] {strides = array<i32>} : memref<160x128xf32, #tpu.memory_space<vmem>>, vector<16xf32>,
      %slice3A_619 = vector.extract_strided_slice %get3A_194 {offsets = [5], sizes = [1], strides = [1]} : vector<16xf32> to vector<1xf32>
      %squeeze3A_620 = vector.extract %slice3A_619[0] : f32 from vector<1xf32>
      %mul3A_621 = vector.broadcast %squeeze3A_620 : f32 to vector<16xf32>
      %mul3A_622 = arith.mulf %get3A_618, %mul3A_621 : vector<16xf32>
      %swap3A_623 = arith.index_cast %add3A_615 : i32 to index
      %swap3A_624 = arith.constant 0 : index
      %swap3A_625 = tpu.vector_load %arg24[%swap3A_623, %swap3A_624] {strides = array<i32>} : memref<160x128xf32, #tpu.memory_space<vmem>>, vector<16xf32>,
      tpu.vector_store %arg24[%swap3A_623, %swap3A_624], %mul3A_622 {strides = array<i32>} : memref<160x128xf32, #tpu.memory_space<vmem>>, vector<16xf32>,
      %get3A_626 = arith.index_cast %add3A_615 : i32 to index
      %get3A_627 = arith.constant 16 : index
      %get3A_628 = tpu.vector_load %arg24[%get3A_626, %get3A_627] {strides = array<i32>} : memref<160x128xf32, #tpu.memory_space<vmem>>, vector<16xf32>,
      %slice3A_629 = vector.extract_strided_slice %get3A_194 {offsets = [5], sizes = [1], strides = [1]} : vector<16xf32> to vector<1xf32>
      %squeeze3A_630 = vector.extract %slice3A_629[0] : f32 from vector<1xf32>
      %mul3A_631 = vector.broadcast %squeeze3A_630 : f32 to vector<16xf32>
      %mul3A_632 = arith.mulf %get3A_628, %mul3A_631 : vector<16xf32>
      %swap3A_633 = arith.index_cast %add3A_615 : i32 to index
      %swap3A_634 = arith.constant 16 : index
      %swap3A_635 = tpu.vector_load %arg24[%swap3A_633, %swap3A_634] {strides = array<i32>} : memref<160x128xf32, #tpu.memory_space<vmem>>, vector<16xf32>,
      tpu.vector_store %arg24[%swap3A_633, %swap3A_634], %mul3A_632 {strides = array<i32>} : memref<160x128xf32, #tpu.memory_space<vmem>>, vector<16xf32>,
      %get3A_636 = arith.index_cast %add3A_615 : i32 to index
      %get3A_637 = arith.constant 32 : index
      %get3A_638 = tpu.vector_load %arg24[%get3A_636, %get3A_637] {strides = array<i32>} : memref<160x128xf32, #tpu.memory_space<vmem>>, vector<16xf32>,
      %slice3A_639 = vector.extract_strided_slice %get3A_194 {offsets = [5], sizes = [1], strides = [1]} : vector<16xf32> to vector<1xf32>
      %squeeze3A_640 = vector.extract %slice3A_639[0] : f32 from vector<1xf32>
      %mul3A_641 = vector.broadcast %squeeze3A_640 : f32 to vector<16xf32>
      %mul3A_642 = arith.mulf %get3A_638, %mul3A_641 : vector<16xf32>
      %swap3A_643 = arith.index_cast %add3A_615 : i32 to index
      %swap3A_644 = arith.constant 32 : index
      %swap3A_645 = tpu.vector_load %arg24[%swap3A_643, %swap3A_644] {strides = array<i32>} : memref<160x128xf32, #tpu.memory_space<vmem>>, vector<16xf32>,
      tpu.vector_store %arg24[%swap3A_643, %swap3A_644], %mul3A_642 {strides = array<i32>} : memref<160x128xf32, #tpu.memory_space<vmem>>, vector<16xf32>,
      %get3A_646 = arith.index_cast %add3A_615 : i32 to index
      %get3A_647 = arith.constant 48 : index
      %get3A_648 = tpu.vector_load %arg24[%get3A_646, %get3A_647] {strides = array<i32>} : memref<160x128xf32, #tpu.memory_space<vmem>>, vector<16xf32>,
      %slice3A_649 = vector.extract_strided_slice %get3A_194 {offsets = [5], sizes = [1], strides = [1]} : vector<16xf32> to vector<1xf32>
      %squeeze3A_650 = vector.extract %slice3A_649[0] : f32 from vector<1xf32>
      %mul3A_651 = vector.broadcast %squeeze3A_650 : f32 to vector<16xf32>
      %mul3A_652 = arith.mulf %get3A_648, %mul3A_651 : vector<16xf32>
      %swap3A_653 = arith.index_cast %add3A_615 : i32 to index
      %swap3A_654 = arith.constant 48 : index
      %swap3A_655 = tpu.vector_load %arg24[%swap3A_653, %swap3A_654] {strides = array<i32>} : memref<160x128xf32, #tpu.memory_space<vmem>>, vector<16xf32>,
      tpu.vector_store %arg24[%swap3A_653, %swap3A_654], %mul3A_652 {strides = array<i32>} : memref<160x128xf32, #tpu.memory_space<vmem>>, vector<16xf32>,
      %get3A_656 = arith.index_cast %add3A_615 : i32 to index
      %get3A_657 = arith.constant 64 : index
      %get3A_658 = tpu.vector_load %arg24[%get3A_656, %get3A_657] {strides = array<i32>} : memref<160x128xf32, #tpu.memory_space<vmem>>, vector<16xf32>,
      %slice3A_659 = vector.extract_strided_slice %get3A_194 {offsets = [5], sizes = [1], strides = [1]} : vector<16xf32> to vector<1xf32>
      %squeeze3A_660 = vector.extract %slice3A_659[0] : f32 from vector<1xf32>
      %mul3A_661 = vector.broadcast %squeeze3A_660 : f32 to vector<16xf32>
      %mul3A_662 = arith.mulf %get3A_658, %mul3A_661 : vector<16xf32>
      %swap3A_663 = arith.index_cast %add3A_615 : i32 to index
      %swap3A_664 = arith.constant 64 : index
      %swap3A_665 = tpu.vector_load %arg24[%swap3A_663, %swap3A_664] {strides = array<i32>} : memref<160x128xf32, #tpu.memory_space<vmem>>, vector<16xf32>,
      tpu.vector_store %arg24[%swap3A_663, %swap3A_664], %mul3A_662 {strides = array<i32>} : memref<160x128xf32, #tpu.memory_space<vmem>>, vector<16xf32>,
      %get3A_666 = arith.index_cast %add3A_615 : i32 to index
      %get3A_667 = arith.constant 80 : index
      %get3A_668 = tpu.vector_load %arg24[%get3A_666, %get3A_667] {strides = array<i32>} : memref<160x128xf32, #tpu.memory_space<vmem>>, vector<16xf32>,
      %slice3A_669 = vector.extract_strided_slice %get3A_194 {offsets = [5], sizes = [1], strides = [1]} : vector<16xf32> to vector<1xf32>
      %squeeze3A_670 = vector.extract %slice3A_669[0] : f32 from vector<1xf32>
      %mul3A_671 = vector.broadcast %squeeze3A_670 : f32 to vector<16xf32>
      %mul3A_672 = arith.mulf %get3A_668, %mul3A_671 : vector<16xf32>
      %swap3A_673 = arith.index_cast %add3A_615 : i32 to index
      %swap3A_674 = arith.constant 80 : index
      %swap3A_675 = tpu.vector_load %arg24[%swap3A_673, %swap3A_674] {strides = array<i32>} : memref<160x128xf32, #tpu.memory_space<vmem>>, vector<16xf32>,
      tpu.vector_store %arg24[%swap3A_673, %swap3A_674], %mul3A_672 {strides = array<i32>} : memref<160x128xf32, #tpu.memory_space<vmem>>, vector<16xf32>,
      %get3A_676 = arith.index_cast %add3A_615 : i32 to index
      %get3A_677 = arith.constant 96 : index
      %get3A_678 = tpu.vector_load %arg24[%get3A_676, %get3A_677] {strides = array<i32>} : memref<160x128xf32, #tpu.memory_space<vmem>>, vector<16xf32>,
      %slice3A_679 = vector.extract_strided_slice %get3A_194 {offsets = [5], sizes = [1], strides = [1]} : vector<16xf32> to vector<1xf32>
      %squeeze3A_680 = vector.extract %slice3A_679[0] : f32 from vector<1xf32>
      %mul3A_681 = vector.broadcast %squeeze3A_680 : f32 to vector<16xf32>
      %mul3A_682 = arith.mulf %get3A_678, %mul3A_681 : vector<16xf32>
      %swap3A_683 = arith.index_cast %add3A_615 : i32 to index
      %swap3A_684 = arith.constant 96 : index
      %swap3A_685 = tpu.vector_load %arg24[%swap3A_683, %swap3A_684] {strides = array<i32>} : memref<160x128xf32, #tpu.memory_space<vmem>>, vector<16xf32>,
      tpu.vector_store %arg24[%swap3A_683, %swap3A_684], %mul3A_682 {strides = array<i32>} : memref<160x128xf32, #tpu.memory_space<vmem>>, vector<16xf32>,
      %get3A_686 = arith.index_cast %add3A_615 : i32 to index
      %get3A_687 = arith.constant 112 : index
      %get3A_688 = tpu.vector_load %arg24[%get3A_686, %get3A_687] {strides = array<i32>} : memref<160x128xf32, #tpu.memory_space<vmem>>, vector<16xf32>,
      %slice3A_689 = vector.extract_strided_slice %get3A_194 {offsets = [5], sizes = [1], strides = [1]} : vector<16xf32> to vector<1xf32>
      %squeeze3A_690 = vector.extract %slice3A_689[0] : f32 from vector<1xf32>
      %mul3A_691 = vector.broadcast %squeeze3A_690 : f32 to vector<16xf32>
      %mul3A_692 = arith.mulf %get3A_688, %mul3A_691 : vector<16xf32>
      %swap3A_693 = arith.index_cast %add3A_615 : i32 to index
      %swap3A_694 = arith.constant 112 : index
      %swap3A_695 = tpu.vector_load %arg24[%swap3A_693, %swap3A_694] {strides = array<i32>} : memref<160x128xf32, #tpu.memory_space<vmem>>, vector<16xf32>,
      tpu.vector_store %arg24[%swap3A_693, %swap3A_694], %mul3A_692 {strides = array<i32>} : memref<160x128xf32, #tpu.memory_space<vmem>>, vector<16xf32>,
      %mul3A_696 = arith.constant 16 : i32
      %mul3A_697 = arith.muli %scan3A_190, %mul3A_696 : i32
      %add3A_698 = arith.constant 6 : i32
      %add3A_699 = arith.addi %mul3A_697, %add3A_698 : i32
      %get3A_700 = arith.index_cast %add3A_699 : i32 to index
      %get3A_701 = arith.constant 0 : index
      %get3A_702 = tpu.vector_load %arg24[%get3A_700, %get3A_701] {strides = array<i32>} : memref<160x128xf32, #tpu.memory_space<vmem>>, vector<16xf32>,
      %slice3A_703 = vector.extract_strided_slice %get3A_194 {offsets = [6], sizes = [1], strides = [1]} : vector<16xf32> to vector<1xf32>
      %squeeze3A_704 = vector.extract %slice3A_703[0] : f32 from vector<1xf32>
      %mul3A_705 = vector.broadcast %squeeze3A_704 : f32 to vector<16xf32>
      %mul3A_706 = arith.mulf %get3A_702, %mul3A_705 : vector<16xf32>
      %swap3A_707 = arith.index_cast %add3A_699 : i32 to index
      %swap3A_708 = arith.constant 0 : index
      %swap3A_709 = tpu.vector_load %arg24[%swap3A_707, %swap3A_708] {strides = array<i32>} : memref<160x128xf32, #tpu.memory_space<vmem>>, vector<16xf32>,
      tpu.vector_store %arg24[%swap3A_707, %swap3A_708], %mul3A_706 {strides = array<i32>} : memref<160x128xf32, #tpu.memory_space<vmem>>, vector<16xf32>,
      %get3A_710 = arith.index_cast %add3A_699 : i32 to index
      %get3A_711 = arith.constant 16 : index
      %get3A_712 = tpu.vector_load %arg24[%get3A_710, %get3A_711] {strides = array<i32>} : memref<160x128xf32, #tpu.memory_space<vmem>>, vector<16xf32>,
      %slice3A_713 = vector.extract_strided_slice %get3A_194 {offsets = [6], sizes = [1], strides = [1]} : vector<16xf32> to vector<1xf32>
      %squeeze3A_714 = vector.extract %slice3A_713[0] : f32 from vector<1xf32>
      %mul3A_715 = vector.broadcast %squeeze3A_714 : f32 to vector<16xf32>
      %mul3A_716 = arith.mulf %get3A_712, %mul3A_715 : vector<16xf32>
      %swap3A_717 = arith.index_cast %add3A_699 : i32 to index
      %swap3A_718 = arith.constant 16 : index
      %swap3A_719 = tpu.vector_load %arg24[%swap3A_717, %swap3A_718] {strides = array<i32>} : memref<160x128xf32, #tpu.memory_space<vmem>>, vector<16xf32>,
      tpu.vector_store %arg24[%swap3A_717, %swap3A_718], %mul3A_716 {strides = array<i32>} : memref<160x128xf32, #tpu.memory_space<vmem>>, vector<16xf32>,
      %get3A_720 = arith.index_cast %add3A_699 : i32 to index
      %get3A_721 = arith.constant 32 : index
      %get3A_722 = tpu.vector_load %arg24[%get3A_720, %get3A_721] {strides = array<i32>} : memref<160x128xf32, #tpu.memory_space<vmem>>, vector<16xf32>,
      %slice3A_723 = vector.extract_strided_slice %get3A_194 {offsets = [6], sizes = [1], strides = [1]} : vector<16xf32> to vector<1xf32>
      %squeeze3A_724 = vector.extract %slice3A_723[0] : f32 from vector<1xf32>
      %mul3A_725 = vector.broadcast %squeeze3A_724 : f32 to vector<16xf32>
      %mul3A_726 = arith.mulf %get3A_722, %mul3A_725 : vector<16xf32>
      %swap3A_727 = arith.index_cast %add3A_699 : i32 to index
      %swap3A_728 = arith.constant 32 : index
      %swap3A_729 = tpu.vector_load %arg24[%swap3A_727, %swap3A_728] {strides = array<i32>} : memref<160x128xf32, #tpu.memory_space<vmem>>, vector<16xf32>,
      tpu.vector_store %arg24[%swap3A_727, %swap3A_728], %mul3A_726 {strides = array<i32>} : memref<160x128xf32, #tpu.memory_space<vmem>>, vector<16xf32>,
      %get3A_730 = arith.index_cast %add3A_699 : i32 to index
      %get3A_731 = arith.constant 48 : index
      %get3A_732 = tpu.vector_load %arg24[%get3A_730, %get3A_731] {strides = array<i32>} : memref<160x128xf32, #tpu.memory_space<vmem>>, vector<16xf32>,
      %slice3A_733 = vector.extract_strided_slice %get3A_194 {offsets = [6], sizes = [1], strides = [1]} : vector<16xf32> to vector<1xf32>
      %squeeze3A_734 = vector.extract %slice3A_733[0] : f32 from vector<1xf32>
      %mul3A_735 = vector.broadcast %squeeze3A_734 : f32 to vector<16xf32>
      %mul3A_736 = arith.mulf %get3A_732, %mul3A_735 : vector<16xf32>
      %swap3A_737 = arith.index_cast %add3A_699 : i32 to index
      %swap3A_738 = arith.constant 48 : index
      %swap3A_739 = tpu.vector_load %arg24[%swap3A_737, %swap3A_738] {strides = array<i32>} : memref<160x128xf32, #tpu.memory_space<vmem>>, vector<16xf32>,
      tpu.vector_store %arg24[%swap3A_737, %swap3A_738], %mul3A_736 {strides = array<i32>} : memref<160x128xf32, #tpu.memory_space<vmem>>, vector<16xf32>,
      %get3A_740 = arith.index_cast %add3A_699 : i32 to index
      %get3A_741 = arith.constant 64 : index
      %get3A_742 = tpu.vector_load %arg24[%get3A_740, %get3A_741] {strides = array<i32>} : memref<160x128xf32, #tpu.memory_space<vmem>>, vector<16xf32>,
      %slice3A_743 = vector.extract_strided_slice %get3A_194 {offsets = [6], sizes = [1], strides = [1]} : vector<16xf32> to vector<1xf32>
      %squeeze3A_744 = vector.extract %slice3A_743[0] : f32 from vector<1xf32>
      %mul3A_745 = vector.broadcast %squeeze3A_744 : f32 to vector<16xf32>
      %mul3A_746 = arith.mulf %get3A_742, %mul3A_745 : vector<16xf32>
      %swap3A_747 = arith.index_cast %add3A_699 : i32 to index
      %swap3A_748 = arith.constant 64 : index
      %swap3A_749 = tpu.vector_load %arg24[%swap3A_747, %swap3A_748] {strides = array<i32>} : memref<160x128xf32, #tpu.memory_space<vmem>>, vector<16xf32>,
      tpu.vector_store %arg24[%swap3A_747, %swap3A_748], %mul3A_746 {strides = array<i32>} : memref<160x128xf32, #tpu.memory_space<vmem>>, vector<16xf32>,
      %get3A_750 = arith.index_cast %add3A_699 : i32 to index
      %get3A_751 = arith.constant 80 : index
      %get3A_752 = tpu.vector_load %arg24[%get3A_750, %get3A_751] {strides = array<i32>} : memref<160x128xf32, #tpu.memory_space<vmem>>, vector<16xf32>,
      %slice3A_753 = vector.extract_strided_slice %get3A_194 {offsets = [6], sizes = [1], strides = [1]} : vector<16xf32> to vector<1xf32>
      %squeeze3A_754 = vector.extract %slice3A_753[0] : f32 from vector<1xf32>
      %mul3A_755 = vector.broadcast %squeeze3A_754 : f32 to vector<16xf32>
      %mul3A_756 = arith.mulf %get3A_752, %mul3A_755 : vector<16xf32>
      %swap3A_757 = arith.index_cast %add3A_699 : i32 to index
      %swap3A_758 = arith.constant 80 : index
      %swap3A_759 = tpu.vector_load %arg24[%swap3A_757, %swap3A_758] {strides = array<i32>} : memref<160x128xf32, #tpu.memory_space<vmem>>, vector<16xf32>,
      tpu.vector_store %arg24[%swap3A_757, %swap3A_758], %mul3A_756 {strides = array<i32>} : memref<160x128xf32, #tpu.memory_space<vmem>>, vector<16xf32>,
      %get3A_760 = arith.index_cast %add3A_699 : i32 to index
      %get3A_761 = arith.constant 96 : index
      %get3A_762 = tpu.vector_load %arg24[%get3A_760, %get3A_761] {strides = array<i32>} : memref<160x128xf32, #tpu.memory_space<vmem>>, vector<16xf32>,
      %slice3A_763 = vector.extract_strided_slice %get3A_194 {offsets = [6], sizes = [1], strides = [1]} : vector<16xf32> to vector<1xf32>
      %squeeze3A_764 = vector.extract %slice3A_763[0] : f32 from vector<1xf32>
      %mul3A_765 = vector.broadcast %squeeze3A_764 : f32 to vector<16xf32>
      %mul3A_766 = arith.mulf %get3A_762, %mul3A_765 : vector<16xf32>
      %swap3A_767 = arith.index_cast %add3A_699 : i32 to index
      %swap3A_768 = arith.constant 96 : index
      %swap3A_769 = tpu.vector_load %arg24[%swap3A_767, %swap3A_768] {strides = array<i32>} : memref<160x128xf32, #tpu.memory_space<vmem>>, vector<16xf32>,
      tpu.vector_store %arg24[%swap3A_767, %swap3A_768], %mul3A_766 {strides = array<i32>} : memref<160x128xf32, #tpu.memory_space<vmem>>, vector<16xf32>,
      %get3A_770 = arith.index_cast %add3A_699 : i32 to index
      %get3A_771 = arith.constant 112 : index
      %get3A_772 = tpu.vector_load %arg24[%get3A_770, %get3A_771] {strides = array<i32>} : memref<160x128xf32, #tpu.memory_space<vmem>>, vector<16xf32>,
      %slice3A_773 = vector.extract_strided_slice %get3A_194 {offsets = [6], sizes = [1], strides = [1]} : vector<16xf32> to vector<1xf32>
      %squeeze3A_774 = vector.extract %slice3A_773[0] : f32 from vector<1xf32>
      %mul3A_775 = vector.broadcast %squeeze3A_774 : f32 to vector<16xf32>
      %mul3A_776 = arith.mulf %get3A_772, %mul3A_775 : vector<16xf32>
      %swap3A_777 = arith.index_cast %add3A_699 : i32 to index
      %swap3A_778 = arith.constant 112 : index
      %swap3A_779 = tpu.vector_load %arg24[%swap3A_777, %swap3A_778] {strides = array<i32>} : memref<160x128xf32, #tpu.memory_space<vmem>>, vector<16xf32>,
      tpu.vector_store %arg24[%swap3A_777, %swap3A_778], %mul3A_776 {strides = array<i32>} : memref<160x128xf32, #tpu.memory_space<vmem>>, vector<16xf32>,
      %mul3A_780 = arith.constant 16 : i32
      %mul3A_781 = arith.muli %scan3A_190, %mul3A_780 : i32
      %add3A_782 = arith.constant 7 : i32
      %add3A_783 = arith.addi %mul3A_781, %add3A_782 : i32
      %get3A_784 = arith.index_cast %add3A_783 : i32 to index
      %get3A_785 = arith.constant 0 : index
      %get3A_786 = tpu.vector_load %arg24[%get3A_784, %get3A_785] {strides = array<i32>} : memref<160x128xf32, #tpu.memory_space<vmem>>, vector<16xf32>,
      %slice3A_787 = vector.extract_strided_slice %get3A_194 {offsets = [7], sizes = [1], strides = [1]} : vector<16xf32> to vector<1xf32>
      %squeeze3A_788 = vector.extract %slice3A_787[0] : f32 from vector<1xf32>
      %mul3A_789 = vector.broadcast %squeeze3A_788 : f32 to vector<16xf32>
      %mul3A_790 = arith.mulf %get3A_786, %mul3A_789 : vector<16xf32>
      %swap3A_791 = arith.index_cast %add3A_783 : i32 to index
      %swap3A_792 = arith.constant 0 : index
      %swap3A_793 = tpu.vector_load %arg24[%swap3A_791, %swap3A_792] {strides = array<i32>} : memref<160x128xf32, #tpu.memory_space<vmem>>, vector<16xf32>,
      tpu.vector_store %arg24[%swap3A_791, %swap3A_792], %mul3A_790 {strides = array<i32>} : memref<160x128xf32, #tpu.memory_space<vmem>>, vector<16xf32>,
      %get3A_794 = arith.index_cast %add3A_783 : i32 to index
      %get3A_795 = arith.constant 16 : index
      %get3A_796 = tpu.vector_load %arg24[%get3A_794, %get3A_795] {strides = array<i32>} : memref<160x128xf32, #tpu.memory_space<vmem>>, vector<16xf32>,
      %slice3A_797 = vector.extract_strided_slice %get3A_194 {offsets = [7], sizes = [1], strides = [1]} : vector<16xf32> to vector<1xf32>
      %squeeze3A_798 = vector.extract %slice3A_797[0] : f32 from vector<1xf32>
      %mul3A_799 = vector.broadcast %squeeze3A_798 : f32 to vector<16xf32>
      %mul3A_800 = arith.mulf %get3A_796, %mul3A_799 : vector<16xf32>
      %swap3A_801 = arith.index_cast %add3A_783 : i32 to index
      %swap3A_802 = arith.constant 16 : index
      %swap3A_803 = tpu.vector_load %arg24[%swap3A_801, %swap3A_802] {strides = array<i32>} : memref<160x128xf32, #tpu.memory_space<vmem>>, vector<16xf32>,
      tpu.vector_store %arg24[%swap3A_801, %swap3A_802], %mul3A_800 {strides = array<i32>} : memref<160x128xf32, #tpu.memory_space<vmem>>, vector<16xf32>,
      %get3A_804 = arith.index_cast %add3A_783 : i32 to index
      %get3A_805 = arith.constant 32 : index
      %get3A_806 = tpu.vector_load %arg24[%get3A_804, %get3A_805] {strides = array<i32>} : memref<160x128xf32, #tpu.memory_space<vmem>>, vector<16xf32>,
      %slice3A_807 = vector.extract_strided_slice %get3A_194 {offsets = [7], sizes = [1], strides = [1]} : vector<16xf32> to vector<1xf32>
      %squeeze3A_808 = vector.extract %slice3A_807[0] : f32 from vector<1xf32>
      %mul3A_809 = vector.broadcast %squeeze3A_808 : f32 to vector<16xf32>
      %mul3A_810 = arith.mulf %get3A_806, %mul3A_809 : vector<16xf32>
      %swap3A_811 = arith.index_cast %add3A_783 : i32 to index
      %swap3A_812 = arith.constant 32 : index
      %swap3A_813 = tpu.vector_load %arg24[%swap3A_811, %swap3A_812] {strides = array<i32>} : memref<160x128xf32, #tpu.memory_space<vmem>>, vector<16xf32>,
      tpu.vector_store %arg24[%swap3A_811, %swap3A_812], %mul3A_810 {strides = array<i32>} : memref<160x128xf32, #tpu.memory_space<vmem>>, vector<16xf32>,
      %get3A_814 = arith.index_cast %add3A_783 : i32 to index
      %get3A_815 = arith.constant 48 : index
      %get3A_816 = tpu.vector_load %arg24[%get3A_814, %get3A_815] {strides = array<i32>} : memref<160x128xf32, #tpu.memory_space<vmem>>, vector<16xf32>,
      %slice3A_817 = vector.extract_strided_slice %get3A_194 {offsets = [7], sizes = [1], strides = [1]} : vector<16xf32> to vector<1xf32>
      %squeeze3A_818 = vector.extract %slice3A_817[0] : f32 from vector<1xf32>
      %mul3A_819 = vector.broadcast %squeeze3A_818 : f32 to vector<16xf32>
      %mul3A_820 = arith.mulf %get3A_816, %mul3A_819 : vector<16xf32>
      %swap3A_821 = arith.index_cast %add3A_783 : i32 to index
      %swap3A_822 = arith.constant 48 : index
      %swap3A_823 = tpu.vector_load %arg24[%swap3A_821, %swap3A_822] {strides = array<i32>} : memref<160x128xf32, #tpu.memory_space<vmem>>, vector<16xf32>,
      tpu.vector_store %arg24[%swap3A_821, %swap3A_822], %mul3A_820 {strides = array<i32>} : memref<160x128xf32, #tpu.memory_space<vmem>>, vector<16xf32>,
      %get3A_824 = arith.index_cast %add3A_783 : i32 to index
      %get3A_825 = arith.constant 64 : index
      %get3A_826 = tpu.vector_load %arg24[%get3A_824, %get3A_825] {strides = array<i32>} : memref<160x128xf32, #tpu.memory_space<vmem>>, vector<16xf32>,
      %slice3A_827 = vector.extract_strided_slice %get3A_194 {offsets = [7], sizes = [1], strides = [1]} : vector<16xf32> to vector<1xf32>
      %squeeze3A_828 = vector.extract %slice3A_827[0] : f32 from vector<1xf32>
      %mul3A_829 = vector.broadcast %squeeze3A_828 : f32 to vector<16xf32>
      %mul3A_830 = arith.mulf %get3A_826, %mul3A_829 : vector<16xf32>
      %swap3A_831 = arith.index_cast %add3A_783 : i32 to index
      %swap3A_832 = arith.constant 64 : index
      %swap3A_833 = tpu.vector_load %arg24[%swap3A_831, %swap3A_832] {strides = array<i32>} : memref<160x128xf32, #tpu.memory_space<vmem>>, vector<16xf32>,
      tpu.vector_store %arg24[%swap3A_831, %swap3A_832], %mul3A_830 {strides = array<i32>} : memref<160x128xf32, #tpu.memory_space<vmem>>, vector<16xf32>,
      %get3A_834 = arith.index_cast %add3A_783 : i32 to index
      %get3A_835 = arith.constant 80 : index
      %get3A_836 = tpu.vector_load %arg24[%get3A_834, %get3A_835] {strides = array<i32>} : memref<160x128xf32, #tpu.memory_space<vmem>>, vector<16xf32>,
      %slice3A_837 = vector.extract_strided_slice %get3A_194 {offsets = [7], sizes = [1], strides = [1]} : vector<16xf32> to vector<1xf32>
      %squeeze3A_838 = vector.extract %slice3A_837[0] : f32 from vector<1xf32>
      %mul3A_839 = vector.broadcast %squeeze3A_838 : f32 to vector<16xf32>
      %mul3A_840 = arith.mulf %get3A_836, %mul3A_839 : vector<16xf32>
      %swap3A_841 = arith.index_cast %add3A_783 : i32 to index
      %swap3A_842 = arith.constant 80 : index
      %swap3A_843 = tpu.vector_load %arg24[%swap3A_841, %swap3A_842] {strides = array<i32>} : memref<160x128xf32, #tpu.memory_space<vmem>>, vector<16xf32>,
      tpu.vector_store %arg24[%swap3A_841, %swap3A_842], %mul3A_840 {strides = array<i32>} : memref<160x128xf32, #tpu.memory_space<vmem>>, vector<16xf32>,
      %get3A_844 = arith.index_cast %add3A_783 : i32 to index
      %get3A_845 = arith.constant 96 : index
      %get3A_846 = tpu.vector_load %arg24[%get3A_844, %get3A_845] {strides = array<i32>} : memref<160x128xf32, #tpu.memory_space<vmem>>, vector<16xf32>,
      %slice3A_847 = vector.extract_strided_slice %get3A_194 {offsets = [7], sizes = [1], strides = [1]} : vector<16xf32> to vector<1xf32>
      %squeeze3A_848 = vector.extract %slice3A_847[0] : f32 from vector<1xf32>
      %mul3A_849 = vector.broadcast %squeeze3A_848 : f32 to vector<16xf32>
      %mul3A_850 = arith.mulf %get3A_846, %mul3A_849 : vector<16xf32>
      %swap3A_851 = arith.index_cast %add3A_783 : i32 to index
      %swap3A_852 = arith.constant 96 : index
      %swap3A_853 = tpu.vector_load %arg24[%swap3A_851, %swap3A_852] {strides = array<i32>} : memref<160x128xf32, #tpu.memory_space<vmem>>, vector<16xf32>,
      tpu.vector_store %arg24[%swap3A_851, %swap3A_852], %mul3A_850 {strides = array<i32>} : memref<160x128xf32, #tpu.memory_space<vmem>>, vector<16xf32>,
      %get3A_854 = arith.index_cast %add3A_783 : i32 to index
      %get3A_855 = arith.constant 112 : index
      %get3A_856 = tpu.vector_load %arg24[%get3A_854, %get3A_855] {strides = array<i32>} : memref<160x128xf32, #tpu.memory_space<vmem>>, vector<16xf32>,
      %slice3A_857 = vector.extract_strided_slice %get3A_194 {offsets = [7], sizes = [1], strides = [1]} : vector<16xf32> to vector<1xf32>
      %squeeze3A_858 = vector.extract %slice3A_857[0] : f32 from vector<1xf32>
      %mul3A_859 = vector.broadcast %squeeze3A_858 : f32 to vector<16xf32>
      %mul3A_860 = arith.mulf %get3A_856, %mul3A_859 : vector<16xf32>
      %swap3A_861 = arith.index_cast %add3A_783 : i32 to index
      %swap3A_862 = arith.constant 112 : index
      %swap3A_863 = tpu.vector_load %arg24[%swap3A_861, %swap3A_862] {strides = array<i32>} : memref<160x128xf32, #tpu.memory_space<vmem>>, vector<16xf32>,
      tpu.vector_store %arg24[%swap3A_861, %swap3A_862], %mul3A_860 {strides = array<i32>} : memref<160x128xf32, #tpu.memory_space<vmem>>, vector<16xf32>,
      %mul3A_864 = arith.constant 16 : i32
      %mul3A_865 = arith.muli %scan3A_190, %mul3A_864 : i32
      %add3A_866 = arith.constant 8 : i32
      %add3A_867 = arith.addi %mul3A_865, %add3A_866 : i32
      %get3A_868 = arith.index_cast %add3A_867 : i32 to index
      %get3A_869 = arith.constant 0 : index
      %get3A_870 = tpu.vector_load %arg24[%get3A_868, %get3A_869] {strides = array<i32>} : memref<160x128xf32, #tpu.memory_space<vmem>>, vector<16xf32>,
      %slice3A_871 = vector.extract_strided_slice %get3A_194 {offsets = [8], sizes = [1], strides = [1]} : vector<16xf32> to vector<1xf32>
      %squeeze3A_872 = vector.extract %slice3A_871[0] : f32 from vector<1xf32>
      %mul3A_873 = vector.broadcast %squeeze3A_872 : f32 to vector<16xf32>
      %mul3A_874 = arith.mulf %get3A_870, %mul3A_873 : vector<16xf32>
      %swap3A_875 = arith.index_cast %add3A_867 : i32 to index
      %swap3A_876 = arith.constant 0 : index
      %swap3A_877 = tpu.vector_load %arg24[%swap3A_875, %swap3A_876] {strides = array<i32>} : memref<160x128xf32, #tpu.memory_space<vmem>>, vector<16xf32>,
      tpu.vector_store %arg24[%swap3A_875, %swap3A_876], %mul3A_874 {strides = array<i32>} : memref<160x128xf32, #tpu.memory_space<vmem>>, vector<16xf32>,
      %get3A_878 = arith.index_cast %add3A_867 : i32 to index
      %get3A_879 = arith.constant 16 : index
      %get3A_880 = tpu.vector_load %arg24[%get3A_878, %get3A_879] {strides = array<i32>} : memref<160x128xf32, #tpu.memory_space<vmem>>, vector<16xf32>,
      %slice3A_881 = vector.extract_strided_slice %get3A_194 {offsets = [8], sizes = [1], strides = [1]} : vector<16xf32> to vector<1xf32>
      %squeeze3A_882 = vector.extract %slice3A_881[0] : f32 from vector<1xf32>
      %mul3A_883 = vector.broadcast %squeeze3A_882 : f32 to vector<16xf32>
      %mul3A_884 = arith.mulf %get3A_880, %mul3A_883 : vector<16xf32>
      %swap3A_885 = arith.index_cast %add3A_867 : i32 to index
      %swap3A_886 = arith.constant 16 : index
      %swap3A_887 = tpu.vector_load %arg24[%swap3A_885, %swap3A_886] {strides = array<i32>} : memref<160x128xf32, #tpu.memory_space<vmem>>, vector<16xf32>,
      tpu.vector_store %arg24[%swap3A_885, %swap3A_886], %mul3A_884 {strides = array<i32>} : memref<160x128xf32, #tpu.memory_space<vmem>>, vector<16xf32>,
      %get3A_888 = arith.index_cast %add3A_867 : i32 to index
      %get3A_889 = arith.constant 32 : index
      %get3A_890 = tpu.vector_load %arg24[%get3A_888, %get3A_889] {strides = array<i32>} : memref<160x128xf32, #tpu.memory_space<vmem>>, vector<16xf32>,
      %slice3A_891 = vector.extract_strided_slice %get3A_194 {offsets = [8], sizes = [1], strides = [1]} : vector<16xf32> to vector<1xf32>
      %squeeze3A_892 = vector.extract %slice3A_891[0] : f32 from vector<1xf32>
      %mul3A_893 = vector.broadcast %squeeze3A_892 : f32 to vector<16xf32>
      %mul3A_894 = arith.mulf %get3A_890, %mul3A_893 : vector<16xf32>
      %swap3A_895 = arith.index_cast %add3A_867 : i32 to index
      %swap3A_896 = arith.constant 32 : index
      %swap3A_897 = tpu.vector_load %arg24[%swap3A_895, %swap3A_896] {strides = array<i32>} : memref<160x128xf32, #tpu.memory_space<vmem>>, vector<16xf32>,
      tpu.vector_store %arg24[%swap3A_895, %swap3A_896], %mul3A_894 {strides = array<i32>} : memref<160x128xf32, #tpu.memory_space<vmem>>, vector<16xf32>,
      %get3A_898 = arith.index_cast %add3A_867 : i32 to index
      %get3A_899 = arith.constant 48 : index
      %get3A_900 = tpu.vector_load %arg24[%get3A_898, %get3A_899] {strides = array<i32>} : memref<160x128xf32, #tpu.memory_space<vmem>>, vector<16xf32>,
      %slice3A_901 = vector.extract_strided_slice %get3A_194 {offsets = [8], sizes = [1], strides = [1]} : vector<16xf32> to vector<1xf32>
      %squeeze3A_902 = vector.extract %slice3A_901[0] : f32 from vector<1xf32>
      %mul3A_903 = vector.broadcast %squeeze3A_902 : f32 to vector<16xf32>
      %mul3A_904 = arith.mulf %get3A_900, %mul3A_903 : vector<16xf32>
      %swap3A_905 = arith.index_cast %add3A_867 : i32 to index
      %swap3A_906 = arith.constant 48 : index
      %swap3A_907 = tpu.vector_load %arg24[%swap3A_905, %swap3A_906] {strides = array<i32>} : memref<160x128xf32, #tpu.memory_space<vmem>>, vector<16xf32>,
      tpu.vector_store %arg24[%swap3A_905, %swap3A_906], %mul3A_904 {strides = array<i32>} : memref<160x128xf32, #tpu.memory_space<vmem>>, vector<16xf32>,
      %get3A_908 = arith.index_cast %add3A_867 : i32 to index
      %get3A_909 = arith.constant 64 : index
      %get3A_910 = tpu.vector_load %arg24[%get3A_908, %get3A_909] {strides = array<i32>} : memref<160x128xf32, #tpu.memory_space<vmem>>, vector<16xf32>,
      %slice3A_911 = vector.extract_strided_slice %get3A_194 {offsets = [8], sizes = [1], strides = [1]} : vector<16xf32> to vector<1xf32>
      %squeeze3A_912 = vector.extract %slice3A_911[0] : f32 from vector<1xf32>
      %mul3A_913 = vector.broadcast %squeeze3A_912 : f32 to vector<16xf32>
      %mul3A_914 = arith.mulf %get3A_910, %mul3A_913 : vector<16xf32>
      %swap3A_915 = arith.index_cast %add3A_867 : i32 to index
      %swap3A_916 = arith.constant 64 : index
      %swap3A_917 = tpu.vector_load %arg24[%swap3A_915, %swap3A_916] {strides = array<i32>} : memref<160x128xf32, #tpu.memory_space<vmem>>, vector<16xf32>,
      tpu.vector_store %arg24[%swap3A_915, %swap3A_916], %mul3A_914 {strides = array<i32>} : memref<160x128xf32, #tpu.memory_space<vmem>>, vector<16xf32>,
      %get3A_918 = arith.index_cast %add3A_867 : i32 to index
      %get3A_919 = arith.constant 80 : index
      %get3A_920 = tpu.vector_load %arg24[%get3A_918, %get3A_919] {strides = array<i32>} : memref<160x128xf32, #tpu.memory_space<vmem>>, vector<16xf32>,
      %slice3A_921 = vector.extract_strided_slice %get3A_194 {offsets = [8], sizes = [1], strides = [1]} : vector<16xf32> to vector<1xf32>
      %squeeze3A_922 = vector.extract %slice3A_921[0] : f32 from vector<1xf32>
      %mul3A_923 = vector.broadcast %squeeze3A_922 : f32 to vector<16xf32>
      %mul3A_924 = arith.mulf %get3A_920, %mul3A_923 : vector<16xf32>
      %swap3A_925 = arith.index_cast %add3A_867 : i32 to index
      %swap3A_926 = arith.constant 80 : index
      %swap3A_927 = tpu.vector_load %arg24[%swap3A_925, %swap3A_926] {strides = array<i32>} : memref<160x128xf32, #tpu.memory_space<vmem>>, vector<16xf32>,
      tpu.vector_store %arg24[%swap3A_925, %swap3A_926], %mul3A_924 {strides = array<i32>} : memref<160x128xf32, #tpu.memory_space<vmem>>, vector<16xf32>,
      %get3A_928 = arith.index_cast %add3A_867 : i32 to index
      %get3A_929 = arith.constant 96 : index
      %get3A_930 = tpu.vector_load %arg24[%get3A_928, %get3A_929] {strides = array<i32>} : memref<160x128xf32, #tpu.memory_space<vmem>>, vector<16xf32>,
      %slice3A_931 = vector.extract_strided_slice %get3A_194 {offsets = [8], sizes = [1], strides = [1]} : vector<16xf32> to vector<1xf32>
      %squeeze3A_932 = vector.extract %slice3A_931[0] : f32 from vector<1xf32>
      %mul3A_933 = vector.broadcast %squeeze3A_932 : f32 to vector<16xf32>
      %mul3A_934 = arith.mulf %get3A_930, %mul3A_933 : vector<16xf32>
      %swap3A_935 = arith.index_cast %add3A_867 : i32 to index
      %swap3A_936 = arith.constant 96 : index
      %swap3A_937 = tpu.vector_load %arg24[%swap3A_935, %swap3A_936] {strides = array<i32>} : memref<160x128xf32, #tpu.memory_space<vmem>>, vector<16xf32>,
      tpu.vector_store %arg24[%swap3A_935, %swap3A_936], %mul3A_934 {strides = array<i32>} : memref<160x128xf32, #tpu.memory_space<vmem>>, vector<16xf32>,
      %get3A_938 = arith.index_cast %add3A_867 : i32 to index
      %get3A_939 = arith.constant 112 : index
      %get3A_940 = tpu.vector_load %arg24[%get3A_938, %get3A_939] {strides = array<i32>} : memref<160x128xf32, #tpu.memory_space<vmem>>, vector<16xf32>,
      %slice3A_941 = vector.extract_strided_slice %get3A_194 {offsets = [8], sizes = [1], strides = [1]} : vector<16xf32> to vector<1xf32>
      %squeeze3A_942 = vector.extract %slice3A_941[0] : f32 from vector<1xf32>
      %mul3A_943 = vector.broadcast %squeeze3A_942 : f32 to vector<16xf32>
      %mul3A_944 = arith.mulf %get3A_940, %mul3A_943 : vector<16xf32>
      %swap3A_945 = arith.index_cast %add3A_867 : i32 to index
      %swap3A_946 = arith.constant 112 : index
      %swap3A_947 = tpu.vector_load %arg24[%swap3A_945, %swap3A_946] {strides = array<i32>} : memref<160x128xf32, #tpu.memory_space<vmem>>, vector<16xf32>,
      tpu.vector_store %arg24[%swap3A_945, %swap3A_946], %mul3A_944 {strides = array<i32>} : memref<160x128xf32, #tpu.memory_space<vmem>>, vector<16xf32>,
      %mul3A_948 = arith.constant 16 : i32
      %mul3A_949 = arith.muli %scan3A_190, %mul3A_948 : i32
      %add3A_950 = arith.constant 9 : i32
      %add3A_951 = arith.addi %mul3A_949, %add3A_950 : i32
      %get3A_952 = arith.index_cast %add3A_951 : i32 to index
      %get3A_953 = arith.constant 0 : index
      %get3A_954 = tpu.vector_load %arg24[%get3A_952, %get3A_953] {strides = array<i32>} : memref<160x128xf32, #tpu.memory_space<vmem>>, vector<16xf32>,
      %slice3A_955 = vector.extract_strided_slice %get3A_194 {offsets = [9], sizes = [1], strides = [1]} : vector<16xf32> to vector<1xf32>
      %squeeze3A_956 = vector.extract %slice3A_955[0] : f32 from vector<1xf32>
      %mul3A_957 = vector.broadcast %squeeze3A_956 : f32 to vector<16xf32>
      %mul3A_958 = arith.mulf %get3A_954, %mul3A_957 : vector<16xf32>
      %swap3A_959 = arith.index_cast %add3A_951 : i32 to index
      %swap3A_960 = arith.constant 0 : index
      %swap3A_961 = tpu.vector_load %arg24[%swap3A_959, %swap3A_960] {strides = array<i32>} : memref<160x128xf32, #tpu.memory_space<vmem>>, vector<16xf32>,
      tpu.vector_store %arg24[%swap3A_959, %swap3A_960], %mul3A_958 {strides = array<i32>} : memref<160x128xf32, #tpu.memory_space<vmem>>, vector<16xf32>,
      %get3A_962 = arith.index_cast %add3A_951 : i32 to index
      %get3A_963 = arith.constant 16 : index
      %get3A_964 = tpu.vector_load %arg24[%get3A_962, %get3A_963] {strides = array<i32>} : memref<160x128xf32, #tpu.memory_space<vmem>>, vector<16xf32>,
      %slice3A_965 = vector.extract_strided_slice %get3A_194 {offsets = [9], sizes = [1], strides = [1]} : vector<16xf32> to vector<1xf32>
      %squeeze3A_966 = vector.extract %slice3A_965[0] : f32 from vector<1xf32>
      %mul3A_967 = vector.broadcast %squeeze3A_966 : f32 to vector<16xf32>
      %mul3A_968 = arith.mulf %get3A_964, %mul3A_967 : vector<16xf32>
      %swap3A_969 = arith.index_cast %add3A_951 : i32 to index
      %swap3A_970 = arith.constant 16 : index
      %swap3A_971 = tpu.vector_load %arg24[%swap3A_969, %swap3A_970] {strides = array<i32>} : memref<160x128xf32, #tpu.memory_space<vmem>>, vector<16xf32>,
      tpu.vector_store %arg24[%swap3A_969, %swap3A_970], %mul3A_968 {strides = array<i32>} : memref<160x128xf32, #tpu.memory_space<vmem>>, vector<16xf32>,
      %get3A_972 = arith.index_cast %add3A_951 : i32 to index
      %get3A_973 = arith.constant 32 : index
      %get3A_974 = tpu.vector_load %arg24[%get3A_972, %get3A_973] {strides = array<i32>} : memref<160x128xf32, #tpu.memory_space<vmem>>, vector<16xf32>,
      %slice3A_975 = vector.extract_strided_slice %get3A_194 {offsets = [9], sizes = [1], strides = [1]} : vector<16xf32> to vector<1xf32>
      %squeeze3A_976 = vector.extract %slice3A_975[0] : f32 from vector<1xf32>
      %mul3A_977 = vector.broadcast %squeeze3A_976 : f32 to vector<16xf32>
      %mul3A_978 = arith.mulf %get3A_974, %mul3A_977 : vector<16xf32>
      %swap3A_979 = arith.index_cast %add3A_951 : i32 to index
      %swap3A_980 = arith.constant 32 : index
      %swap3A_981 = tpu.vector_load %arg24[%swap3A_979, %swap3A_980] {strides = array<i32>} : memref<160x128xf32, #tpu.memory_space<vmem>>, vector<16xf32>,
      tpu.vector_store %arg24[%swap3A_979, %swap3A_980], %mul3A_978 {strides = array<i32>} : memref<160x128xf32, #tpu.memory_space<vmem>>, vector<16xf32>,
      %get3A_982 = arith.index_cast %add3A_951 : i32 to index
      %get3A_983 = arith.constant 48 : index
      %get3A_984 = tpu.vector_load %arg24[%get3A_982, %get3A_983] {strides = array<i32>} : memref<160x128xf32, #tpu.memory_space<vmem>>, vector<16xf32>,
      %slice3A_985 = vector.extract_strided_slice %get3A_194 {offsets = [9], sizes = [1], strides = [1]} : vector<16xf32> to vector<1xf32>
      %squeeze3A_986 = vector.extract %slice3A_985[0] : f32 from vector<1xf32>
      %mul3A_987 = vector.broadcast %squeeze3A_986 : f32 to vector<16xf32>
      %mul3A_988 = arith.mulf %get3A_984, %mul3A_987 : vector<16xf32>
      %swap3A_989 = arith.index_cast %add3A_951 : i32 to index
      %swap3A_990 = arith.constant 48 : index
      %swap3A_991 = tpu.vector_load %arg24[%swap3A_989, %swap3A_990] {strides = array<i32>} : memref<160x128xf32, #tpu.memory_space<vmem>>, vector<16xf32>,
      tpu.vector_store %arg24[%swap3A_989, %swap3A_990], %mul3A_988 {strides = array<i32>} : memref<160x128xf32, #tpu.memory_space<vmem>>, vector<16xf32>,
      %get3A_992 = arith.index_cast %add3A_951 : i32 to index
      %get3A_993 = arith.constant 64 : index
      %get3A_994 = tpu.vector_load %arg24[%get3A_992, %get3A_993] {strides = array<i32>} : memref<160x128xf32, #tpu.memory_space<vmem>>, vector<16xf32>,
      %slice3A_995 = vector.extract_strided_slice %get3A_194 {offsets = [9], sizes = [1], strides = [1]} : vector<16xf32> to vector<1xf32>
      %squeeze3A_996 = vector.extract %slice3A_995[0] : f32 from vector<1xf32>
      %mul3A_997 = vector.broadcast %squeeze3A_996 : f32 to vector<16xf32>
      %mul3A_998 = arith.mulf %get3A_994, %mul3A_997 : vector<16xf32>
      %swap3A_999 = arith.index_cast %add3A_951 : i32 to index
      %swap3A_1000 = arith.constant 64 : index
      %swap3A_1001 = tpu.vector_load %arg24[%swap3A_999, %swap3A_1000] {strides = array<i32>} : memref<160x128xf32, #tpu.memory_space<vmem>>, vector<16xf32>,
      tpu.vector_store %arg24[%swap3A_999, %swap3A_1000], %mul3A_998 {strides = array<i32>} : memref<160x128xf32, #tpu.memory_space<vmem>>, vector<16xf32>,
      %get3A_1002 = arith.index_cast %add3A_951 : i32 to index
      %get3A_1003 = arith.constant 80 : index
      %get3A_1004 = tpu.vector_load %arg24[%get3A_1002, %get3A_1003] {strides = array<i32>} : memref<160x128xf32, #tpu.memory_space<vmem>>, vector<16xf32>,
      %slice3A_1005 = vector.extract_strided_slice %get3A_194 {offsets = [9], sizes = [1], strides = [1]} : vector<16xf32> to vector<1xf32>
      %squeeze3A_1006 = vector.extract %slice3A_1005[0] : f32 from vector<1xf32>
      %mul3A_1007 = vector.broadcast %squeeze3A_1006 : f32 to vector<16xf32>
      %mul3A_1008 = arith.mulf %get3A_1004, %mul3A_1007 : vector<16xf32>
      %swap3A_1009 = arith.index_cast %add3A_951 : i32 to index
      %swap3A_1010 = arith.constant 80 : index
      %swap3A_1011 = tpu.vector_load %arg24[%swap3A_1009, %swap3A_1010] {strides = array<i32>} : memref<160x128xf32, #tpu.memory_space<vmem>>, vector<16xf32>,
      tpu.vector_store %arg24[%swap3A_1009, %swap3A_1010], %mul3A_1008 {strides = array<i32>} : memref<160x128xf32, #tpu.memory_space<vmem>>, vector<16xf32>,
      %get3A_1012 = arith.index_cast %add3A_951 : i32 to index
      %get3A_1013 = arith.constant 96 : index
      %get3A_1014 = tpu.vector_load %arg24[%get3A_1012, %get3A_1013] {strides = array<i32>} : memref<160x128xf32, #tpu.memory_space<vmem>>, vector<16xf32>,
      %slice3A_1015 = vector.extract_strided_slice %get3A_194 {offsets = [9], sizes = [1], strides = [1]} : vector<16xf32> to vector<1xf32>
      %squeeze3A_1016 = vector.extract %slice3A_1015[0] : f32 from vector<1xf32>
      %mul3A_1017 = vector.broadcast %squeeze3A_1016 : f32 to vector<16xf32>
      %mul3A_1018 = arith.mulf %get3A_1014, %mul3A_1017 : vector<16xf32>
      %swap3A_1019 = arith.index_cast %add3A_951 : i32 to index
      %swap3A_1020 = arith.constant 96 : index
      %swap3A_1021 = tpu.vector_load %arg24[%swap3A_1019, %swap3A_1020] {strides = array<i32>} : memref<160x128xf32, #tpu.memory_space<vmem>>, vector<16xf32>,
      tpu.vector_store %arg24[%swap3A_1019, %swap3A_1020], %mul3A_1018 {strides = array<i32>} : memref<160x128xf32, #tpu.memory_space<vmem>>, vector<16xf32>,
      %get3A_1022 = arith.index_cast %add3A_951 : i32 to index
      %get3A_1023 = arith.constant 112 : index
      %get3A_1024 = tpu.vector_load %arg24[%get3A_1022, %get3A_1023] {strides = array<i32>} : memref<160x128xf32, #tpu.memory_space<vmem>>, vector<16xf32>,
      %slice3A_1025 = vector.extract_strided_slice %get3A_194 {offsets = [9], sizes = [1], strides = [1]} : vector<16xf32> to vector<1xf32>
      %squeeze3A_1026 = vector.extract %slice3A_1025[0] : f32 from vector<1xf32>
      %mul3A_1027 = vector.broadcast %squeeze3A_1026 : f32 to vector<16xf32>
      %mul3A_1028 = arith.mulf %get3A_1024, %mul3A_1027 : vector<16xf32>
      %swap3A_1029 = arith.index_cast %add3A_951 : i32 to index
      %swap3A_1030 = arith.constant 112 : index
      %swap3A_1031 = tpu.vector_load %arg24[%swap3A_1029, %swap3A_1030] {strides = array<i32>} : memref<160x128xf32, #tpu.memory_space<vmem>>, vector<16xf32>,
      tpu.vector_store %arg24[%swap3A_1029, %swap3A_1030], %mul3A_1028 {strides = array<i32>} : memref<160x128xf32, #tpu.memory_space<vmem>>, vector<16xf32>,
      %mul3A_1032 = arith.constant 16 : i32
      %mul3A_1033 = arith.muli %scan3A_190, %mul3A_1032 : i32
      %add3A_1034 = arith.constant 10 : i32
      %add3A_1035 = arith.addi %mul3A_1033, %add3A_1034 : i32
      %get3A_1036 = arith.index_cast %add3A_1035 : i32 to index
      %get3A_1037 = arith.constant 0 : index
      %get3A_1038 = tpu.vector_load %arg24[%get3A_1036, %get3A_1037] {strides = array<i32>} : memref<160x128xf32, #tpu.memory_space<vmem>>, vector<16xf32>,
      %slice3A_1039 = vector.extract_strided_slice %get3A_194 {offsets = [10], sizes = [1], strides = [1]} : vector<16xf32> to vector<1xf32>
      %squeeze3A_1040 = vector.extract %slice3A_1039[0] : f32 from vector<1xf32>
      %mul3A_1041 = vector.broadcast %squeeze3A_1040 : f32 to vector<16xf32>
      %mul3A_1042 = arith.mulf %get3A_1038, %mul3A_1041 : vector<16xf32>
      %swap3A_1043 = arith.index_cast %add3A_1035 : i32 to index
      %swap3A_1044 = arith.constant 0 : index
      %swap3A_1045 = tpu.vector_load %arg24[%swap3A_1043, %swap3A_1044] {strides = array<i32>} : memref<160x128xf32, #tpu.memory_space<vmem>>, vector<16xf32>,
      tpu.vector_store %arg24[%swap3A_1043, %swap3A_1044], %mul3A_1042 {strides = array<i32>} : memref<160x128xf32, #tpu.memory_space<vmem>>, vector<16xf32>,
      %get3A_1046 = arith.index_cast %add3A_1035 : i32 to index
      %get3A_1047 = arith.constant 16 : index
      %get3A_1048 = tpu.vector_load %arg24[%get3A_1046, %get3A_1047] {strides = array<i32>} : memref<160x128xf32, #tpu.memory_space<vmem>>, vector<16xf32>,
      %slice3A_1049 = vector.extract_strided_slice %get3A_194 {offsets = [10], sizes = [1], strides = [1]} : vector<16xf32> to vector<1xf32>
      %squeeze3A_1050 = vector.extract %slice3A_1049[0] : f32 from vector<1xf32>
      %mul3A_1051 = vector.broadcast %squeeze3A_1050 : f32 to vector<16xf32>
      %mul3A_1052 = arith.mulf %get3A_1048, %mul3A_1051 : vector<16xf32>
      %swap3A_1053 = arith.index_cast %add3A_1035 : i32 to index
      %swap3A_1054 = arith.constant 16 : index
      %swap3A_1055 = tpu.vector_load %arg24[%swap3A_1053, %swap3A_1054] {strides = array<i32>} : memref<160x128xf32, #tpu.memory_space<vmem>>, vector<16xf32>,
      tpu.vector_store %arg24[%swap3A_1053, %swap3A_1054], %mul3A_1052 {strides = array<i32>} : memref<160x128xf32, #tpu.memory_space<vmem>>, vector<16xf32>,
      %get3A_1056 = arith.index_cast %add3A_1035 : i32 to index
      %get3A_1057 = arith.constant 32 : index
      %get3A_1058 = tpu.vector_load %arg24[%get3A_1056, %get3A_1057] {strides = array<i32>} : memref<160x128xf32, #tpu.memory_space<vmem>>, vector<16xf32>,
      %slice3A_1059 = vector.extract_strided_slice %get3A_194 {offsets = [10], sizes = [1], strides = [1]} : vector<16xf32> to vector<1xf32>
      %squeeze3A_1060 = vector.extract %slice3A_1059[0] : f32 from vector<1xf32>
      %mul3A_1061 = vector.broadcast %squeeze3A_1060 : f32 to vector<16xf32>
      %mul3A_1062 = arith.mulf %get3A_1058, %mul3A_1061 : vector<16xf32>
      %swap3A_1063 = arith.index_cast %add3A_1035 : i32 to index
      %swap3A_1064 = arith.constant 32 : index
      %swap3A_1065 = tpu.vector_load %arg24[%swap3A_1063, %swap3A_1064] {strides = array<i32>} : memref<160x128xf32, #tpu.memory_space<vmem>>, vector<16xf32>,
      tpu.vector_store %arg24[%swap3A_1063, %swap3A_1064], %mul3A_1062 {strides = array<i32>} : memref<160x128xf32, #tpu.memory_space<vmem>>, vector<16xf32>,
      %get3A_1066 = arith.index_cast %add3A_1035 : i32 to index
      %get3A_1067 = arith.constant 48 : index
      %get3A_1068 = tpu.vector_load %arg24[%get3A_1066, %get3A_1067] {strides = array<i32>} : memref<160x128xf32, #tpu.memory_space<vmem>>, vector<16xf32>,
      %slice3A_1069 = vector.extract_strided_slice %get3A_194 {offsets = [10], sizes = [1], strides = [1]} : vector<16xf32> to vector<1xf32>
      %squeeze3A_1070 = vector.extract %slice3A_1069[0] : f32 from vector<1xf32>
      %mul3A_1071 = vector.broadcast %squeeze3A_1070 : f32 to vector<16xf32>
      %mul3A_1072 = arith.mulf %get3A_1068, %mul3A_1071 : vector<16xf32>
      %swap3A_1073 = arith.index_cast %add3A_1035 : i32 to index
      %swap3A_1074 = arith.constant 48 : index
      %swap3A_1075 = tpu.vector_load %arg24[%swap3A_1073, %swap3A_1074] {strides = array<i32>} : memref<160x128xf32, #tpu.memory_space<vmem>>, vector<16xf32>,
      tpu.vector_store %arg24[%swap3A_1073, %swap3A_1074], %mul3A_1072 {strides = array<i32>} : memref<160x128xf32, #tpu.memory_space<vmem>>, vector<16xf32>,
      %get3A_1076 = arith.index_cast %add3A_1035 : i32 to index
      %get3A_1077 = arith.constant 64 : index
      %get3A_1078 = tpu.vector_load %arg24[%get3A_1076, %get3A_1077] {strides = array<i32>} : memref<160x128xf32, #tpu.memory_space<vmem>>, vector<16xf32>,
      %slice3A_1079 = vector.extract_strided_slice %get3A_194 {offsets = [10], sizes = [1], strides = [1]} : vector<16xf32> to vector<1xf32>
      %squeeze3A_1080 = vector.extract %slice3A_1079[0] : f32 from vector<1xf32>
      %mul3A_1081 = vector.broadcast %squeeze3A_1080 : f32 to vector<16xf32>
      %mul3A_1082 = arith.mulf %get3A_1078, %mul3A_1081 : vector<16xf32>
      %swap3A_1083 = arith.index_cast %add3A_1035 : i32 to index
      %swap3A_1084 = arith.constant 64 : index
      %swap3A_1085 = tpu.vector_load %arg24[%swap3A_1083, %swap3A_1084] {strides = array<i32>} : memref<160x128xf32, #tpu.memory_space<vmem>>, vector<16xf32>,
      tpu.vector_store %arg24[%swap3A_1083, %swap3A_1084], %mul3A_1082 {strides = array<i32>} : memref<160x128xf32, #tpu.memory_space<vmem>>, vector<16xf32>,
      %get3A_1086 = arith.index_cast %add3A_1035 : i32 to index
      %get3A_1087 = arith.constant 80 : index
      %get3A_1088 = tpu.vector_load %arg24[%get3A_1086, %get3A_1087] {strides = array<i32>} : memref<160x128xf32, #tpu.memory_space<vmem>>, vector<16xf32>,
      %slice3A_1089 = vector.extract_strided_slice %get3A_194 {offsets = [10], sizes = [1], strides = [1]} : vector<16xf32> to vector<1xf32>
      %squeeze3A_1090 = vector.extract %slice3A_1089[0] : f32 from vector<1xf32>
      %mul3A_1091 = vector.broadcast %squeeze3A_1090 : f32 to vector<16xf32>
      %mul3A_1092 = arith.mulf %get3A_1088, %mul3A_1091 : vector<16xf32>
      %swap3A_1093 = arith.index_cast %add3A_1035 : i32 to index
      %swap3A_1094 = arith.constant 80 : index
      %swap3A_1095 = tpu.vector_load %arg24[%swap3A_1093, %swap3A_1094] {strides = array<i32>} : memref<160x128xf32, #tpu.memory_space<vmem>>, vector<16xf32>,
      tpu.vector_store %arg24[%swap3A_1093, %swap3A_1094], %mul3A_1092 {strides = array<i32>} : memref<160x128xf32, #tpu.memory_space<vmem>>, vector<16xf32>,
      %get3A_1096 = arith.index_cast %add3A_1035 : i32 to index
      %get3A_1097 = arith.constant 96 : index
      %get3A_1098 = tpu.vector_load %arg24[%get3A_1096, %get3A_1097] {strides = array<i32>} : memref<160x128xf32, #tpu.memory_space<vmem>>, vector<16xf32>,
      %slice3A_1099 = vector.extract_strided_slice %get3A_194 {offsets = [10], sizes = [1], strides = [1]} : vector<16xf32> to vector<1xf32>
      %squeeze3A_1100 = vector.extract %slice3A_1099[0] : f32 from vector<1xf32>
      %mul3A_1101 = vector.broadcast %squeeze3A_1100 : f32 to vector<16xf32>
      %mul3A_1102 = arith.mulf %get3A_1098, %mul3A_1101 : vector<16xf32>
      %swap3A_1103 = arith.index_cast %add3A_1035 : i32 to index
      %swap3A_1104 = arith.constant 96 : index
      %swap3A_1105 = tpu.vector_load %arg24[%swap3A_1103, %swap3A_1104] {strides = array<i32>} : memref<160x128xf32, #tpu.memory_space<vmem>>, vector<16xf32>,
      tpu.vector_store %arg24[%swap3A_1103, %swap3A_1104], %mul3A_1102 {strides = array<i32>} : memref<160x128xf32, #tpu.memory_space<vmem>>, vector<16xf32>,
      %get3A_1106 = arith.index_cast %add3A_1035 : i32 to index
      %get3A_1107 = arith.constant 112 : index
      %get3A_1108 = tpu.vector_load %arg24[%get3A_1106, %get3A_1107] {strides = array<i32>} : memref<160x128xf32, #tpu.memory_space<vmem>>, vector<16xf32>,
      %slice3A_1109 = vector.extract_strided_slice %get3A_194 {offsets = [10], sizes = [1], strides = [1]} : vector<16xf32> to vector<1xf32>
      %squeeze3A_1110 = vector.extract %slice3A_1109[0] : f32 from vector<1xf32>
      %mul3A_1111 = vector.broadcast %squeeze3A_1110 : f32 to vector<16xf32>
      %mul3A_1112 = arith.mulf %get3A_1108, %mul3A_1111 : vector<16xf32>
      %swap3A_1113 = arith.index_cast %add3A_1035 : i32 to index
      %swap3A_1114 = arith.constant 112 : index
      %swap3A_1115 = tpu.vector_load %arg24[%swap3A_1113, %swap3A_1114] {strides = array<i32>} : memref<160x128xf32, #tpu.memory_space<vmem>>, vector<16xf32>,
      tpu.vector_store %arg24[%swap3A_1113, %swap3A_1114], %mul3A_1112 {strides = array<i32>} : memref<160x128xf32, #tpu.memory_space<vmem>>, vector<16xf32>,
      %mul3A_1116 = arith.constant 16 : i32
      %mul3A_1117 = arith.muli %scan3A_190, %mul3A_1116 : i32
      %add3A_1118 = arith.constant 11 : i32
      %add3A_1119 = arith.addi %mul3A_1117, %add3A_1118 : i32
      %get3A_1120 = arith.index_cast %add3A_1119 : i32 to index
      %get3A_1121 = arith.constant 0 : index
      %get3A_1122 = tpu.vector_load %arg24[%get3A_1120, %get3A_1121] {strides = array<i32>} : memref<160x128xf32, #tpu.memory_space<vmem>>, vector<16xf32>,
      %slice3A_1123 = vector.extract_strided_slice %get3A_194 {offsets = [11], sizes = [1], strides = [1]} : vector<16xf32> to vector<1xf32>
      %squeeze3A_1124 = vector.extract %slice3A_1123[0] : f32 from vector<1xf32>
      %mul3A_1125 = vector.broadcast %squeeze3A_1124 : f32 to vector<16xf32>
      %mul3A_1126 = arith.mulf %get3A_1122, %mul3A_1125 : vector<16xf32>
      %swap3A_1127 = arith.index_cast %add3A_1119 : i32 to index
      %swap3A_1128 = arith.constant 0 : index
      %swap3A_1129 = tpu.vector_load %arg24[%swap3A_1127, %swap3A_1128] {strides = array<i32>} : memref<160x128xf32, #tpu.memory_space<vmem>>, vector<16xf32>,
      tpu.vector_store %arg24[%swap3A_1127, %swap3A_1128], %mul3A_1126 {strides = array<i32>} : memref<160x128xf32, #tpu.memory_space<vmem>>, vector<16xf32>,
      %get3A_1130 = arith.index_cast %add3A_1119 : i32 to index
      %get3A_1131 = arith.constant 16 : index
      %get3A_1132 = tpu.vector_load %arg24[%get3A_1130, %get3A_1131] {strides = array<i32>} : memref<160x128xf32, #tpu.memory_space<vmem>>, vector<16xf32>,
      %slice3A_1133 = vector.extract_strided_slice %get3A_194 {offsets = [11], sizes = [1], strides = [1]} : vector<16xf32> to vector<1xf32>
      %squeeze3A_1134 = vector.extract %slice3A_1133[0] : f32 from vector<1xf32>
      %mul3A_1135 = vector.broadcast %squeeze3A_1134 : f32 to vector<16xf32>
      %mul3A_1136 = arith.mulf %get3A_1132, %mul3A_1135 : vector<16xf32>
      %swap3A_1137 = arith.index_cast %add3A_1119 : i32 to index
      %swap3A_1138 = arith.constant 16 : index
      %swap3A_1139 = tpu.vector_load %arg24[%swap3A_1137, %swap3A_1138] {strides = array<i32>} : memref<160x128xf32, #tpu.memory_space<vmem>>, vector<16xf32>,
      tpu.vector_store %arg24[%swap3A_1137, %swap3A_1138], %mul3A_1136 {strides = array<i32>} : memref<160x128xf32, #tpu.memory_space<vmem>>, vector<16xf32>,
      %get3A_1140 = arith.index_cast %add3A_1119 : i32 to index
      %get3A_1141 = arith.constant 32 : index
      %get3A_1142 = tpu.vector_load %arg24[%get3A_1140, %get3A_1141] {strides = array<i32>} : memref<160x128xf32, #tpu.memory_space<vmem>>, vector<16xf32>,
      %slice3A_1143 = vector.extract_strided_slice %get3A_194 {offsets = [11], sizes = [1], strides = [1]} : vector<16xf32> to vector<1xf32>
      %squeeze3A_1144 = vector.extract %slice3A_1143[0] : f32 from vector<1xf32>
      %mul3A_1145 = vector.broadcast %squeeze3A_1144 : f32 to vector<16xf32>
      %mul3A_1146 = arith.mulf %get3A_1142, %mul3A_1145 : vector<16xf32>
      %swap3A_1147 = arith.index_cast %add3A_1119 : i32 to index
      %swap3A_1148 = arith.constant 32 : index
      %swap3A_1149 = tpu.vector_load %arg24[%swap3A_1147, %swap3A_1148] {strides = array<i32>} : memref<160x128xf32, #tpu.memory_space<vmem>>, vector<16xf32>,
      tpu.vector_store %arg24[%swap3A_1147, %swap3A_1148], %mul3A_1146 {strides = array<i32>} : memref<160x128xf32, #tpu.memory_space<vmem>>, vector<16xf32>,
      %get3A_1150 = arith.index_cast %add3A_1119 : i32 to index
      %get3A_1151 = arith.constant 48 : index
      %get3A_1152 = tpu.vector_load %arg24[%get3A_1150, %get3A_1151] {strides = array<i32>} : memref<160x128xf32, #tpu.memory_space<vmem>>, vector<16xf32>,
      %slice3A_1153 = vector.extract_strided_slice %get3A_194 {offsets = [11], sizes = [1], strides = [1]} : vector<16xf32> to vector<1xf32>
      %squeeze3A_1154 = vector.extract %slice3A_1153[0] : f32 from vector<1xf32>
      %mul3A_1155 = vector.broadcast %squeeze3A_1154 : f32 to vector<16xf32>
      %mul3A_1156 = arith.mulf %get3A_1152, %mul3A_1155 : vector<16xf32>
      %swap3A_1157 = arith.index_cast %add3A_1119 : i32 to index
      %swap3A_1158 = arith.constant 48 : index
      %swap3A_1159 = tpu.vector_load %arg24[%swap3A_1157, %swap3A_1158] {strides = array<i32>} : memref<160x128xf32, #tpu.memory_space<vmem>>, vector<16xf32>,
      tpu.vector_store %arg24[%swap3A_1157, %swap3A_1158], %mul3A_1156 {strides = array<i32>} : memref<160x128xf32, #tpu.memory_space<vmem>>, vector<16xf32>,
      %get3A_1160 = arith.index_cast %add3A_1119 : i32 to index
      %get3A_1161 = arith.constant 64 : index
      %get3A_1162 = tpu.vector_load %arg24[%get3A_1160, %get3A_1161] {strides = array<i32>} : memref<160x128xf32, #tpu.memory_space<vmem>>, vector<16xf32>,
      %slice3A_1163 = vector.extract_strided_slice %get3A_194 {offsets = [11], sizes = [1], strides = [1]} : vector<16xf32> to vector<1xf32>
      %squeeze3A_1164 = vector.extract %slice3A_1163[0] : f32 from vector<1xf32>
      %mul3A_1165 = vector.broadcast %squeeze3A_1164 : f32 to vector<16xf32>
      %mul3A_1166 = arith.mulf %get3A_1162, %mul3A_1165 : vector<16xf32>
      %swap3A_1167 = arith.index_cast %add3A_1119 : i32 to index
      %swap3A_1168 = arith.constant 64 : index
      %swap3A_1169 = tpu.vector_load %arg24[%swap3A_1167, %swap3A_1168] {strides = array<i32>} : memref<160x128xf32, #tpu.memory_space<vmem>>, vector<16xf32>,
      tpu.vector_store %arg24[%swap3A_1167, %swap3A_1168], %mul3A_1166 {strides = array<i32>} : memref<160x128xf32, #tpu.memory_space<vmem>>, vector<16xf32>,
      %get3A_1170 = arith.index_cast %add3A_1119 : i32 to index
      %get3A_1171 = arith.constant 80 : index
      %get3A_1172 = tpu.vector_load %arg24[%get3A_1170, %get3A_1171] {strides = array<i32>} : memref<160x128xf32, #tpu.memory_space<vmem>>, vector<16xf32>,
      %slice3A_1173 = vector.extract_strided_slice %get3A_194 {offsets = [11], sizes = [1], strides = [1]} : vector<16xf32> to vector<1xf32>
      %squeeze3A_1174 = vector.extract %slice3A_1173[0] : f32 from vector<1xf32>
      %mul3A_1175 = vector.broadcast %squeeze3A_1174 : f32 to vector<16xf32>
      %mul3A_1176 = arith.mulf %get3A_1172, %mul3A_1175 : vector<16xf32>
      %swap3A_1177 = arith.index_cast %add3A_1119 : i32 to index
      %swap3A_1178 = arith.constant 80 : index
      %swap3A_1179 = tpu.vector_load %arg24[%swap3A_1177, %swap3A_1178] {strides = array<i32>} : memref<160x128xf32, #tpu.memory_space<vmem>>, vector<16xf32>,
      tpu.vector_store %arg24[%swap3A_1177, %swap3A_1178], %mul3A_1176 {strides = array<i32>} : memref<160x128xf32, #tpu.memory_space<vmem>>, vector<16xf32>,
      %get3A_1180 = arith.index_cast %add3A_1119 : i32 to index
      %get3A_1181 = arith.constant 96 : index
      %get3A_1182 = tpu.vector_load %arg24[%get3A_1180, %get3A_1181] {strides = array<i32>} : memref<160x128xf32, #tpu.memory_space<vmem>>, vector<16xf32>,
      %slice3A_1183 = vector.extract_strided_slice %get3A_194 {offsets = [11], sizes = [1], strides = [1]} : vector<16xf32> to vector<1xf32>
      %squeeze3A_1184 = vector.extract %slice3A_1183[0] : f32 from vector<1xf32>
      %mul3A_1185 = vector.broadcast %squeeze3A_1184 : f32 to vector<16xf32>
      %mul3A_1186 = arith.mulf %get3A_1182, %mul3A_1185 : vector<16xf32>
      %swap3A_1187 = arith.index_cast %add3A_1119 : i32 to index
      %swap3A_1188 = arith.constant 96 : index
      %swap3A_1189 = tpu.vector_load %arg24[%swap3A_1187, %swap3A_1188] {strides = array<i32>} : memref<160x128xf32, #tpu.memory_space<vmem>>, vector<16xf32>,
      tpu.vector_store %arg24[%swap3A_1187, %swap3A_1188], %mul3A_1186 {strides = array<i32>} : memref<160x128xf32, #tpu.memory_space<vmem>>, vector<16xf32>,
      %get3A_1190 = arith.index_cast %add3A_1119 : i32 to index
      %get3A_1191 = arith.constant 112 : index
      %get3A_1192 = tpu.vector_load %arg24[%get3A_1190, %get3A_1191] {strides = array<i32>} : memref<160x128xf32, #tpu.memory_space<vmem>>, vector<16xf32>,
      %slice3A_1193 = vector.extract_strided_slice %get3A_194 {offsets = [11], sizes = [1], strides = [1]} : vector<16xf32> to vector<1xf32>
      %squeeze3A_1194 = vector.extract %slice3A_1193[0] : f32 from vector<1xf32>
      %mul3A_1195 = vector.broadcast %squeeze3A_1194 : f32 to vector<16xf32>
      %mul3A_1196 = arith.mulf %get3A_1192, %mul3A_1195 : vector<16xf32>
      %swap3A_1197 = arith.index_cast %add3A_1119 : i32 to index
      %swap3A_1198 = arith.constant 112 : index
      %swap3A_1199 = tpu.vector_load %arg24[%swap3A_1197, %swap3A_1198] {strides = array<i32>} : memref<160x128xf32, #tpu.memory_space<vmem>>, vector<16xf32>,
      tpu.vector_store %arg24[%swap3A_1197, %swap3A_1198], %mul3A_1196 {strides = array<i32>} : memref<160x128xf32, #tpu.memory_space<vmem>>, vector<16xf32>,
      %mul3A_1200 = arith.constant 16 : i32
      %mul3A_1201 = arith.muli %scan3A_190, %mul3A_1200 : i32
      %add3A_1202 = arith.constant 12 : i32
      %add3A_1203 = arith.addi %mul3A_1201, %add3A_1202 : i32
      %get3A_1204 = arith.index_cast %add3A_1203 : i32 to index
      %get3A_1205 = arith.constant 0 : index
      %get3A_1206 = tpu.vector_load %arg24[%get3A_1204, %get3A_1205] {strides = array<i32>} : memref<160x128xf32, #tpu.memory_space<vmem>>, vector<16xf32>,
      %slice3A_1207 = vector.extract_strided_slice %get3A_194 {offsets = [12], sizes = [1], strides = [1]} : vector<16xf32> to vector<1xf32>
      %squeeze3A_1208 = vector.extract %slice3A_1207[0] : f32 from vector<1xf32>
      %mul3A_1209 = vector.broadcast %squeeze3A_1208 : f32 to vector<16xf32>
      %mul3A_1210 = arith.mulf %get3A_1206, %mul3A_1209 : vector<16xf32>
      %swap3A_1211 = arith.index_cast %add3A_1203 : i32 to index
      %swap3A_1212 = arith.constant 0 : index
      %swap3A_1213 = tpu.vector_load %arg24[%swap3A_1211, %swap3A_1212] {strides = array<i32>} : memref<160x128xf32, #tpu.memory_space<vmem>>, vector<16xf32>,
      tpu.vector_store %arg24[%swap3A_1211, %swap3A_1212], %mul3A_1210 {strides = array<i32>} : memref<160x128xf32, #tpu.memory_space<vmem>>, vector<16xf32>,
      %get3A_1214 = arith.index_cast %add3A_1203 : i32 to index
      %get3A_1215 = arith.constant 16 : index
      %get3A_1216 = tpu.vector_load %arg24[%get3A_1214, %get3A_1215] {strides = array<i32>} : memref<160x128xf32, #tpu.memory_space<vmem>>, vector<16xf32>,
      %slice3A_1217 = vector.extract_strided_slice %get3A_194 {offsets = [12], sizes = [1], strides = [1]} : vector<16xf32> to vector<1xf32>
      %squeeze3A_1218 = vector.extract %slice3A_1217[0] : f32 from vector<1xf32>
      %mul3A_1219 = vector.broadcast %squeeze3A_1218 : f32 to vector<16xf32>
      %mul3A_1220 = arith.mulf %get3A_1216, %mul3A_1219 : vector<16xf32>
      %swap3A_1221 = arith.index_cast %add3A_1203 : i32 to index
      %swap3A_1222 = arith.constant 16 : index
      %swap3A_1223 = tpu.vector_load %arg24[%swap3A_1221, %swap3A_1222] {strides = array<i32>} : memref<160x128xf32, #tpu.memory_space<vmem>>, vector<16xf32>,
      tpu.vector_store %arg24[%swap3A_1221, %swap3A_1222], %mul3A_1220 {strides = array<i32>} : memref<160x128xf32, #tpu.memory_space<vmem>>, vector<16xf32>,
      %get3A_1224 = arith.index_cast %add3A_1203 : i32 to index
      %get3A_1225 = arith.constant 32 : index
      %get3A_1226 = tpu.vector_load %arg24[%get3A_1224, %get3A_1225] {strides = array<i32>} : memref<160x128xf32, #tpu.memory_space<vmem>>, vector<16xf32>,
      %slice3A_1227 = vector.extract_strided_slice %get3A_194 {offsets = [12], sizes = [1], strides = [1]} : vector<16xf32> to vector<1xf32>
      %squeeze3A_1228 = vector.extract %slice3A_1227[0] : f32 from vector<1xf32>
      %mul3A_1229 = vector.broadcast %squeeze3A_1228 : f32 to vector<16xf32>
      %mul3A_1230 = arith.mulf %get3A_1226, %mul3A_1229 : vector<16xf32>
      %swap3A_1231 = arith.index_cast %add3A_1203 : i32 to index
      %swap3A_1232 = arith.constant 32 : index
      %swap3A_1233 = tpu.vector_load %arg24[%swap3A_1231, %swap3A_1232] {strides = array<i32>} : memref<160x128xf32, #tpu.memory_space<vmem>>, vector<16xf32>,
      tpu.vector_store %arg24[%swap3A_1231, %swap3A_1232], %mul3A_1230 {strides = array<i32>} : memref<160x128xf32, #tpu.memory_space<vmem>>, vector<16xf32>,
      %get3A_1234 = arith.index_cast %add3A_1203 : i32 to index
      %get3A_1235 = arith.constant 48 : index
      %get3A_1236 = tpu.vector_load %arg24[%get3A_1234, %get3A_1235] {strides = array<i32>} : memref<160x128xf32, #tpu.memory_space<vmem>>, vector<16xf32>,
      %slice3A_1237 = vector.extract_strided_slice %get3A_194 {offsets = [12], sizes = [1], strides = [1]} : vector<16xf32> to vector<1xf32>
      %squeeze3A_1238 = vector.extract %slice3A_1237[0] : f32 from vector<1xf32>
      %mul3A_1239 = vector.broadcast %squeeze3A_1238 : f32 to vector<16xf32>
      %mul3A_1240 = arith.mulf %get3A_1236, %mul3A_1239 : vector<16xf32>
      %swap3A_1241 = arith.index_cast %add3A_1203 : i32 to index
      %swap3A_1242 = arith.constant 48 : index
      %swap3A_1243 = tpu.vector_load %arg24[%swap3A_1241, %swap3A_1242] {strides = array<i32>} : memref<160x128xf32, #tpu.memory_space<vmem>>, vector<16xf32>,
      tpu.vector_store %arg24[%swap3A_1241, %swap3A_1242], %mul3A_1240 {strides = array<i32>} : memref<160x128xf32, #tpu.memory_space<vmem>>, vector<16xf32>,
      %get3A_1244 = arith.index_cast %add3A_1203 : i32 to index
      %get3A_1245 = arith.constant 64 : index
      %get3A_1246 = tpu.vector_load %arg24[%get3A_1244, %get3A_1245] {strides = array<i32>} : memref<160x128xf32, #tpu.memory_space<vmem>>, vector<16xf32>,
      %slice3A_1247 = vector.extract_strided_slice %get3A_194 {offsets = [12], sizes = [1], strides = [1]} : vector<16xf32> to vector<1xf32>
      %squeeze3A_1248 = vector.extract %slice3A_1247[0] : f32 from vector<1xf32>
      %mul3A_1249 = vector.broadcast %squeeze3A_1248 : f32 to vector<16xf32>
      %mul3A_1250 = arith.mulf %get3A_1246, %mul3A_1249 : vector<16xf32>
      %swap3A_1251 = arith.index_cast %add3A_1203 : i32 to index
      %swap3A_1252 = arith.constant 64 : index
      %swap3A_1253 = tpu.vector_load %arg24[%swap3A_1251, %swap3A_1252] {strides = array<i32>} : memref<160x128xf32, #tpu.memory_space<vmem>>, vector<16xf32>,
      tpu.vector_store %arg24[%swap3A_1251, %swap3A_1252], %mul3A_1250 {strides = array<i32>} : memref<160x128xf32, #tpu.memory_space<vmem>>, vector<16xf32>,
      %get3A_1254 = arith.index_cast %add3A_1203 : i32 to index
      %get3A_1255 = arith.constant 80 : index
      %get3A_1256 = tpu.vector_load %arg24[%get3A_1254, %get3A_1255] {strides = array<i32>} : memref<160x128xf32, #tpu.memory_space<vmem>>, vector<16xf32>,
      %slice3A_1257 = vector.extract_strided_slice %get3A_194 {offsets = [12], sizes = [1], strides = [1]} : vector<16xf32> to vector<1xf32>
      %squeeze3A_1258 = vector.extract %slice3A_1257[0] : f32 from vector<1xf32>
      %mul3A_1259 = vector.broadcast %squeeze3A_1258 : f32 to vector<16xf32>
      %mul3A_1260 = arith.mulf %get3A_1256, %mul3A_1259 : vector<16xf32>
      %swap3A_1261 = arith.index_cast %add3A_1203 : i32 to index
      %swap3A_1262 = arith.constant 80 : index
      %swap3A_1263 = tpu.vector_load %arg24[%swap3A_1261, %swap3A_1262] {strides = array<i32>} : memref<160x128xf32, #tpu.memory_space<vmem>>, vector<16xf32>,
      tpu.vector_store %arg24[%swap3A_1261, %swap3A_1262], %mul3A_1260 {strides = array<i32>} : memref<160x128xf32, #tpu.memory_space<vmem>>, vector<16xf32>,
      %get3A_1264 = arith.index_cast %add3A_1203 : i32 to index
      %get3A_1265 = arith.constant 96 : index
      %get3A_1266 = tpu.vector_load %arg24[%get3A_1264, %get3A_1265] {strides = array<i32>} : memref<160x128xf32, #tpu.memory_space<vmem>>, vector<16xf32>,
      %slice3A_1267 = vector.extract_strided_slice %get3A_194 {offsets = [12], sizes = [1], strides = [1]} : vector<16xf32> to vector<1xf32>
      %squeeze3A_1268 = vector.extract %slice3A_1267[0] : f32 from vector<1xf32>
      %mul3A_1269 = vector.broadcast %squeeze3A_1268 : f32 to vector<16xf32>
      %mul3A_1270 = arith.mulf %get3A_1266, %mul3A_1269 : vector<16xf32>
      %swap3A_1271 = arith.index_cast %add3A_1203 : i32 to index
      %swap3A_1272 = arith.constant 96 : index
      %swap3A_1273 = tpu.vector_load %arg24[%swap3A_1271, %swap3A_1272] {strides = array<i32>} : memref<160x128xf32, #tpu.memory_space<vmem>>, vector<16xf32>,
      tpu.vector_store %arg24[%swap3A_1271, %swap3A_1272], %mul3A_1270 {strides = array<i32>} : memref<160x128xf32, #tpu.memory_space<vmem>>, vector<16xf32>,
      %get3A_1274 = arith.index_cast %add3A_1203 : i32 to index
      %get3A_1275 = arith.constant 112 : index
      %get3A_1276 = tpu.vector_load %arg24[%get3A_1274, %get3A_1275] {strides = array<i32>} : memref<160x128xf32, #tpu.memory_space<vmem>>, vector<16xf32>,
      %slice3A_1277 = vector.extract_strided_slice %get3A_194 {offsets = [12], sizes = [1], strides = [1]} : vector<16xf32> to vector<1xf32>
      %squeeze3A_1278 = vector.extract %slice3A_1277[0] : f32 from vector<1xf32>
      %mul3A_1279 = vector.broadcast %squeeze3A_1278 : f32 to vector<16xf32>
      %mul3A_1280 = arith.mulf %get3A_1276, %mul3A_1279 : vector<16xf32>
      %swap3A_1281 = arith.index_cast %add3A_1203 : i32 to index
      %swap3A_1282 = arith.constant 112 : index
      %swap3A_1283 = tpu.vector_load %arg24[%swap3A_1281, %swap3A_1282] {strides = array<i32>} : memref<160x128xf32, #tpu.memory_space<vmem>>, vector<16xf32>,
      tpu.vector_store %arg24[%swap3A_1281, %swap3A_1282], %mul3A_1280 {strides = array<i32>} : memref<160x128xf32, #tpu.memory_space<vmem>>, vector<16xf32>,
      %mul3A_1284 = arith.constant 16 : i32
      %mul3A_1285 = arith.muli %scan3A_190, %mul3A_1284 : i32
      %add3A_1286 = arith.constant 13 : i32
      %add3A_1287 = arith.addi %mul3A_1285, %add3A_1286 : i32
      %get3A_1288 = arith.index_cast %add3A_1287 : i32 to index
      %get3A_1289 = arith.constant 0 : index
      %get3A_1290 = tpu.vector_load %arg24[%get3A_1288, %get3A_1289] {strides = array<i32>} : memref<160x128xf32, #tpu.memory_space<vmem>>, vector<16xf32>,
      %slice3A_1291 = vector.extract_strided_slice %get3A_194 {offsets = [13], sizes = [1], strides = [1]} : vector<16xf32> to vector<1xf32>
      %squeeze3A_1292 = vector.extract %slice3A_1291[0] : f32 from vector<1xf32>
      %mul3A_1293 = vector.broadcast %squeeze3A_1292 : f32 to vector<16xf32>
      %mul3A_1294 = arith.mulf %get3A_1290, %mul3A_1293 : vector<16xf32>
      %swap3A_1295 = arith.index_cast %add3A_1287 : i32 to index
      %swap3A_1296 = arith.constant 0 : index
      %swap3A_1297 = tpu.vector_load %arg24[%swap3A_1295, %swap3A_1296] {strides = array<i32>} : memref<160x128xf32, #tpu.memory_space<vmem>>, vector<16xf32>,
      tpu.vector_store %arg24[%swap3A_1295, %swap3A_1296], %mul3A_1294 {strides = array<i32>} : memref<160x128xf32, #tpu.memory_space<vmem>>, vector<16xf32>,
      %get3A_1298 = arith.index_cast %add3A_1287 : i32 to index
      %get3A_1299 = arith.constant 16 : index
      %get3A_1300 = tpu.vector_load %arg24[%get3A_1298, %get3A_1299] {strides = array<i32>} : memref<160x128xf32, #tpu.memory_space<vmem>>, vector<16xf32>,
      %slice3A_1301 = vector.extract_strided_slice %get3A_194 {offsets = [13], sizes = [1], strides = [1]} : vector<16xf32> to vector<1xf32>
      %squeeze3A_1302 = vector.extract %slice3A_1301[0] : f32 from vector<1xf32>
      %mul3A_1303 = vector.broadcast %squeeze3A_1302 : f32 to vector<16xf32>
      %mul3A_1304 = arith.mulf %get3A_1300, %mul3A_1303 : vector<16xf32>
      %swap3A_1305 = arith.index_cast %add3A_1287 : i32 to index
      %swap3A_1306 = arith.constant 16 : index
      %swap3A_1307 = tpu.vector_load %arg24[%swap3A_1305, %swap3A_1306] {strides = array<i32>} : memref<160x128xf32, #tpu.memory_space<vmem>>, vector<16xf32>,
      tpu.vector_store %arg24[%swap3A_1305, %swap3A_1306], %mul3A_1304 {strides = array<i32>} : memref<160x128xf32, #tpu.memory_space<vmem>>, vector<16xf32>,
      %get3A_1308 = arith.index_cast %add3A_1287 : i32 to index
      %get3A_1309 = arith.constant 32 : index
      %get3A_1310 = tpu.vector_load %arg24[%get3A_1308, %get3A_1309] {strides = array<i32>} : memref<160x128xf32, #tpu.memory_space<vmem>>, vector<16xf32>,
      %slice3A_1311 = vector.extract_strided_slice %get3A_194 {offsets = [13], sizes = [1], strides = [1]} : vector<16xf32> to vector<1xf32>
      %squeeze3A_1312 = vector.extract %slice3A_1311[0] : f32 from vector<1xf32>
      %mul3A_1313 = vector.broadcast %squeeze3A_1312 : f32 to vector<16xf32>
      %mul3A_1314 = arith.mulf %get3A_1310, %mul3A_1313 : vector<16xf32>
      %swap3A_1315 = arith.index_cast %add3A_1287 : i32 to index
      %swap3A_1316 = arith.constant 32 : index
      %swap3A_1317 = tpu.vector_load %arg24[%swap3A_1315, %swap3A_1316] {strides = array<i32>} : memref<160x128xf32, #tpu.memory_space<vmem>>, vector<16xf32>,
      tpu.vector_store %arg24[%swap3A_1315, %swap3A_1316], %mul3A_1314 {strides = array<i32>} : memref<160x128xf32, #tpu.memory_space<vmem>>, vector<16xf32>,
      %get3A_1318 = arith.index_cast %add3A_1287 : i32 to index
      %get3A_1319 = arith.constant 48 : index
      %get3A_1320 = tpu.vector_load %arg24[%get3A_1318, %get3A_1319] {strides = array<i32>} : memref<160x128xf32, #tpu.memory_space<vmem>>, vector<16xf32>,
      %slice3A_1321 = vector.extract_strided_slice %get3A_194 {offsets = [13], sizes = [1], strides = [1]} : vector<16xf32> to vector<1xf32>
      %squeeze3A_1322 = vector.extract %slice3A_1321[0] : f32 from vector<1xf32>
      %mul3A_1323 = vector.broadcast %squeeze3A_1322 : f32 to vector<16xf32>
      %mul3A_1324 = arith.mulf %get3A_1320, %mul3A_1323 : vector<16xf32>
      %swap3A_1325 = arith.index_cast %add3A_1287 : i32 to index
      %swap3A_1326 = arith.constant 48 : index
      %swap3A_1327 = tpu.vector_load %arg24[%swap3A_1325, %swap3A_1326] {strides = array<i32>} : memref<160x128xf32, #tpu.memory_space<vmem>>, vector<16xf32>,
      tpu.vector_store %arg24[%swap3A_1325, %swap3A_1326], %mul3A_1324 {strides = array<i32>} : memref<160x128xf32, #tpu.memory_space<vmem>>, vector<16xf32>,
      %get3A_1328 = arith.index_cast %add3A_1287 : i32 to index
      %get3A_1329 = arith.constant 64 : index
      %get3A_1330 = tpu.vector_load %arg24[%get3A_1328, %get3A_1329] {strides = array<i32>} : memref<160x128xf32, #tpu.memory_space<vmem>>, vector<16xf32>,
      %slice3A_1331 = vector.extract_strided_slice %get3A_194 {offsets = [13], sizes = [1], strides = [1]} : vector<16xf32> to vector<1xf32>
      %squeeze3A_1332 = vector.extract %slice3A_1331[0] : f32 from vector<1xf32>
      %mul3A_1333 = vector.broadcast %squeeze3A_1332 : f32 to vector<16xf32>
      %mul3A_1334 = arith.mulf %get3A_1330, %mul3A_1333 : vector<16xf32>
      %swap3A_1335 = arith.index_cast %add3A_1287 : i32 to index
      %swap3A_1336 = arith.constant 64 : index
      %swap3A_1337 = tpu.vector_load %arg24[%swap3A_1335, %swap3A_1336] {strides = array<i32>} : memref<160x128xf32, #tpu.memory_space<vmem>>, vector<16xf32>,
      tpu.vector_store %arg24[%swap3A_1335, %swap3A_1336], %mul3A_1334 {strides = array<i32>} : memref<160x128xf32, #tpu.memory_space<vmem>>, vector<16xf32>,
      %get3A_1338 = arith.index_cast %add3A_1287 : i32 to index
      %get3A_1339 = arith.constant 80 : index
      %get3A_1340 = tpu.vector_load %arg24[%get3A_1338, %get3A_1339] {strides = array<i32>} : memref<160x128xf32, #tpu.memory_space<vmem>>, vector<16xf32>,
      %slice3A_1341 = vector.extract_strided_slice %get3A_194 {offsets = [13], sizes = [1], strides = [1]} : vector<16xf32> to vector<1xf32>
      %squeeze3A_1342 = vector.extract %slice3A_1341[0] : f32 from vector<1xf32>
      %mul3A_1343 = vector.broadcast %squeeze3A_1342 : f32 to vector<16xf32>
      %mul3A_1344 = arith.mulf %get3A_1340, %mul3A_1343 : vector<16xf32>
      %swap3A_1345 = arith.index_cast %add3A_1287 : i32 to index
      %swap3A_1346 = arith.constant 80 : index
      %swap3A_1347 = tpu.vector_load %arg24[%swap3A_1345, %swap3A_1346] {strides = array<i32>} : memref<160x128xf32, #tpu.memory_space<vmem>>, vector<16xf32>,
      tpu.vector_store %arg24[%swap3A_1345, %swap3A_1346], %mul3A_1344 {strides = array<i32>} : memref<160x128xf32, #tpu.memory_space<vmem>>, vector<16xf32>,
      %get3A_1348 = arith.index_cast %add3A_1287 : i32 to index
      %get3A_1349 = arith.constant 96 : index
      %get3A_1350 = tpu.vector_load %arg24[%get3A_1348, %get3A_1349] {strides = array<i32>} : memref<160x128xf32, #tpu.memory_space<vmem>>, vector<16xf32>,
      %slice3A_1351 = vector.extract_strided_slice %get3A_194 {offsets = [13], sizes = [1], strides = [1]} : vector<16xf32> to vector<1xf32>
      %squeeze3A_1352 = vector.extract %slice3A_1351[0] : f32 from vector<1xf32>
      %mul3A_1353 = vector.broadcast %squeeze3A_1352 : f32 to vector<16xf32>
      %mul3A_1354 = arith.mulf %get3A_1350, %mul3A_1353 : vector<16xf32>
      %swap3A_1355 = arith.index_cast %add3A_1287 : i32 to index
      %swap3A_1356 = arith.constant 96 : index
      %swap3A_1357 = tpu.vector_load %arg24[%swap3A_1355, %swap3A_1356] {strides = array<i32>} : memref<160x128xf32, #tpu.memory_space<vmem>>, vector<16xf32>,
      tpu.vector_store %arg24[%swap3A_1355, %swap3A_1356], %mul3A_1354 {strides = array<i32>} : memref<160x128xf32, #tpu.memory_space<vmem>>, vector<16xf32>,
      %get3A_1358 = arith.index_cast %add3A_1287 : i32 to index
      %get3A_1359 = arith.constant 112 : index
      %get3A_1360 = tpu.vector_load %arg24[%get3A_1358, %get3A_1359] {strides = array<i32>} : memref<160x128xf32, #tpu.memory_space<vmem>>, vector<16xf32>,
      %slice3A_1361 = vector.extract_strided_slice %get3A_194 {offsets = [13], sizes = [1], strides = [1]} : vector<16xf32> to vector<1xf32>
      %squeeze3A_1362 = vector.extract %slice3A_1361[0] : f32 from vector<1xf32>
      %mul3A_1363 = vector.broadcast %squeeze3A_1362 : f32 to vector<16xf32>
      %mul3A_1364 = arith.mulf %get3A_1360, %mul3A_1363 : vector<16xf32>
      %swap3A_1365 = arith.index_cast %add3A_1287 : i32 to index
      %swap3A_1366 = arith.constant 112 : index
      %swap3A_1367 = tpu.vector_load %arg24[%swap3A_1365, %swap3A_1366] {strides = array<i32>} : memref<160x128xf32, #tpu.memory_space<vmem>>, vector<16xf32>,
      tpu.vector_store %arg24[%swap3A_1365, %swap3A_1366], %mul3A_1364 {strides = array<i32>} : memref<160x128xf32, #tpu.memory_space<vmem>>, vector<16xf32>,
      %mul3A_1368 = arith.constant 16 : i32
      %mul3A_1369 = arith.muli %scan3A_190, %mul3A_1368 : i32
      %add3A_1370 = arith.constant 14 : i32
      %add3A_1371 = arith.addi %mul3A_1369, %add3A_1370 : i32
      %get3A_1372 = arith.index_cast %add3A_1371 : i32 to index
      %get3A_1373 = arith.constant 0 : index
      %get3A_1374 = tpu.vector_load %arg24[%get3A_1372, %get3A_1373] {strides = array<i32>} : memref<160x128xf32, #tpu.memory_space<vmem>>, vector<16xf32>,
      %slice3A_1375 = vector.extract_strided_slice %get3A_194 {offsets = [14], sizes = [1], strides = [1]} : vector<16xf32> to vector<1xf32>
      %squeeze3A_1376 = vector.extract %slice3A_1375[0] : f32 from vector<1xf32>
      %mul3A_1377 = vector.broadcast %squeeze3A_1376 : f32 to vector<16xf32>
      %mul3A_1378 = arith.mulf %get3A_1374, %mul3A_1377 : vector<16xf32>
      %swap3A_1379 = arith.index_cast %add3A_1371 : i32 to index
      %swap3A_1380 = arith.constant 0 : index
      %swap3A_1381 = tpu.vector_load %arg24[%swap3A_1379, %swap3A_1380] {strides = array<i32>} : memref<160x128xf32, #tpu.memory_space<vmem>>, vector<16xf32>,
      tpu.vector_store %arg24[%swap3A_1379, %swap3A_1380], %mul3A_1378 {strides = array<i32>} : memref<160x128xf32, #tpu.memory_space<vmem>>, vector<16xf32>,
      %get3A_1382 = arith.index_cast %add3A_1371 : i32 to index
      %get3A_1383 = arith.constant 16 : index
      %get3A_1384 = tpu.vector_load %arg24[%get3A_1382, %get3A_1383] {strides = array<i32>} : memref<160x128xf32, #tpu.memory_space<vmem>>, vector<16xf32>,
      %slice3A_1385 = vector.extract_strided_slice %get3A_194 {offsets = [14], sizes = [1], strides = [1]} : vector<16xf32> to vector<1xf32>
      %squeeze3A_1386 = vector.extract %slice3A_1385[0] : f32 from vector<1xf32>
      %mul3A_1387 = vector.broadcast %squeeze3A_1386 : f32 to vector<16xf32>
      %mul3A_1388 = arith.mulf %get3A_1384, %mul3A_1387 : vector<16xf32>
      %swap3A_1389 = arith.index_cast %add3A_1371 : i32 to index
      %swap3A_1390 = arith.constant 16 : index
      %swap3A_1391 = tpu.vector_load %arg24[%swap3A_1389, %swap3A_1390] {strides = array<i32>} : memref<160x128xf32, #tpu.memory_space<vmem>>, vector<16xf32>,
      tpu.vector_store %arg24[%swap3A_1389, %swap3A_1390], %mul3A_1388 {strides = array<i32>} : memref<160x128xf32, #tpu.memory_space<vmem>>, vector<16xf32>,
      %get3A_1392 = arith.index_cast %add3A_1371 : i32 to index
      %get3A_1393 = arith.constant 32 : index
      %get3A_1394 = tpu.vector_load %arg24[%get3A_1392, %get3A_1393] {strides = array<i32>} : memref<160x128xf32, #tpu.memory_space<vmem>>, vector<16xf32>,
      %slice3A_1395 = vector.extract_strided_slice %get3A_194 {offsets = [14], sizes = [1], strides = [1]} : vector<16xf32> to vector<1xf32>
      %squeeze3A_1396 = vector.extract %slice3A_1395[0] : f32 from vector<1xf32>
      %mul3A_1397 = vector.broadcast %squeeze3A_1396 : f32 to vector<16xf32>
      %mul3A_1398 = arith.mulf %get3A_1394, %mul3A_1397 : vector<16xf32>
      %swap3A_1399 = arith.index_cast %add3A_1371 : i32 to index
      %swap3A_1400 = arith.constant 32 : index
      %swap3A_1401 = tpu.vector_load %arg24[%swap3A_1399, %swap3A_1400] {strides = array<i32>} : memref<160x128xf32, #tpu.memory_space<vmem>>, vector<16xf32>,
      tpu.vector_store %arg24[%swap3A_1399, %swap3A_1400], %mul3A_1398 {strides = array<i32>} : memref<160x128xf32, #tpu.memory_space<vmem>>, vector<16xf32>,
      %get3A_1402 = arith.index_cast %add3A_1371 : i32 to index
      %get3A_1403 = arith.constant 48 : index
      %get3A_1404 = tpu.vector_load %arg24[%get3A_1402, %get3A_1403] {strides = array<i32>} : memref<160x128xf32, #tpu.memory_space<vmem>>, vector<16xf32>,
      %slice3A_1405 = vector.extract_strided_slice %get3A_194 {offsets = [14], sizes = [1], strides = [1]} : vector<16xf32> to vector<1xf32>
      %squeeze3A_1406 = vector.extract %slice3A_1405[0] : f32 from vector<1xf32>
      %mul3A_1407 = vector.broadcast %squeeze3A_1406 : f32 to vector<16xf32>
      %mul3A_1408 = arith.mulf %get3A_1404, %mul3A_1407 : vector<16xf32>
      %swap3A_1409 = arith.index_cast %add3A_1371 : i32 to index
      %swap3A_1410 = arith.constant 48 : index
      %swap3A_1411 = tpu.vector_load %arg24[%swap3A_1409, %swap3A_1410] {strides = array<i32>} : memref<160x128xf32, #tpu.memory_space<vmem>>, vector<16xf32>,
      tpu.vector_store %arg24[%swap3A_1409, %swap3A_1410], %mul3A_1408 {strides = array<i32>} : memref<160x128xf32, #tpu.memory_space<vmem>>, vector<16xf32>,
      %get3A_1412 = arith.index_cast %add3A_1371 : i32 to index
      %get3A_1413 = arith.constant 64 : index
      %get3A_1414 = tpu.vector_load %arg24[%get3A_1412, %get3A_1413] {strides = array<i32>} : memref<160x128xf32, #tpu.memory_space<vmem>>, vector<16xf32>,
      %slice3A_1415 = vector.extract_strided_slice %get3A_194 {offsets = [14], sizes = [1], strides = [1]} : vector<16xf32> to vector<1xf32>
      %squeeze3A_1416 = vector.extract %slice3A_1415[0] : f32 from vector<1xf32>
      %mul3A_1417 = vector.broadcast %squeeze3A_1416 : f32 to vector<16xf32>
      %mul3A_1418 = arith.mulf %get3A_1414, %mul3A_1417 : vector<16xf32>
      %swap3A_1419 = arith.index_cast %add3A_1371 : i32 to index
      %swap3A_1420 = arith.constant 64 : index
      %swap3A_1421 = tpu.vector_load %arg24[%swap3A_1419, %swap3A_1420] {strides = array<i32>} : memref<160x128xf32, #tpu.memory_space<vmem>>, vector<16xf32>,
      tpu.vector_store %arg24[%swap3A_1419, %swap3A_1420], %mul3A_1418 {strides = array<i32>} : memref<160x128xf32, #tpu.memory_space<vmem>>, vector<16xf32>,
      %get3A_1422 = arith.index_cast %add3A_1371 : i32 to index
      %get3A_1423 = arith.constant 80 : index
      %get3A_1424 = tpu.vector_load %arg24[%get3A_1422, %get3A_1423] {strides = array<i32>} : memref<160x128xf32, #tpu.memory_space<vmem>>, vector<16xf32>,
      %slice3A_1425 = vector.extract_strided_slice %get3A_194 {offsets = [14], sizes = [1], strides = [1]} : vector<16xf32> to vector<1xf32>
      %squeeze3A_1426 = vector.extract %slice3A_1425[0] : f32 from vector<1xf32>
      %mul3A_1427 = vector.broadcast %squeeze3A_1426 : f32 to vector<16xf32>
      %mul3A_1428 = arith.mulf %get3A_1424, %mul3A_1427 : vector<16xf32>
      %swap3A_1429 = arith.index_cast %add3A_1371 : i32 to index
      %swap3A_1430 = arith.constant 80 : index
      %swap3A_1431 = tpu.vector_load %arg24[%swap3A_1429, %swap3A_1430] {strides = array<i32>} : memref<160x128xf32, #tpu.memory_space<vmem>>, vector<16xf32>,
      tpu.vector_store %arg24[%swap3A_1429, %swap3A_1430], %mul3A_1428 {strides = array<i32>} : memref<160x128xf32, #tpu.memory_space<vmem>>, vector<16xf32>,
      %get3A_1432 = arith.index_cast %add3A_1371 : i32 to index
      %get3A_1433 = arith.constant 96 : index
      %get3A_1434 = tpu.vector_load %arg24[%get3A_1432, %get3A_1433] {strides = array<i32>} : memref<160x128xf32, #tpu.memory_space<vmem>>, vector<16xf32>,
      %slice3A_1435 = vector.extract_strided_slice %get3A_194 {offsets = [14], sizes = [1], strides = [1]} : vector<16xf32> to vector<1xf32>
      %squeeze3A_1436 = vector.extract %slice3A_1435[0] : f32 from vector<1xf32>
      %mul3A_1437 = vector.broadcast %squeeze3A_1436 : f32 to vector<16xf32>
      %mul3A_1438 = arith.mulf %get3A_1434, %mul3A_1437 : vector<16xf32>
      %swap3A_1439 = arith.index_cast %add3A_1371 : i32 to index
      %swap3A_1440 = arith.constant 96 : index
      %swap3A_1441 = tpu.vector_load %arg24[%swap3A_1439, %swap3A_1440] {strides = array<i32>} : memref<160x128xf32, #tpu.memory_space<vmem>>, vector<16xf32>,
      tpu.vector_store %arg24[%swap3A_1439, %swap3A_1440], %mul3A_1438 {strides = array<i32>} : memref<160x128xf32, #tpu.memory_space<vmem>>, vector<16xf32>,
      %get3A_1442 = arith.index_cast %add3A_1371 : i32 to index
      %get3A_1443 = arith.constant 112 : index
      %get3A_1444 = tpu.vector_load %arg24[%get3A_1442, %get3A_1443] {strides = array<i32>} : memref<160x128xf32, #tpu.memory_space<vmem>>, vector<16xf32>,
      %slice3A_1445 = vector.extract_strided_slice %get3A_194 {offsets = [14], sizes = [1], strides = [1]} : vector<16xf32> to vector<1xf32>
      %squeeze3A_1446 = vector.extract %slice3A_1445[0] : f32 from vector<1xf32>
      %mul3A_1447 = vector.broadcast %squeeze3A_1446 : f32 to vector<16xf32>
      %mul3A_1448 = arith.mulf %get3A_1444, %mul3A_1447 : vector<16xf32>
      %swap3A_1449 = arith.index_cast %add3A_1371 : i32 to index
      %swap3A_1450 = arith.constant 112 : index
      %swap3A_1451 = tpu.vector_load %arg24[%swap3A_1449, %swap3A_1450] {strides = array<i32>} : memref<160x128xf32, #tpu.memory_space<vmem>>, vector<16xf32>,
      tpu.vector_store %arg24[%swap3A_1449, %swap3A_1450], %mul3A_1448 {strides = array<i32>} : memref<160x128xf32, #tpu.memory_space<vmem>>, vector<16xf32>,
      %mul3A_1452 = arith.constant 16 : i32
      %mul3A_1453 = arith.muli %scan3A_190, %mul3A_1452 : i32
      %add3A_1454 = arith.constant 15 : i32
      %add3A_1455 = arith.addi %mul3A_1453, %add3A_1454 : i32
      %get3A_1456 = arith.index_cast %add3A_1455 : i32 to index
      %get3A_1457 = arith.constant 0 : index
      %get3A_1458 = tpu.vector_load %arg24[%get3A_1456, %get3A_1457] {strides = array<i32>} : memref<160x128xf32, #tpu.memory_space<vmem>>, vector<16xf32>,
      %slice3A_1459 = vector.extract_strided_slice %get3A_194 {offsets = [15], sizes = [1], strides = [1]} : vector<16xf32> to vector<1xf32>
      %squeeze3A_1460 = vector.extract %slice3A_1459[0] : f32 from vector<1xf32>
      %mul3A_1461 = vector.broadcast %squeeze3A_1460 : f32 to vector<16xf32>
      %mul3A_1462 = arith.mulf %get3A_1458, %mul3A_1461 : vector<16xf32>
      %swap3A_1463 = arith.index_cast %add3A_1455 : i32 to index
      %swap3A_1464 = arith.constant 0 : index
      %swap3A_1465 = tpu.vector_load %arg24[%swap3A_1463, %swap3A_1464] {strides = array<i32>} : memref<160x128xf32, #tpu.memory_space<vmem>>, vector<16xf32>,
      tpu.vector_store %arg24[%swap3A_1463, %swap3A_1464], %mul3A_1462 {strides = array<i32>} : memref<160x128xf32, #tpu.memory_space<vmem>>, vector<16xf32>,
      %get3A_1466 = arith.index_cast %add3A_1455 : i32 to index
      %get3A_1467 = arith.constant 16 : index
      %get3A_1468 = tpu.vector_load %arg24[%get3A_1466, %get3A_1467] {strides = array<i32>} : memref<160x128xf32, #tpu.memory_space<vmem>>, vector<16xf32>,
      %slice3A_1469 = vector.extract_strided_slice %get3A_194 {offsets = [15], sizes = [1], strides = [1]} : vector<16xf32> to vector<1xf32>
      %squeeze3A_1470 = vector.extract %slice3A_1469[0] : f32 from vector<1xf32>
      %mul3A_1471 = vector.broadcast %squeeze3A_1470 : f32 to vector<16xf32>
      %mul3A_1472 = arith.mulf %get3A_1468, %mul3A_1471 : vector<16xf32>
      %swap3A_1473 = arith.index_cast %add3A_1455 : i32 to index
      %swap3A_1474 = arith.constant 16 : index
      %swap3A_1475 = tpu.vector_load %arg24[%swap3A_1473, %swap3A_1474] {strides = array<i32>} : memref<160x128xf32, #tpu.memory_space<vmem>>, vector<16xf32>,
      tpu.vector_store %arg24[%swap3A_1473, %swap3A_1474], %mul3A_1472 {strides = array<i32>} : memref<160x128xf32, #tpu.memory_space<vmem>>, vector<16xf32>,
      %get3A_1476 = arith.index_cast %add3A_1455 : i32 to index
      %get3A_1477 = arith.constant 32 : index
      %get3A_1478 = tpu.vector_load %arg24[%get3A_1476, %get3A_1477] {strides = array<i32>} : memref<160x128xf32, #tpu.memory_space<vmem>>, vector<16xf32>,
      %slice3A_1479 = vector.extract_strided_slice %get3A_194 {offsets = [15], sizes = [1], strides = [1]} : vector<16xf32> to vector<1xf32>
      %squeeze3A_1480 = vector.extract %slice3A_1479[0] : f32 from vector<1xf32>
      %mul3A_1481 = vector.broadcast %squeeze3A_1480 : f32 to vector<16xf32>
      %mul3A_1482 = arith.mulf %get3A_1478, %mul3A_1481 : vector<16xf32>
      %swap3A_1483 = arith.index_cast %add3A_1455 : i32 to index
      %swap3A_1484 = arith.constant 32 : index
      %swap3A_1485 = tpu.vector_load %arg24[%swap3A_1483, %swap3A_1484] {strides = array<i32>} : memref<160x128xf32, #tpu.memory_space<vmem>>, vector<16xf32>,
      tpu.vector_store %arg24[%swap3A_1483, %swap3A_1484], %mul3A_1482 {strides = array<i32>} : memref<160x128xf32, #tpu.memory_space<vmem>>, vector<16xf32>,
      %get3A_1486 = arith.index_cast %add3A_1455 : i32 to index
      %get3A_1487 = arith.constant 48 : index
      %get3A_1488 = tpu.vector_load %arg24[%get3A_1486, %get3A_1487] {strides = array<i32>} : memref<160x128xf32, #tpu.memory_space<vmem>>, vector<16xf32>,
      %slice3A_1489 = vector.extract_strided_slice %get3A_194 {offsets = [15], sizes = [1], strides = [1]} : vector<16xf32> to vector<1xf32>
      %squeeze3A_1490 = vector.extract %slice3A_1489[0] : f32 from vector<1xf32>
      %mul3A_1491 = vector.broadcast %squeeze3A_1490 : f32 to vector<16xf32>
      %mul3A_1492 = arith.mulf %get3A_1488, %mul3A_1491 : vector<16xf32>
      %swap3A_1493 = arith.index_cast %add3A_1455 : i32 to index
      %swap3A_1494 = arith.constant 48 : index
      %swap3A_1495 = tpu.vector_load %arg24[%swap3A_1493, %swap3A_1494] {strides = array<i32>} : memref<160x128xf32, #tpu.memory_space<vmem>>, vector<16xf32>,
      tpu.vector_store %arg24[%swap3A_1493, %swap3A_1494], %mul3A_1492 {strides = array<i32>} : memref<160x128xf32, #tpu.memory_space<vmem>>, vector<16xf32>,
      %get3A_1496 = arith.index_cast %add3A_1455 : i32 to index
      %get3A_1497 = arith.constant 64 : index
      %get3A_1498 = tpu.vector_load %arg24[%get3A_1496, %get3A_1497] {strides = array<i32>} : memref<160x128xf32, #tpu.memory_space<vmem>>, vector<16xf32>,
      %slice3A_1499 = vector.extract_strided_slice %get3A_194 {offsets = [15], sizes = [1], strides = [1]} : vector<16xf32> to vector<1xf32>
      %squeeze3A_1500 = vector.extract %slice3A_1499[0] : f32 from vector<1xf32>
      %mul3A_1501 = vector.broadcast %squeeze3A_1500 : f32 to vector<16xf32>
      %mul3A_1502 = arith.mulf %get3A_1498, %mul3A_1501 : vector<16xf32>
      %swap3A_1503 = arith.index_cast %add3A_1455 : i32 to index
      %swap3A_1504 = arith.constant 64 : index
      %swap3A_1505 = tpu.vector_load %arg24[%swap3A_1503, %swap3A_1504] {strides = array<i32>} : memref<160x128xf32, #tpu.memory_space<vmem>>, vector<16xf32>,
      tpu.vector_store %arg24[%swap3A_1503, %swap3A_1504], %mul3A_1502 {strides = array<i32>} : memref<160x128xf32, #tpu.memory_space<vmem>>, vector<16xf32>,
      %get3A_1506 = arith.index_cast %add3A_1455 : i32 to index
      %get3A_1507 = arith.constant 80 : index
      %get3A_1508 = tpu.vector_load %arg24[%get3A_1506, %get3A_1507] {strides = array<i32>} : memref<160x128xf32, #tpu.memory_space<vmem>>, vector<16xf32>,
      %slice3A_1509 = vector.extract_strided_slice %get3A_194 {offsets = [15], sizes = [1], strides = [1]} : vector<16xf32> to vector<1xf32>
      %squeeze3A_1510 = vector.extract %slice3A_1509[0] : f32 from vector<1xf32>
      %mul3A_1511 = vector.broadcast %squeeze3A_1510 : f32 to vector<16xf32>
      %mul3A_1512 = arith.mulf %get3A_1508, %mul3A_1511 : vector<16xf32>
      %swap3A_1513 = arith.index_cast %add3A_1455 : i32 to index
      %swap3A_1514 = arith.constant 80 : index
      %swap3A_1515 = tpu.vector_load %arg24[%swap3A_1513, %swap3A_1514] {strides = array<i32>} : memref<160x128xf32, #tpu.memory_space<vmem>>, vector<16xf32>,
      tpu.vector_store %arg24[%swap3A_1513, %swap3A_1514], %mul3A_1512 {strides = array<i32>} : memref<160x128xf32, #tpu.memory_space<vmem>>, vector<16xf32>,
      %get3A_1516 = arith.index_cast %add3A_1455 : i32 to index
      %get3A_1517 = arith.constant 96 : index
      %get3A_1518 = tpu.vector_load %arg24[%get3A_1516, %get3A_1517] {strides = array<i32>} : memref<160x128xf32, #tpu.memory_space<vmem>>, vector<16xf32>,
      %slice3A_1519 = vector.extract_strided_slice %get3A_194 {offsets = [15], sizes = [1], strides = [1]} : vector<16xf32> to vector<1xf32>
      %squeeze3A_1520 = vector.extract %slice3A_1519[0] : f32 from vector<1xf32>
      %mul3A_1521 = vector.broadcast %squeeze3A_1520 : f32 to vector<16xf32>
      %mul3A_1522 = arith.mulf %get3A_1518, %mul3A_1521 : vector<16xf32>
      %swap3A_1523 = arith.index_cast %add3A_1455 : i32 to index
      %swap3A_1524 = arith.constant 96 : index
      %swap3A_1525 = tpu.vector_load %arg24[%swap3A_1523, %swap3A_1524] {strides = array<i32>} : memref<160x128xf32, #tpu.memory_space<vmem>>, vector<16xf32>,
      tpu.vector_store %arg24[%swap3A_1523, %swap3A_1524], %mul3A_1522 {strides = array<i32>} : memref<160x128xf32, #tpu.memory_space<vmem>>, vector<16xf32>,
      %get3A_1526 = arith.index_cast %add3A_1455 : i32 to index
      %get3A_1527 = arith.constant 112 : index
      %get3A_1528 = tpu.vector_load %arg24[%get3A_1526, %get3A_1527] {strides = array<i32>} : memref<160x128xf32, #tpu.memory_space<vmem>>, vector<16xf32>,
      %slice3A_1529 = vector.extract_strided_slice %get3A_194 {offsets = [15], sizes = [1], strides = [1]} : vector<16xf32> to vector<1xf32>
      %squeeze3A_1530 = vector.extract %slice3A_1529[0] : f32 from vector<1xf32>
      %mul3A_1531 = vector.broadcast %squeeze3A_1530 : f32 to vector<16xf32>
      %mul3A_1532 = arith.mulf %get3A_1528, %mul3A_1531 : vector<16xf32>
      %swap3A_1533 = arith.index_cast %add3A_1455 : i32 to index
      %swap3A_1534 = arith.constant 112 : index
      %swap3A_1535 = tpu.vector_load %arg24[%swap3A_1533, %swap3A_1534] {strides = array<i32>} : memref<160x128xf32, #tpu.memory_space<vmem>>, vector<16xf32>,
      tpu.vector_store %arg24[%swap3A_1533, %swap3A_1534], %mul3A_1532 {strides = array<i32>} : memref<160x128xf32, #tpu.memory_space<vmem>>, vector<16xf32>,
      %scan3A_1536 = arith.constant 0 : i32
      scf.yield %scan3A_1536 : i32
    }
    %scan3A_183 = arith.constant 10 : i32
    %mul3A_184 = arith.constant 160 : i32
    %mul3A_185 = arith.muli %mul3A_184, %add3A : i32
    "tpu.region"() ({
      %run_scoped3A = tpu.sem_alloc : memref<!tpu.dma_semaphore, #tpu.memory_space<semaphore_mem>>
      %dma_start3A_190 = arith.constant 0 : i32
      %dma_start3A_191 = tpu.memref_slice %arg12[%mul3A_185, %dma_start3A_190] : memref<5120x128xf32, #tpu.memory_space<hbm>> -> memref<160x128xf32, #tpu.memory_space<hbm>>
      %dma_start3A_192 = arith.constant 0 : i32
      %dma_start3A_193 = tpu.memref_slice %arg12[%mul3A_185, %dma_start3A_192] : memref<5120x128xf32, #tpu.memory_space<hbm>> -> memref<160x128xf32, #tpu.memory_space<hbm>>
      tpu.enqueue_dma source(%arg24 : memref<160x128xf32, #tpu.memory_space<vmem>>) target(%dma_start3A_193 : memref<160x128xf32, #tpu.memory_space<hbm>>) target_semaphore(%run_scoped3A : memref<!tpu.dma_semaphore, #tpu.memory_space<semaphore_mem>>)
      %dma_wait3A_194 = arith.constant 0 : i32
      %dma_wait3A_195 = tpu.memref_slice %arg12[%mul3A_185, %dma_wait3A_194] : memref<5120x128xf32, #tpu.memory_space<hbm>> -> memref<160x128xf32, #tpu.memory_space<hbm>>
      %dma_wait3A_196 = arith.constant 0 : i32
      %dma_wait3A_197 = tpu.memref_slice %arg12[%mul3A_185, %dma_wait3A_196] : memref<5120x128xf32, #tpu.memory_space<hbm>> -> memref<160x128xf32, #tpu.memory_space<hbm>>
      tpu.wait_dma2 semaphore(%run_scoped3A : memref<!tpu.dma_semaphore, #tpu.memory_space<semaphore_mem>>) src(%arg24 : memref<160x128xf32, #tpu.memory_space<vmem>>) dst(%dma_wait3A_197 : memref<160x128xf32, #tpu.memory_space<hbm>>)
      tpu.yield
    }) : () -> ()
    %mul3A_186 = arith.constant 160 : i32
    %mul3A_187 = arith.muli %mul3A_186, %add3A : i32
    "tpu.region"() ({
      %run_scoped3A = tpu.sem_alloc : memref<!tpu.dma_semaphore, #tpu.memory_space<semaphore_mem>>
      %dma_start3A_190 = tpu.memref_slice %arg13[%mul3A_187] : memref<5120xf32, #tpu.memory_space<hbm>> -> memref<160xf32, #tpu.memory_space<hbm>>
      %dma_start3A_191 = tpu.memref_slice %arg13[%mul3A_187] : memref<5120xf32, #tpu.memory_space<hbm>> -> memref<160xf32, #tpu.memory_space<hbm>>
      tpu.enqueue_dma source(%arg22 : memref<160xf32, #tpu.memory_space<vmem>>) target(%dma_start3A_191 : memref<160xf32, #tpu.memory_space<hbm>>) target_semaphore(%run_scoped3A : memref<!tpu.dma_semaphore, #tpu.memory_space<semaphore_mem>>)
      %dma_wait3A_192 = tpu.memref_slice %arg13[%mul3A_187] : memref<5120xf32, #tpu.memory_space<hbm>> -> memref<160xf32, #tpu.memory_space<hbm>>
      %dma_wait3A_193 = tpu.memref_slice %arg13[%mul3A_187] : memref<5120xf32, #tpu.memory_space<hbm>> -> memref<160xf32, #tpu.memory_space<hbm>>
      tpu.wait_dma2 semaphore(%run_scoped3A : memref<!tpu.dma_semaphore, #tpu.memory_space<semaphore_mem>>) src(%arg22 : memref<160xf32, #tpu.memory_space<vmem>>) dst(%dma_wait3A_193 : memref<160xf32, #tpu.memory_space<hbm>>)
      tpu.yield
    }) : () -> ()
    %mul3A_188 = arith.constant 160 : i32
    %mul3A_189 = arith.muli %mul3A_188, %add3A : i32
    "tpu.region"() ({
      %run_scoped3A = tpu.sem_alloc : memref<!tpu.dma_semaphore, #tpu.memory_space<semaphore_mem>>
      %dma_start3A_190 = tpu.memref_slice %arg14[%mul3A_189] : memref<5120xi32, #tpu.memory_space<hbm>> -> memref<160xi32, #tpu.memory_space<hbm>>
      %dma_start3A_191 = tpu.memref_slice %arg14[%mul3A_189] : memref<5120xi32, #tpu.memory_space<hbm>> -> memref<160xi32, #tpu.memory_space<hbm>>
      tpu.enqueue_dma source(%arg23 : memref<160xi32, #tpu.memory_space<vmem>>) target(%dma_start3A_191 : memref<160xi32, #tpu.memory_space<hbm>>) target_semaphore(%run_scoped3A : memref<!tpu.dma_semaphore, #tpu.memory_space<semaphore_mem>>)
      %dma_wait3A_192 = tpu.memref_slice %arg14[%mul3A_189] : memref<5120xi32, #tpu.memory_space<hbm>> -> memref<160xi32, #tpu.memory_space<hbm>>
      %dma_wait3A_193 = tpu.memref_slice %arg14[%mul3A_189] : memref<5120xi32, #tpu.memory_space<hbm>> -> memref<160xi32, #tpu.memory_space<hbm>>
      tpu.wait_dma2 semaphore(%run_scoped3A : memref<!tpu.dma_semaphore, #tpu.memory_space<semaphore_mem>>) src(%arg23 : memref<160xi32, #tpu.memory_space<vmem>>) dst(%dma_wait3A_193 : memref<160xi32, #tpu.memory_space<hbm>>)
      tpu.yield
    }) : () -> ()
    return
  }
}

module attributes {stable_mosaic.version = 14 : i64} {
  func.func @body(%arg0: memref<80x128xf32, #tpu.memory_space<vmem>>, %arg1: memref<80x128xf32, #tpu.memory_space<vmem>>) attributes {dimension_semantics = [], scalar_prefetch = 0 : i64, scratch_operands = 0 : i64, tpu.core_type = #tpu.core_type<tc>} {
    %get3A = arith.constant 0 : index
    %get3A_0 = arith.constant 0 : index
    %get3A_1 = vector.load %arg0[%get3A, %get3A_0] : memref<80x128xf32, #tpu.memory_space<vmem>>, vector<80x128xf32>
    %tanh3A = math.tanh %get3A_1 : vector<80x128xf32>
    %swap3A = arith.constant 0 : index
    %swap3A_2 = arith.constant 0 : index
    %swap3A_3 = vector.load %arg1[%swap3A, %swap3A_2] : memref<80x128xf32, #tpu.memory_space<vmem>>, vector<80x128xf32>
    tpu.vector_store %arg1[%swap3A, %swap3A_2], %tanh3A {strides = array<i32>} : memref<80x128xf32, #tpu.memory_space<vmem>>, vector<80x128xf32>,
    return
  }
}

</mosaic_0001>

<sc_bundles>
// kernel: kernel.5.cloned.1.call-start
scs
__scs_entry_jumppad:
0x0: {  	(pc) =	sbr.rel $0x88, $3  }
0x1: {  	(tag) =	ssettag $0x0;
	lr =	simm.s32 $0x1  }
0x2: {  	[smem:$0x3F9B] =	sst lr;
	_ =	strace $0xD0000000  }
0x3: {  	_ = 	snop  }
0x4: {  	_ = 	snop  }
0x5: {  	_ = 	snop  }
0x6: {  	_ = 	snop  }
0x7: {  	_ = 	snop  }
__scs_overlays_trampoline_lowered:
0x8: {  	[smem:$0x3FAA] =	sst s0  }
0x9: {  	[smem:$0x3FAB] =	sst s1  }
0xa: {  	[smem:$0x3FAC] =	sst s2  }
0xb: {  	[smem:$0x3FAD] =	sst s3  }
0xc: {  	[smem:$0x3FAE] =	sst s4  }
0xd: {  	[smem:$0x3FAF] =	sst s5  }
0xe: {  	[smem:$0x3FB0] =	sst s6  }
0xf: {  	[smem:$0x3FB1] =	sst s7  }
0x10: {  	[smem:$0x3FB2] =	sst s8  }
0x11: {  	[smem:$0x3FB3] =	sst s9;
	s0 =	simm.s32 @!p0 $0x0  }
0x12: {  	s1 =	sld [smem:$0x3F99];
	s0 =	simm.s32 @p0 $0x1  }
0x13: {  	[smem:$0x3FB4] =	sst s0;
	s0 =	simm.s32 @!p1 $0x0  }
0x14: {  	s2 =	sld [smem:$0x3F98];
	s0 =	simm.s32 @p1 $0x1  }
0x15: {  	[smem:$0x3FB5] =	sst s0;
	s0 =	simm.s32 @!p2 $0x0  }
0x16: {  	s3 =	sld [smem:$0x3FDB];
	s0 =	simm.s32 @p2 $0x1  }
0x17: {  	s4 =	simm.s32 $0x1BF5;
	[smem:$0x3FB7] =	sst s0  }
0x18: {  	s0 =	sld [smem:$0x3F9A];
	_ =	swait.ge [sflag:s4], $0x0  }
0x19: {  	s7 =	sld [smem:$0x3F9B]  }
0x1a: {  	s8 =	sadd.s32 $0xFFFFE003, lr  }
0x1b: {  	s9 =	sadd.s32 $0xFFFFFEF7, lr;
	s5 =	simm.s32 $0xFFFFFFFF;
	p2 =	slt.u32 s8, $0xFFFFF086  }
0x1c: {  	p1 =	slt.u32 s9, $0xF7A;
	s5 =	simm.s32 @!p2 $0x0  }
0x1d: {  	s5 =	simm.s32 @p1 $0x1;
	p0 =	seq.s32 s7, s2  }
0x1e: {  	s7 =	smul.u32 @!p0 $0xF7A, s2;
	p2 =	seq.s32 @!p0 s5, $0x0  }
0x1f: {  	s9 =	smul.u32 $0xF7A, s1;
	s8 =	simm.s32 @!p0 $0x1BF5;
	p2 =	por !p2, p0  }
0x20: {  	[sflag:s8] =	ssyncset.s32 @!p0 $0xFFFFF086;
	s6 =	sadd.s32 @!p0 s3, s7;
	s7 =	simm.s32 @!p0 $0x108  }
0x21: {  	s3 =	sadd.s32 s3, s9;
	s6 =	sadd.s32 @!p0 $0x88, s6;
	s7 =	simm.s32 @p2 $0x1082  }
0x22: {  	[simem:s7], [sflag:s8] =	dma.local @!p0 [hbm:s6], $0xF7A  }
0x23: {  	s9 =	sor.u32 $0xD0000000, s2;
	s6 =	simm.s32 $0x108;
	_ =	swait.ge @!p0 [sflag:s8], $0x0  }
0x24: {  	s3 =	sadd.s32 $0x88, s3;
	s6 =	simm.s32 @!p1 $0x1082;
	[sflag:s4] =	ssyncset.s32 $0xFFFFF086  }
0x25: {  	[simem:s6], [sflag:s4] =	dma.local [hbm:s3], $0xF7A  }
0x26: {  	[smem:$0x3F9B] =	sst s1;
	(tag) =	ssettag s2;
	_ =	strace s9  }
0x27: {  	s1 =	sld [smem:$0x3FAB]  }
0x28: {  	s2 =	sld [smem:$0x3FAC]  }
0x29: {  	s4 =	sld [smem:$0x3FAE]  }
0x2a: {  	p0 =	seq.s32 s5, $0x0;
	s5 =	sld [smem:$0x3FAF]  }
0x2b: {  	s6 =	sld [smem:$0x3FB0]  }
0x2c: {  	s7 =	sld [smem:$0x3FB1]  }
0x2d: {  	s3 =	simm.s32 $0x108;
	s8 =	sld [smem:$0x3FB2]  }
0x2e: {  	s3 =	simm.s32 @!p0 $0x1082;
	s9 =	sld [smem:$0x3FB3]  }
0x2f: {  	lr =	sadd.s32 s0, s3;
	s0 =	sld [smem:$0x3FAA]  }
0x30: {  	s3 =	sld [smem:$0x3FAD]  }
0x31: {  	[smem:$0x3FB6] =	sst s10  }
0x32: {  	s10 =	sld [smem:$0x3FB4];
	_ =	sdelay $0x3  }
0x33: {  	p0 =	seq.s32 s10, $0x1;
	s10 =	sld [smem:$0x3FB6];
	_ =	sdelay $0x3  }
0x34: {  	[smem:$0x3FB6] =	sst s10  }
0x35: {  	s10 =	sld [smem:$0x3FB5];
	_ =	sdelay $0x3  }
0x36: {  	p1 =	seq.s32 s10, $0x1;
	s10 =	sld [smem:$0x3FB6];
	_ =	sdelay $0x3  }
0x37: {  	[smem:$0x3FB6] =	sst s10  }
0x38: {  	s10 =	sld [smem:$0x3FB7]  }
0x39: {  	_ = 	snop;
	(pc) =	sbr.ind lr, $3  }
0x3a: {  	_ = 	snop  }
0x3b: {  	_ = 	snop  }
0x3c: {  	p2 =	seq.s32 s10, $0x1;
	s10 =	sld [smem:$0x3FB6]  }
0x3d: {  	_ =	shalt  }
0x3e: {  	_ =	shalt  }
0x3f: {  	_ =	shalt  }
0x40: {  	_ =	shalt  }
0x41: {  	_ =	shalt  }
0x42: {  	_ =	shalt  }
0x43: {  	_ =	shalt  }
0x44: {  	_ =	shalt  }
0x45: {  	_ =	shalt  }
0x46: {  	_ =	shalt  }
0x47: {  	_ =	shalt  }
0x48: {  	_ =	shalt  }
0x49: {  	_ =	shalt  }
0x4a: {  	_ =	shalt  }
0x4b: {  	_ =	shalt  }
0x4c: {  	_ =	shalt  }
0x4d: {  	_ =	shalt  }
0x4e: {  	_ =	shalt  }
0x4f: {  	_ =	shalt  }
0x50: {  	_ =	shalt  }
0x51: {  	_ =	shalt  }
0x52: {  	_ =	shalt  }
0x53: {  	_ =	shalt  }
0x54: {  	_ =	shalt  }
0x55: {  	_ =	shalt  }
0x56: {  	_ =	shalt  }
0x57: {  	_ =	shalt  }
0x58: {  	_ =	shalt  }
0x59: {  	_ =	shalt  }
0x5a: {  	_ =	shalt  }
0x5b: {  	_ =	shalt  }
0x5c: {  	_ =	shalt  }
0x5d: {  	_ =	shalt  }
0x5e: {  	_ =	shalt  }
0x5f: {  	_ =	shalt  }
0x60: {  	_ =	shalt  }
0x61: {  	_ =	shalt  }
0x62: {  	_ =	shalt  }
0x63: {  	_ =	shalt  }
0x64: {  	_ =	shalt  }
0x65: {  	_ =	shalt  }
0x66: {  	_ =	shalt  }
0x67: {  	_ =	shalt  }
0x68: {  	_ =	shalt  }
0x69: {  	_ =	shalt  }
0x6a: {  	_ =	shalt  }
0x6b: {  	_ =	shalt  }
0x6c: {  	_ =	shalt  }
0x6d: {  	_ =	shalt  }
0x6e: {  	_ =	shalt  }
0x6f: {  	_ =	shalt  }
0x70: {  	_ =	shalt  }
0x71: {  	_ =	shalt  }
0x72: {  	_ =	shalt  }
0x73: {  	_ =	shalt  }
0x74: {  	_ =	shalt  }
0x75: {  	_ =	shalt  }
0x76: {  	_ =	shalt  }
0x77: {  	_ =	shalt  }
0x78: {  	_ =	shalt  }
0x79: {  	_ =	shalt  }
0x7a: {  	_ =	shalt  }
0x7b: {  	_ =	shalt  }
0x7c: {  	_ =	shalt  }
0x7d: {  	_ =	shalt  }
0x7e: {  	_ =	shalt  }
0x7f: {  	_ =	shalt  }
0x80: {  	_ =	shalt  }
0x81: {  	_ =	shalt  }
0x82: {  	_ =	shalt  }
0x83: {  	_ =	shalt  }
0x84: {  	_ =	shalt  }
0x85: {  	_ =	shalt  }
0x86: {  	_ =	shalt  }
0x87: {  	_ =	shalt  }
.Lfunc_end0:
.L_simem_size_0:
called_computation.1_lowered:
.L_overlay_start_0:
0x88: {  	s2 =	sld [smem:$0x3FD9]  }
0x89: {  	s3 =	sld [smem:$0x3FFE];
	_ =	sdelay $0x1  }
0x8a: {  	s1 =	srdreg.scid  }
0x8b: {  	s0 =	sand.u32 $0x1, s1  }
0x8c: {  	s14 =	sshll.u32 s0, $0xA;
	s2 =	sadd.s32 s3, s2  }
0x8d: {  	s2 =	sadd.s32 s2, s14  }
0x8e: {  	[smem:$0x3FC2] =	sst s2  }
0x8f: {  	_ = 	snop  }
0x90: {  	s2 =	sld [smem:$0x3FD0];
	_ =	sdelay $0x2  }
0x91: {  	s15 =	simm.s32 $0xA;
	s4 =	simm.s32 $0x10  }
0x92: {  	[smem:s4], [sflag:s15] =	dma.local [hbm:s2], $0x1  }
0x93: {  	_ =	swait.eq [sflag:s15], $0x1  }
0x94: {  	[sflag:s15] =	ssyncset.done $0x0  }
0x95: {  	s16 =	sld [smem:$0x10];
	[sflag:s15] =	ssyncadd.s32 $0xFFFFFFFF  }
0x96: {  	s17 =	sld [smem:$0x11];
	(tm) =	ssettm $0x1  }
0x97: {  	s18 =	sld [smem:$0x3FFB];
	_ =	sdelay $0x3  }
0x98: {  	_ =	strace s18  }
0x99: {  	s4 =	sld [smem:$0x3FFC];
	_ =	sdelay $0x3  }
0x9a: {  	_ =	strace s4  }
0x9b: {  	s4 =	sld [smem:$0x3FFD];
	_ =	sdelay $0x3  }
0x9c: {  	_ =	strace s4  }
0x9d: {  	_ =	strace $0x8FFFFFFF  }
0x9e: {  	s19 =	sld [smem:$0x3FDB];
	_ =	sdelay $0x1  }
0x9f: {  	s5 =	simm.s32 $_scs_section_size  }
0xa0: {  	s6 =	simm.s32 $_size__tile_overlayer_lowered;
	s7 =	simm.s32 $_tile_overlayer_lowered  }
0xa1: {  	s22 =	simm.s32 $0x1BFF;
	s21 =	sshll.u32 s7, $0x1;
	s4 =	sadd.s32 s5, s19  }
0xa2: {  	s8 =	simm.s32 $0x0;
	s20 =	sshll.u32 s6, $0x1;
	s6 =	sadd.s32 s21, s4  }
0xa3: {  	[timem:s8], [sflag:s22] =	dma.local [hbm:s6], s20  }
0xa4: {  	_ =	swait.ge [sflag:s22], s20  }
0xa5: {  	s5 =	ssub.s32 $0x0, s20;
	[sflag:s22] =	ssyncset.done $0x0  }
0xa6: {  	[sflag:s22] =	ssyncadd.s32 s5;
	_ =	sdelay $0x1  }
0xa7: {  	s23 =	simm.s32 $0x1B8B  }
0xa8: {  	_ =	swait.ge [sflag:s23], $0x1  }
0xa9: {  	[sflag:s23] =	ssyncset.done $0x0  }
0xaa: {  	s25 =	simm.s32 $0x1B8E;
	s24 =	sld [smem:$0x3FFE];
	[sflag:s23] =	ssyncadd.s32 $0xFFFFFFFF  }
0xab: {  	s26 =	simm.s32 $execute0_lowered;
	[smem:$0x3FD2] =	sst s25  }
0xac: {  	s6 =	sshll.u32 s26, $0x1;
	_ =	strace $0x80000046;
	[dreg:$0x1] =	wrdreg $0xFFFFFFFF  }
0xad: {  	s28 =	simm.s32 $_size_execute0_lowered;
	s4 =	sadd.s32 s4, s6;
	[dreg:$0x0] =	wrdreg $0x0  }
0xae: {  	s6 =	sshll.u32 s28, $0x1;
	[dreg:$0x2] =	wrdreg s4  }
0xaf: {  	[dreg:$0x3] =	wrdreg s6  }
0xb0: {  	[dreg:$0x4] =	wrdreg $0xC0  }
0xb1: {  	_ =	task [dreg:s8], $0x5FFFF  }
0xb2: {  	[dreg:$0x1] =	wrdreg $0xFFFFFFFF  }
0xb3: {  	[dreg:$0x0] =	wrdreg $0x60  }
0xb4: {  	[dreg:$0x2] =	wrdreg s17  }
0xb5: {  	[dreg:$0x3] =	wrdreg s24  }
0xb6: {  	[dreg:$0x4] =	wrdreg s16  }
0xb7: {  	[dreg:$0x5] =	wrdreg $0x9  }
0xb8: {  	_ =	task.clear_ibuf [dreg:s8], $0x6FFFF;
	_ =	strace $0x90000046  }
0xb9: {  	s29 =	simm.s32 $0x9;
	_ =	strace $0x80000048  }
0xba: {  	_ =	swait.ge [sflag:s29], $0x1  }
0xbb: {  	[sflag:s29] =	ssyncadd.s32 $0xFFFFFFFF  }
0xbc: {  	_ =	strace $0x90000048  }
0xbd: {  	_ =	sfence  }
0xbe: {  	s30 =	sld [smem:$0x0];
	_ =	sdelay $0x2  }
0xbf: {  	s31 =	sshll.u32 s1, $0xD;
	s1 =	sshrl.u32 s1, $0x2  }
0xc0: {  	s3 =	sand.u32 $0x4000, s31;
	s1 =	sadd.s32 s1, s30  }
0xc1: {  	s0 =	sor.u32 s3, s0;
	s1 =	sshll.u32 s1, $0x11  }
0xc2: {  	s0 =	sor.u32 s1, s0  }
0xc3: {  	s0 =	sadd.s32 $0x8F2B, s0  }
0xc4: {  	[sflag:s0] =	ssyncadd.remote.s32 $0x1  }
0xc5: {  	_ =	sfence.sel $0xFFFF  }
0xc6: {  	[dreg:$0x0] =	wrdreg $0xFFFFFFFF;
	(pc) =	sbr.abs _section_cstart, $3  }
0xc7: {  	[dreg:$0x1] =	wrdreg $0xFFFFFFFF  }
0xc8: {  	_ =	task.clear_ibuf [dreg:s8], $0x2FFFF;
	_ =	strace $0x9FFFFFFF  }
0xc9: {  	(tm) =	ssettm $0x7FFFFFFF  }
tec
execute0_lowered:
.L_overlay_start_1:
0x0: {  	(tag) =	ssettag $0x1  }
0x1: {  	s4 =	rddreg [dreg:$0x0]  }
0x2: {  	s1 =	srdreg.scid;
	s0 =	stileid.u32  }
0x3: {  	s2 =	rddreg [dreg:$0x1];
	s12 =	sand.u32 $0x1, s1;
	s31 =	sshll.u32 s0, $0x1  }
0x4: {  	s9 =	rddreg [dreg:$0x2];
	s5 =	sor.u32 s12, s31  }
0x5: {  	s3 =	simm.s32 $0x0;
	s1 =	rddreg [dreg:$0x3];
	s10 =	smul.u32 $0x500, s5  }
0x6: {  	[smem:$0x7FF] =	sst s3  }
0x7: {  	_ =	strace $0x80000047;
	s5 =	sadd.s32 s4, s10;
	s4 =	simm.s32 $0x2  }
0x8: {  	[tilespmem:s3], [sflag:$0x2] =	stream.linear.gather [hbm4b:s5+s3], $0x2800, $0x38;
	[tilespmem:$0x7800] =	vst v63  }
0x9: {  	_ =	swait.ge [sflag:s4], $0x2800  }
0xa: {  	s7 =	simm.s32 $0x2800;
	[sflag:s4] =	ssyncset.done $0x0  }
0xb: {  	s8 =	simm.s32 $0x1;
	s6 =	sadd.s32 $0x9E00, s2;
	[sflag:s4] =	ssyncadd.s32 $0xFFFFD800  }
0xc: {  	[tilespmem:s7], [sflag:$0x1] =	stream.indirect.gather [hbm4b:s6+s7], $0x1, s3, s7, $0xb8;
	[tilespmem:$0x7800] =	vst v63  }
0xd: {  	_ =	swait.ge [sflag:s8], $0x2800  }
0xe: {  	[sflag:s8] =	ssyncset.done $0x0  }
0xf: {  	s9 =	sadd.s32 s9, s10;
	[sflag:s8] =	ssyncadd.s32 $0xFFFFD800  }
0x10: {  	[hbm4b:s9+s3] =	stream.linear.scatter [tilespmem:s7], [sflag:$0x2], $0x2800, $0x38;
	[tilespmem:$0x7800] =	vst v63  }
0x11: {  	_ =	swait.ge [sflag:s4], $0x2800  }
0x12: {  	[sflag:s4] =	ssyncset.done $0x0  }
0x13: {  	[sflag:s4] =	ssyncadd.s32 $0xFFFFD800  }
0x14: {  	[tilespmem:s7], [sflag:$0x1] =	stream.indirect.gather [hbm4b:s2+s7], $0x1, s3, s7, $0xb8;
	[tilespmem:$0x7800] =	vst v63  }
0x15: {  	_ =	swait.ge [sflag:s8], $0x2800  }
0x16: {  	s13 =	sadd.s32 s10, s2;
	[sflag:s8] =	ssyncset.done $0x0  }
0x17: {  	s14 =	ssub.s32 $0x2, s12;
	s10 =	sadd.s32 $0x1DA00, s13;
	[sflag:s8] =	ssyncadd.s32 $0xFFFFD800  }
0x18: {  	[hbm4b:s10+s3] =	stream.linear.scatter [tilespmem:s7], [sflag:$0x2], $0x2800, $0x38;
	[tilespmem:$0x7800] =	vst v63  }
0x19: {  	s15 =	sshrl.u32 s14, $0x1;
	_ =	swait.ge [sflag:s4], $0x2800  }
0x1a: {  	s11 =	sadd.s32 $0x13C00, s2;
	s14 =	ssub.s32 s14, s15;
	[sflag:s4] =	ssyncset.done $0x0  }
0x1b: {  	s12 =	simm.s32 $0x5000;
	s14 =	smax.u32 s14, $0x1;
	[sflag:s4] =	ssyncadd.s32 $0xFFFFD800  }
0x1c: {  	[tilespmem:s12], [sflag:$0x1] =	stream.indirect.gather [hbm4b:s11+s7], $0x1, s3, s7, $0xb8;
	[tilespmem:$0x7800] =	vst v63  }
0x1d: {  	p0 =	sne.s32 s14, $0x1;
	_ =	swait.ge [sflag:s8], $0x2800  }
.Ltmp0:
0x1e: {  	[sflag:s8] =	ssyncset.done $0x0;
	(pc) =	sbr.rel @!p0 .LBB2_2-.Ltmp0, $4  }
0x1f: {  	s13 =	sadd.s32 $0x27A00, s13;
	[sflag:s8] =	ssyncadd.s32 $0xFFFFD800  }
0x20: {  	[hbm4b:s13+s3] =	stream.linear.scatter [tilespmem:s12], [sflag:$0x2], $0x2800, $0x38;
	[tilespmem:$0x7800] =	vst v63  }
0x21: {  	_ =	swait.ge [sflag:s4], $0x2800  }
0x22: {  	s14 =	sadd.s32 $0xFFFFFFFF, s14;
	[sflag:s4] =	ssyncset.done $0x0  }
.LBB2_1:
0x23: {  	p0 =	sne.s32 s14, $0x1;
	s14 =	sadd.s32 $0xFFFFFFFF, s14;
	[sflag:s4] =	ssyncadd.s32 $0xFFFFD800  }
0x24: {  	[tilespmem:s3], [sflag:$0x2] =	stream.linear.gather [hbm4b:s5+s3], $0x2800, $0x38;
	[tilespmem:$0x7800] =	vst v63  }
0x25: {  	_ =	swait.ge [sflag:s4], $0x2800  }
0x26: {  	[sflag:s4] =	ssyncset.done $0x0  }
0x27: {  	[sflag:s4] =	ssyncadd.s32 $0xFFFFD800  }
0x28: {  	[tilespmem:s7], [sflag:$0x1] =	stream.indirect.gather [hbm4b:s6+s7], $0x1, s3, s7, $0xb8;
	[tilespmem:$0x7800] =	vst v63  }
0x29: {  	_ =	swait.ge [sflag:s8], $0x2800  }
0x2a: {  	[sflag:s8] =	ssyncset.done $0x0  }
0x2b: {  	[sflag:s8] =	ssyncadd.s32 $0xFFFFD800  }
0x2c: {  	[hbm4b:s9+s3] =	stream.linear.scatter [tilespmem:s7], [sflag:$0x2], $0x2800, $0x38;
	[tilespmem:$0x7800] =	vst v63  }
0x2d: {  	_ =	swait.ge [sflag:s4], $0x2800  }
0x2e: {  	[sflag:s4] =	ssyncset.done $0x0  }
0x2f: {  	[sflag:s4] =	ssyncadd.s32 $0xFFFFD800  }
0x30: {  	[tilespmem:s7], [sflag:$0x1] =	stream.indirect.gather [hbm4b:s2+s7], $0x1, s3, s7, $0xb8;
	[tilespmem:$0x7800] =	vst v63  }
0x31: {  	_ =	swait.ge [sflag:s8], $0x2800  }
0x32: {  	[sflag:s8] =	ssyncset.done $0x0  }
0x33: {  	[sflag:s8] =	ssyncadd.s32 $0xFFFFD800  }
0x34: {  	[hbm4b:s10+s3] =	stream.linear.scatter [tilespmem:s7], [sflag:$0x2], $0x2800, $0x38;
	[tilespmem:$0x7800] =	vst v63  }
0x35: {  	_ =	swait.ge [sflag:s4], $0x2800  }
0x36: {  	[sflag:s4] =	ssyncset.done $0x0  }
0x37: {  	[sflag:s4] =	ssyncadd.s32 $0xFFFFD800  }
0x38: {  	[tilespmem:s12], [sflag:$0x1] =	stream.indirect.gather [hbm4b:s11+s7], $0x1, s3, s7, $0xb8;
	[tilespmem:$0x7800] =	vst v63  }
0x39: {  	_ =	swait.ge [sflag:s8], $0x2800  }
.Ltmp1:
0x3a: {  	[sflag:s8] =	ssyncset.done $0x0;
	(pc) =	sbr.rel @p0 .LBB2_1-.Ltmp1, $4  }
0x3b: {  	[sflag:s8] =	ssyncadd.s32 $0xFFFFD800  }
0x3c: {  	[hbm4b:s13+s3] =	stream.linear.scatter [tilespmem:s12], [sflag:$0x2], $0x2800, $0x38;
	[tilespmem:$0x7800] =	vst v63  }
0x3d: {  	_ =	swait.ge [sflag:s4], $0x2800  }
0x3e: {  	[sflag:s4] =	ssyncset.done $0x0  }
.LBB2_2:
0x3f: {  	[sflag:s4] =	ssyncadd.s32 $0xFFFFD800  }
0x40: {  	_ =	sfence.sel $0x180000  }
0x41: {  	[bflag:$0x0] =	sbarrier.arrive $0xFFFF  }
0x42: {  	p0 =	sne.s32 s0, $0x0;
	_ =	strace $0x90000047  }
0x43: {  	s0 =	sadd.s32 @!p0 $0x100000, s1;
	[bflag:$0x2] =	sbarrier.arrive $0xFFFF  }
0x44: {  	[sflag:s0] =	ssyncadd.tile.s32 @!p0 $0x1;
	_ =	shalt  }
.Lfunc_end2:
_tile_overlayer_lowered:
.L_overlay_start_2:
0x45: {  	(tag) =	ssettag $0x2  }
0x46: {  	s0 =	rddreg [dreg:$0x0];
	s2 =	stileid.u32  }
0x47: {  	s1 =	rddreg [dreg:$0x1];
	p0 =	sne.s32 s2, $0x0  }
0x48: {  	s3 =	rddreg [dreg:$0x2];
	[bflag:$0x3] =	sbarrier.arrive $0xFFFF;
	s2 =	simm.s32 @!p0 $0x1C02  }
0x49: {  	[timem:s3], [sflag:s2] =	dma.local @!p0 [hbm:s0], s1  }
0x4a: {  	s0 =	simm.s32 @!p0 $0x2  }
0x4b: {  	_ =	swait.ge @!p0 [sflag:s0], s1  }
0x4c: {  	s1 =	ssub.s32 @!p0 $0x0, s1;
	[sflag:s0] =	ssyncset.done @!p0 $0x0  }
0x4d: {  	[sflag:s0] =	ssyncadd.s32 @!p0 s1  }
0x4e: {  	[bflag:$0x3] =	sbarrier.arrive $0xFFFF  }
0x4f: {  	_ =	shalt  }

// kernel: kernel.8.cloned.1.call-start
scs
__scs_entry_jumppad:
0x0: {  	(pc) =	sbr.rel $0x88, $3  }
0x1: {  	(tag) =	ssettag $0x0;
	lr =	simm.s32 $0x1  }
0x2: {  	[smem:$0x3F9B] =	sst lr;
	_ =	strace $0xD0000000  }
0x3: {  	_ = 	snop  }
0x4: {  	_ = 	snop  }
0x5: {  	_ = 	snop  }
0x6: {  	_ = 	snop  }
0x7: {  	_ = 	snop  }
__scs_overlays_trampoline_lowered:
0x8: {  	[smem:$0x3FAA] =	sst s0  }
0x9: {  	[smem:$0x3FAB] =	sst s1  }
0xa: {  	[smem:$0x3FAC] =	sst s2  }
0xb: {  	[smem:$0x3FAD] =	sst s3  }
0xc: {  	[smem:$0x3FAE] =	sst s4  }
0xd: {  	[smem:$0x3FAF] =	sst s5  }
0xe: {  	[smem:$0x3FB0] =	sst s6  }
0xf: {  	[smem:$0x3FB1] =	sst s7  }
0x10: {  	[smem:$0x3FB2] =	sst s8  }
0x11: {  	[smem:$0x3FB3] =	sst s9;
	s0 =	simm.s32 @!p0 $0x0  }
0x12: {  	s1 =	sld [smem:$0x3F99];
	s0 =	simm.s32 @p0 $0x1  }
0x13: {  	[smem:$0x3FB4] =	sst s0;
	s0 =	simm.s32 @!p1 $0x0  }
0x14: {  	s2 =	sld [smem:$0x3F98];
	s0 =	simm.s32 @p1 $0x1  }
0x15: {  	[smem:$0x3FB5] =	sst s0;
	s0 =	simm.s32 @!p2 $0x0  }
0x16: {  	s3 =	sld [smem:$0x3FDB];
	s0 =	simm.s32 @p2 $0x1  }
0x17: {  	s4 =	simm.s32 $0x1BF5;
	[smem:$0x3FB7] =	sst s0  }
0x18: {  	s0 =	sld [smem:$0x3F9A];
	_ =	swait.ge [sflag:s4], $0x0  }
0x19: {  	s7 =	sld [smem:$0x3F9B]  }
0x1a: {  	s8 =	sadd.s32 $0xFFFFE003, lr  }
0x1b: {  	s9 =	sadd.s32 $0xFFFFFEF7, lr;
	s5 =	simm.s32 $0xFFFFFFFF;
	p2 =	slt.u32 s8, $0xFFFFF086  }
0x1c: {  	p1 =	slt.u32 s9, $0xF7A;
	s5 =	simm.s32 @!p2 $0x0  }
0x1d: {  	s5 =	simm.s32 @p1 $0x1;
	p0 =	seq.s32 s7, s2  }
0x1e: {  	s7 =	smul.u32 @!p0 $0xF7A, s2;
	p2 =	seq.s32 @!p0 s5, $0x0  }
0x1f: {  	s9 =	smul.u32 $0xF7A, s1;
	s8 =	simm.s32 @!p0 $0x1BF5;
	p2 =	por !p2, p0  }
0x20: {  	[sflag:s8] =	ssyncset.s32 @!p0 $0xFFFFF086;
	s6 =	sadd.s32 @!p0 s3, s7;
	s7 =	simm.s32 @!p0 $0x108  }
0x21: {  	s3 =	sadd.s32 s3, s9;
	s6 =	sadd.s32 @!p0 $0x88, s6;
	s7 =	simm.s32 @p2 $0x1082  }
0x22: {  	[simem:s7], [sflag:s8] =	dma.local @!p0 [hbm:s6], $0xF7A  }
0x23: {  	s9 =	sor.u32 $0xD0000000, s2;
	s6 =	simm.s32 $0x108;
	_ =	swait.ge @!p0 [sflag:s8], $0x0  }
0x24: {  	s3 =	sadd.s32 $0x88, s3;
	s6 =	simm.s32 @!p1 $0x1082;
	[sflag:s4] =	ssyncset.s32 $0xFFFFF086  }
0x25: {  	[simem:s6], [sflag:s4] =	dma.local [hbm:s3], $0xF7A  }
0x26: {  	[smem:$0x3F9B] =	sst s1;
	(tag) =	ssettag s2;
	_ =	strace s9  }
0x27: {  	s1 =	sld [smem:$0x3FAB]  }
0x28: {  	s2 =	sld [smem:$0x3FAC]  }
0x29: {  	s4 =	sld [smem:$0x3FAE]  }
0x2a: {  	p0 =	seq.s32 s5, $0x0;
	s5 =	sld [smem:$0x3FAF]  }
0x2b: {  	s6 =	sld [smem:$0x3FB0]  }
0x2c: {  	s7 =	sld [smem:$0x3FB1]  }
0x2d: {  	s3 =	simm.s32 $0x108;
	s8 =	sld [smem:$0x3FB2]  }
0x2e: {  	s3 =	simm.s32 @!p0 $0x1082;
	s9 =	sld [smem:$0x3FB3]  }
0x2f: {  	lr =	sadd.s32 s0, s3;
	s0 =	sld [smem:$0x3FAA]  }
0x30: {  	s3 =	sld [smem:$0x3FAD]  }
0x31: {  	[smem:$0x3FB6] =	sst s10  }
0x32: {  	s10 =	sld [smem:$0x3FB4];
	_ =	sdelay $0x3  }
0x33: {  	p0 =	seq.s32 s10, $0x1;
	s10 =	sld [smem:$0x3FB6];
	_ =	sdelay $0x3  }
0x34: {  	[smem:$0x3FB6] =	sst s10  }
0x35: {  	s10 =	sld [smem:$0x3FB5];
	_ =	sdelay $0x3  }
0x36: {  	p1 =	seq.s32 s10, $0x1;
	s10 =	sld [smem:$0x3FB6];
	_ =	sdelay $0x3  }
0x37: {  	[smem:$0x3FB6] =	sst s10  }
0x38: {  	s10 =	sld [smem:$0x3FB7]  }
0x39: {  	_ = 	snop;
	(pc) =	sbr.ind lr, $3  }
0x3a: {  	_ = 	snop  }
0x3b: {  	_ = 	snop  }
0x3c: {  	p2 =	seq.s32 s10, $0x1;
	s10 =	sld [smem:$0x3FB6]  }
0x3d: {  	_ =	shalt  }
0x3e: {  	_ =	shalt  }
0x3f: {  	_ =	shalt  }
0x40: {  	_ =	shalt  }
0x41: {  	_ =	shalt  }
0x42: {  	_ =	shalt  }
0x43: {  	_ =	shalt  }
0x44: {  	_ =	shalt  }
0x45: {  	_ =	shalt  }
0x46: {  	_ =	shalt  }
0x47: {  	_ =	shalt  }
0x48: {  	_ =	shalt  }
0x49: {  	_ =	shalt  }
0x4a: {  	_ =	shalt  }
0x4b: {  	_ =	shalt  }
0x4c: {  	_ =	shalt  }
0x4d: {  	_ =	shalt  }
0x4e: {  	_ =	shalt  }
0x4f: {  	_ =	shalt  }
0x50: {  	_ =	shalt  }
0x51: {  	_ =	shalt  }
0x52: {  	_ =	shalt  }
0x53: {  	_ =	shalt  }
0x54: {  	_ =	shalt  }
0x55: {  	_ =	shalt  }
0x56: {  	_ =	shalt  }
0x57: {  	_ =	shalt  }
0x58: {  	_ =	shalt  }
0x59: {  	_ =	shalt  }
0x5a: {  	_ =	shalt  }
0x5b: {  	_ =	shalt  }
0x5c: {  	_ =	shalt  }
0x5d: {  	_ =	shalt  }
0x5e: {  	_ =	shalt  }
0x5f: {  	_ =	shalt  }
0x60: {  	_ =	shalt  }
0x61: {  	_ =	shalt  }
0x62: {  	_ =	shalt  }
0x63: {  	_ =	shalt  }
0x64: {  	_ =	shalt  }
0x65: {  	_ =	shalt  }
0x66: {  	_ =	shalt  }
0x67: {  	_ =	shalt  }
0x68: {  	_ =	shalt  }
0x69: {  	_ =	shalt  }
0x6a: {  	_ =	shalt  }
0x6b: {  	_ =	shalt  }
0x6c: {  	_ =	shalt  }
0x6d: {  	_ =	shalt  }
0x6e: {  	_ =	shalt  }
0x6f: {  	_ =	shalt  }
0x70: {  	_ =	shalt  }
0x71: {  	_ =	shalt  }
0x72: {  	_ =	shalt  }
0x73: {  	_ =	shalt  }
0x74: {  	_ =	shalt  }
0x75: {  	_ =	shalt  }
0x76: {  	_ =	shalt  }
0x77: {  	_ =	shalt  }
0x78: {  	_ =	shalt  }
0x79: {  	_ =	shalt  }
0x7a: {  	_ =	shalt  }
0x7b: {  	_ =	shalt  }
0x7c: {  	_ =	shalt  }
0x7d: {  	_ =	shalt  }
0x7e: {  	_ =	shalt  }
0x7f: {  	_ =	shalt  }
0x80: {  	_ =	shalt  }
0x81: {  	_ =	shalt  }
0x82: {  	_ =	shalt  }
0x83: {  	_ =	shalt  }
0x84: {  	_ =	shalt  }
0x85: {  	_ =	shalt  }
0x86: {  	_ =	shalt  }
0x87: {  	_ =	shalt  }
.Lfunc_end0:
.L_simem_size_0:
called_computation.2_lowered:
.L_overlay_start_0:
0x88: {  	s2 =	sld [smem:$0x3FD9]  }
0x89: {  	s3 =	sld [smem:$0x3FFE];
	_ =	sdelay $0x1  }
0x8a: {  	s1 =	srdreg.scid  }
0x8b: {  	s0 =	sand.u32 $0x1, s1  }
0x8c: {  	s14 =	sshll.u32 s0, $0xA;
	s2 =	sadd.s32 s3, s2  }
0x8d: {  	s2 =	sadd.s32 s2, s14  }
0x8e: {  	[smem:$0x3FC2] =	sst s2  }
0x8f: {  	_ = 	snop  }
0x90: {  	s2 =	sld [smem:$0x3FD0];
	_ =	sdelay $0x2  }
0x91: {  	s4 =	simm.s32 $0xA;
	s5 =	simm.s32 $0x10;
	s15 =	sld [smem:$0x3FC9]  }
0x92: {  	[smem:s5], [sflag:s4] =	dma.local [hbm:s2], $0x1  }
0x93: {  	_ =	swait.eq [sflag:s4], $0x1  }
0x94: {  	s16 =	sld [smem:$0x10]  }
0x95: {  	s17 =	sld [smem:$0x11]  }
0x96: {  	s6 =	sld [smem:$0x12];
	[sflag:s4] =	ssyncset.done $0x0  }
0x97: {  	s7 =	sld [smem:$0x13];
	[sflag:s4] =	ssyncadd.s32 $0xFFFFFFFF  }
0x98: {  	s18 =	sld [smem:$0x15];
	(tm) =	ssettm $0x1  }
0x99: {  	s8 =	sld [smem:$0x3FFB];
	_ =	sdelay $0x3  }
0x9a: {  	_ =	strace s8  }
0x9b: {  	s8 =	sld [smem:$0x3FFC];
	_ =	sdelay $0x3  }
0x9c: {  	_ =	strace s8  }
0x9d: {  	s8 =	sld [smem:$0x3FFD];
	_ =	sdelay $0x3  }
0x9e: {  	_ =	strace s8  }
0x9f: {  	_ =	strace $0x8FFFFFFF  }
0xa0: {  	s19 =	sld [smem:$0x3FDB];
	_ =	sdelay $0x1  }
0xa1: {  	s9 =	simm.s32 $_scs_section_size  }
0xa2: {  	s10 =	simm.s32 $_size__tile_overlayer_lowered;
	s11 =	simm.s32 $_tile_overlayer_lowered  }
0xa3: {  	s22 =	simm.s32 $0x1BFF;
	s21 =	sshll.u32 s11, $0x1;
	s8 =	sadd.s32 s9, s19  }
0xa4: {  	s12 =	simm.s32 $0x0;
	s20 =	sshll.u32 s10, $0x1;
	s10 =	sadd.s32 s21, s8  }
0xa5: {  	[timem:s12], [sflag:s22] =	dma.local [hbm:s10], s20  }
0xa6: {  	_ =	swait.ge [sflag:s22], s20  }
0xa7: {  	s9 =	ssub.s32 $0x0, s20;
	[sflag:s22] =	ssyncset.done $0x0  }
0xa8: {  	[sflag:s22] =	ssyncadd.s32 s9;
	_ =	sdelay $0x1  }
0xa9: {  	s23 =	simm.s32 $0x1B8B  }
0xaa: {  	_ =	swait.ge [sflag:s23], $0x1  }
0xab: {  	[sflag:s23] =	ssyncset.done $0x0  }
0xac: {  	s25 =	simm.s32 $0x1B8E;
	s24 =	sld [smem:$0x3FFE];
	[sflag:s23] =	ssyncadd.s32 $0xFFFFFFFF  }
0xad: {  	s26 =	simm.s32 $execute0_lowered;
	[smem:$0x3FD2] =	sst s25  }
0xae: {  	s10 =	sshll.u32 s26, $0x1;
	_ =	strace $0x8000004C;
	[dreg:$0x1] =	wrdreg $0xFFFFFFFF  }
0xaf: {  	s28 =	simm.s32 $_size_execute0_lowered;
	s8 =	sadd.s32 s8, s10;
	[dreg:$0x0] =	wrdreg $0x0  }
0xb0: {  	s10 =	sshll.u32 s28, $0x1;
	[dreg:$0x2] =	wrdreg s8  }
0xb1: {  	[dreg:$0x3] =	wrdreg s10  }
0xb2: {  	[dreg:$0x4] =	wrdreg $0xC0  }
0xb3: {  	_ =	task [dreg:s12], $0x5FFFF  }
0xb4: {  	[dreg:$0x1] =	wrdreg $0xFFFFFFFF  }
0xb5: {  	[dreg:$0x0] =	wrdreg $0x60  }
0xb6: {  	[dreg:$0x2] =	wrdreg s6  }
0xb7: {  	[dreg:$0x3] =	wrdreg s16  }
0xb8: {  	[dreg:$0x4] =	wrdreg s24  }
0xb9: {  	[dreg:$0x5] =	wrdreg s15  }
0xba: {  	[dreg:$0x6] =	wrdreg s17  }
0xbb: {  	[dreg:$0x7] =	wrdreg s18  }
0xbc: {  	[dreg:$0x8] =	wrdreg s7  }
0xbd: {  	[dreg:$0x9] =	wrdreg $0xB8000  }
0xbe: {  	[dreg:$0xa] =	wrdreg $0x9  }
0xbf: {  	_ =	task.clear_ibuf [dreg:s12], $0xBFFFF;
	_ =	strace $0x9000004C  }
0xc0: {  	s29 =	simm.s32 $0x9;
	_ =	strace $0x8000004E  }
0xc1: {  	_ =	swait.ge [sflag:s29], $0x1  }
0xc2: {  	[sflag:s29] =	ssyncadd.s32 $0xFFFFFFFF  }
0xc3: {  	_ =	strace $0x9000004E  }
0xc4: {  	_ =	sfence  }
0xc5: {  	s30 =	sld [smem:$0x0];
	_ =	sdelay $0x2  }
0xc6: {  	s31 =	sshll.u32 s1, $0xD;
	s1 =	sshrl.u32 s1, $0x2  }
0xc7: {  	s3 =	sand.u32 $0x4000, s31;
	s1 =	sadd.s32 s1, s30  }
0xc8: {  	s0 =	sor.u32 s3, s0;
	s1 =	sshll.u32 s1, $0x11  }
0xc9: {  	s0 =	sor.u32 s1, s0  }
0xca: {  	s0 =	sadd.s32 $0x8F2B, s0  }
0xcb: {  	[sflag:s0] =	ssyncadd.remote.s32 $0x1  }
0xcc: {  	_ =	sfence.sel $0xFFFF  }
0xcd: {  	[dreg:$0x0] =	wrdreg $0xFFFFFFFF;
	(pc) =	sbr.abs _section_cstart, $3  }
0xce: {  	[dreg:$0x1] =	wrdreg $0xFFFFFFFF  }
0xcf: {  	_ =	task.clear_ibuf [dreg:s12], $0x2FFFF;
	_ =	strace $0x9FFFFFFF  }
0xd0: {  	(tm) =	ssettm $0x7FFFFFFF  }
0xd1: {  	_ =	shalt  }
tec
execute0_lowered:
.L_overlay_start_1:
0x0: {  	(tag) =	ssettag $0x1  }
0x1: {  	s4 =	rddreg [dreg:$0x0]  }
0x2: {  	s5 =	rddreg [dreg:$0x1]  }
0x3: {  	s0 =	rddreg [dreg:$0x2]  }
0x4: {  	s1 =	rddreg [dreg:$0x3]  }
0x5: {  	s6 =	rddreg [dreg:$0x4]  }
0x6: {  	s2 =	srdreg.scid;
	s18 =	stileid.u32  }
0x7: {  	s7 =	rddreg [dreg:$0x5];
	s2 =	sand.u32 $0x1, s2;
	s10 =	sshll.u32 s18, $0x1  }
0x8: {  	s8 =	rddreg [dreg:$0x6];
	s3 =	simm.s32 $0x0;
	s10 =	sor.u32 s2, s10  }
0x9: {  	s29 =	simm.s32 $0x2;
	s30 =	simm.s32 $0x6400;
	s14 =	smul.u32 $0x2800, s10  }
0xa: {  	s31 =	simm.s32 $0x80;
	[smem:$0x7FF] =	sst s3;
	s17 =	sshll.u32 s18, $0x4  }
0xb: {  	s9 =	sadd.s32 $0x1DA00, s0;
	s21 =	sadd.s32 s4, s17;
	s14 =	sshrl.u32 s14, $0x3  }
0xc: {  	s11 =	sadd.s32 $0x27A00, s0;
	[dreg:$0x9] =	wrdreg s21;
	s19 =	sadd.s32 s9, s14  }
0xd: {  	s12 =	sadd.s32 $0x32000, s0;
	s22 =	sadd.s32 s5, s14;
	[dreg:$0xa] =	wrdreg s19  }
0xe: {  	s13 =	sadd.s32 $0x3C000, s0;
	s23 =	sadd.s32 s11, s14;
	[dreg:$0xb] =	wrdreg s22  }
0xf: {  	p0 =	sgt.u32 s18, $0x7;
	s24 =	sadd.s32 s6, s14;
	[dreg:$0xc] =	wrdreg s23  }
0x10: {  	s28 =	sadd.s32 $0x31A00, s0;
	s25 =	sadd.s32 s12, s14;
	[dreg:$0xd] =	wrdreg s24  }
0x11: {  	s26 =	sadd.s32 s13, s14;
	s14 =	sadd.s32 $0x280, s14;
	[dreg:$0xe] =	wrdreg s25  }
0x12: {  	s2 =	ssub.s32 $0x2, s2;
	[dreg:$0xf] =	wrdreg s26;
	s9 =	sadd.s32 s9, s14  }
0x13: {  	s17 =	sor.u32 $0x20, s18;
	s5 =	sadd.s32 s5, s14;
	[dreg:$0x10] =	wrdreg s9  }
0x14: {  	s15 =	smul.u32 $0xA00, s10;
	s11 =	sadd.s32 s11, s14;
	[dreg:$0x11] =	wrdreg s5  }
0x15: {  	s16 =	sshrl.u32 s2, $0x1;
	s19 =	sadd.s32 s6, s14;
	[dreg:$0x12] =	wrdreg s11  }
0x16: {  	s2 =	ssub.s32 s2, s16;
	s20 =	sadd.s32 s12, s14;
	[dreg:$0x13] =	wrdreg s19  }
0x17: {  	s16 =	sor.u32 $0x10, s18;
	s21 =	sadd.s32 s13, s14;
	[dreg:$0x14] =	wrdreg s20  }
0x18: {  	s22 =	sshll.u32 s16, $0x4;
	s23 =	smul.u32 $0x14, s10;
	[dreg:$0x15] =	wrdreg s21  }
0x19: {  	s24 =	sshll.u32 s17, $0x4;
	s5 =	sadd.s32 s4, s22;
	s20 =	rddreg [dreg:$0x7]  }
0x1a: {  	s26 =	smul.u32 $0xC00, s18;
	s25 =	sadd.s32 s4, s24;
	[dreg:$0x16] =	wrdreg s5  }
0x1b: {  	s17 =	sshll.u32 s17, $0x7;
	s6 =	simm.s32 $0x5000;
	[dreg:$0x17] =	wrdreg s25  }
0x1c: {  	v30 =	vlaneseq.u32;
	s21 =	sadd.s32 s4, s23;
	s22 =	sadd.s32 s7, s23;
	s23 =	sadd.s32 s8, s23  }
0x1d: {  	v32 =	vimm.s32 $0xFFFFFFFF;
	v31 =	vadd.s32 $0x1478, v30;
	v16 =	vor.u32 s17, v30;
	s4 =	sshrl.u32 s26, $0x2;
	s7 =	sshll.u32 s18, $0x7;
	s18 =	sor.u32 $0x60, s17  }
0x1e: {  	v17 =	vadd.s32 s17, v31;
	vm7 =	vlt.u32 @!p0 v16, $0x1388;
	s24 =	sadd.s32 s4, s20;
	s4 =	sshll.u32 s16, $0x7;
	s8 =	sor.u32 $0x10, s7;
	v0 =	vor.u32 s7, v30  }
0x1f: {  	s9 =	sor.u32 $0x20, s7;
	s10 =	sor.u32 $0x30, s7;
	s11 =	sor.u32 $0x40, s7;
	v28 =	vor.u32 s18, v30;
	v29 =	vadd.s32 s18, v31;
	v1 =	vor.u32 s8, v30  }
0x20: {  	s12 =	sor.u32 $0x50, s7;
	s13 =	sor.u32 $0x60, s7;
	s25 =	sor.u32 $0x70, s7;
	v2 =	vor.u32 s9, v30;
	v3 =	vor.u32 s10, v30;
	v4 =	vor.u32 s11, v30  }
0x21: {  	s5 =	sadd.s32 s15, s0;
	_ =	strace $0x8000004D;
	s8 =	sor.u32 $0x10, s4;
	v5 =	vor.u32 s12, v30;
	v6 =	vor.u32 s13, v30;
	v7 =	vor.u32 s25, v30  }
0x22: {  	s19 =	sor.u32 $0x20, s4;
	s26 =	sor.u32 $0x30, s4;
	s14 =	sor.u32 $0x40, s4;
	v8 =	vor.u32 s4, v30;
	vm1 =	vlt.u32 @!p0 v28, $0x1388;
	v9 =	vor.u32 s8, v30  }
0x23: {  	s15 =	sor.u32 $0x50, s4;
	s16 =	sor.u32 $0x60, s4;
	s4 =	sor.u32 $0x70, s4;
	v10 =	vor.u32 s19, v30;
	v11 =	vor.u32 s26, v30;
	v12 =	vor.u32 s14, v30  }
0x24: {  	s7 =	simm.s32 $0x6500;
	s13 =	sor.u32 $0x20, s17;
	s8 =	sor.u32 $0x10, s17;
	v13 =	vor.u32 s15, v30;
	v14 =	vor.u32 s16, v30;
	v15 =	vor.u32 s4, v30  }
0x25: {  	s25 =	sadd.s32 $0x600, s5;
	s5 =	simm.s32 $0x3C00;
	s14 =	sor.u32 $0x30, s17;
	v20 =	vor.u32 s13, v30;
	v21 =	vadd.s32 s13, v31;
	v18 =	vor.u32 s8, v30  }
0x26: {  	s9 =	simm.s32 $0x6800;
	s15 =	sor.u32 $0x40, s17;
	s16 =	sor.u32 $0x50, s17;
	v19 =	vadd.s32 s8, v31;
	v22 =	vor.u32 s14, v30;
	v23 =	vadd.s32 s14, v31  }
0x27: {  	s10 =	simm.s32 $0x6600;
	s11 =	simm.s32 $0x6700;
	s19 =	sor.u32 $0x70, s17;
	v24 =	vor.u32 s15, v30;
	v25 =	vadd.s32 s15, v31;
	v26 =	vor.u32 s16, v30  }
0x28: {  	s12 =	simm.s32 $0x6540;
	s26 =	smax.u32 s2, $0x1;
	s17 =	simm.s32 $0x6480;
	v27 =	vadd.s32 s16, v31;
	v30 =	vor.u32 s19, v30;
	v31 =	vadd.s32 s19, v31  }
0x29: {  	s2 =	simm.s32 $0x1;
	s4 =	simm.s32 $0x2800;
	s13 =	simm.s32 $0x20;
	vm5 =	vlt.u32 @!p0 v20, $0x1388;
	vm0 =	vlt.u32 @!p0 v30, $0x1388;
	vm2 =	vlt.u32 @!p0 v26, $0x1388  }
0x2a: {  	s8 =	simm.s32 $0x40;
	s14 =	simm.s32 $0x6580;
	s15 =	simm.s32 $0x0;
	vm3 =	vlt.u32 @!p0 v24, $0x1388;
	vm4 =	vlt.u32 @!p0 v22, $0x1388;
	vm6 =	vlt.u32 @!p0 v18, $0x1388  }
.LBB2_1:
0x2b: {  	[tilespmem:$0x0] =	vst v32  }
0x2c: {  	[tilespmem:$0x10] =	vst v32  }
0x2d: {  	[tilespmem:$0x20] =	vst v32  }
0x2e: {  	[tilespmem:$0x30] =	vst v32  }
0x2f: {  	[tilespmem:$0x40] =	vst v32  }
0x30: {  	[tilespmem:$0x50] =	vst v32  }
0x31: {  	[tilespmem:$0x60] =	vst v32  }
0x32: {  	[tilespmem:$0x70] =	vst v32  }
0x33: {  	[tilespmem:$0x80] =	vst v32  }
0x34: {  	[tilespmem:$0x90] =	vst v32  }
0x35: {  	[tilespmem:$0xA0] =	vst v32  }
0x36: {  	[tilespmem:$0xB0] =	vst v32  }
0x37: {  	[tilespmem:$0xC0] =	vst v32  }
0x38: {  	[tilespmem:$0xD0] =	vst v32  }
0x39: {  	[tilespmem:$0xE0] =	vst v32  }
0x3a: {  	[tilespmem:$0xF0] =	vst v32  }
0x3b: {  	[tilespmem:$0x100] =	vst v32  }
0x3c: {  	[tilespmem:$0x110] =	vst v32  }
0x3d: {  	[tilespmem:$0x120] =	vst v32  }
0x3e: {  	[tilespmem:$0x130] =	vst v32  }
0x3f: {  	[tilespmem:$0x140] =	vst v32  }
0x40: {  	[tilespmem:$0x150] =	vst v32  }
0x41: {  	[tilespmem:$0x160] =	vst v32  }
0x42: {  	[tilespmem:$0x170] =	vst v32  }
0x43: {  	[tilespmem:$0x180] =	vst v32  }
0x44: {  	[tilespmem:$0x190] =	vst v32  }
0x45: {  	[tilespmem:$0x1A0] =	vst v32  }
0x46: {  	[tilespmem:$0x1B0] =	vst v32  }
0x47: {  	[tilespmem:$0x1C0] =	vst v32  }
0x48: {  	[tilespmem:$0x1D0] =	vst v32  }
0x49: {  	[tilespmem:$0x1E0] =	vst v32  }
0x4a: {  	[tilespmem:$0x1F0] =	vst v32  }
0x4b: {  	[tilespmem:$0x200] =	vst v32  }
0x4c: {  	[tilespmem:$0x210] =	vst v32  }
0x4d: {  	[tilespmem:$0x220] =	vst v32  }
0x4e: {  	[tilespmem:$0x230] =	vst v32  }
0x4f: {  	[tilespmem:$0x240] =	vst v32  }
0x50: {  	[tilespmem:$0x250] =	vst v32  }
0x51: {  	[tilespmem:$0x260] =	vst v32  }
0x52: {  	[tilespmem:$0x270] =	vst v32  }
0x53: {  	[tilespmem:$0x280] =	vst v32  }
0x54: {  	[tilespmem:$0x290] =	vst v32  }
0x55: {  	[tilespmem:$0x2A0] =	vst v32  }
0x56: {  	[tilespmem:$0x2B0] =	vst v32  }
0x57: {  	[tilespmem:$0x2C0] =	vst v32  }
0x58: {  	[tilespmem:$0x2D0] =	vst v32  }
0x59: {  	[tilespmem:$0x2E0] =	vst v32  }
0x5a: {  	[tilespmem:$0x2F0] =	vst v32  }
0x5b: {  	[spmem:s24] =	stream.linear.scatter [tilespmem:s3], [sflag:$0x2], $0x300, $0x38;
	[tilespmem:$0xBB00] =	vst v63  }
0x5c: {  	_ =	swait.ge [sflag:s29], $0x300  }
0x5d: {  	[sflag:s29] =	ssyncset.done $0x0  }
0x5e: {  	[sflag:s29] =	ssyncadd.s32 $0xFFFFFD00  }
0x5f: {  	[bflag:$0x0] =	sbarrier.arrive $0xFFFF  }
0x60: {  	s16 =	rddreg [dreg:$0x9]  }
0x61: {  	[tilespmem:s30], [sflag:$0x2] =	stream.linear.gather [hbm4b:s16+s3], $0x80, $0x38;
	[tilespmem:$0xBB00] =	vst v63  }
0x62: {  	_ =	swait.ge [sflag:s29], $0x80  }
0x63: {  	[sflag:s29] =	ssyncset.done $0x0  }
0x64: {  	[sflag:s29] =	ssyncadd.s32 $0xFFFFFF80  }
0x65: {  	[tilespmem:$0x6480] =	vst v0  }
0x66: {  	[tilespmem:$0x6490] =	vst v1  }
0x67: {  	[tilespmem:$0x64A0] =	vst v2  }
0x68: {  	v33 =	vld [tilespmem:$0x6400];
	[tilespmem:$0x64B0] =	vst v3  }
0x69: {  	v34 =	vld [tilespmem:$0x6410];
	[tilespmem:$0x64C0] =	vst v4  }
0x6a: {  	v35 =	vld [tilespmem:$0x6420];
	[tilespmem:$0x64D0] =	vst v5  }
0x6b: {  	v51 =	vld [tilespmem:$0x6430];
	[tilespmem:$0x64E0] =	vst v6  }
0x6c: {  	v52 =	vld [tilespmem:$0x6440];
	[tilespmem:$0x64F0] =	vst v7  }
0x6d: {  	v53 =	vld [tilespmem:$0x6450];
	[tilespmem:$0x6400] =	vst v33  }
0x6e: {  	v54 =	vld [tilespmem:$0x6460];
	[tilespmem:$0x6410] =	vst v34  }
0x6f: {  	v55 =	vld [tilespmem:$0x6470];
	[tilespmem:$0x6420] =	vst v35  }
0x70: {  	[tilespmem:$0x6430] =	vst v51  }
0x71: {  	[tilespmem:$0x6440] =	vst v52  }
0x72: {  	[tilespmem:$0x6450] =	vst v53  }
0x73: {  	[tilespmem:$0x6460] =	vst v54  }
0x74: {  	[tilespmem:$0x6470] =	vst v55  }
0x75: {  	[spmem:s20] =	stream.indirect.scatter [tilespmem:s17], [sflag:$0x1], $0x1, s30, s31, $0xb8;
	[tilespmem:$0xBB00] =	vst v63  }
0x76: {  	_ =	swait.ge [sflag:s2], $0x80  }
0x77: {  	[sflag:s2] =	ssyncset.done $0x0  }
0x78: {  	s18 =	rddreg [dreg:$0x16];
	[sflag:s2] =	ssyncadd.s32 $0xFFFFFF80  }
0x79: {  	[tilespmem:s30], [sflag:$0x2] =	stream.linear.gather [hbm4b:s18+s3], $0x80, $0x38;
	[tilespmem:$0xBB00] =	vst v63  }
0x7a: {  	_ =	swait.ge [sflag:s29], $0x80  }
0x7b: {  	[sflag:s29] =	ssyncset.done $0x0  }
0x7c: {  	[sflag:s29] =	ssyncadd.s32 $0xFFFFFF80  }
0x7d: {  	[tilespmem:$0x6480] =	vst v8  }
0x7e: {  	[tilespmem:$0x6490] =	vst v9  }
0x7f: {  	[tilespmem:$0x64A0] =	vst v10  }
0x80: {  	v56 =	vld [tilespmem:$0x6400];
	[tilespmem:$0x64B0] =	vst v11  }
0x81: {  	v57 =	vld [tilespmem:$0x6410];
	[tilespmem:$0x64C0] =	vst v12  }
0x82: {  	v58 =	vld [tilespmem:$0x6420];
	[tilespmem:$0x64D0] =	vst v13  }
0x83: {  	v59 =	vld [tilespmem:$0x6430];
	[tilespmem:$0x64E0] =	vst v14  }
0x84: {  	v60 =	vld [tilespmem:$0x6440];
	[tilespmem:$0x64F0] =	vst v15  }
0x85: {  	v61 =	vld [tilespmem:$0x6450];
	[tilespmem:$0x6400] =	vst v56  }
0x86: {  	v62 =	vld [tilespmem:$0x6460];
	[tilespmem:$0x6410] =	vst v57  }
0x87: {  	v63 =	vld [tilespmem:$0x6470];
	[tilespmem:$0x6420] =	vst v58  }
0x88: {  	[tilespmem:$0x6430] =	vst v59  }
0x89: {  	[tilespmem:$0x6440] =	vst v60  }
0x8a: {  	[tilespmem:$0x6450] =	vst v61  }
0x8b: {  	[tilespmem:$0x6460] =	vst v62  }
0x8c: {  	[tilespmem:$0x6470] =	vst v63  }
0x8d: {  	[spmem:s20] =	stream.indirect.scatter [tilespmem:s17], [sflag:$0x1], $0x1, s30, s31, $0xb8;
	[tilespmem:$0xBB00] =	vst v63  }
0x8e: {  	_ =	swait.ge [sflag:s2], $0x80  }
0x8f: {  	s16 =	simm.s32 @!p0 $0x0;
	[sflag:s2] =	ssyncset.done $0x0  }
0x90: {  	s18 =	simm.s32 @!p0 $0x6400;
	s19 =	rddreg [dreg:$0x17];
	[sflag:s2] =	ssyncadd.s32 $0xFFFFFF80  }
0x91: {  	[tilespmem:s18], [sflag:$0x2] =	stream.linear.gather @!p0 [hbm4b:s19+s16], $0x80, $0x38;
	[tilespmem:$0xBB00] =	vst v63  }
0x92: {  	s16 =	simm.s32 @!p0 $0x2  }
0x93: {  	_ =	swait.ge @!p0 [sflag:s16], $0x80  }
0x94: {  	[sflag:s16] =	ssyncset.done @!p0 $0x0  }
0x95: {  	[sflag:s16] =	ssyncadd.s32 @!p0 $0xFFFFFF80  }
0x96: {  	v33 =	vld @!p0 [tilespmem:$0x6400]  }
0x97: {  	v34 =	vld @!p0 [tilespmem:$0x6410]  }
0x98: {  	v35 =	vld @!p0 [tilespmem:$0x6420]  }
0x99: {  	v36 =	vld @!p0 [tilespmem:$0x6430];
	[tilespmem:$0x6480] =	vst @!p0 v16  }
0x9a: {  	v37 =	vld @!p0 [tilespmem:$0x6440];
	[tilespmem:$0x6490] =	vst @!p0 v18  }
0x9b: {  	v38 =	vld @!p0 [tilespmem:$0x6450];
	[tilespmem:$0x64A0] =	vst @!p0 v20;
	v33 =	vsel @!p0 vm7, v33, v17  }
0x9c: {  	[tilespmem:$0x6400] =	vst @!p0 v33;
	v33 =	vsel @!p0 vm6, v34, v19;
	v34 =	vld @!p0 [tilespmem:$0x6460]  }
0x9d: {  	[tilespmem:$0x6410] =	vst @!p0 v33;
	v33 =	vsel @!p0 vm5, v35, v21  }
0x9e: {  	[tilespmem:$0x6420] =	vst @!p0 v33;
	v33 =	vsel @!p0 vm4, v36, v23  }
0x9f: {  	[tilespmem:$0x6430] =	vst @!p0 v33;
	v33 =	vsel @!p0 vm3, v37, v25  }
0xa0: {  	[tilespmem:$0x6440] =	vst @!p0 v33;
	v33 =	vsel @!p0 vm2, v38, v27  }
0xa1: {  	[tilespmem:$0x6450] =	vst @!p0 v33;
	v33 =	vsel @!p0 vm1, v34, v29  }
0xa2: {  	[tilespmem:$0x6460] =	vst @!p0 v33;
	v33 =	vld @!p0 [tilespmem:$0x6470]  }
0xa3: {  	[tilespmem:$0x64B0] =	vst @!p0 v22  }
0xa4: {  	[tilespmem:$0x64C0] =	vst @!p0 v24  }
0xa5: {  	[tilespmem:$0x64D0] =	vst @!p0 v26  }
0xa6: {  	[tilespmem:$0x64E0] =	vst @!p0 v28  }
0xa7: {  	[tilespmem:$0x64F0] =	vst @!p0 v30;
	v33 =	vsel @!p0 vm0, v33, v31  }
0xa8: {  	s19 =	simm.s32 @!p0 $0x6480;
	s16 =	simm.s32 @!p0 $0x80;
	[tilespmem:$0x6470] =	vst @!p0 v33  }
0xa9: {  	[spmem:s20] =	stream.indirect.scatter @!p0 [tilespmem:s19], [sflag:$0x1], $0x1, s18, s16, $0xb8;
	[tilespmem:$0xBB00] =	vst v63  }
0xaa: {  	s16 =	simm.s32 @!p0 $0x1  }
0xab: {  	_ =	swait.ge @!p0 [sflag:s16], $0x80  }
0xac: {  	[sflag:s16] =	ssyncset.done @!p0 $0x0  }
0xad: {  	[sflag:s16] =	ssyncadd.s32 @!p0 $0xFFFFFF80  }
0xae: {  	[bflag:$0x0] =	sbarrier.arrive $0xFFFF  }
0xaf: {  	[tilespmem:s3], [sflag:$0x2] =	stream.linear.gather [spmem:s20], $0x2800, $0x38;
	[tilespmem:$0xBB00] =	vst v63  }
0xb0: {  	_ =	swait.ge [sflag:s29], $0x2800  }
0xb1: {  	[sflag:s29] =	ssyncset.done $0x0  }
0xb2: {  	s19 =	rddreg [dreg:$0xa];
	[sflag:s29] =	ssyncadd.s32 $0xFFFFD800  }
0xb3: {  	[tilespmem:s4], [sflag:$0x2] =	stream.linear.gather [hbm4b:s19+s3], $0x1400, $0x38;
	[tilespmem:$0xBB00] =	vst v63  }
0xb4: {  	_ =	swait.ge [sflag:s29], $0x1400  }
0xb5: {  	[sflag:s29] =	ssyncset.done $0x0  }
0xb6: {  	s18 =	rddreg [dreg:$0xb];
	[sflag:s29] =	ssyncadd.s32 $0xFFFFEC00  }
0xb7: {  	[tilespmem:s5], [sflag:$0x2] =	stream.linear.gather [hbm4b:s18+s3], $0x1400, $0x38;
	[tilespmem:$0xBB00] =	vst v63  }
0xb8: {  	_ =	swait.ge [sflag:s29], $0x1400  }
0xb9: {  	[sflag:s29] =	ssyncset.done $0x0  }
0xba: {  	s19 =	rddreg [dreg:$0xc];
	[sflag:s29] =	ssyncadd.s32 $0xFFFFEC00  }
0xbb: {  	[tilespmem:s6], [sflag:$0x2] =	stream.linear.gather [hbm4b:s19+s3], $0x1400, $0x38;
	[tilespmem:$0xBB00] =	vst v63  }
0xbc: {  	_ =	swait.ge [sflag:s29], $0x1400  }
0xbd: {  	[sflag:s29] =	ssyncset.done $0x0  }
0xbe: {  	s16 =	simm.s32 $0x0;
	[sflag:s29] =	ssyncadd.s32 $0xFFFFEC00  }
0xbf: {  	s18 =	simm.s32 $0x40;
	v33 =	vld [tilespmem:s16+$0x2800]  }
.LBB2_2:
0xc0: {  	p1 =	sne.s32 s18, $0x4FC0;
	v34 =	vld [tilespmem:s16+$0x3C00];
	_ =	sdelay $0x6  }
0xc1: {  	v33 =	vld.idx.msk [tilespmem:v33+s3+$0x0], $0xffff  }
0xc2: {  	v34 =	vld.idx.msk [tilespmem:v34+s3+$0x0], $0xffff;
	_ =	sdelay $0x2  }
0xc3: {  	v35 =	vld [tilespmem:s16+$0x5000];
	_ =	sdelay $0x2  }
0xc4: {  	v36 =	vor.u32 v33, v34  }
.Ltmp0:
0xc5: {  	vm8 =	vgt.s32 v36, $0xFFFFFFFF;
	(pc) =	sbr.rel @p1 .LBB2_2-.Ltmp0, $4  }
0xc6: {  	v33 =	vnsel vm8, $0xFFFFFFFF, v33;
	v34 =	vnsel vm8, $0xFFFFFFFF, v34;
	v35 =	vnsel vm8, $0x0, v35  }
0xc7: {  	[tilespmem:s16+$0x3C00] =	vst v34  }
0xc8: {  	s19 =	sshra.s32 s18, $0x2;
	[tilespmem:s16+$0x2800] =	vst v33  }
0xc9: {  	s18 =	sadd.s32 $0x40, s18;
	v33 =	vld [tilespmem:s19+$0x2800];
	[tilespmem:s16+$0x5000] =	vst v35;
	s16 =	smov.u32 s19  }
0xca: {  	_ = 	snop  }
0xcb: {  	v34 =	vld [tilespmem:s16+$0x3C00];
	_ =	sdelay $0x6  }
0xcc: {  	v33 =	vld.idx.msk [tilespmem:v33+s3+$0x0], $0xffff  }
0xcd: {  	v34 =	vld.idx.msk [tilespmem:v34+s3+$0x0], $0xffff;
	_ =	sdelay $0x3  }
0xce: {  	v35 =	vld [tilespmem:s16+$0x5000]  }
0xcf: {  	v36 =	vor.u32 v33, v34  }
0xd0: {  	vm8 =	vgt.s32 v36, $0xFFFFFFFF  }
0xd1: {  	v34 =	vnsel vm8, $0xFFFFFFFF, v34  }
0xd2: {  	v33 =	vnsel vm8, $0xFFFFFFFF, v33;
	[tilespmem:s16+$0x3C00] =	vst v34  }
0xd3: {  	v63 =	vnsel vm8, $0x0, v35;
	[tilespmem:s16+$0x2800] =	vst v33  }
0xd4: {  	s18 =	rddreg [dreg:$0xd];
	[tilespmem:s16+$0x5000] =	vst v63;
	s16 =	simm.s32 $0x0  }
0xd5: {  	[hbm4b:s18+s16] =	stream.linear.scatter [tilespmem:s4], [sflag:$0x2], $0x1400, $0x38;
	[tilespmem:$0xBB00] =	vst v63  }
0xd6: {  	_ =	swait.ge [sflag:s29], $0x1400  }
0xd7: {  	[sflag:s29] =	ssyncset.done $0x0  }
0xd8: {  	s19 =	rddreg [dreg:$0xe];
	[sflag:s29] =	ssyncadd.s32 $0xFFFFEC00  }
0xd9: {  	[hbm4b:s19+s16] =	stream.linear.scatter [tilespmem:s5], [sflag:$0x2], $0x1400, $0x38;
	[tilespmem:$0xBB00] =	vst v63  }
0xda: {  	_ =	swait.ge [sflag:s29], $0x1400  }
0xdb: {  	[sflag:s29] =	ssyncset.done $0x0  }
0xdc: {  	s19 =	rddreg [dreg:$0xf];
	[sflag:s29] =	ssyncadd.s32 $0xFFFFEC00  }
0xdd: {  	[hbm4b:s19+s16] =	stream.linear.scatter [tilespmem:s6], [sflag:$0x2], $0x1400, $0x38;
	[tilespmem:$0xBB00] =	vst v63  }
0xde: {  	_ =	swait.ge [sflag:s29], $0x1400  }
0xdf: {  	[sflag:s29] =	ssyncset.done $0x0  }
0xe0: {  	s19 =	rddreg [dreg:$0x10];
	[sflag:s29] =	ssyncadd.s32 $0xFFFFEC00  }
0xe1: {  	[tilespmem:s4], [sflag:$0x2] =	stream.linear.gather [hbm4b:s19+s16], $0x1400, $0x38;
	[tilespmem:$0xBB00] =	vst v63  }
0xe2: {  	_ =	swait.ge [sflag:s29], $0x1400  }
0xe3: {  	[sflag:s29] =	ssyncset.done $0x0  }
0xe4: {  	s19 =	rddreg [dreg:$0x11];
	[sflag:s29] =	ssyncadd.s32 $0xFFFFEC00  }
0xe5: {  	[tilespmem:s5], [sflag:$0x2] =	stream.linear.gather [hbm4b:s19+s16], $0x1400, $0x38;
	[tilespmem:$0xBB00] =	vst v63  }
0xe6: {  	_ =	swait.ge [sflag:s29], $0x1400  }
0xe7: {  	[sflag:s29] =	ssyncset.done $0x0  }
0xe8: {  	s19 =	rddreg [dreg:$0x12];
	[sflag:s29] =	ssyncadd.s32 $0xFFFFEC00  }
0xe9: {  	[tilespmem:s6], [sflag:$0x2] =	stream.linear.gather [hbm4b:s19+s16], $0x1400, $0x38;
	[tilespmem:$0xBB00] =	vst v63  }
0xea: {  	_ =	swait.ge [sflag:s29], $0x1400  }
0xeb: {  	[sflag:s29] =	ssyncset.done $0x0  }
0xec: {  	s16 =	simm.s32 $0x0;
	[sflag:s29] =	ssyncadd.s32 $0xFFFFEC00  }
0xed: {  	s18 =	simm.s32 $0x40;
	v33 =	vld [tilespmem:s16+$0x2800]  }
.LBB2_4:
0xee: {  	p1 =	sne.s32 s18, $0x4FC0;
	v34 =	vld [tilespmem:s16+$0x3C00];
	_ =	sdelay $0x6  }
0xef: {  	v33 =	vld.idx.msk [tilespmem:v33+s3+$0x0], $0xffff  }
0xf0: {  	v34 =	vld.idx.msk [tilespmem:v34+s3+$0x0], $0xffff;
	_ =	sdelay $0x2  }
0xf1: {  	v35 =	vld [tilespmem:s16+$0x5000];
	_ =	sdelay $0x2  }
0xf2: {  	v36 =	vor.u32 v33, v34  }
.Ltmp1:
0xf3: {  	vm8 =	vgt.s32 v36, $0xFFFFFFFF;
	(pc) =	sbr.rel @p1 .LBB2_4-.Ltmp1, $4  }
0xf4: {  	v33 =	vnsel vm8, $0xFFFFFFFF, v33;
	v34 =	vnsel vm8, $0xFFFFFFFF, v34;
	v35 =	vnsel vm8, $0x0, v35  }
0xf5: {  	[tilespmem:s16+$0x3C00] =	vst v34  }
0xf6: {  	s19 =	sshra.s32 s18, $0x2;
	[tilespmem:s16+$0x2800] =	vst v33  }
0xf7: {  	s18 =	sadd.s32 $0x40, s18;
	v33 =	vld [tilespmem:s19+$0x2800];
	[tilespmem:s16+$0x5000] =	vst v35;
	s16 =	smov.u32 s19  }
0xf8: {  	_ = 	snop  }
0xf9: {  	v34 =	vld [tilespmem:s16+$0x3C00];
	_ =	sdelay $0x6  }
0xfa: {  	v33 =	vld.idx.msk [tilespmem:v33+s3+$0x0], $0xffff  }
0xfb: {  	v34 =	vld.idx.msk [tilespmem:v34+s3+$0x0], $0xffff;
	_ =	sdelay $0x3  }
0xfc: {  	v35 =	vld [tilespmem:s16+$0x5000]  }
0xfd: {  	v36 =	vor.u32 v33, v34  }
0xfe: {  	vm8 =	vgt.s32 v36, $0xFFFFFFFF  }
0xff: {  	v34 =	vnsel vm8, $0xFFFFFFFF, v34  }
0x100: {  	v33 =	vnsel vm8, $0xFFFFFFFF, v33;
	[tilespmem:s16+$0x3C00] =	vst v34  }
0x101: {  	v59 =	vnsel vm8, $0x0, v35;
	[tilespmem:s16+$0x2800] =	vst v33  }
0x102: {  	s18 =	rddreg [dreg:$0x13];
	[tilespmem:s16+$0x5000] =	vst v59;
	s16 =	simm.s32 $0x0  }
0x103: {  	[hbm4b:s18+s16] =	stream.linear.scatter [tilespmem:s4], [sflag:$0x2], $0x1400, $0x38;
	[tilespmem:$0xBB00] =	vst v63  }
0x104: {  	_ =	swait.ge [sflag:s29], $0x1400  }
0x105: {  	[sflag:s29] =	ssyncset.done $0x0  }
0x106: {  	s19 =	rddreg [dreg:$0x14];
	[sflag:s29] =	ssyncadd.s32 $0xFFFFEC00  }
0x107: {  	[hbm4b:s19+s16] =	stream.linear.scatter [tilespmem:s5], [sflag:$0x2], $0x1400, $0x38;
	[tilespmem:$0xBB00] =	vst v63  }
0x108: {  	_ =	swait.ge [sflag:s29], $0x1400  }
0x109: {  	[sflag:s29] =	ssyncset.done $0x0  }
0x10a: {  	s19 =	rddreg [dreg:$0x15];
	[sflag:s29] =	ssyncadd.s32 $0xFFFFEC00  }
0x10b: {  	[hbm4b:s19+s16] =	stream.linear.scatter [tilespmem:s6], [sflag:$0x2], $0x1400, $0x38;
	[tilespmem:$0xBB00] =	vst v63  }
0x10c: {  	_ =	swait.ge [sflag:s29], $0x1400  }
0x10d: {  	[sflag:s29] =	ssyncset.done $0x0  }
0x10e: {  	[sflag:s29] =	ssyncadd.s32 $0xFFFFEC00  }
0x10f: {  	[tilespmem:s7], [sflag:$0x2] =	stream.linear.gather [hbm4b:s21+s16], $0xA0, $0x38;
	[tilespmem:$0xBB00] =	vst v63  }
0x110: {  	_ =	swait.ge [sflag:s29], $0xA0  }
0x111: {  	[sflag:s29] =	ssyncset.done $0x0  }
0x112: {  	[sflag:s29] =	ssyncadd.s32 $0xFFFFFF60  }
0x113: {  	v60 =	vld [tilespmem:$0x6500]  }
0x114: {  	v61 =	vld [tilespmem:$0x6510]  }
0x115: {  	v62 =	vld [tilespmem:$0x6520]  }
0x116: {  	v63 =	vld [tilespmem:$0x6530]  }
0x117: {  	v37 =	vld [tilespmem:$0x6540]  }
0x118: {  	v38 =	vld [tilespmem:$0x6550];
	vm8 =	vlt.s32 v60, $0x2710  }
0x119: {  	v39 =	vld [tilespmem:$0x6560];
	v33 =	vnsel vm8, $0x0, v60;
	vm8 =	vlt.s32 v61, $0x2710  }
0x11a: {  	v41 =	vld [tilespmem:$0x6570];
	[tilespmem:$0x6500] =	vst v33;
	v40 =	vnsel vm8, $0x0, v61;
	vm8 =	vlt.s32 v62, $0x2710  }
0x11b: {  	v43 =	vld [tilespmem:$0x6580];
	[tilespmem:$0x6510] =	vst v40;
	v42 =	vnsel vm8, $0x0, v62;
	vm8 =	vlt.s32 v63, $0x2710  }
0x11c: {  	v45 =	vld [tilespmem:$0x6590];
	[tilespmem:$0x6520] =	vst v42;
	v44 =	vnsel vm8, $0x0, v63;
	vm8 =	vlt.s32 v37, $0x2710  }
0x11d: {  	[tilespmem:$0x6530] =	vst v44;
	v46 =	vnsel vm8, $0x0, v37;
	vm8 =	vlt.s32 v38, $0x2710  }
0x11e: {  	[tilespmem:$0x6540] =	vst v46;
	v47 =	vnsel vm8, $0x0, v38;
	vm8 =	vlt.s32 v39, $0x2710  }
0x11f: {  	[tilespmem:$0x6550] =	vst v47;
	v48 =	vnsel vm8, $0x0, v39;
	vm8 =	vlt.s32 v41, $0x2710  }
0x120: {  	[tilespmem:$0x6560] =	vst v48;
	v49 =	vnsel vm8, $0x0, v41;
	vm8 =	vlt.s32 v43, $0x2710  }
0x121: {  	[tilespmem:$0x6570] =	vst v49;
	v50 =	vnsel vm8, $0x0, v43;
	vm8 =	vlt.s32 v45, $0x2710  }
0x122: {  	[tilespmem:$0x6580] =	vst v50;
	v51 =	vnsel vm8, $0x0, v45  }
0x123: {  	[tilespmem:$0x6590] =	vst v51  }
0x124: {  	[tilespmem:s9], [sflag:$0x1] =	stream.indirect.gather [hbm4b:s1+s8], $0x80, s7, s8, $0xb8;
	[tilespmem:$0xBB00] =	vst v63  }
0x125: {  	_ =	swait.ge [sflag:s2], $0x2000  }
0x126: {  	[sflag:s2] =	ssyncset.done $0x0  }
0x127: {  	[sflag:s2] =	ssyncadd.s32 $0xFFFFE000  }
0x128: {  	[tilespmem:s10], [sflag:$0x1] =	stream.indirect.gather [hbm4b:s0+s8], $0x1, s7, s8, $0xb8;
	[tilespmem:$0xBB00] =	vst v63  }
0x129: {  	_ =	swait.ge [sflag:s2], $0x40  }
0x12a: {  	[sflag:s2] =	ssyncset.done $0x0  }
0x12b: {  	[sflag:s2] =	ssyncadd.s32 $0xFFFFFFC0  }
0x12c: {  	[tilespmem:s11], [sflag:$0x1] =	stream.indirect.gather [hbm4b:s28+s8], $0x1, s7, s8, $0xb8;
	[tilespmem:$0xBB00] =	vst v63  }
0x12d: {  	_ =	swait.ge [sflag:s2], $0x40  }
0x12e: {  	[sflag:s2] =	ssyncset.done $0x0  }
0x12f: {  	s18 =	simm.s32 $0x8800;
	[sflag:s2] =	ssyncadd.s32 $0xFFFFFFC0  }
0x130: {  	[tilespmem:s18], [sflag:$0x1] =	stream.indirect.gather [hbm4b:s1+s8], $0x80, s12, s8, $0xb8;
	[tilespmem:$0xBB00] =	vst v63  }
0x131: {  	_ =	swait.ge [sflag:s2], $0x2000  }
0x132: {  	[sflag:s2] =	ssyncset.done $0x0  }
0x133: {  	s19 =	simm.s32 $0x6640;
	[sflag:s2] =	ssyncadd.s32 $0xFFFFE000  }
0x134: {  	[tilespmem:s19], [sflag:$0x1] =	stream.indirect.gather [hbm4b:s0+s8], $0x1, s12, s8, $0xb8;
	[tilespmem:$0xBB00] =	vst v63  }
0x135: {  	_ =	swait.ge [sflag:s2], $0x40  }
0x136: {  	[sflag:s2] =	ssyncset.done $0x0  }
0x137: {  	s18 =	simm.s32 $0x6740;
	[sflag:s2] =	ssyncadd.s32 $0xFFFFFFC0  }
0x138: {  	[tilespmem:s18], [sflag:$0x1] =	stream.indirect.gather [hbm4b:s28+s8], $0x1, s12, s8, $0xb8;
	[tilespmem:$0xBB00] =	vst v63  }
0x139: {  	_ =	swait.ge [sflag:s2], $0x40  }
0x13a: {  	[sflag:s2] =	ssyncset.done $0x0  }
0x13b: {  	s19 =	simm.s32 $0xA800;
	[sflag:s2] =	ssyncadd.s32 $0xFFFFFFC0  }
0x13c: {  	[tilespmem:s19], [sflag:$0x1] =	stream.indirect.gather [hbm4b:s1+s13], $0x80, s14, s13, $0xb8;
	[tilespmem:$0xBB00] =	vst v63  }
0x13d: {  	_ =	swait.ge [sflag:s2], $0x1000  }
0x13e: {  	[sflag:s2] =	ssyncset.done $0x0  }
0x13f: {  	s18 =	simm.s32 $0x6680;
	[sflag:s2] =	ssyncadd.s32 $0xFFFFF000  }
0x140: {  	[tilespmem:s18], [sflag:$0x1] =	stream.indirect.gather [hbm4b:s0+s13], $0x1, s14, s13, $0xb8;
	[tilespmem:$0xBB00] =	vst v63  }
0x141: {  	_ =	swait.ge [sflag:s2], $0x20  }
0x142: {  	[sflag:s2] =	ssyncset.done $0x0  }
0x143: {  	s19 =	simm.s32 $0x6780;
	[sflag:s2] =	ssyncadd.s32 $0xFFFFFFE0  }
0x144: {  	[tilespmem:s19], [sflag:$0x1] =	stream.indirect.gather [hbm4b:s28+s13], $0x1, s14, s13, $0xb8;
	[tilespmem:$0xBB00] =	vst v63  }
0x145: {  	_ =	swait.ge [sflag:s2], $0x20  }
0x146: {  	s18 =	simm.s32 $0x0;
	[sflag:s2] =	ssyncset.done $0x0  }
0x147: {  	s16 =	sand.u32 $0x3FFFFFF0, s18;
	s19 =	simm.s32 $0x0;
	[sflag:s2] =	ssyncadd.s32 $0xFFFFFFE0  }
0x148: {  	v33 =	vld [tilespmem:s16+$0x6600];
	s16 =	sand.u32 $0x3FFFF800, s19  }
0x149: {  	v52 =	vld [tilespmem:s16+$0x68C0]  }
0x14a: {  	v53 =	vld [tilespmem:s16+$0x6820]  }
0x14b: {  	v54 =	vld [tilespmem:s16+$0x6830]  }
0x14c: {  	v55 =	vld [tilespmem:s16+$0x6D70]  }
0x14d: {  	v42 =	vld [tilespmem:s16+$0x6860];
	v34 =	vbroadcast v33, $0x0  }
0x14e: {  	v43 =	vld [tilespmem:s16+$0x6870]  }
0x14f: {  	v44 =	vld [tilespmem:s16+$0x6880];
	v37 =	vbroadcast v33, $0xA;
	v35 =	vmul.f32 v53, v34  }
0x150: {  	v45 =	vld [tilespmem:s16+$0x6890];
	v36 =	vmul.f32 v54, v34  }
0x151: {  	v46 =	vld [tilespmem:s16+$0x68A0];
	v56 =	vmul.f32 v55, v37;
	[tilespmem:s16+$0x6820] =	vst v35  }
0x152: {  	v41 =	vld [tilespmem:s16+$0x68B0];
	v58 =	vbroadcast v33, $0x1;
	v57 =	vmul.f32 v42, v34;
	[tilespmem:s16+$0x6830] =	vst v36  }
0x153: {  	v40 =	vld [tilespmem:s16+$0x68D0];
	v43 =	vmul.f32 v43, v34;
	[tilespmem:s16+$0x6D70] =	vst v56  }
0x154: {  	v38 =	vld [tilespmem:s16+$0x6D90];
	v44 =	vmul.f32 v44, v58;
	[tilespmem:s16+$0x6860] =	vst v57  }
0x155: {  	v60 =	vld [tilespmem:s16+$0x68F0];
	v45 =	vmul.f32 v45, v58;
	[tilespmem:s16+$0x6870] =	vst v43  }
0x156: {  	v61 =	vld [tilespmem:s16+$0x6900];
	v46 =	vmul.f32 v46, v58;
	[tilespmem:s16+$0x6880] =	vst v44  }
0x157: {  	v62 =	vld [tilespmem:s16+$0x6910];
	v41 =	vmul.f32 v41, v58;
	[tilespmem:s16+$0x6890] =	vst v45  }
0x158: {  	v59 =	vld [tilespmem:s16+$0x68E0];
	v39 =	vmul.f32 v52, v58;
	[tilespmem:s16+$0x68A0] =	vst v46  }
0x159: {  	v63 =	vld [tilespmem:s16+$0x6920];
	v47 =	vbroadcast v33, $0x2;
	v40 =	vmul.f32 v40, v58;
	[tilespmem:s16+$0x68B0] =	vst v41  }
0x15a: {  	v48 =	vld [tilespmem:s16+$0x6930];
	v42 =	vmul.f32 v60, v58;
	[tilespmem:s16+$0x68C0] =	vst v39  }
0x15b: {  	v49 =	vld [tilespmem:s16+$0x6940];
	v51 =	vmul.f32 v61, v47;
	[tilespmem:s16+$0x68D0] =	vst v40  }
0x15c: {  	v50 =	vld [tilespmem:s16+$0x6950];
	v53 =	vmul.f32 v62, v47;
	[tilespmem:s16+$0x68F0] =	vst v42  }
0x15d: {  	v52 =	vld [tilespmem:s16+$0x6960];
	v43 =	vmul.f32 v59, v58;
	[tilespmem:s16+$0x6900] =	vst v51  }
0x15e: {  	v54 =	vld [tilespmem:s16+$0x6970];
	v41 =	vmul.f32 v63, v47;
	[tilespmem:s16+$0x6910] =	vst v53  }
0x15f: {  	v55 =	vld [tilespmem:s16+$0x6980];
	v39 =	vmul.f32 v48, v47;
	[tilespmem:s16+$0x68E0] =	vst v43  }
0x160: {  	v56 =	vld [tilespmem:s16+$0x6990];
	v40 =	vmul.f32 v49, v47;
	[tilespmem:s16+$0x6920] =	vst v41  }
0x161: {  	v57 =	vld [tilespmem:s16+$0x69A0];
	[tilespmem:s16+$0x6930] =	vst v39;
	v43 =	vmul.f32 v50, v47  }
0x162: {  	v60 =	vbroadcast v33, $0x3;
	v58 =	vld [tilespmem:s16+$0x69B0];
	[tilespmem:s16+$0x6940] =	vst v40;
	v42 =	vmul.f32 v52, v47  }
0x163: {  	v59 =	vld [tilespmem:s16+$0x69C0];
	v44 =	vmul.f32 v54, v47;
	[tilespmem:s16+$0x6950] =	vst v43  }
0x164: {  	v61 =	vld [tilespmem:s16+$0x69D0];
	v45 =	vmul.f32 v55, v60;
	[tilespmem:s16+$0x6960] =	vst v42  }
0x165: {  	v62 =	vld [tilespmem:s16+$0x69E0];
	[tilespmem:s16+$0x6970] =	vst v44;
	v41 =	vmul.f32 v56, v60  }
0x166: {  	v63 =	vld [tilespmem:s16+$0x69F0];
	[tilespmem:s16+$0x6980] =	vst v45;
	v39 =	vmul.f32 v57, v60  }
0x167: {  	v48 =	vld [tilespmem:s16+$0x6A00];
	v40 =	vmul.f32 v58, v60;
	[tilespmem:s16+$0x6990] =	vst v41  }
0x168: {  	v49 =	vld [tilespmem:s16+$0x6A10];
	v43 =	vmul.f32 v59, v60;
	[tilespmem:s16+$0x69A0] =	vst v39  }
0x169: {  	v50 =	vld [tilespmem:s16+$0x6A20];
	v42 =	vmul.f32 v61, v60;
	[tilespmem:s16+$0x69B0] =	vst v40  }
0x16a: {  	v51 =	vld [tilespmem:s16+$0x6A30];
	v53 =	vbroadcast v33, $0x4;
	v44 =	vmul.f32 v62, v60;
	[tilespmem:s16+$0x69C0] =	vst v43  }
0x16b: {  	v52 =	vld [tilespmem:s16+$0x6A40];
	v45 =	vmul.f32 v63, v60;
	[tilespmem:s16+$0x69D0] =	vst v42  }
0x16c: {  	v54 =	vld [tilespmem:s16+$0x6A50];
	[tilespmem:s16+$0x69E0] =	vst v44;
	v41 =	vmul.f32 v48, v53  }
0x16d: {  	v55 =	vld [tilespmem:s16+$0x6A60];
	[tilespmem:s16+$0x69F0] =	vst v45;
	v39 =	vmul.f32 v49, v53  }
0x16e: {  	v56 =	vld [tilespmem:s16+$0x6A70];
	v40 =	vmul.f32 v50, v53;
	[tilespmem:s16+$0x6A00] =	vst v41  }
0x16f: {  	v57 =	vld [tilespmem:s16+$0x6A80];
	v43 =	vmul.f32 v51, v53;
	[tilespmem:s16+$0x6A10] =	vst v39  }
0x170: {  	v58 =	vld [tilespmem:s16+$0x6A90];
	v42 =	vmul.f32 v52, v53;
	[tilespmem:s16+$0x6A20] =	vst v40  }
0x171: {  	v59 =	vld [tilespmem:s16+$0x6AA0];
	v44 =	vmul.f32 v54, v53;
	[tilespmem:s16+$0x6A30] =	vst v43  }
0x172: {  	v60 =	vld [tilespmem:s16+$0x6AB0];
	v62 =	vbroadcast v33, $0x5;
	v45 =	vmul.f32 v55, v53;
	[tilespmem:s16+$0x6A40] =	vst v42  }
0x173: {  	v61 =	vld [tilespmem:s16+$0x6AC0];
	[tilespmem:s16+$0x6A50] =	vst v44;
	v41 =	vmul.f32 v56, v53  }
0x174: {  	v63 =	vld [tilespmem:s16+$0x6AD0];
	[tilespmem:s16+$0x6A60] =	vst v45;
	v39 =	vmul.f32 v57, v62  }
0x175: {  	v48 =	vld [tilespmem:s16+$0x6AE0];
	v40 =	vmul.f32 v58, v62;
	[tilespmem:s16+$0x6A70] =	vst v41  }
0x176: {  	v49 =	vld [tilespmem:s16+$0x6AF0];
	v43 =	vmul.f32 v59, v62;
	[tilespmem:s16+$0x6A80] =	vst v39  }
0x177: {  	v50 =	vld [tilespmem:s16+$0x6B00];
	v42 =	vmul.f32 v60, v62;
	[tilespmem:s16+$0x6A90] =	vst v40  }
0x178: {  	v51 =	vld [tilespmem:s16+$0x6B10];
	v44 =	vmul.f32 v61, v62;
	[tilespmem:s16+$0x6AA0] =	vst v43  }
0x179: {  	v52 =	vld [tilespmem:s16+$0x6B20];
	v45 =	vmul.f32 v63, v62;
	[tilespmem:s16+$0x6AB0] =	vst v42  }
0x17a: {  	v54 =	vld [tilespmem:s16+$0x6B40];
	v55 =	vbroadcast v33, $0x6;
	[tilespmem:s16+$0x6AC0] =	vst v44;
	v41 =	vmul.f32 v48, v62  }
0x17b: {  	v53 =	vld [tilespmem:s16+$0x6B30];
	[tilespmem:s16+$0x6AD0] =	vst v45;
	v39 =	vmul.f32 v49, v62  }
0x17c: {  	v56 =	vld [tilespmem:s16+$0x6B50];
	v40 =	vmul.f32 v50, v55;
	[tilespmem:s16+$0x6AE0] =	vst v41  }
0x17d: {  	v57 =	vld [tilespmem:s16+$0x6B60];
	v43 =	vmul.f32 v51, v55;
	[tilespmem:s16+$0x6AF0] =	vst v39  }
0x17e: {  	v58 =	vld [tilespmem:s16+$0x6B70];
	v42 =	vmul.f32 v52, v55;
	[tilespmem:s16+$0x6B00] =	vst v40  }
0x17f: {  	v59 =	vld [tilespmem:s16+$0x6B80];
	v45 =	vmul.f32 v54, v55;
	[tilespmem:s16+$0x6B10] =	vst v43  }
0x180: {  	v60 =	vld [tilespmem:s16+$0x6B90];
	v44 =	vmul.f32 v53, v55;
	[tilespmem:s16+$0x6B20] =	vst v42  }
0x181: {  	v61 =	vld [tilespmem:s16+$0x6BA0];
	v41 =	vmul.f32 v56, v55;
	[tilespmem:s16+$0x6B40] =	vst v45  }
0x182: {  	v62 =	vld [tilespmem:s16+$0x6BB0];
	v48 =	vbroadcast v33, $0x7;
	v39 =	vmul.f32 v57, v55;
	[tilespmem:s16+$0x6B30] =	vst v44  }
0x183: {  	v63 =	vld [tilespmem:s16+$0x6BC0];
	v40 =	vmul.f32 v58, v55;
	[tilespmem:s16+$0x6B50] =	vst v41  }
0x184: {  	v49 =	vld [tilespmem:s16+$0x6BD0];
	v43 =	vmul.f32 v59, v48;
	[tilespmem:s16+$0x6B60] =	vst v39  }
0x185: {  	v50 =	vld [tilespmem:s16+$0x6BE0];
	v42 =	vmul.f32 v60, v48;
	[tilespmem:s16+$0x6B70] =	vst v40  }
0x186: {  	v51 =	vld [tilespmem:s16+$0x6BF0];
	[tilespmem:s16+$0x6B80] =	vst v43;
	v44 =	vmul.f32 v61, v48  }
0x187: {  	v52 =	vld [tilespmem:s16+$0x6C00];
	[tilespmem:s16+$0x6B90] =	vst v42;
	v45 =	vmul.f32 v62, v48  }
0x188: {  	v54 =	vld [tilespmem:s16+$0x6C20];
	v41 =	vmul.f32 v63, v48;
	[tilespmem:s16+$0x6BA0] =	vst v44  }
0x189: {  	v53 =	vld [tilespmem:s16+$0x6C10];
	v39 =	vmul.f32 v49, v48;
	[tilespmem:s16+$0x6BB0] =	vst v45  }
0x18a: {  	v55 =	vld [tilespmem:s16+$0x6C30];
	v57 =	vbroadcast v33, $0x8;
	v40 =	vmul.f32 v50, v48;
	[tilespmem:s16+$0x6BC0] =	vst v41  }
0x18b: {  	v56 =	vld [tilespmem:s16+$0x6C40];
	v43 =	vmul.f32 v51, v48;
	[tilespmem:s16+$0x6BD0] =	vst v39  }
0x18c: {  	v58 =	vld [tilespmem:s16+$0x6C50];
	v42 =	vmul.f32 v52, v57;
	[tilespmem:s16+$0x6BE0] =	vst v40  }
0x18d: {  	v59 =	vld [tilespmem:s16+$0x6C60];
	[tilespmem:s16+$0x6BF0] =	vst v43;
	v45 =	vmul.f32 v54, v57  }
0x18e: {  	v60 =	vld [tilespmem:s16+$0x6C70];
	v44 =	vmul.f32 v53, v57;
	[tilespmem:s16+$0x6C00] =	vst v42  }
0x18f: {  	v61 =	vld [tilespmem:s16+$0x6C80];
	v41 =	vmul.f32 v55, v57;
	[tilespmem:s16+$0x6C20] =	vst v45  }
0x190: {  	v62 =	vld [tilespmem:s16+$0x6C90];
	v39 =	vmul.f32 v56, v57;
	[tilespmem:s16+$0x6C10] =	vst v44  }
0x191: {  	v63 =	vld [tilespmem:s16+$0x6CA0];
	v40 =	vmul.f32 v58, v57;
	[tilespmem:s16+$0x6C30] =	vst v41  }
0x192: {  	v48 =	vld [tilespmem:s16+$0x6CB0];
	v50 =	vbroadcast v33, $0x9;
	v43 =	vmul.f32 v59, v57;
	[tilespmem:s16+$0x6C40] =	vst v39  }
0x193: {  	v49 =	vld [tilespmem:s16+$0x6CC0];
	v42 =	vmul.f32 v60, v57;
	[tilespmem:s16+$0x6C50] =	vst v40  }
0x194: {  	v51 =	vld [tilespmem:s16+$0x6CD0];
	[tilespmem:s16+$0x6C60] =	vst v43;
	v44 =	vmul.f32 v61, v50  }
0x195: {  	v52 =	vld [tilespmem:s16+$0x6CE0];
	[tilespmem:s16+$0x6C70] =	vst v42;
	v45 =	vmul.f32 v62, v50  }
0x196: {  	v54 =	vld [tilespmem:s16+$0x6D00];
	v41 =	vmul.f32 v63, v50;
	[tilespmem:s16+$0x6C80] =	vst v44  }
0x197: {  	v53 =	vld [tilespmem:s16+$0x6CF0];
	v39 =	vmul.f32 v48, v50;
	[tilespmem:s16+$0x6C90] =	vst v45  }
0x198: {  	v55 =	vld [tilespmem:s16+$0x6D10];
	v40 =	vmul.f32 v49, v50;
	[tilespmem:s16+$0x6CA0] =	vst v41  }
0x199: {  	v56 =	vld [tilespmem:s16+$0x6D20];
	v43 =	vmul.f32 v51, v50;
	[tilespmem:s16+$0x6CB0] =	vst v39  }
0x19a: {  	v57 =	vld [tilespmem:s16+$0x6D30];
	v42 =	vmul.f32 v52, v50;
	[tilespmem:s16+$0x6CC0] =	vst v40  }
0x19b: {  	v58 =	vld [tilespmem:s16+$0x6D40];
	[tilespmem:s16+$0x6CD0] =	vst v43;
	v60 =	vmul.f32 v54, v37  }
0x19c: {  	v59 =	vld [tilespmem:s16+$0x6D50];
	v44 =	vmul.f32 v53, v50;
	[tilespmem:s16+$0x6CE0] =	vst v42  }
0x19d: {  	v61 =	vld [tilespmem:s16+$0x6D60];
	v41 =	vmul.f32 v55, v37;
	[tilespmem:s16+$0x6D00] =	vst v60  }
0x19e: {  	v62 =	vld [tilespmem:s16+$0x6800];
	v39 =	vmul.f32 v56, v37;
	[tilespmem:s16+$0x6CF0] =	vst v44  }
0x19f: {  	v36 =	vld [tilespmem:s16+$0x6D80];
	v40 =	vmul.f32 v57, v37;
	[tilespmem:s16+$0x6D10] =	vst v41  }
0x1a0: {  	v35 =	vld [tilespmem:s16+$0x6FD0];
	v49 =	vmul.f32 v58, v37;
	[tilespmem:s16+$0x6D20] =	vst v39  }
0x1a1: {  	v63 =	vld [tilespmem:s16+$0x6810];
	v51 =	vmul.f32 v59, v37;
	[tilespmem:s16+$0x6D30] =	vst v40  }
0x1a2: {  	v48 =	vld [tilespmem:s16+$0x6840];
	v42 =	vbroadcast v33, $0xB;
	[tilespmem:s16+$0x6D40] =	vst v49;
	v37 =	vmul.f32 v61, v37  }
0x1a3: {  	v52 =	vld [tilespmem:s16+$0x6DA0];
	[tilespmem:s16+$0x6D50] =	vst v51;
	v54 =	vmul.f32 v34, v62  }
0x1a4: {  	v56 =	vld [tilespmem:s16+$0x6DD0];
	v36 =	vmul.f32 v36, v42;
	[tilespmem:s16+$0x6D60] =	vst v37  }
0x1a5: {  	v53 =	vld [tilespmem:s16+$0x6DB0];
	v38 =	vmul.f32 v38, v42;
	[tilespmem:s16+$0x6800] =	vst v54  }
0x1a6: {  	v55 =	vld [tilespmem:s16+$0x6DC0];
	v44 =	vmul.f32 v63, v34;
	[tilespmem:s16+$0x6D80] =	vst v36  }
0x1a7: {  	v58 =	vld [tilespmem:s16+$0x6E00];
	v59 =	vmul.f32 v48, v34;
	[tilespmem:s16+$0x6D90] =	vst v38  }
0x1a8: {  	v50 =	vld [tilespmem:s16+$0x6850];
	v39 =	vmul.f32 v52, v42;
	[tilespmem:s16+$0x6810] =	vst v44  }
0x1a9: {  	v57 =	vld [tilespmem:s16+$0x6DE0];
	[tilespmem:s16+$0x6840] =	vst v59;
	v61 =	vmul.f32 v56, v42  }
0x1aa: {  	v45 =	vbroadcast v33, $0xC;
	[tilespmem:s16+$0x6DA0] =	vst v39;
	v40 =	vmul.f32 v53, v42  }
0x1ab: {  	v60 =	vld [tilespmem:s16+$0x6E10];
	v37 =	vmul.f32 v55, v42;
	[tilespmem:s16+$0x6DD0] =	vst v61  }
0x1ac: {  	v62 =	vld [tilespmem:s16+$0x6E40];
	v47 =	vmul.f32 v58, v45;
	[tilespmem:s16+$0x6DB0] =	vst v40  }
0x1ad: {  	v63 =	vld [tilespmem:s16+$0x6E50];
	v36 =	vbroadcast v33, $0xF;
	v34 =	vmul.f32 v50, v34;
	[tilespmem:s16+$0x6DC0] =	vst v37  }
0x1ae: {  	v48 =	vld [tilespmem:s16+$0x6E60];
	v51 =	vmul.f32 v57, v42;
	[tilespmem:s16+$0x6E00] =	vst v47  }
0x1af: {  	v49 =	vld [tilespmem:s16+$0x6E70];
	v35 =	vmul.f32 v35, v36;
	[tilespmem:s16+$0x6850] =	vst v34  }
0x1b0: {  	v52 =	vld [tilespmem:s16+$0x6E90];
	v41 =	vmul.f32 v60, v45;
	[tilespmem:s16+$0x6DE0] =	vst v51  }
0x1b1: {  	v54 =	vld [tilespmem:s16+$0x6EB0];
	v44 =	vmul.f32 v62, v45;
	[tilespmem:s16+$0x6FD0] =	vst v35  }
0x1b2: {  	v38 =	vld [tilespmem:s16+$0x6DF0];
	v40 =	vmul.f32 v63, v45;
	[tilespmem:s16+$0x6E10] =	vst v41  }
0x1b3: {  	v50 =	vld [tilespmem:s16+$0x6E80];
	v55 =	vbroadcast v33, $0xD;
	v37 =	vmul.f32 v48, v45;
	[tilespmem:s16+$0x6E40] =	vst v44  }
0x1b4: {  	v53 =	vld [tilespmem:s16+$0x6EA0];
	v47 =	vmul.f32 v49, v45;
	[tilespmem:s16+$0x6E50] =	vst v40  }
0x1b5: {  	v56 =	vld [tilespmem:s16+$0x6ED0];
	v34 =	vmul.f32 v52, v55;
	[tilespmem:s16+$0x6E60] =	vst v37  }
0x1b6: {  	v57 =	vld [tilespmem:s16+$0x6EE0];
	[tilespmem:s16+$0x6E70] =	vst v47;
	v44 =	vmul.f32 v54, v55  }
0x1b7: {  	v59 =	vld [tilespmem:s16+$0x6F00];
	v38 =	vmul.f32 v38, v42;
	[tilespmem:s16+$0x6E90] =	vst v34  }
0x1b8: {  	v58 =	vld [tilespmem:s16+$0x6EF0];
	v41 =	vmul.f32 v50, v55;
	[tilespmem:s16+$0x6EB0] =	vst v44  }
0x1b9: {  	v60 =	vld [tilespmem:s16+$0x6F10];
	v43 =	vmul.f32 v53, v55;
	[tilespmem:s16+$0x6DF0] =	vst v38  }
0x1ba: {  	v33 =	vbroadcast v33, $0xE;
	v61 =	vld [tilespmem:s16+$0x6F20];
	v37 =	vmul.f32 v56, v55;
	[tilespmem:s16+$0x6E80] =	vst v41  }
0x1bb: {  	v62 =	vld [tilespmem:s16+$0x6F30];
	v63 =	vmul.f32 v57, v55;
	[tilespmem:s16+$0x6EA0] =	vst v43  }
0x1bc: {  	v48 =	vld [tilespmem:s16+$0x6F40];
	v34 =	vmul.f32 v59, v33;
	[tilespmem:s16+$0x6ED0] =	vst v37  }
0x1bd: {  	v51 =	vld [tilespmem:s16+$0x6F70];
	v41 =	vmul.f32 v58, v55;
	[tilespmem:s16+$0x6EE0] =	vst v63  }
0x1be: {  	v39 =	vld [tilespmem:s16+$0x6E30];
	v43 =	vmul.f32 v60, v33;
	[tilespmem:s16+$0x6F00] =	vst v34  }
0x1bf: {  	v40 =	vld [tilespmem:s16+$0x6EC0];
	v42 =	vmul.f32 v61, v33;
	[tilespmem:s16+$0x6EF0] =	vst v41  }
0x1c0: {  	v52 =	vld [tilespmem:s16+$0x6F80];
	v38 =	vmul.f32 v62, v33;
	[tilespmem:s16+$0x6F10] =	vst v43  }
0x1c1: {  	v54 =	vld [tilespmem:s16+$0x6FA0];
	v37 =	vmul.f32 v48, v33;
	[tilespmem:s16+$0x6F20] =	vst v42  }
0x1c2: {  	v50 =	vld [tilespmem:s16+$0x6F60];
	v34 =	vmul.f32 v51, v33;
	[tilespmem:s16+$0x6F30] =	vst v38  }
0x1c3: {  	v53 =	vld [tilespmem:s16+$0x6F90];
	v61 =	vmul.f32 v39, v45;
	[tilespmem:s16+$0x6F40] =	vst v37  }
0x1c4: {  	v56 =	vld [tilespmem:s16+$0x6FC0];
	v40 =	vmul.f32 v40, v55;
	[tilespmem:s16+$0x6F70] =	vst v34  }
0x1c5: {  	v59 =	vld [tilespmem:s16+$0x6FF0];
	v43 =	vmul.f32 v52, v36;
	[tilespmem:s16+$0x6E30] =	vst v61  }
0x1c6: {  	v49 =	vld [tilespmem:s16+$0x6F50];
	v38 =	vmul.f32 v54, v36;
	[tilespmem:s16+$0x6EC0] =	vst v40  }
0x1c7: {  	v55 =	vld [tilespmem:s16+$0x6FB0];
	v41 =	vmul.f32 v50, v33;
	[tilespmem:s16+$0x6F80] =	vst v43  }
0x1c8: {  	v57 =	vld [tilespmem:s16+$0x6FE0];
	v58 =	vmul.f32 v53, v36;
	[tilespmem:s16+$0x6FA0] =	vst v38  }
0x1c9: {  	v62 =	vmul.f32 v56, v36;
	[tilespmem:s16+$0x6F60] =	vst v41  }
0x1ca: {  	v35 =	vld [tilespmem:s16+$0x6E20];
	v63 =	vmul.f32 v59, v36;
	[tilespmem:s16+$0x6F90] =	vst v58  }
0x1cb: {  	v33 =	vmul.f32 v49, v33;
	[tilespmem:s16+$0x6FC0] =	vst v62  }
0x1cc: {  	[tilespmem:s16+$0x6FF0] =	vst v63;
	v60 =	vmul.f32 v55, v36  }
0x1cd: {  	[tilespmem:s16+$0x6F50] =	vst v33;
	v36 =	vmul.f32 v57, v36  }
0x1ce: {  	[tilespmem:s16+$0x6FB0] =	vst v60  }
0x1cf: {  	s18 =	simm.s32 $0x1;
	v34 =	vmul.f32 v35, v45;
	[tilespmem:s16+$0x6FE0] =	vst v36  }
.LBB2_6:
0x1d0: {  	s19 =	sshll.u32 s18, $0x4  }
0x1d1: {  	p1 =	sne.s32 s18, $0x9;
	[tilespmem:s16+$0x6E20] =	vst v34;
	s16 =	smov.u32 s18;
	s18 =	sadd.s32 $0x1, s18  }
0x1d2: {  	s19 =	sand.u32 $0x3FFFFFF0, s19  }
0x1d3: {  	s16 =	sshll.u32 s16, $0xB;
	v33 =	vld [tilespmem:s19+$0x6600]  }
0x1d4: {  	s16 =	sand.u32 $0x3FFFF800, s16  }
0x1d5: {  	v40 =	vld [tilespmem:s16+$0x68C0]  }
0x1d6: {  	v41 =	vld [tilespmem:s16+$0x68D0]  }
0x1d7: {  	v42 =	vld [tilespmem:s16+$0x68B0]  }
0x1d8: {  	v34 =	vbroadcast v33, $0x0;
	v35 =	vld [tilespmem:s16+$0x6820];
	v39 =	vbroadcast v33, $0x4  }
0x1d9: {  	v37 =	vld [tilespmem:s16+$0x6830]  }
0x1da: {  	v38 =	vld [tilespmem:s16+$0x6D70]  }
0x1db: {  	v43 =	vld [tilespmem:s16+$0x6860]  }
0x1dc: {  	v44 =	vld [tilespmem:s16+$0x6870]  }
0x1dd: {  	v36 =	vbroadcast v33, $0xA;
	v35 =	vmul.f32 v35, v34;
	v45 =	vld [tilespmem:s16+$0x6880]  }
0x1de: {  	v37 =	vmul.f32 v37, v34;
	v46 =	vld [tilespmem:s16+$0x6890]  }
0x1df: {  	[tilespmem:s16+$0x6820] =	vst v35;
	v47 =	vld [tilespmem:s16+$0x68A0];
	v35 =	vmul.f32 v38, v36  }
0x1e0: {  	[tilespmem:s16+$0x6830] =	vst v37;
	v38 =	vmul.f32 v43, v34;
	v43 =	vbroadcast v33, $0x1;
	v37 =	vld [tilespmem:s16+$0x6D80]  }
0x1e1: {  	v44 =	vmul.f32 v44, v34;
	[tilespmem:s16+$0x6D70] =	vst v35;
	v35 =	vld [tilespmem:s16+$0x6FD0]  }
0x1e2: {  	[tilespmem:s16+$0x6860] =	vst v38;
	v45 =	vmul.f32 v45, v43;
	v38 =	vld [tilespmem:s16+$0x6D90]  }
0x1e3: {  	[tilespmem:s16+$0x6870] =	vst v44;
	v44 =	vmul.f32 v46, v43;
	v46 =	vld [tilespmem:s16+$0x68E0]  }
0x1e4: {  	[tilespmem:s16+$0x6880] =	vst v45;
	v45 =	vmul.f32 v47, v43;
	v47 =	vld [tilespmem:s16+$0x68F0]  }
0x1e5: {  	v42 =	vmul.f32 v42, v43;
	[tilespmem:s16+$0x6890] =	vst v44;
	v44 =	vld [tilespmem:s16+$0x6900]  }
0x1e6: {  	v40 =	vmul.f32 v40, v43;
	[tilespmem:s16+$0x68A0] =	vst v45;
	v45 =	vld [tilespmem:s16+$0x6910]  }
0x1e7: {  	v41 =	vmul.f32 v41, v43;
	[tilespmem:s16+$0x68B0] =	vst v42;
	v42 =	vld [tilespmem:s16+$0x6920]  }
0x1e8: {  	[tilespmem:s16+$0x68C0] =	vst v40;
	v40 =	vmul.f32 v46, v43;
	v46 =	vbroadcast v33, $0x2;
	v48 =	vld [tilespmem:s16+$0x6930]  }
0x1e9: {  	[tilespmem:s16+$0x68D0] =	vst v41;
	v41 =	vmul.f32 v47, v43;
	v43 =	vld [tilespmem:s16+$0x6940]  }
0x1ea: {  	[tilespmem:s16+$0x68E0] =	vst v40;
	v40 =	vmul.f32 v44, v46;
	v44 =	vld [tilespmem:s16+$0x6950]  }
0x1eb: {  	[tilespmem:s16+$0x68F0] =	vst v41;
	v41 =	vmul.f32 v45, v46;
	v45 =	vld [tilespmem:s16+$0x6960]  }
0x1ec: {  	[tilespmem:s16+$0x6900] =	vst v40;
	v40 =	vmul.f32 v42, v46;
	v42 =	vld [tilespmem:s16+$0x6970]  }
0x1ed: {  	[tilespmem:s16+$0x6910] =	vst v41;
	v41 =	vmul.f32 v48, v46;
	v47 =	vld [tilespmem:s16+$0x6980]  }
0x1ee: {  	[tilespmem:s16+$0x6920] =	vst v40;
	v40 =	vmul.f32 v43, v46;
	v43 =	vld [tilespmem:s16+$0x6990]  }
0x1ef: {  	[tilespmem:s16+$0x6930] =	vst v41;
	v41 =	vmul.f32 v44, v46;
	v44 =	vld [tilespmem:s16+$0x69A0]  }
0x1f0: {  	[tilespmem:s16+$0x6940] =	vst v40;
	v40 =	vmul.f32 v45, v46;
	v45 =	vbroadcast v33, $0x3;
	v48 =	vld [tilespmem:s16+$0x69B0]  }
0x1f1: {  	[tilespmem:s16+$0x6950] =	vst v41;
	v41 =	vmul.f32 v42, v46;
	v42 =	vld [tilespmem:s16+$0x69C0]  }
0x1f2: {  	[tilespmem:s16+$0x6960] =	vst v40;
	v40 =	vmul.f32 v47, v45;
	v46 =	vld [tilespmem:s16+$0x69D0]  }
0x1f3: {  	[tilespmem:s16+$0x6970] =	vst v41;
	v41 =	vmul.f32 v43, v45;
	v43 =	vld [tilespmem:s16+$0x69E0]  }
0x1f4: {  	[tilespmem:s16+$0x6980] =	vst v40;
	v40 =	vmul.f32 v44, v45;
	v44 =	vld [tilespmem:s16+$0x69F0]  }
0x1f5: {  	[tilespmem:s16+$0x6990] =	vst v41;
	v41 =	vmul.f32 v48, v45;
	v47 =	vld [tilespmem:s16+$0x6A00]  }
0x1f6: {  	[tilespmem:s16+$0x69A0] =	vst v40;
	v40 =	vmul.f32 v42, v45;
	v42 =	vld [tilespmem:s16+$0x6A10]  }
0x1f7: {  	[tilespmem:s16+$0x69B0] =	vst v41;
	v41 =	vmul.f32 v46, v45;
	v46 =	vld [tilespmem:s16+$0x6A20]  }
0x1f8: {  	[tilespmem:s16+$0x69C0] =	vst v40;
	v40 =	vmul.f32 v43, v45;
	v43 =	vld [tilespmem:s16+$0x6A30]  }
0x1f9: {  	[tilespmem:s16+$0x69D0] =	vst v41;
	v41 =	vmul.f32 v44, v45;
	v44 =	vld [tilespmem:s16+$0x6A40]  }
0x1fa: {  	[tilespmem:s16+$0x69E0] =	vst v40;
	v40 =	vmul.f32 v47, v39;
	v45 =	vld [tilespmem:s16+$0x6A50]  }
0x1fb: {  	[tilespmem:s16+$0x69F0] =	vst v41;
	v41 =	vmul.f32 v42, v39;
	v42 =	vld [tilespmem:s16+$0x6A60]  }
0x1fc: {  	[tilespmem:s16+$0x6A00] =	vst v40;
	v40 =	vmul.f32 v46, v39;
	v46 =	vld [tilespmem:s16+$0x6A70]  }
0x1fd: {  	[tilespmem:s16+$0x6A10] =	vst v41;
	v41 =	vmul.f32 v43, v39;
	v43 =	vld [tilespmem:s16+$0x6A80]  }
0x1fe: {  	[tilespmem:s16+$0x6A20] =	vst v40;
	v40 =	vmul.f32 v44, v39;
	v44 =	vld [tilespmem:s16+$0x6A90]  }
0x1ff: {  	[tilespmem:s16+$0x6A30] =	vst v41;
	v41 =	vmul.f32 v45, v39;
	v45 =	vld [tilespmem:s16+$0x6AA0]  }
0x200: {  	[tilespmem:s16+$0x6A40] =	vst v40;
	v40 =	vmul.f32 v42, v39;
	v42 =	vbroadcast v33, $0x5;
	v47 =	vld [tilespmem:s16+$0x6AB0]  }
0x201: {  	[tilespmem:s16+$0x6A50] =	vst v41;
	v39 =	vmul.f32 v46, v39;
	v41 =	vld [tilespmem:s16+$0x6AC0]  }
0x202: {  	[tilespmem:s16+$0x6A60] =	vst v40;
	v40 =	vmul.f32 v43, v42;
	v43 =	vld [tilespmem:s16+$0x6AD0]  }
0x203: {  	[tilespmem:s16+$0x6A70] =	vst v39;
	v39 =	vmul.f32 v44, v42;
	v44 =	vld [tilespmem:s16+$0x6AE0]  }
0x204: {  	[tilespmem:s16+$0x6A80] =	vst v40;
	v40 =	vmul.f32 v45, v42;
	v45 =	vld [tilespmem:s16+$0x6AF0]  }
0x205: {  	[tilespmem:s16+$0x6A90] =	vst v39;
	v39 =	vmul.f32 v47, v42;
	v46 =	vld [tilespmem:s16+$0x6B00]  }
0x206: {  	[tilespmem:s16+$0x6AA0] =	vst v40;
	v40 =	vmul.f32 v41, v42;
	v41 =	vld [tilespmem:s16+$0x6B10]  }
0x207: {  	[tilespmem:s16+$0x6AB0] =	vst v39;
	v39 =	vmul.f32 v43, v42;
	v43 =	vld [tilespmem:s16+$0x6B20]  }
0x208: {  	[tilespmem:s16+$0x6AC0] =	vst v40;
	v40 =	vmul.f32 v44, v42;
	v44 =	vbroadcast v33, $0x6;
	v47 =	vld [tilespmem:s16+$0x6B30]  }
0x209: {  	[tilespmem:s16+$0x6AD0] =	vst v39;
	v39 =	vmul.f32 v45, v42;
	v42 =	vld [tilespmem:s16+$0x6B40]  }
0x20a: {  	[tilespmem:s16+$0x6AE0] =	vst v40;
	v40 =	vmul.f32 v46, v44;
	v45 =	vld [tilespmem:s16+$0x6B50]  }
0x20b: {  	[tilespmem:s16+$0x6AF0] =	vst v39;
	v39 =	vmul.f32 v41, v44;
	v41 =	vld [tilespmem:s16+$0x6B60]  }
0x20c: {  	[tilespmem:s16+$0x6B00] =	vst v40;
	v40 =	vmul.f32 v43, v44;
	v43 =	vld [tilespmem:s16+$0x6B70]  }
0x20d: {  	[tilespmem:s16+$0x6B10] =	vst v39;
	v39 =	vmul.f32 v47, v44;
	v46 =	vld [tilespmem:s16+$0x6B80]  }
0x20e: {  	[tilespmem:s16+$0x6B20] =	vst v40;
	v40 =	vmul.f32 v42, v44;
	v42 =	vld [tilespmem:s16+$0x6B90]  }
0x20f: {  	[tilespmem:s16+$0x6B30] =	vst v39;
	v39 =	vmul.f32 v45, v44;
	v45 =	vld [tilespmem:s16+$0x6BA0]  }
0x210: {  	[tilespmem:s16+$0x6B40] =	vst v40;
	v40 =	vmul.f32 v41, v44;
	v41 =	vbroadcast v33, $0x7;
	v47 =	vld [tilespmem:s16+$0x6BB0]  }
0x211: {  	[tilespmem:s16+$0x6B50] =	vst v39;
	v39 =	vmul.f32 v43, v44;
	v43 =	vld [tilespmem:s16+$0x6BC0]  }
0x212: {  	[tilespmem:s16+$0x6B60] =	vst v40;
	v40 =	vmul.f32 v46, v41;
	v44 =	vld [tilespmem:s16+$0x6BD0]  }
0x213: {  	[tilespmem:s16+$0x6B70] =	vst v39;
	v39 =	vmul.f32 v42, v41;
	v42 =	vld [tilespmem:s16+$0x6BE0]  }
0x214: {  	[tilespmem:s16+$0x6B80] =	vst v40;
	v40 =	vmul.f32 v45, v41;
	v45 =	vld [tilespmem:s16+$0x6BF0]  }
0x215: {  	[tilespmem:s16+$0x6B90] =	vst v39;
	v39 =	vmul.f32 v47, v41;
	v46 =	vld [tilespmem:s16+$0x6C00]  }
0x216: {  	[tilespmem:s16+$0x6BA0] =	vst v40;
	v40 =	vmul.f32 v43, v41;
	v43 =	vld [tilespmem:s16+$0x6C10]  }
0x217: {  	[tilespmem:s16+$0x6BB0] =	vst v39;
	v39 =	vmul.f32 v44, v41;
	v44 =	vld [tilespmem:s16+$0x6C20]  }
0x218: {  	[tilespmem:s16+$0x6BC0] =	vst v40;
	v40 =	vmul.f32 v42, v41;
	v42 =	vbroadcast v33, $0x8;
	v47 =	vld [tilespmem:s16+$0x6C30]  }
0x219: {  	[tilespmem:s16+$0x6BD0] =	vst v39;
	v39 =	vmul.f32 v45, v41;
	v41 =	vld [tilespmem:s16+$0x6C40]  }
0x21a: {  	[tilespmem:s16+$0x6BE0] =	vst v40;
	v40 =	vmul.f32 v46, v42;
	v45 =	vld [tilespmem:s16+$0x6C50]  }
0x21b: {  	[tilespmem:s16+$0x6BF0] =	vst v39;
	v39 =	vmul.f32 v43, v42;
	v43 =	vld [tilespmem:s16+$0x6C60]  }
0x21c: {  	[tilespmem:s16+$0x6C00] =	vst v40;
	v40 =	vmul.f32 v44, v42;
	v44 =	vld [tilespmem:s16+$0x6C70]  }
0x21d: {  	[tilespmem:s16+$0x6C10] =	vst v39;
	v39 =	vmul.f32 v47, v42;
	v46 =	vld [tilespmem:s16+$0x6C80]  }
0x21e: {  	[tilespmem:s16+$0x6C20] =	vst v40;
	v40 =	vmul.f32 v41, v42;
	v41 =	vld [tilespmem:s16+$0x6C90]  }
0x21f: {  	[tilespmem:s16+$0x6C30] =	vst v39;
	v39 =	vmul.f32 v45, v42;
	v45 =	vld [tilespmem:s16+$0x6CA0]  }
0x220: {  	[tilespmem:s16+$0x6C40] =	vst v40;
	v40 =	vmul.f32 v43, v42;
	v43 =	vbroadcast v33, $0x9;
	v47 =	vld [tilespmem:s16+$0x6CB0]  }
0x221: {  	[tilespmem:s16+$0x6C50] =	vst v39;
	v39 =	vmul.f32 v44, v42;
	v42 =	vld [tilespmem:s16+$0x6CC0]  }
0x222: {  	[tilespmem:s16+$0x6C60] =	vst v40;
	v40 =	vmul.f32 v46, v43;
	v44 =	vld [tilespmem:s16+$0x6CD0]  }
0x223: {  	[tilespmem:s16+$0x6C70] =	vst v39;
	v39 =	vmul.f32 v41, v43;
	v41 =	vld [tilespmem:s16+$0x6CE0]  }
0x224: {  	[tilespmem:s16+$0x6C80] =	vst v40;
	v40 =	vmul.f32 v45, v43;
	v45 =	vld [tilespmem:s16+$0x6CF0]  }
0x225: {  	[tilespmem:s16+$0x6C90] =	vst v39;
	v39 =	vmul.f32 v47, v43;
	v46 =	vld [tilespmem:s16+$0x6D00]  }
0x226: {  	[tilespmem:s16+$0x6CA0] =	vst v40;
	v40 =	vmul.f32 v42, v43;
	v42 =	vld [tilespmem:s16+$0x6D10]  }
0x227: {  	[tilespmem:s16+$0x6CB0] =	vst v39;
	v39 =	vmul.f32 v44, v43;
	v44 =	vld [tilespmem:s16+$0x6D20]  }
0x228: {  	[tilespmem:s16+$0x6CC0] =	vst v40;
	v40 =	vmul.f32 v41, v43;
	v41 =	vld [tilespmem:s16+$0x6D30]  }
0x229: {  	[tilespmem:s16+$0x6CD0] =	vst v39;
	v39 =	vmul.f32 v45, v43;
	v43 =	vld [tilespmem:s16+$0x6D40]  }
0x22a: {  	[tilespmem:s16+$0x6CE0] =	vst v40;
	v40 =	vmul.f32 v46, v36;
	v45 =	vld [tilespmem:s16+$0x6D50]  }
0x22b: {  	[tilespmem:s16+$0x6CF0] =	vst v39;
	v39 =	vmul.f32 v42, v36;
	v42 =	vld [tilespmem:s16+$0x6D60]  }
0x22c: {  	v46 =	vld [tilespmem:s16+$0x6800];
	[tilespmem:s16+$0x6D00] =	vst v40;
	v40 =	vmul.f32 v44, v36  }
0x22d: {  	v44 =	vld [tilespmem:s16+$0x6810];
	[tilespmem:s16+$0x6D10] =	vst v39;
	v39 =	vmul.f32 v41, v36  }
0x22e: {  	v41 =	vld [tilespmem:s16+$0x6840];
	[tilespmem:s16+$0x6D20] =	vst v40;
	v40 =	vmul.f32 v43, v36  }
0x22f: {  	v43 =	vld [tilespmem:s16+$0x6850];
	[tilespmem:s16+$0x6D30] =	vst v39;
	v39 =	vmul.f32 v45, v36  }
0x230: {  	[tilespmem:s16+$0x6D40] =	vst v40;
	v40 =	vmul.f32 v42, v36;
	v42 =	vbroadcast v33, $0xB;
	v45 =	vld [tilespmem:s16+$0x6DA0]  }
0x231: {  	v36 =	vbroadcast v33, $0xF;
	v46 =	vmul.f32 v34, v46;
	[tilespmem:s16+$0x6D50] =	vst v39;
	v39 =	vld [tilespmem:s16+$0x6DB0]  }
0x232: {  	v44 =	vmul.f32 v44, v34;
	[tilespmem:s16+$0x6D60] =	vst v40;
	v37 =	vmul.f32 v37, v42;
	v40 =	vld [tilespmem:s16+$0x6DC0]  }
0x233: {  	v38 =	vmul.f32 v38, v42;
	[tilespmem:s16+$0x6800] =	vst v46;
	v41 =	vmul.f32 v41, v34;
	v46 =	vld [tilespmem:s16+$0x6DD0]  }
0x234: {  	v35 =	vmul.f32 v35, v36;
	v43 =	vmul.f32 v43, v34;
	[tilespmem:s16+$0x6D80] =	vst v37;
	v34 =	vld [tilespmem:s16+$0x6DE0]  }
0x235: {  	[tilespmem:s16+$0x6D90] =	vst v38;
	v37 =	vmul.f32 v45, v42;
	v38 =	vld [tilespmem:s16+$0x6DF0]  }
0x236: {  	v39 =	vmul.f32 v39, v42;
	v45 =	vld [tilespmem:s16+$0x6E00];
	[tilespmem:s16+$0x6FD0] =	vst v35  }
0x237: {  	[tilespmem:s16+$0x6810] =	vst v44;
	v35 =	vmul.f32 v40, v42;
	v40 =	vld [tilespmem:s16+$0x6E10]  }
0x238: {  	[tilespmem:s16+$0x6840] =	vst v41;
	v41 =	vmul.f32 v46, v42;
	v44 =	vld [tilespmem:s16+$0x6E20]  }
0x239: {  	v46 =	vbroadcast v33, $0xC;
	[tilespmem:s16+$0x6DA0] =	vst v37;
	v37 =	vmul.f32 v34, v42;
	v47 =	vld [tilespmem:s16+$0x6E30]  }
0x23a: {  	[tilespmem:s16+$0x6DD0] =	vst v41;
	v38 =	vmul.f32 v38, v42;
	v41 =	vld [tilespmem:s16+$0x6E40]  }
0x23b: {  	[tilespmem:s16+$0x6DB0] =	vst v39;
	v34 =	vmul.f32 v45, v46;
	v39 =	vld [tilespmem:s16+$0x6E50]  }
0x23c: {  	[tilespmem:s16+$0x6DC0] =	vst v35;
	v35 =	vmul.f32 v40, v46;
	v40 =	vld [tilespmem:s16+$0x6E60]  }
0x23d: {  	[tilespmem:s16+$0x6E00] =	vst v34;
	v34 =	vmul.f32 v44, v46;
	v42 =	vld [tilespmem:s16+$0x6E70]  }
0x23e: {  	[tilespmem:s16+$0x6E10] =	vst v35;
	v35 =	vld [tilespmem:s16+$0x6E80]  }
0x23f: {  	[tilespmem:s16+$0x6850] =	vst v43;
	v41 =	vmul.f32 v41, v46;
	v43 =	vld [tilespmem:s16+$0x6E90]  }
0x240: {  	[tilespmem:s16+$0x6DE0] =	vst v37;
	v37 =	vmul.f32 v39, v46;
	v39 =	vld [tilespmem:s16+$0x6EA0]  }
0x241: {  	[tilespmem:s16+$0x6E40] =	vst v41;
	v40 =	vmul.f32 v40, v46;
	v41 =	vbroadcast v33, $0xD;
	v44 =	vld [tilespmem:s16+$0x6EB0]  }
0x242: {  	[tilespmem:s16+$0x6E50] =	vst v37;
	v37 =	vmul.f32 v42, v46;
	v42 =	vld [tilespmem:s16+$0x6EC0]  }
0x243: {  	[tilespmem:s16+$0x6E60] =	vst v40;
	v35 =	vmul.f32 v35, v41;
	v40 =	vld [tilespmem:s16+$0x6ED0]  }
0x244: {  	[tilespmem:s16+$0x6E70] =	vst v37;
	v37 =	vmul.f32 v43, v41;
	v43 =	vld [tilespmem:s16+$0x6EE0]  }
0x245: {  	[tilespmem:s16+$0x6E80] =	vst v35;
	v35 =	vmul.f32 v39, v41;
	v39 =	vld [tilespmem:s16+$0x6EF0]  }
0x246: {  	[tilespmem:s16+$0x6E90] =	vst v37;
	v37 =	vmul.f32 v44, v41;
	v44 =	vld [tilespmem:s16+$0x6F00]  }
0x247: {  	[tilespmem:s16+$0x6EA0] =	vst v35;
	v35 =	vmul.f32 v42, v41;
	v42 =	vld [tilespmem:s16+$0x6F10]  }
0x248: {  	[tilespmem:s16+$0x6EB0] =	vst v37;
	v37 =	vmul.f32 v40, v41;
	v40 =	vld [tilespmem:s16+$0x6F20]  }
0x249: {  	v33 =	vbroadcast v33, $0xE;
	[tilespmem:s16+$0x6DF0] =	vst v38;
	v38 =	vmul.f32 v43, v41;
	v43 =	vld [tilespmem:s16+$0x6F30]  }
0x24a: {  	[tilespmem:s16+$0x6ED0] =	vst v37;
	v37 =	vmul.f32 v39, v41;
	v39 =	vld [tilespmem:s16+$0x6F40]  }
0x24b: {  	[tilespmem:s16+$0x6EE0] =	vst v38;
	v38 =	vmul.f32 v44, v33;
	v41 =	vld [tilespmem:s16+$0x6F50]  }
0x24c: {  	[tilespmem:s16+$0x6EF0] =	vst v37;
	v37 =	vmul.f32 v42, v33;
	v42 =	vld [tilespmem:s16+$0x6F60]  }
0x24d: {  	[tilespmem:s16+$0x6F00] =	vst v38;
	v38 =	vmul.f32 v40, v33;
	v40 =	vld [tilespmem:s16+$0x6F70]  }
0x24e: {  	[tilespmem:s16+$0x6F10] =	vst v37;
	v37 =	vmul.f32 v43, v33;
	v43 =	vld [tilespmem:s16+$0x6F80]  }
0x24f: {  	[tilespmem:s16+$0x6F20] =	vst v38;
	v38 =	vmul.f32 v39, v33;
	v39 =	vld [tilespmem:s16+$0x6F90]  }
0x250: {  	[tilespmem:s16+$0x6F30] =	vst v37;
	v37 =	vmul.f32 v41, v33;
	v41 =	vld [tilespmem:s16+$0x6FA0]  }
0x251: {  	[tilespmem:s16+$0x6F40] =	vst v38;
	v38 =	vmul.f32 v42, v33;
	v42 =	vld [tilespmem:s16+$0x6FB0]  }
0x252: {  	[tilespmem:s16+$0x6EC0] =	vst v35;
	v33 =	vmul.f32 v40, v33;
	v35 =	vld [tilespmem:s16+$0x6FC0]  }
0x253: {  	[tilespmem:s16+$0x6F60] =	vst v38;
	v38 =	vmul.f32 v43, v36;
	v40 =	vld [tilespmem:s16+$0x6FE0]  }
0x254: {  	[tilespmem:s16+$0x6F70] =	vst v33;
	v33 =	vmul.f32 v39, v36;
	v39 =	vld [tilespmem:s16+$0x6FF0]  }
0x255: {  	[tilespmem:s16+$0x6F80] =	vst v38;
	v38 =	vmul.f32 v41, v36  }
0x256: {  	[tilespmem:s16+$0x6F90] =	vst v33;
	v33 =	vmul.f32 v42, v36  }
0x257: {  	v41 =	vmul.f32 v47, v46;
	[tilespmem:s16+$0x6FA0] =	vst v38  }
0x258: {  	[tilespmem:s16+$0x6FB0] =	vst v33;
	v33 =	vmul.f32 v35, v36  }
.Ltmp2:
0x259: {  	[tilespmem:s16+$0x6E30] =	vst v41;
	v35 =	vmul.f32 v39, v36;
	(pc) =	sbr.rel @p1 .LBB2_6-.Ltmp2, $4  }
0x25a: {  	[tilespmem:s16+$0x6FC0] =	vst v33  }
0x25b: {  	v33 =	vmul.f32 v40, v36;
	[tilespmem:s16+$0x6FF0] =	vst v35  }
0x25c: {  	[tilespmem:s16+$0x6F50] =	vst v37  }
0x25d: {  	[tilespmem:s16+$0x6FE0] =	vst v33  }
0x25e: {  	[tilespmem:s16+$0x6E20] =	vst v34  }
0x25f: {  	[hbm4b:s25+s3] =	stream.linear.scatter [tilespmem:s9], [sflag:$0x2], $0x5000, $0x38;
	[tilespmem:$0xBB00] =	vst v63  }
0x260: {  	_ =	swait.ge [sflag:s29], $0x5000  }
0x261: {  	[sflag:s29] =	ssyncset.done $0x0  }
0x262: {  	[sflag:s29] =	ssyncadd.s32 $0xFFFFB000  }
0x263: {  	[hbm4b:s22+s3] =	stream.linear.scatter [tilespmem:s10], [sflag:$0x2], $0xA0, $0x38;
	[tilespmem:$0xBB00] =	vst v63  }
0x264: {  	s15 =	sadd.s32 $0x1, s15;
	_ =	swait.ge [sflag:s29], $0xA0  }
0x265: {  	p1 =	sne.s32 s15, s26;
	[sflag:s29] =	ssyncset.done $0x0  }
.Ltmp3:
0x266: {  	[sflag:s29] =	ssyncadd.s32 $0xFFFFFF60;
	(pc) =	sbr.rel @p1 .LBB2_1-.Ltmp3, $4  }
0x267: {  	[hbm4b:s23+s3] =	stream.linear.scatter [tilespmem:s11], [sflag:$0x2], $0xA0, $0x38;
	[tilespmem:$0xBB00] =	vst v63  }
0x268: {  	_ =	swait.ge [sflag:s29], $0xA0  }
0x269: {  	[sflag:s29] =	ssyncset.done $0x0  }
0x26a: {  	[sflag:s29] =	ssyncadd.s32 $0xFFFFFF60  }
0x26b: {  	_ =	sfence.sel $0x180000  }
0x26c: {  	[bflag:$0x0] =	sbarrier.arrive $0xFFFF  }
0x26d: {  	_ =	strace $0x9000004D  }
0x26e: {  	s0 =	stileid.u32;
	[bflag:$0x2] =	sbarrier.arrive $0xFFFF  }
0x26f: {  	p0 =	sne.s32 s0, $0x0;
	s0 =	rddreg [dreg:$0x8]  }
0x270: {  	s0 =	sadd.s32 @!p0 $0x100000, s0  }
0x271: {  	[sflag:s0] =	ssyncadd.tile.s32 @!p0 $0x1;
	_ =	shalt  }
.Lfunc_end2:
_tile_overlayer_lowered:
.L_overlay_start_2:
0x272: {  	(tag) =	ssettag $0x2  }
0x273: {  	s0 =	rddreg [dreg:$0x0];
	s2 =	stileid.u32  }
0x274: {  	s1 =	rddreg [dreg:$0x1];
	p0 =	sne.s32 s2, $0x0  }
0x275: {  	s3 =	rddreg [dreg:$0x2];
	[bflag:$0x3] =	sbarrier.arrive $0xFFFF;
	s2 =	simm.s32 @!p0 $0x1C02  }
0x276: {  	[timem:s3], [sflag:s2] =	dma.local @!p0 [hbm:s0], s1  }
0x277: {  	s0 =	simm.s32 @!p0 $0x2  }
0x278: {  	_ =	swait.ge @!p0 [sflag:s0], s1  }
0x279: {  	s1 =	ssub.s32 @!p0 $0x0, s1;
	[sflag:s0] =	ssyncset.done @!p0 $0x0  }
0x27a: {  	[sflag:s0] =	ssyncadd.s32 @!p0 s1  }
0x27b: {  	[bflag:$0x3] =	sbarrier.arrive $0xFFFF  }
0x27c: {  	_ =	shalt  }

// kernel: scatter_offload_async_start
scs
__scs_entry_jumppad:
0x0: {  	(pc) =	sbr.rel $0x88, $3  }
0x1: {  	(tag) =	ssettag $0x0;
	lr =	simm.s32 $0x1  }
0x2: {  	[smem:$0x3F9B] =	sst lr;
	_ =	strace $0xD0000000  }
0x3: {  	_ = 	snop  }
0x4: {  	_ = 	snop  }
0x5: {  	_ = 	snop  }
0x6: {  	_ = 	snop  }
0x7: {  	_ = 	snop  }
__scs_overlays_trampoline_lowered:
0x8: {  	[smem:$0x3FAA] =	sst s0  }
0x9: {  	[smem:$0x3FAB] =	sst s1  }
0xa: {  	[smem:$0x3FAC] =	sst s2  }
0xb: {  	[smem:$0x3FAD] =	sst s3  }
0xc: {  	[smem:$0x3FAE] =	sst s4  }
0xd: {  	[smem:$0x3FAF] =	sst s5  }
0xe: {  	[smem:$0x3FB0] =	sst s6  }
0xf: {  	[smem:$0x3FB1] =	sst s7  }
0x10: {  	[smem:$0x3FB2] =	sst s8  }
0x11: {  	[smem:$0x3FB3] =	sst s9;
	s0 =	simm.s32 @!p0 $0x0  }
0x12: {  	s1 =	sld [smem:$0x3F99];
	s0 =	simm.s32 @p0 $0x1  }
0x13: {  	[smem:$0x3FB4] =	sst s0;
	s0 =	simm.s32 @!p1 $0x0  }
0x14: {  	s2 =	sld [smem:$0x3F98];
	s0 =	simm.s32 @p1 $0x1  }
0x15: {  	[smem:$0x3FB5] =	sst s0;
	s0 =	simm.s32 @!p2 $0x0  }
0x16: {  	s3 =	sld [smem:$0x3FDB];
	s0 =	simm.s32 @p2 $0x1  }
0x17: {  	s4 =	simm.s32 $0x1BF5;
	[smem:$0x3FB7] =	sst s0  }
0x18: {  	s0 =	sld [smem:$0x3F9A];
	_ =	swait.ge [sflag:s4], $0x0  }
0x19: {  	s7 =	sld [smem:$0x3F9B]  }
0x1a: {  	s8 =	sadd.s32 $0xFFFFE003, lr  }
0x1b: {  	s9 =	sadd.s32 $0xFFFFFEF7, lr;
	s5 =	simm.s32 $0xFFFFFFFF;
	p2 =	slt.u32 s8, $0xFFFFF086  }
0x1c: {  	p1 =	slt.u32 s9, $0xF7A;
	s5 =	simm.s32 @!p2 $0x0  }
0x1d: {  	s5 =	simm.s32 @p1 $0x1;
	p0 =	seq.s32 s7, s2  }
0x1e: {  	s7 =	smul.u32 @!p0 $0xF7A, s2;
	p2 =	seq.s32 @!p0 s5, $0x0  }
0x1f: {  	s9 =	smul.u32 $0xF7A, s1;
	s8 =	simm.s32 @!p0 $0x1BF5;
	p2 =	por !p2, p0  }
0x20: {  	[sflag:s8] =	ssyncset.s32 @!p0 $0xFFFFF086;
	s6 =	sadd.s32 @!p0 s3, s7;
	s7 =	simm.s32 @!p0 $0x108  }
0x21: {  	s3 =	sadd.s32 s3, s9;
	s6 =	sadd.s32 @!p0 $0x88, s6;
	s7 =	simm.s32 @p2 $0x1082  }
0x22: {  	[simem:s7], [sflag:s8] =	dma.local @!p0 [hbm:s6], $0xF7A  }
0x23: {  	s9 =	sor.u32 $0xD0000000, s2;
	s6 =	simm.s32 $0x108;
	_ =	swait.ge @!p0 [sflag:s8], $0x0  }
0x24: {  	s3 =	sadd.s32 $0x88, s3;
	s6 =	simm.s32 @!p1 $0x1082;
	[sflag:s4] =	ssyncset.s32 $0xFFFFF086  }
0x25: {  	[simem:s6], [sflag:s4] =	dma.local [hbm:s3], $0xF7A  }
0x26: {  	[smem:$0x3F9B] =	sst s1;
	(tag) =	ssettag s2;
	_ =	strace s9  }
0x27: {  	s1 =	sld [smem:$0x3FAB]  }
0x28: {  	s2 =	sld [smem:$0x3FAC]  }
0x29: {  	s4 =	sld [smem:$0x3FAE]  }
0x2a: {  	p0 =	seq.s32 s5, $0x0;
	s5 =	sld [smem:$0x3FAF]  }
0x2b: {  	s6 =	sld [smem:$0x3FB0]  }
0x2c: {  	s7 =	sld [smem:$0x3FB1]  }
0x2d: {  	s3 =	simm.s32 $0x108;
	s8 =	sld [smem:$0x3FB2]  }
0x2e: {  	s3 =	simm.s32 @!p0 $0x1082;
	s9 =	sld [smem:$0x3FB3]  }
0x2f: {  	lr =	sadd.s32 s0, s3;
	s0 =	sld [smem:$0x3FAA]  }
0x30: {  	s3 =	sld [smem:$0x3FAD]  }
0x31: {  	[smem:$0x3FB6] =	sst s10  }
0x32: {  	s10 =	sld [smem:$0x3FB4];
	_ =	sdelay $0x3  }
0x33: {  	p0 =	seq.s32 s10, $0x1;
	s10 =	sld [smem:$0x3FB6];
	_ =	sdelay $0x3  }
0x34: {  	[smem:$0x3FB6] =	sst s10  }
0x35: {  	s10 =	sld [smem:$0x3FB5];
	_ =	sdelay $0x3  }
0x36: {  	p1 =	seq.s32 s10, $0x1;
	s10 =	sld [smem:$0x3FB6];
	_ =	sdelay $0x3  }
0x37: {  	[smem:$0x3FB6] =	sst s10  }
0x38: {  	s10 =	sld [smem:$0x3FB7]  }
0x39: {  	_ = 	snop;
	(pc) =	sbr.ind lr, $3  }
0x3a: {  	_ = 	snop  }
0x3b: {  	_ = 	snop  }
0x3c: {  	p2 =	seq.s32 s10, $0x1;
	s10 =	sld [smem:$0x3FB6]  }
0x3d: {  	_ =	shalt  }
0x3e: {  	_ =	shalt  }
0x3f: {  	_ =	shalt  }
0x40: {  	_ =	shalt  }
0x41: {  	_ =	shalt  }
0x42: {  	_ =	shalt  }
0x43: {  	_ =	shalt  }
0x44: {  	_ =	shalt  }
0x45: {  	_ =	shalt  }
0x46: {  	_ =	shalt  }
0x47: {  	_ =	shalt  }
0x48: {  	_ =	shalt  }
0x49: {  	_ =	shalt  }
0x4a: {  	_ =	shalt  }
0x4b: {  	_ =	shalt  }
0x4c: {  	_ =	shalt  }
0x4d: {  	_ =	shalt  }
0x4e: {  	_ =	shalt  }
0x4f: {  	_ =	shalt  }
0x50: {  	_ =	shalt  }
0x51: {  	_ =	shalt  }
0x52: {  	_ =	shalt  }
0x53: {  	_ =	shalt  }
0x54: {  	_ =	shalt  }
0x55: {  	_ =	shalt  }
0x56: {  	_ =	shalt  }
0x57: {  	_ =	shalt  }
0x58: {  	_ =	shalt  }
0x59: {  	_ =	shalt  }
0x5a: {  	_ =	shalt  }
0x5b: {  	_ =	shalt  }
0x5c: {  	_ =	shalt  }
0x5d: {  	_ =	shalt  }
0x5e: {  	_ =	shalt  }
0x5f: {  	_ =	shalt  }
0x60: {  	_ =	shalt  }
0x61: {  	_ =	shalt  }
0x62: {  	_ =	shalt  }
0x63: {  	_ =	shalt  }
0x64: {  	_ =	shalt  }
0x65: {  	_ =	shalt  }
0x66: {  	_ =	shalt  }
0x67: {  	_ =	shalt  }
0x68: {  	_ =	shalt  }
0x69: {  	_ =	shalt  }
0x6a: {  	_ =	shalt  }
0x6b: {  	_ =	shalt  }
0x6c: {  	_ =	shalt  }
0x6d: {  	_ =	shalt  }
0x6e: {  	_ =	shalt  }
0x6f: {  	_ =	shalt  }
0x70: {  	_ =	shalt  }
0x71: {  	_ =	shalt  }
0x72: {  	_ =	shalt  }
0x73: {  	_ =	shalt  }
0x74: {  	_ =	shalt  }
0x75: {  	_ =	shalt  }
0x76: {  	_ =	shalt  }
0x77: {  	_ =	shalt  }
0x78: {  	_ =	shalt  }
0x79: {  	_ =	shalt  }
0x7a: {  	_ =	shalt  }
0x7b: {  	_ =	shalt  }
0x7c: {  	_ =	shalt  }
0x7d: {  	_ =	shalt  }
0x7e: {  	_ =	shalt  }
0x7f: {  	_ =	shalt  }
0x80: {  	_ =	shalt  }
0x81: {  	_ =	shalt  }
0x82: {  	_ =	shalt  }
0x83: {  	_ =	shalt  }
0x84: {  	_ =	shalt  }
0x85: {  	_ =	shalt  }
0x86: {  	_ =	shalt  }
0x87: {  	_ =	shalt  }
.Lfunc_end0:
.L_simem_size_0:
called_computation_lowered:
.L_overlay_start_0:
0x88: {  	s0 =	sld [smem:$0x3FD9]  }
0x89: {  	s1 =	sld [smem:$0x3FFE];
	_ =	sdelay $0x3  }
0x8a: {  	s0 =	sadd.s32 s1, s0  }
0x8b: {  	[smem:$0x3FC2] =	sst s0  }
0x8c: {  	_ = 	snop  }
0x8d: {  	s0 =	sld [smem:$0x3FD0];
	_ =	sdelay $0x2  }
0x8e: {  	s13 =	simm.s32 $0xA;
	s2 =	simm.s32 $0x10  }
0x8f: {  	[smem:s2], [sflag:s13] =	dma.local [hbm:s0], $0x1  }
0x90: {  	_ =	swait.eq [sflag:s13], $0x1  }
0x91: {  	[sflag:s13] =	ssyncset.done $0x0  }
0x92: {  	s14 =	sld [smem:$0x11];
	[sflag:s13] =	ssyncadd.s32 $0xFFFFFFFF  }
0x93: {  	s15 =	sld [smem:$0x12];
	(tm) =	ssettm $0x1  }
0x94: {  	s16 =	sld [smem:$0x3FFB];
	_ =	sdelay $0x3  }
0x95: {  	_ =	strace s16  }
0x96: {  	s2 =	sld [smem:$0x3FFC];
	_ =	sdelay $0x3  }
0x97: {  	_ =	strace s2  }
0x98: {  	s2 =	sld [smem:$0x3FFD];
	_ =	sdelay $0x3  }
0x99: {  	_ =	strace s2  }
0x9a: {  	_ =	strace $0x8FFFFFFF  }
0x9b: {  	s17 =	sld [smem:$0x3FDB];
	_ =	sdelay $0x1  }
0x9c: {  	s3 =	simm.s32 $_scs_section_size  }
0x9d: {  	s4 =	simm.s32 $_size__tile_overlayer_lowered;
	s5 =	simm.s32 $_tile_overlayer_lowered  }
0x9e: {  	s20 =	simm.s32 $0x1BFF;
	s19 =	sshll.u32 s5, $0x1;
	s2 =	sadd.s32 s3, s17  }
0x9f: {  	s6 =	simm.s32 $0x0;
	s18 =	sshll.u32 s4, $0x1;
	s4 =	sadd.s32 s19, s2  }
0xa0: {  	[timem:s6], [sflag:s20] =	dma.local [hbm:s4], s18  }
0xa1: {  	_ =	swait.ge [sflag:s20], s18  }
0xa2: {  	s3 =	ssub.s32 $0x0, s18;
	[sflag:s20] =	ssyncset.done $0x0  }
0xa3: {  	[sflag:s20] =	ssyncadd.s32 s3;
	_ =	sdelay $0x1  }
0xa4: {  	s21 =	simm.s32 $0x1B8B  }
0xa5: {  	_ =	swait.ge [sflag:s21], $0x1  }
0xa6: {  	[sflag:s21] =	ssyncset.done $0x0  }
0xa7: {  	s23 =	simm.s32 $0x1B8E;
	s22 =	sld [smem:$0x3FFE];
	[sflag:s21] =	ssyncadd.s32 $0xFFFFFFFF  }
0xa8: {  	s24 =	simm.s32 $execute0_lowered;
	[smem:$0x3FD2] =	sst s23  }
0xa9: {  	s4 =	sshll.u32 s24, $0x1;
	_ =	strace $0x80000049;
	[dreg:$0x1] =	wrdreg $0xFFFFFFFF  }
0xaa: {  	s25 =	simm.s32 $_size_execute0_lowered;
	s2 =	sadd.s32 s2, s4;
	[dreg:$0x0] =	wrdreg $0x0  }
0xab: {  	s4 =	sshll.u32 s25, $0x1;
	[dreg:$0x2] =	wrdreg s2  }
0xac: {  	[dreg:$0x3] =	wrdreg s4  }
0xad: {  	[dreg:$0x4] =	wrdreg $0xC0  }
0xae: {  	_ =	task [dreg:s6], $0x5FFFF  }
0xaf: {  	[dreg:$0x1] =	wrdreg $0xFFFFFFFF  }
0xb0: {  	[dreg:$0x0] =	wrdreg $0x60  }
0xb1: {  	[dreg:$0x2] =	wrdreg s15  }
0xb2: {  	[dreg:$0x3] =	wrdreg s14  }
0xb3: {  	[dreg:$0x4] =	wrdreg s22  }
0xb4: {  	[dreg:$0x5] =	wrdreg $0x9  }
0xb5: {  	_ =	task.clear_ibuf [dreg:s6], $0x6FFFF;
	_ =	strace $0x90000049  }
0xb6: {  	s26 =	simm.s32 $0x9;
	_ =	strace $0x8000004B  }
0xb7: {  	_ =	swait.ge [sflag:s26], $0x1  }
0xb8: {  	[sflag:s26] =	ssyncadd.s32 $0xFFFFFFFF  }
0xb9: {  	_ =	strace $0x9000004B  }
0xba: {  	_ =	sfence  }
0xbb: {  	s28 =	sld [smem:$0x0];
	_ =	sdelay $0x1  }
0xbc: {  	s29 =	srdreg.scid  }
0xbd: {  	s30 =	sshll.u32 s29, $0xD;
	s31 =	sshrl.u32 s29, $0x2  }
0xbe: {  	s1 =	sand.u32 $0x1, s29;
	s2 =	sand.u32 $0x4000, s30;
	s0 =	sadd.s32 s31, s28  }
0xbf: {  	s1 =	sor.u32 s2, s1;
	s0 =	sshll.u32 s0, $0x11  }
0xc0: {  	s0 =	sor.u32 s0, s1  }
0xc1: {  	s0 =	sadd.s32 $0x8F2B, s0  }
0xc2: {  	[sflag:s0] =	ssyncadd.remote.s32 $0x1  }
0xc3: {  	_ =	sfence.sel $0xFFFF  }
0xc4: {  	[dreg:$0x0] =	wrdreg $0xFFFFFFFF;
	(pc) =	sbr.abs _section_cstart, $3  }
0xc5: {  	[dreg:$0x1] =	wrdreg $0xFFFFFFFF  }
0xc6: {  	_ =	task.clear_ibuf [dreg:s6], $0x2FFFF;
	_ =	strace $0x9FFFFFFF  }
0xc7: {  	(tm) =	ssettm $0x7FFFFFFF  }
tec
execute0_lowered:
.L_overlay_start_1:
0x0: {  	(tag) =	ssettag $0x1  }
0x1: {  	s1 =	rddreg [dreg:$0x0]  }
0x2: {  	s3 =	rddreg [dreg:$0x1];
	_ =	strace $0x8000004A;
	s15 =	stileid.u32  }
0x3: {  	s0 =	simm.s32 $0x1;
	s2 =	smin.u32 s15, $0x8;
	s5 =	sshll.u32 s15, $0x1  }
0x4: {  	[sflag:s0] =	ssyncpa.u1 $0x0;
	s2 =	sadd.s32 s2, s5  }
0x5: {  	v1 =	vimm.s32 $0xFFFFFFFF;
	p0 =	slt.u32 s15, $0x8;
	s6 =	smul.u32 $0x1F40, s2;
	s2 =	simm.s32 $0x5DC0  }
0x6: {  	[tilespmem:$0x10] =	vst v1;
	s2 =	simm.s32 @!p0 $0x3E80  }
0x7: {  	v0 =	vimm.f32 $0.0e+00;
	[tilespmem:$0x20] =	vst v1;
	s2 =	sadd.s32 s2, s6  }
0x8: {  	[tilespmem:$0x30] =	vst v0;
	s7 =	smin.u32 s2, $0x4E200  }
0x9: {  	[tilespmem:$0x40] =	vst v0;
	s2 =	ssub.s32 s7, s6  }
0xa: {  	s8 =	simm.s32 $0x2;
	s9 =	simm.s32 $0x8;
	[tilespmem:$0x50] =	vst v0;
	p0 =	sgt.s32 s2, $0x0  }
0xb: {  	s31 =	simm.s32 $0x9;
	s16 =	simm.s32 $0x0;
	[tilespmem:$0x60] =	vst v1;
	s2 =	simm.s32 @!p0 $0x0  }
0xc: {  	s17 =	simm.s32 $0xF0;
	s18 =	simm.s32 $0xFFFFFFFF;
	[tilespmem:$0x70] =	vst v1;
	s4 =	smulhi.u32 $0x10624DD3, s2  }
0xd: {  	s19 =	simm.s32 $0xFFFFC280;
	s20 =	simm.s32 $0xFFFFFFFE;
	s21 =	simm.s32 $0xF;
	[tilespmem:$0x80] =	vst v1  }
0xe: {  	s22 =	simm.s32 $0x30;
	s25 =	simm.s32 $0x0;
	v1 =	vimm.s32 $0x0;
	[tilespmem:$0xB0] =	vst v0;
	s4 =	sshrl.u32 s4, $0x9  }
0xf: {  	s24 =	simm.s32 $0x0;
	s15 =	sshllo.u32 s15, $0x1;
	[tilespmem:$0x90] =	vst v1;
	s10 =	smul.u32 $0x1F40, s4  }
.Ltmp0:
0x10: {  	[tilespmem:$0xA0] =	vst v1;
	[sflag:s8] =	ssyncpa.u1 $0x0;
	s8 =	simm.s32 $0x7;
	(pc) =	sbr.rel .LBB2_1-.Ltmp0, $4  }
0x11: {  	s13 =	sor.u32 $0x80, s5;
	[sflag:s8] =	ssyncpa.u1 $0x0;
	p0 =	sne.s32 s2, s10  }
0x12: {  	s14 =	sor.u32 $0x81, s5;
	[sflag:s9] =	ssyncpa.u1 $0x0;
	s0 =	simm.s32 @!p0 $0x0  }
0x13: {  	vm0 =	vmmov $0xffff;
	v2 =	vlaneseq.u32;
	s23 =	smov.u32 s6;
	[sflag:s31] =	ssyncpa.u1 $0x0;
	s10 =	sadd.s32 s0, s4  }
0x14: {  	vm1 =	vmxor vm1, vm1;
	vm2 =	vmmov $0x1;
	vm3 =	vcmask $0x3F3C;
	p0 =	por $0x0, $0x0;
	s11 =	sadd.s32 $0x1, s10;
	s12 =	sadd.s32 $0x2, s10  }
.LBB2_9:
0x15: {  	p1 =	slt.u32 s24, $0x3  }
0x16: {  	s0 =	simm.s32 @!p1 $0x2  }
0x17: {  	_ =	swait.ge @!p1 [sflag:s0], $0x1F40  }
0x18: {  	[sflag:s0] =	ssyncset.done @!p1 $0x0  }
0x19: {  	[sflag:s0] =	ssyncadd.s32 @!p1 $0xFFFFE0C0;
	s0 =	simm.s32 @!p1 $0x9  }
0x1a: {  	_ =	swait.ge @!p1 [sflag:s0], $0x10  }
0x1b: {  	[sflag:s0] =	ssyncset.done @!p1 $0x0  }
0x1c: {  	[sflag:s0] =	ssyncadd.s32 @!p1 $0xFFFFFFF0;
	p1 =	sne.s32 s24, s12  }
.Ltmp1:
0x1d: {  	s2 =	sadd.s32 $0x1F40, s23;
	(pc) =	sbr.rel @!p1 .LBB2_10-.Ltmp1, $4  }
0x1e: {  	s4 =	smov.u32 s6;
	s31 =	sadd.s32 $0x1, s24;
	s17 =	sadd.s32 $0x1F40, s17  }
0x1f: {  	s18 =	sadd.s32 $0x1, s18;
	s25 =	smov.u32 s23;
	p2 =	slt.s32 s2, s7  }
0x20: {  	p0 =	por !p0, !p0;
	s19 =	sadd.s32 $0x1F40, s19;
	s4 =	smov.u32 @p2 s2  }
0x21: {  	s20 =	sadd.s32 $0x1, s20;
	s23 =	smov.u32 s4;
	s24 =	smov.u32 s31  }
.LBB2_1:
0x22: {  	p1 =	sge.u32 s24, s10  }
0x23: {  	s0 =	smulhi.u32 @!p1 $0xAAAAAAAB, s24;
	_ =	sdelay $0x1  }
0x24: {  	s0 =	sshrl.u32 @!p1 s0, $0x1  }
0x25: {  	s0 =	smul.u32 @!p1 $0x3, s0;
	_ =	sdelay $0x1  }
0x26: {  	s0 =	ssub.s32 @!p1 s24, s0  }
0x27: {  	s0 =	smul.u32 @!p1 $0x7D00, s0;
	_ =	sdelay $0x1  }
0x28: {  	s2 =	sshrl.u32 @!p1 s23, $0x3;
	s0 =	sshrl.u32 @!p1 s0, $0x2  }
0x29: {  	s4 =	sand.u32 @!p1 $0x7, s23;
	s2 =	sadd.s32 @!p1 s3, s2;
	s0 =	sadd.s32 @!p1 $0x100, s0  }
0x2a: {  	[tilespmem:s0], [sflag:$0x7] =	stream.linear.gather @!p1 [hbm4b:s2+s4], $0x1F40, $0x38;
	[tilespmem:$0x11A60] =	vst v63  }
0x2b: {  	s0 =	sadd.s32 $0xFFFFFFFF, s24  }
0x2c: {  	p1 =	sge.u32 s0, s10  }
.Ltmp2:
0x2d: {  	_ = 	snop;
	(pc) =	sbr.rel @p1 .LBB2_5-.Ltmp2, $1  }
0x2e: {  	_ =	sdelay $0x3  }
0x2f: {  	s2 =	smulhi.u32 $0xAAAAAAAB, s0;
	_ =	sdelay $0x1  }
0x30: {  	s2 =	sshrl.u32 s2, $0x1  }
0x31: {  	s2 =	smul.u32 $0x3, s2;
	_ =	sdelay $0x1  }
0x32: {  	s2 =	ssub.s32 s0, s2  }
0x33: {  	s2 =	smul.u32 $0x7D00, s2  }
0x34: {  	_ =	swait.ge [sflag:s8], $0x1F40  }
0x35: {  	[sflag:s8] =	ssyncset.done $0x0;
	s2 =	sshrl.u32 s2, $0x2  }
0x36: {  	[sflag:s8] =	ssyncadd.s32 $0xFFFFE0C0;
	(ifvalue) =	ssetifvalue $0xFFFFFFFF;
	v3 =	vld.msk [tilespmem:s2+$0x100 ss:$0x1], $0xffff;
	_ =	sdelay $0x2  }
0x37: {  	s30 =	smulhi.u32 $0xAAAAAAAB, s18;
	p1 =	sne.s32 s24, $0x1  }
0x38: {  	v4 =	vimm.s32 @!p1 $0x0  }
0x39: {  	s2 =	sshrl.u32 s30, $0x1;
	v4 =	vperm.xlane @!p1 v3, v4  }
0x3a: {  	s4 =	sshll.u32 s24, $0x4;
	s2 =	smul.u32 $0xFFFE8900, s2;
	vm4 =	vlt.u32 v3, $0x2800  }
0x3b: {  	s4 =	sand.u32 $0x10, s4;
	v3 =	vnsel vm4, $0xFFFFFFFE, v3;
	vm4 =	vlt.u32 @!p1 v4, $0x2800  }
0x3c: {  	s2 =	sshra.s32 s2, $0x2;
	[tilespmem:s4+$0x60] =	vst v3;
	v3 =	vnsel @!p1 vm4, $0xFFFFFFFE, v4  }
0x3d: {  	s28 =	sadd.s32 s2, s17;
	[tilespmem:$0x80] =	vst @!p1 v3  }
0x3e: {  	v3 =	vld.msk [tilespmem:s28+$0x0 ss:$0x1], $0xffff;
	_ =	sdelay $0x4  }
0x3f: {  	(xrf1) =	vunique.msk.u32 $0xffff, v3;
	_ =	sdelay $0xd  }
0x40: {  	v4 =	vimm.s32 $0xFFFFFFFF;
	v5, _, _ =	vpop (xrf1)  }
0x41: {  	vm5 =	vne.s32 v3, v4;
	vm4 =	veq.s32 v5, v2  }
0x42: {  	vm6 =	vlt.u32 v3, $0x2800;
	vm4 =	vmand vm5, vm4  }
0x43: {  	vm4 =	vmand vm6, vm4  }
0x44: {  	v4 =	vnsel vm4, $0xFFFFFFFF, v3  }
0x45: {  	s31 =	sand.u32 $0x1, s0  }
0x46: {  	s0 =	simm.s32 $0x1F40;
	p1 =	seq.s32 s31, $0x1  }
0x47: {  	s0 =	simm.s32 @!p1 $0x0  }
0x48: {  	s26 =	sadd.s32 $0x7DF0, s0;
	(ifvalue) =	ssetifvalue $0xFFFFFFFF  }
0x49: {  	v3 =	vperm.xlane v3, v1;
	[tilespmem:s26], [sflag:$0x8] =	stream.indirect_vreg.gather [hbm4b:s1+s16], $0x1, v4, vm0, $0x4038;
	v4 =	vnsel vm6, $0xFFFFFFFE, v4;
	[tilespmem:$0x11A60] =	vst v63  }
0x4a: {  	s2 =	simm.s32 $0x0;
	s4 =	sadd.s32 $0xFFFFFFF0, s28;
	[tilespmem:s28+$0x0] =	vst v4  }
.LBB2_3:
0x4b: {  	v4 =	vld.msk [tilespmem:s4+$0x0 ss:$0x1], $0xffff;
	s2 =	sadd.s32 $0x10, s2;
	v5 =	vmov v3;
	s28 =	smov.u32 s4  }
0x4c: {  	p1 =	slt.u32 s2, $0x1F30;
	_ =	sdelay $0x4  }
0x4d: {  	v3 =	vperm.xlane v4, v1;
	(xrf1) =	vunique.msk.u32 $0xffff, v4;
	_ =	sdelay $0xd  }
0x4e: {  	v6, _, _ =	vpop (xrf1)  }
0x4f: {  	vm5 =	vne.s32 v4, v5;
	vm4 =	veq.s32 v6, v2  }
0x50: {  	vm6 =	vlt.u32 v4, $0x2800;
	vm4 =	vmand vm5, vm4  }
0x51: {  	vm4 =	vmand vm6, vm4  }
0x52: {  	v4 =	vnsel vm4, $0xFFFFFFFF, v4  }
.Ltmp3:
0x53: {  	v5 =	vnsel vm6, $0xFFFFFFFE, v4;
	(pc) =	sbr.rel @p1 .LBB2_3-.Ltmp3, $3  }
0x54: {  	_ =	sdelay $0x1  }
0x55: {  	s4 =	sadd.s32 $0xFFFFFFF0, s4;
	s26 =	sadd.s32 $0xFFFFFFF0, s26;
	(ifvalue) =	ssetifvalue $0xFFFFFFFF  }
0x56: {  	[tilespmem:s26], [sflag:$0x8] =	stream.indirect_vreg.gather [hbm4b:s1+s16], $0x1, v4, vm0, $0x4038;
	[tilespmem:s28+$0x0] =	vst v5  }
0x57: {  	s2 =	sshrl.u32 s25, $0x3;
	s4 =	rddreg [dreg:$0x2]  }
0x58: {  	s0 =	sadd.s32 $0x9D40, s0;
	s2 =	sadd.s32 s4, s2  }
0x59: {  	[tilespmem:s0], [sflag:$0x8] =	stream.linear.gather [hbm:s2], $0x1F40, $0x38;
	[tilespmem:$0x11A60] =	vst v63  }
.LBB2_5:
0x5a: {  	p1 =	slt.u32 s24, $0x2  }
0x5b: {  	p2 =	sge.u32 @!p1 s24, s12  }
0x5c: {  	p1 =	por p1, p2  }
.Ltmp4:
0x5d: {  	_ = 	snop;
	(pc) =	sbr.rel @p1 .LBB2_9-.Ltmp4, $1  }
0x5e: {  	_ =	sdelay $0x3  }
0x5f: {  	s0 =	sadd.s32 $0xFFFFFFFE, s24  }
0x60: {  	s2 =	smulhi.u32 $0xAAAAAAAB, s0;
	_ =	sdelay $0x1  }
0x61: {  	s2 =	sshrl.u32 s2, $0x1  }
0x62: {  	s2 =	smul.u32 $0x3, s2;
	_ =	sdelay $0x1  }
0x63: {  	s0 =	ssub.s32 s0, s2  }
0x64: {  	_ =	swait.ge [sflag:s9], $0x3E80;
	s0 =	smul.u32 $0x1F40, s0  }
0x65: {  	p1 =	sne.s32 s24, s11;
	[sflag:s9] =	ssyncset.done $0x0  }
0x66: {  	[sflag:s9] =	ssyncadd.s32 $0xFFFFC180;
	s2 =	sadd.s32 @!p1 $0x203F, s0  }
0x67: {  	[spmem:s14] =	stream.linear.scatter @!p1 [tilespmem:s2], [sflag:$0x1], $0x1, $0x38;
	[tilespmem:$0x11A60] =	vst v63  }
0x68: {  	s2 =	simm.s32 @!p1 $0x1  }
0x69: {  	_ =	swait.ge @!p1 [sflag:s2], $0x1  }
0x6a: {  	s4 =	sshll.u32 s24, $0x4;
	[sflag:s2] =	ssyncset.done @!p1 $0x0  }
0x6b: {  	s25 =	sand.u32 $0x10, s4;
	[sflag:s2] =	ssyncadd.s32 @!p1 $0xFFFFFFFF  }
0x6c: {  	s2 =	sxor.u32 $0x10, s25;
	v4 =	vld [tilespmem:s25+$0x10]  }
0x6d: {  	v5 =	vld [tilespmem:s2+$0x60]  }
0x6e: {  	v3 =	vld [tilespmem:$0x80];
	_ =	sdelay $0x2  }
0x6f: {  	(v2sf) =	vpush v4, $0x0  }
0x70: {  	(v2sf) =	vpush v5, $0x0  }
0x71: {  	(v2sf) =	vpush v3, $0x0;
	_ =	sdelay $0xc  }
0x72: {  	s4 =	spop (v2sf)  }
0x73: {  	s26 =	spop (v2sf)  }
0x74: {  	s28 =	spop (v2sf)  }
0x75: {  	p2 =	seq.s32 s4, s26;
	p3 =	seq.s32 s28, s4  }
0x76: {  	p3 =	por p2, p3  }
0x77: {  	s26 =	sand.u32 $0x1, s24;
	v4 =	vpsel p3, $0xFFFFFFFF, v4  }
0x78: {  	s29 =	smul.u32 $0x1F40, s26;
	[tilespmem:s25+$0x10] =	vst.msk $0x1, v4  }
0x79: {  	v4 =	vld [tilespmem:$0x30]  }
0x7a: {  	v5 =	vld [tilespmem:s29+$0x9D40]  }
0x7b: {  	v6 =	vld [tilespmem:s25+$0x40];
	_ =	sdelay $0x3  }
0x7c: {  	vm4 =	vmmov vm1;
	v5 =	vadd.f32 v5, v4  }
0x7d: {  	vm5 =	vmmov vm2;
	vm4 =	vmmov @p2 vm2;
	s4 =	sshll.u32 s26, $0x4;
	v4 =	vadd.f32 v6, v4  }
0x7e: {  	s26 =	sor.u32 $0x11A40, s4;
	vm5 =	vmmov @p3 vm1;
	[tilespmem:s29+$0x9D40] =	vst.msk vm4, v5  }
0x7f: {  	[tilespmem:s26+$0x0] =	vst.msk vm5, v4  }
0x80: {  	v4 =	vld [tilespmem:s29+$0x7DF0];
	_ =	sdelay $0x3  }
0x81: {  	v5 =	vimm.f32 $0.0e+00  }
0x82: {  	v4 =	vshift.insert v4, v5, s21  }
0x83: {  	s4 =	sor.u32 $0x40, s2  }
0x84: {  	[tilespmem:s4+$0x0] =	vst.msk $0x1, v4  }
0x85: {  	[tilespmem:s29+$0x7DFF] =	vst.msk $0x1, v5  }
0x86: {  	v4 =	vld [tilespmem:s0+$0x2030];
	_ =	sdelay $0x1  }
0x87: {  	s4 =	smulhi.u32 $0xAAAAAAAB, s20;
	s0 =	simm.s32 $0x1  }
0x88: {  	s0 =	simm.s32 @!p0 $0x0  }
0x89: {  	s4 =	sshrl.u32 s4, $0x1;
	s0 =	smul.u32 $0x7D00, s0  }
0x8a: {  	s4 =	smul.u32 $0xFFFE8900, s4;
	v4 =	vshift.insert v4, v1, s21  }
0x8b: {  	s0 =	sshrl.u32 s0, $0x2  }
0x8c: {  	s4 =	sshra.s32 s4, $0x2;
	s30 =	sadd.s32 $0x9D40, s0;
	[tilespmem:s2+$0x10] =	vst.msk $0x1, v4  }
0x8d: {  	s4 =	sadd.s32 s4, s19;
	v6 =	vld [tilespmem:s30+$0x0]  }
0x8e: {  	v7 =	vld [tilespmem:s4+$0x0];
	_ =	sdelay $0x3  }
0x8f: {  	v5 =	vadd.f32 v6, v5  }
0x90: {  	vm4 =	vne.s32 v7, $0xFFFFFFFF  }
0x91: {  	(xrf2) =	vadd.seg.scan.f32 vm4, v5;
	_ =	sdelay $0x3  }
0x92: {  	s31 =	sadd.s32 $0x5EC0, s0;
	v5 =	vperm.xlane v4, v1  }
0x93: {  	v6 =	vld [tilespmem:s31+$0x0]  }
0x94: {  	vm5 =	veq.s32 v7, v3;
	vm6 =	veq.s32 v7, v5  }
0x95: {  	vm7 =	vgt.u32 v7, $0xFFFFFFFD;
	vm6 =	vmor vm6, vm5  }
0x96: {  	vm6 =	vmor vm6, vm7  }
0x97: {  	v9 =	vld [tilespmem:$0xA0];
	v7 =	vsel vm6, $0xFFFFFFFF, v7  }
0x98: {  	v10 =	vld [tilespmem:$0x90];
	v6 =	vsel vm5, $0x0, v6;
	v8, _, _ =	vpop (xrf2)  }
0x99: {  	v6 =	vadd.f32 v8, v6  }
0x9a: {  	s0 =	sadd.s32 $0xDBC0, s0  }
0x9b: {  	vm4 =	vmand vm4, vm3;
	[tilespmem:s0+$0x0] =	vst v6;
	(ifvalue) =	ssetifvalue $0xFFFFFFFF  }
0x9c: {  	vm6 =	veq.s32 v9, $0x1;
	[hbm4b:s1+s16] =	stream.indirect_vreg.scatter [tilespmem:s0], [sflag:$0x2], $0x1, v7, vm0, $0x4038;
	v7 =	vsel vm4, $0x0, v8;
	[tilespmem:$0x11A60] =	vst v63  }
0x9d: {  	s2 =	simm.s32 $0x0;
	s4 =	sadd.s32 $0x10, s4;
	vm4 =	vmor vm6, vm5;
	v6 =	vsel vm5, v8, v10;
	v7 =	vshift.insert v7, v0, s21  }
.LBB2_7:
0x9e: {  	v8 =	vld [tilespmem:s4+$0x0];
	s30 =	sadd.s32 $0x10, s30  }
0x9f: {  	s31 =	sadd.s32 $0x10, s31;
	v9 =	vld [tilespmem:s30+$0x0]  }
0xa0: {  	s2 =	sadd.s32 $0x10, s2;
	v10 =	vld [tilespmem:s31+$0x0]  }
0xa1: {  	p2 =	slt.u32 s2, $0x1F30;
	_ =	sdelay $0x2  }
0xa2: {  	v7 =	vadd.f32 v9, v7  }
0xa3: {  	vm5 =	vne.s32 v8, $0xFFFFFFFF  }
0xa4: {  	vm6 =	vmand vm5, vm3;
	(xrf2) =	vadd.seg.scan.f32 vm5, v7;
	_ =	sdelay $0x5  }
0xa5: {  	vm7 =	veq.s32 v8, v5;
	vm5 =	veq.s32 v8, v3  }
0xa6: {  	vm8 =	vgt.u32 v8, $0xFFFFFFFD;
	vm4 =	vmor vm4, vm5;
	vm7 =	vmor vm7, vm5  }
0xa7: {  	vm7 =	vmor vm7, vm8  }
0xa8: {  	v8 =	vsel vm7, $0xFFFFFFFF, v8  }
.Ltmp5:
0xa9: {  	v7 =	vsel vm5, $0x0, v10;
	v9, _, _ =	vpop (xrf2);
	(pc) =	sbr.rel @p2 .LBB2_7-.Ltmp5, $4  }
0xaa: {  	v6 =	vsel vm5, v9, v6;
	v10 =	vadd.f32 v9, v7;
	v7 =	vsel vm6, $0x0, v9  }
0xab: {  	s0 =	sadd.s32 $0x10, s0;
	v7 =	vshift.insert v7, v0, s21  }
0xac: {  	s4 =	sadd.s32 $0x10, s4;
	[tilespmem:s0+$0x0] =	vst v10;
	(ifvalue) =	ssetifvalue $0xFFFFFFFF  }
0xad: {  	[hbm4b:s1+s16] =	stream.indirect_vreg.scatter [tilespmem:s0], [sflag:$0x2], $0x1, v8, vm0, $0x4038;
	[tilespmem:$0x11A60] =	vst v63  }
0xae: {  	v3 =	vld [tilespmem:s29+$0xFAF0];
	_ =	sdelay $0x4  }
0xaf: {  	v3 =	vshift.insert v3, v0, s21;
	_ =	sdelay $0x1  }
0xb0: {  	[tilespmem:s22+$0x0] =	vst.msk $0x1, v3  }
0xb1: {  	v3 =	vsel vm4, $0x1, v1;
	[tilespmem:$0x90] =	vst v6  }
0xb2: {  	s0 =	sadd.s32 @!p1 $0xFAFF, s29;
	[tilespmem:$0xA0] =	vst v3  }
0xb3: {  	[spmem:s15] =	stream.linear.scatter @!p1 [tilespmem:s0], [sflag:$0x1], $0x1, $0x38;
	[tilespmem:$0x11A60] =	vst v63  }
0xb4: {  	s0 =	simm.s32 @!p1 $0x1  }
0xb5: {  	v3 =	vmctz.xlane @!p1 vm4;
	_ =	swait.ge @!p1 [sflag:s0], $0x1  }
0xb6: {  	(v2sf) =	vpush @!p1 v4, $0x0  }
0xb7: {  	(v2sf) =	vpush @!p1 v3, $0x0;
	_ =	sdelay $0xd  }
0xb8: {  	s2 =	spop @!p1 (v2sf)  }
0xb9: {  	s4 =	spop @!p1 (v2sf)  }
0xba: {  	p2 =	sne.s32 @!p1 s28, s2;
	p3 =	slt.s32 @!p1 s4, $0xF  }
0xbb: {  	[sflag:s0] =	ssyncset.done @!p1 $0x0;
	p2 =	por p2, p1;
	p3 =	por !p3, p1  }
0xbc: {  	[sflag:s0] =	ssyncadd.s32 @!p1 $0xFFFFFFFF;
	v3 =	vimm.s32 @!p2 $0xFFFFFFFF;
	s4 =	simm.s32 @p3 $0xF  }
0xbd: {  	[tilespmem:$0x80] =	vst @!p2 v3;
	s2 =	sadd.s32 @!p1 $0x90, s4  }
0xbe: {  	[spmem:s5] =	stream.linear.scatter @!p1 [tilespmem:s2], [sflag:$0x1], $0x1, $0x38;
	[tilespmem:$0x11A60] =	vst v63  }
0xbf: {  	_ =	swait.ge @!p1 [sflag:s0], $0x1  }
0xc0: {  	[sflag:s0] =	ssyncset.done @!p1 $0x0  }
0xc1: {  	s2 =	simm.s32 @!p1 $0x80;
	[sflag:s0] =	ssyncadd.s32 @!p1 $0xFFFFFFFF  }
0xc2: {  	[spmem:s13] =	stream.linear.scatter @!p1 [tilespmem:s2], [sflag:$0x1], $0x1, $0x38;
	[tilespmem:$0x11A60] =	vst v63  }
0xc3: {  	_ =	swait.ge @!p1 [sflag:s0], $0x1  }
0xc4: {  	[sflag:s0] =	ssyncset.done @!p1 $0x0  }
0xc5: {  	[sflag:s0] =	ssyncadd.s32 @!p1 $0xFFFFFFFF;
	(ifvalue) =	ssetifvalue $0xFFFFFFFF;
	v3 =	vld [tilespmem:s25+$0x10];
	_ =	sdelay $0x3  }
.Ltmp6:
0xc6: {  	_ = 	snop;
	(pc) =	sbr.rel .LBB2_9-.Ltmp6, $3  }
0xc7: {  	_ =	sdelay $0x1  }
0xc8: {  	(ifvalue) =	ssetifvalue $0xFFFFFFFF  }
0xc9: {  	[hbm4b:s1+s16] =	stream.indirect_vreg.scatter [tilespmem:s26], [sflag:$0x9], $0x1, v3, vm0, $0x4038;
	[tilespmem:$0x11A60] =	vst v63  }
.LBB2_10:
0xca: {  	_ =	sfence.sel $0x180000  }
0xcb: {  	s0 =	simm.s32 $0x7;
	[bflag:$0x0] =	sbarrier.arrive $0xFFFF  }
0xcc: {  	s26 =	simm.s32 $0x8;
	[sflag:s0] =	ssyncpa.u1 $0x1  }
0xcd: {  	s28 =	simm.s32 $0x9;
	[sflag:s26] =	ssyncpa.u1 $0x1  }
0xce: {  	[sflag:s28] =	ssyncpa.u1 $0x1  }
0xcf: {  	_ =	sfence.stream.spmem  }
0xd0: {  	s29 =	simm.s32 $0x3;
	[bflag:$0x0] =	sbarrier.arrive $0xFFFF  }
0xd1: {  	s30 =	simm.s32 $0x4;
	[sflag:s29] =	ssyncpa.u1 $0x1  }
0xd2: {  	s31 =	simm.s32 $0x3C;
	s2 =	stileid.u32;
	[sflag:s30] =	ssyncpa.u1 $0x1  }
0xd3: {  	p0 =	sne.s32 s2, $0x0;
	[sflag:s31] =	ssyncpa.u1 $0x1  }
0xd4: {  	s0 =	simm.s32 @p0 $0x1;
	_ =	sfence @p0  }
0xd5: {  	[sflag:s0] =	ssyncpa.u1 @p0 $0x1;
	s0 =	simm.s32 @p0 $0x2  }
0xd6: {  	[sflag:s0] =	ssyncpa.u1 @p0 $0x1  }
0xd7: {  	_ =	strace @p0 $0x9000004A  }
0xd8: {  	[bflag:$0x2] =	sbarrier.arrive @p0 $0xFFFF  }
0xd9: {  	_ =	shalt @p0  }
.LBB2_11:
0xda: {  	_ =	sfence.stream.spmem;
	s0 =	simm.s32 $0x5  }
0xdb: {  	s2 =	simm.s32 $0x80;
	s3 =	simm.s32 $0xC0;
	[sflag:s0] =	ssyncpa.u1 $0x0  }
0xdc: {  	[tilespmem:s3], [sflag:$0x5] =	stream.linear.gather [spmem:s2], $0x20, $0x38;
	[tilespmem:$0x11A60] =	vst v63  }
0xdd: {  	s2 =	simm.s32 $0x0;
	s3 =	simm.s32 $0xE0  }
0xde: {  	[tilespmem:s3], [sflag:$0x5] =	stream.linear.gather [spmem:s2], $0x20, $0x38;
	[tilespmem:$0x11A60] =	vst v63  }
.Ltmp7:
0xdf: {  	_ = 	snop;
	(pc) =	sbr.rel .LBB2_12-.Ltmp7, $4  }
0xe0: {  	_ =	swait.ge [sflag:s0], $0x40  }
0xe1: {  	[sflag:s0] =	ssyncset.done $0x0  }
0xe2: {  	s31 =	simm.s32 $0x6;
	[sflag:s0] =	ssyncadd.s32 $0xFFFFFFC0  }
0xe3: {  	s4 =	simm.s32 $0x0;
	[sflag:s31] =	ssyncpa.u1 $0x0  }
.LBB2_17:
0xe4: {  	p0 =	sgt.u32 s5, $0x27FF  }
0xe5: {  	s0 =	sshrl.u32 @!p0 s5, $0x3  }
0xe6: {  	s5 =	sand.u32 @!p0 $0x7, s5;
	s6 =	simm.s32 @!p0 $0xB0;
	s0 =	sadd.s32 @!p0 s1, s0  }
0xe7: {  	[tilespmem:s6], [sflag:$0x6] =	stream.linear.gather @!p0 [hbm4b:s0+s5], $0x1, $0x38;
	[tilespmem:$0x11A60] =	vst v63  }
0xe8: {  	s0 =	simm.s32 @!p0 $0x6  }
0xe9: {  	_ =	swait.ge @!p0 [sflag:s0], $0x1  }
0xea: {  	[sflag:s0] =	ssyncset.done @!p0 $0x0  }
0xeb: {  	[sflag:s0] =	ssyncadd.s32 @!p0 $0xFFFFFFFF  }
0xec: {  	v2 =	vmov @!p0 s4;
	v1 =	vld.msk @!p0 [tilespmem:$0xB0], $0x1;
	_ =	sdelay $0x3  }
0xed: {  	s0 =	simm.s32 @!p0 $0xE0  }
0xee: {  	[tilespmem:v2+s0+$0x0], v1 =	vst.idx.ret.add.f32.msk @!p0 $0x1, v1  }
0xef: {  	[tilespmem:s2+$0xC0] =	vst.msk $0x1, v0  }
0xf0: {  	v0 =	vld.msk [tilespmem:s4+$0xE0], $0x1;
	_ =	sdelay $0x4  }
0xf1: {  	[tilespmem:s2+$0xE0] =	vst.msk $0x1, v0;
	s2 =	sadd.s32 $0x1, s2  }
.LBB2_19:
0xf2: {  	s4 =	sadd.s32 $0x1, s4  }
0xf3: {  	p0 =	sne.s32 s4, $0x20  }
.Ltmp8:
0xf4: {  	_ = 	snop;
	(pc) =	sbr.rel @!p0 .LBB2_20-.Ltmp8, $1  }
0xf5: {  	_ =	sdelay $0x3  }
.LBB2_12:
0xf6: {  	v0 =	vld.msk [tilespmem:s4+$0xC0], $0x1;
	_ =	sdelay $0x4  }
0xf7: {  	(v2sf) =	vpush v0, $0x0;
	_ =	sdelay $0xe  }
0xf8: {  	s5 =	spop (v2sf)  }
0xf9: {  	p0 =	seq.s32 s5, $0xFFFFFFFF  }
.Ltmp9:
0xfa: {  	_ = 	snop;
	(pc) =	sbr.rel @p0 .LBB2_19-.Ltmp9, $1  }
0xfb: {  	_ =	sdelay $0x3  }
0xfc: {  	p0 =	slt.s32 s2, $0x1  }
.Ltmp10:
0xfd: {  	_ = 	snop;
	(pc) =	sbr.rel @p0 .LBB2_17-.Ltmp10, $1  }
0xfe: {  	_ =	sdelay $0x3  }
0xff: {  	s0 =	simm.s32 $0xC0;
	p0 =	por $0x0, $0x0  }
0x100: {  	v1 =	vld.msk @!p0 [tilespmem:s0+$0x0], $0x1;
	_ =	sdelay $0x4  }
0x101: {  	(v2sf) =	vpush @!p0 v1, $0x0;
	_ =	sdelay $0xd  }
0x102: {  	p2 =	sne.s32 s2, $0x1  }
.Ltmp11:
0x103: {  	s6 =	spop @!p0 (v2sf);
	(pc) =	sbr.rel @!p2 .LBB2_16-.Ltmp11, $4  }
0x104: {  	p1 =	seq.s32 @!p0 s5, s6  }
0x105: {  	s6 =	simm.s32 $0x0;
	p1 =	por !p1, p0  }
0x106: {  	s8 =	simm.s32 $0xFFFFFFFF;
	s6 =	simm.s32 @p1 $0xFFFFFFFF  }
0x107: {  	s7 =	simm.s32 $0x1;
	s6 =	smov.u32 @p0 s8  }
.LBB2_15:
0x108: {  	s8 =	smov.u32 s6;
	p0 =	sne.s32 s6, $0xFFFFFFFF  }
0x109: {  	s0 =	sadd.s32 $0x1, s0;
	s6 =	smov.u32 s7;
	s7 =	sadd.s32 $0x1, s7  }
0x10a: {  	p1 =	sne.s32 s2, s7;
	v1 =	vld.msk @!p0 [tilespmem:s0+$0x0], $0x1;
	_ =	sdelay $0x4  }
0x10b: {  	(v2sf) =	vpush @!p0 v1, $0x0;
	_ =	sdelay $0xe  }
.Ltmp12:
0x10c: {  	s9 =	spop @!p0 (v2sf);
	(pc) =	sbr.rel @p1 .LBB2_15-.Ltmp12, $4  }
0x10d: {  	p2 =	seq.s32 @!p0 s5, s9  }
0x10e: {  	p2 =	por !p2, p0  }
0x10f: {  	s6 =	simm.s32 @p2 $0xFFFFFFFF  }
0x110: {  	s6 =	smov.u32 @p0 s8  }
.LBB2_16:
0x111: {  	p0 =	sne.s32 s6, $0xFFFFFFFF  }
.Ltmp13:
0x112: {  	_ = 	snop;
	(pc) =	sbr.rel @!p0 .LBB2_17-.Ltmp13, $1  }
0x113: {  	_ =	sdelay $0x3  }
0x114: {  	v0 =	vld.msk [tilespmem:s4+$0xE0], $0x1;
	v1 =	vmov s6  }
.Ltmp14:
0x115: {  	_ = 	snop;
	(pc) =	sbr.rel .LBB2_19-.Ltmp14, $2  }
0x116: {  	_ =	sdelay $0x2  }
0x117: {  	[tilespmem:v1+s3+$0x0], v0 =	vst.idx.ret.add.f32.msk $0x1, v0  }
.LBB2_20:
0x118: {  	p0 =	slt.s32 s2, $0x1  }
.Ltmp15:
0x119: {  	_ = 	snop;
	(pc) =	sbr.rel @p0 .LBB2_24-.Ltmp15, $3  }
0x11a: {  	_ =	sdelay $0x1  }
0x11b: {  	s0 =	simm.s32 $0x6  }
0x11c: {  	s3 =	simm.s32 $0x0;
	[sflag:s0] =	ssyncpa.u1 $0x1  }
0x11d: {  	s0 =	simm.s32 $0xC0  }
0x11e: {  	v0 =	vld.msk [tilespmem:s0+$0x0], $0x1;
	_ =	sdelay $0x4  }
0x11f: {  	(v2sf) =	vpush v0, $0x0;
	_ =	sdelay $0xe  }
0x120: {  	s2 =	sadd.s32 $0xFFFFFFFF, s2;
	s4 =	spop (v2sf)  }
0x121: {  	p1 =	sne.s32 s2, $0x0;
	p0 =	sgt.u32 s4, $0x27FF  }
.Ltmp16:
0x122: {  	s5 =	sshrl.u32 @!p0 s4, $0x3;
	(pc) =	sbr.rel @!p1 .LBB2_23-.Ltmp16, $4  }
0x123: {  	s0 =	simm.s32 $0xE0;
	s4 =	sand.u32 @!p0 $0x7, s4;
	s5 =	sadd.s32 @!p0 s1, s5  }
0x124: {  	[hbm4b:s5+s4] =	stream.linear.scatter @!p0 [tilespmem:s0], [sflag:$0x5], $0x1, $0x38;
	[tilespmem:$0x11A60] =	vst v63  }
0x125: {  	s5 =	simm.s32 $0x0  }
0x126: {  	s4 =	simm.s32 $0xC1;
	s5 =	simm.s32 @!p0 $0x4  }
.LBB2_22:
0x127: {  	v0 =	vld.msk [tilespmem:s4+$0x0], $0x1;
	s2 =	sadd.s32 $0xFFFFFFFF, s2;
	s3 =	sadd.s32 s3, s5  }
0x128: {  	p0 =	sne.s32 s2, $0x0;
	_ =	sdelay $0x3  }
0x129: {  	(v2sf) =	vpush v0, $0x0;
	_ =	sdelay $0xe  }
.Ltmp17:
0x12a: {  	s6 =	spop (v2sf);
	(pc) =	sbr.rel @p0 .LBB2_22-.Ltmp17, $4  }
0x12b: {  	s5 =	simm.s32 $0x0;
	p1 =	sgt.u32 s6, $0x27FF  }
0x12c: {  	s0 =	sadd.s32 $0x1, s0;
	s5 =	simm.s32 @!p1 $0x4;
	s7 =	sshrl.u32 @!p1 s6, $0x3  }
0x12d: {  	s4 =	sadd.s32 $0x1, s4;
	s6 =	sand.u32 @!p1 $0x7, s6;
	s7 =	sadd.s32 @!p1 s1, s7  }
0x12e: {  	[hbm4b:s7+s6] =	stream.linear.scatter @!p1 [tilespmem:s0], [sflag:$0x5], $0x1, $0x38;
	[tilespmem:$0x11A60] =	vst v63  }
.LBB2_23:
0x12f: {  	s0 =	sadd.s32 s3, s5  }
0x130: {  	s3 =	sshrl.u32 s0, $0x2  }
.LBB2_24:
0x131: {  	s0 =	simm.s32 $0x5  }
0x132: {  	_ =	swait.ge [sflag:s0], s3  }
0x133: {  	s1 =	ssub.s32 $0x0, s3;
	[sflag:s0] =	ssyncset.done $0x0  }
0x134: {  	[sflag:s0] =	ssyncadd.s32 s1  }
0x135: {  	[sflag:s0] =	ssyncpa.u1 $0x1  }
0x136: {  	s29 =	simm.s32 $0x1;
	_ =	sfence  }
0x137: {  	s30 =	simm.s32 $0x2;
	[sflag:s29] =	ssyncpa.u1 $0x1  }
0x138: {  	[sflag:s30] =	ssyncpa.u1 $0x1  }
0x139: {  	_ =	strace $0x9000004A  }
0x13a: {  	[bflag:$0x2] =	sbarrier.arrive $0xFFFF  }
0x13b: {  	s31 =	rddreg [dreg:$0x3]  }
0x13c: {  	s0 =	sadd.s32 $0x100000, s31  }
0x13d: {  	[sflag:s0] =	ssyncadd.tile.s32 $0x1;
	_ =	shalt  }
.Lfunc_end2:
_tile_overlayer_lowered:
.L_overlay_start_2:
0x13e: {  	(tag) =	ssettag $0x2  }
0x13f: {  	s0 =	rddreg [dreg:$0x0];
	s2 =	stileid.u32  }
0x140: {  	s1 =	rddreg [dreg:$0x1];
	p0 =	sne.s32 s2, $0x0  }
0x141: {  	s3 =	rddreg [dreg:$0x2];
	[bflag:$0x3] =	sbarrier.arrive $0xFFFF;
	s2 =	simm.s32 @!p0 $0x1C01  }
0x142: {  	[timem:s3], [sflag:s2] =	dma.local @!p0 [hbm:s0], s1  }
0x143: {  	s0 =	simm.s32 @!p0 $0x1  }
0x144: {  	_ =	swait.ge @!p0 [sflag:s0], s1  }
0x145: {  	s1 =	ssub.s32 @!p0 $0x0, s1;
	[sflag:s0] =	ssyncset.done @!p0 $0x0  }
0x146: {  	[sflag:s0] =	ssyncadd.s32 @!p0 s1  }
0x147: {  	[bflag:$0x3] =	sbarrier.arrive $0xFFFF  }
0x148: {  	_ =	shalt  }

</sc_bundles>
